<compile_context>
chip_gen: v7x
topology: tpu7x:2x2x1
jax: 0.10.2.dev20260603
libtpu: 0.0.44.dev20260713+nightly
codegen_flags: <defaults>
</compile_context>

<pallas_src>
import functools

import jax
import jax.numpy as jnp
from jax import lax
from jax.experimental import pallas as pl
from jax.experimental.pallas import tpu as pltpu
from jax.experimental.pallas import tpu_sc as plsc

N = 10000
E = 320000
D = 128
WPAD = 136

NC = 2
NS = 16
NW = NC * NS
EPT = E // NW
K = 80
NCH = EPT // K
RPT = N // NS
RB = 25

RBLK = 1000


def _roundtrip_scale(u):
    t2 = jnp.sum(u * u, axis=1, keepdims=True)
    t_raw = jnp.sqrt(t2)
    t = jnp.maximum(t_raw, 1e-7)
    e = jnp.exp(t)
    ei = 1.0 / e
    ch = 0.5 * (e + ei)
    sh = 0.5 * (e - ei)
    x0c = jnp.maximum(ch, 1.0 + 1e-7)
    dist = jnp.log(x0c + jnp.sqrt(x0c * x0c - 1.0))
    nrm = jnp.maximum(sh * (t_raw / t), 1e-7)
    return u * (dist * sh / (t * nrm))


def _tc1_body(x_ref, w_ref, b_ref, o_ref):
    u = _roundtrip_scale(x_ref[...])
    v = jnp.dot(u, w_ref[...], preferred_element_type=jnp.float32) + b_ref[...]
    r = v.shape[0]
    o_ref[...] = jnp.concatenate(
        [v, jnp.ones((r, 1), jnp.float32), jnp.zeros((r, WPAD - D - 1), jnp.float32)],
        axis=1,
    )


def _tc1(x, w, b):
    return pl.pallas_call(
        _tc1_body,
        grid=(N // RBLK,),
        in_specs=[
            pl.BlockSpec((RBLK, D), lambda i: (i, 0)),
            pl.BlockSpec((D, D), lambda i: (0, 0)),
            pl.BlockSpec((D,), lambda i: (0,)),
        ],
        out_specs=pl.BlockSpec((RBLK, WPAD), lambda i: (i, 0)),
        out_shape=jax.ShapeDtypeStruct((N, WPAD), jnp.float32),
    )(x, w, b)


def _tc2_body(p0_ref, p1_ref, w_ref, b_ref, tab_ref, deg_ref):
    s = p0_ref[...] + p1_ref[...]
    agg = s[:, :D]
    deg = jnp.maximum(s[:, D:D + 1], 1.0)
    u = jnp.maximum(agg / deg, 0.0)
    v = jnp.dot(_roundtrip_scale(u), w_ref[...], preferred_element_type=jnp.float32)
    tab_ref[...] = v + b_ref[...]
    deg_ref[...] = deg


def _tc2(p0, p1, w, b):
    return pl.pallas_call(
        _tc2_body,
        grid=(N // RBLK,),
        in_specs=[
            pl.BlockSpec((RBLK, WPAD), lambda i: (i, 0)),
            pl.BlockSpec((RBLK, WPAD), lambda i: (i, 0)),
            pl.BlockSpec((D, D), lambda i: (0, 0)),
            pl.BlockSpec((D,), lambda i: (0,)),
        ],
        out_specs=[
            pl.BlockSpec((RBLK, D), lambda i: (i, 0)),
            pl.BlockSpec((RBLK, 1), lambda i: (i, 0)),
        ],
        out_shape=[
            jax.ShapeDtypeStruct((N, D), jnp.float32),
            jax.ShapeDtypeStruct((N, 1), jnp.float32),
        ],
    )(p0, p1, w, b)


def _tc3_body(p0_ref, p1_ref, deg_ref, x0_ref, xr_ref):
    u = jnp.maximum((p0_ref[...] + p1_ref[...]) / deg_ref[...], 0.0)
    t_raw = jnp.sqrt(jnp.sum(u * u, axis=1, keepdims=True))
    t = jnp.maximum(t_raw, 1e-7)
    e = jnp.exp(t)
    ei = 1.0 / e
    x0_ref[...] = 0.5 * (e + ei)
    xr_ref[...] = 0.5 * (e - ei) * u / t


def _tc3(p0, p1, deg):
    return pl.pallas_call(
        _tc3_body,
        grid=(N // RBLK,),
        in_specs=[
            pl.BlockSpec((RBLK, D), lambda i: (i, 0)),
            pl.BlockSpec((RBLK, D), lambda i: (i, 0)),
            pl.BlockSpec((RBLK, 1), lambda i: (i, 0)),
        ],
        out_specs=[
            pl.BlockSpec((RBLK, 1), lambda i: (i, 0)),
            pl.BlockSpec((RBLK, D), lambda i: (i, 0)),
        ],
        out_shape=[
            jax.ShapeDtypeStruct((N, 1), jnp.float32),
            jax.ShapeDtypeStruct((N, D), jnp.float32),
        ],
    )(p0, p1, deg)


def _make_sc_agg(wd):
    mesh = plsc.VectorSubcoreMesh(core_axis_name="c", subcore_axis_name="s")

    @functools.partial(
        pl.kernel,
        out_type=jax.ShapeDtypeStruct((NC, N, wd), jnp.float32),
        mesh=mesh,
        scratch_types=[
            pltpu.VMEM((NCH, K), jnp.int32),
            pltpu.VMEM((NCH, K), jnp.int32),
            pltpu.VMEM((K, wd), jnp.float32),
            pltpu.VMEM((K, wd), jnp.float32),
            pltpu.VMEM((RB, wd), jnp.float32),
            pltpu.VMEM_SHARED((N, wd), jnp.float32),
            pltpu.SemaphoreType.DMA,
            pltpu.SemaphoreType.DMA,
        ],
        compiler_params=pltpu.CompilerParams(use_tc_tiling_on_sc=False),
    )
    def sc_agg(tab_hbm, src_hbm, dst_hbm, out_hbm,
               sidx_v, didx_v, rows0_v, rows1_v, zbuf_v, acc_sh, sem0, sem1):
        c = lax.axis_index("c")
        s = lax.axis_index("s")
        wid = s * NC + c

        def zrow(r, carry):
            for j in range(wd // 16):
                zbuf_v[r, pl.ds(j * 16, 16)] = jnp.zeros((16,), jnp.float32)
            return carry

        lax.fori_loop(0, RB, zrow, 0)
        for cc in range(RPT // RB):
            pltpu.sync_copy(zbuf_v, acc_sh.at[pl.ds(s * RPT + cc * RB, RB), :])

        pltpu.sync_copy(src_hbm.at[wid], sidx_v)
        pltpu.sync_copy(dst_hbm.at[wid], didx_v)
        plsc.subcore_barrier()

        pltpu.async_copy(tab_hbm.at[sidx_v.at[0]], rows0_v, sem0)

        def pair(i, carry):
            j0 = 2 * i
            pltpu.make_async_copy(tab_hbm.at[sidx_v.at[j0]], rows0_v, sem0).wait()
            pltpu.async_copy(tab_hbm.at[sidx_v.at[j0 + 1]], rows1_v, sem1)
            pltpu.sync_copy(rows0_v, acc_sh.at[didx_v.at[j0]], add=True)
            pltpu.make_async_copy(tab_hbm.at[sidx_v.at[j0 + 1]], rows1_v, sem1).wait()
            pltpu.async_copy(tab_hbm.at[sidx_v.at[j0 + 2]], rows0_v, sem0)
            pltpu.sync_copy(rows1_v, acc_sh.at[didx_v.at[j0 + 1]], add=True)
            return carry

        lax.fori_loop(0, (NCH - 1) // 2, pair, 0)
        pltpu.make_async_copy(tab_hbm.at[sidx_v.at[NCH - 1]], rows0_v, sem0).wait()
        pltpu.sync_copy(rows0_v, acc_sh.at[didx_v.at[NCH - 1]], add=True)
        plsc.subcore_barrier()

        for cc in range(RPT // RB):
            r0 = s * RPT + cc * RB
            pltpu.sync_copy(acc_sh.at[pl.ds(r0, RB), :], zbuf_v)
            pltpu.sync_copy(zbuf_v, out_hbm.at[c, pl.ds(r0, RB), :])

    return sc_agg


_sc_agg_wide = _make_sc_agg(WPAD)
_sc_agg_feat = _make_sc_agg(D)


def kernel(x, edge_index, W1, b1, W2, b2):
    src = edge_index[0].reshape(NW, NCH, K)
    dst = edge_index[1].reshape(NW, NCH, K)
    tab1 = _tc1(x, W1, b1)
    agg1 = _sc_agg_wide(tab1, src, dst)
    tab2, deg = _tc2(agg1[0], agg1[1], W2, b2)
    agg2 = _sc_agg_feat(tab2, src, dst)
    x0, xr = _tc3(agg2[0], agg2[1], deg)
    return jnp.concatenate([x0, xr], axis=1)

# --- scband reference (transcript-rebuilt; emitter-appended) ---
"""Pipeline reference for scband-hgcn-55078660604421 (READ-ONLY COPY).

The authoritative reference and input builder live on the scoring server;
editing this copy changes nothing except your own understanding.
"""

import jax, jax.numpy as jnp
import numpy as np

N = 10000
E = 320000
D = 128


def expmap0(v):
    # Lorentz manifold (curvature k=1) exponential map at origin.
    # v: [N, D] spatial tangent vector -> point on hyperboloid [N, D+1]
    nrm = jnp.linalg.norm(v, axis=-1, keepdims=True)
    nrm = jnp.clip(nrm, 1e-7, None)
    x0 = jnp.cosh(nrm)
    xr = jnp.sinh(nrm) * v / nrm
    return jnp.concatenate([x0, xr], axis=-1)


def logmap0(x):
    # Lorentz log map at origin: hyperboloid point [N, D+1] -> tangent [N, D]
    x0 = x[..., :1]
    xr = x[..., 1:]
    x0c = jnp.clip(x0, 1.0 + 1e-7, None)
    dist = jnp.arccosh(x0c)
    nrm = jnp.linalg.norm(xr, axis=-1, keepdims=True)
    nrm = jnp.clip(nrm, 1e-7, None)
    return dist * xr / nrm


def setup_inputs(seed: int = 0) -> dict:
    key = jax.random.key(seed)
    k1, k2, k3, k4, k5, k6 = jax.random.split(key, 6)
    x = jax.random.normal(k1, (N, D), dtype=jnp.float32) * 0.1
    edge_index = jax.random.randint(k2, (2, E), 0, N, dtype=jnp.int32)
    W1 = jax.random.normal(k3, (D, D), dtype=jnp.float32) * (1.0 / np.sqrt(D))
    b1 = jax.random.normal(k4, (D,), dtype=jnp.float32) * 0.01
    W2 = jax.random.normal(k5, (D, D), dtype=jnp.float32) * (1.0 / np.sqrt(D))
    b2 = jax.random.normal(k6, (D,), dtype=jnp.float32) * 0.01
    return {"x": x, "edge_index": edge_index, "W1": W1, "b1": b1, "W2": W2, "b2": b2}


def reference(x, edge_index, W1, b1, W2, b2):
    # HGCN.encode: project Euclidean features to the Lorentz hyperboloid, then
    # run hyperbolic graph convolution layers (tangent-space linear + mean
    # neighborhood aggregation + nonlinearity, each wrapped in log/exp maps).
    src = edge_index[0]
    dst = edge_index[1]
    ones = jnp.ones((E, 1), dtype=jnp.float32)
    deg = jax.ops.segment_sum(ones, dst, num_segments=N)
    deg = jnp.clip(deg, 1.0, None)
    h = expmap0(x)
    for (W, b) in ((W1, b1), (W2, b2)):
        v = logmap0(h)
        v = v @ W + b
        msg = jnp.take(v, src, axis=0)
        agg = jax.ops.segment_sum(msg, dst, num_segments=N)
        v = agg / deg
        v = jax.nn.relu(v)
        h = expmap0(v)
    return h

if __name__ == "__main__":
    import jax
    _d = setup_inputs()
    print(jax.jit(kernel)(*tuple(_d.values())))

</pallas_src>

<mosaic_0001>
#map = affine_map<(d0, d1) -> (0, 0)>
#map1 = affine_map<(d0, d1) -> (0, 0, 0)>
module attributes {stable_mosaic.version = 14 : i64} {
  func.func @sc_agg(%arg0: i32, %arg1: i32, %arg2: memref<10000x128xf32, #tpu.memory_space<hbm>>, %arg3: memref<32x125x80xi32, #tpu.memory_space<hbm>>, %arg4: memref<32x125x80xi32, #tpu.memory_space<hbm>>, %arg5: memref<2x10000x128xf32, #tpu.memory_space<hbm>>, %arg6: memref<125x80xi32, #tpu.memory_space<vmem>>, %arg7: memref<125x80xi32, #tpu.memory_space<vmem>>, %arg8: memref<80x128xf32, #tpu.memory_space<vmem>>, %arg9: memref<80x128xf32, #tpu.memory_space<vmem>>, %arg10: memref<25x128xf32, #tpu.memory_space<vmem>>, %arg11: memref<10000x128xf32, #tpu.memory_space<vmem_shared>>, %arg12: memref<!tpu.dma_semaphore, #tpu.memory_space<semaphore_mem>>, %arg13: memref<!tpu.dma_semaphore, #tpu.memory_space<semaphore_mem>>) attributes {dimension_semantics = [#tpu.dimension_semantics<core_parallel>, #tpu.dimension_semantics<subcore_parallel>], iteration_bounds = array<i64: 2, 16>, scalar_prefetch = 0 : i64, scratch_operands = 8 : i64, tpu.core_type = #tpu.core_type<sc_vector_subcore>, window_params = [{transform_indices = #map}, {transform_indices = #map1}, {transform_indices = #map1}, {transform_indices = #map1}]} {
    %mul3A = arith.constant 2 : i32
    %mul3A_0 = arith.muli %arg1, %mul3A : i32
    %add3A = arith.addi %mul3A_0, %arg0 : i32
    %scan3A = arith.constant 0 : i32
    %scan3A_1 = arith.constant 0 : i32
    %scan3A_2 = arith.constant 25 : i32
    %scan3A_3 = arith.addi %scan3A_1, %scan3A_2 : i32
    %scan3A_4 = arith.constant 1 : i32
    scf.for %scan3A_225 = %scan3A_1 to %scan3A_3 step %scan3A_4  : i32 {
      %broadcast_in_dim3A = arith.constant 0.000000e+00 : f32
      %broadcast_in_dim3A_226 = vector.broadcast %broadcast_in_dim3A : f32 to vector<16xf32>
      %swap3A = arith.index_cast %scan3A_225 : i32 to index
      %swap3A_227 = arith.constant 0 : index
      %swap3A_228 = tpu.vector_load %arg10[%swap3A, %swap3A_227] {strides = array<i32>} : memref<25x128xf32, #tpu.memory_space<vmem>>, vector<1x16xf32>,
      %swap3A_229 = vector.shape_cast %swap3A_228 : vector<1x16xf32> to vector<16xf32>
      %swap3A_230 = vector.shape_cast %broadcast_in_dim3A_226 : vector<16xf32> to vector<1x16xf32>
      tpu.vector_store %arg10[%swap3A, %swap3A_227], %swap3A_230 {strides = array<i32>} : memref<25x128xf32, #tpu.memory_space<vmem>>, vector<1x16xf32>,
      %broadcast_in_dim3A_231 = arith.constant 0.000000e+00 : f32
      %broadcast_in_dim3A_232 = vector.broadcast %broadcast_in_dim3A_231 : f32 to vector<16xf32>
      %swap3A_233 = arith.index_cast %scan3A_225 : i32 to index
      %swap3A_234 = arith.constant 16 : index
      %swap3A_235 = tpu.vector_load %arg10[%swap3A_233, %swap3A_234] {strides = array<i32>} : memref<25x128xf32, #tpu.memory_space<vmem>>, vector<1x16xf32>,
      %swap3A_236 = vector.shape_cast %swap3A_235 : vector<1x16xf32> to vector<16xf32>
      %swap3A_237 = vector.shape_cast %broadcast_in_dim3A_232 : vector<16xf32> to vector<1x16xf32>
      tpu.vector_store %arg10[%swap3A_233, %swap3A_234], %swap3A_237 {strides = array<i32>} : memref<25x128xf32, #tpu.memory_space<vmem>>, vector<1x16xf32>,
      %broadcast_in_dim3A_238 = arith.constant 0.000000e+00 : f32
      %broadcast_in_dim3A_239 = vector.broadcast %broadcast_in_dim3A_238 : f32 to vector<16xf32>
      %swap3A_240 = arith.index_cast %scan3A_225 : i32 to index
      %swap3A_241 = arith.constant 32 : index
      %swap3A_242 = tpu.vector_load %arg10[%swap3A_240, %swap3A_241] {strides = array<i32>} : memref<25x128xf32, #tpu.memory_space<vmem>>, vector<1x16xf32>,
      %swap3A_243 = vector.shape_cast %swap3A_242 : vector<1x16xf32> to vector<16xf32>
      %swap3A_244 = vector.shape_cast %broadcast_in_dim3A_239 : vector<16xf32> to vector<1x16xf32>
      tpu.vector_store %arg10[%swap3A_240, %swap3A_241], %swap3A_244 {strides = array<i32>} : memref<25x128xf32, #tpu.memory_space<vmem>>, vector<1x16xf32>,
      %broadcast_in_dim3A_245 = arith.constant 0.000000e+00 : f32
      %broadcast_in_dim3A_246 = vector.broadcast %broadcast_in_dim3A_245 : f32 to vector<16xf32>
      %swap3A_247 = arith.index_cast %scan3A_225 : i32 to index
      %swap3A_248 = arith.constant 48 : index
      %swap3A_249 = tpu.vector_load %arg10[%swap3A_247, %swap3A_248] {strides = array<i32>} : memref<25x128xf32, #tpu.memory_space<vmem>>, vector<1x16xf32>,
      %swap3A_250 = vector.shape_cast %swap3A_249 : vector<1x16xf32> to vector<16xf32>
      %swap3A_251 = vector.shape_cast %broadcast_in_dim3A_246 : vector<16xf32> to vector<1x16xf32>
      tpu.vector_store %arg10[%swap3A_247, %swap3A_248], %swap3A_251 {strides = array<i32>} : memref<25x128xf32, #tpu.memory_space<vmem>>, vector<1x16xf32>,
      %broadcast_in_dim3A_252 = arith.constant 0.000000e+00 : f32
      %broadcast_in_dim3A_253 = vector.broadcast %broadcast_in_dim3A_252 : f32 to vector<16xf32>
      %swap3A_254 = arith.index_cast %scan3A_225 : i32 to index
      %swap3A_255 = arith.constant 64 : index
      %swap3A_256 = tpu.vector_load %arg10[%swap3A_254, %swap3A_255] {strides = array<i32>} : memref<25x128xf32, #tpu.memory_space<vmem>>, vector<1x16xf32>,
      %swap3A_257 = vector.shape_cast %swap3A_256 : vector<1x16xf32> to vector<16xf32>
      %swap3A_258 = vector.shape_cast %broadcast_in_dim3A_253 : vector<16xf32> to vector<1x16xf32>
      tpu.vector_store %arg10[%swap3A_254, %swap3A_255], %swap3A_258 {strides = array<i32>} : memref<25x128xf32, #tpu.memory_space<vmem>>, vector<1x16xf32>,
      %broadcast_in_dim3A_259 = arith.constant 0.000000e+00 : f32
      %broadcast_in_dim3A_260 = vector.broadcast %broadcast_in_dim3A_259 : f32 to vector<16xf32>
      %swap3A_261 = arith.index_cast %scan3A_225 : i32 to index
      %swap3A_262 = arith.constant 80 : index
      %swap3A_263 = tpu.vector_load %arg10[%swap3A_261, %swap3A_262] {strides = array<i32>} : memref<25x128xf32, #tpu.memory_space<vmem>>, vector<1x16xf32>,
      %swap3A_264 = vector.shape_cast %swap3A_263 : vector<1x16xf32> to vector<16xf32>
      %swap3A_265 = vector.shape_cast %broadcast_in_dim3A_260 : vector<16xf32> to vector<1x16xf32>
      tpu.vector_store %arg10[%swap3A_261, %swap3A_262], %swap3A_265 {strides = array<i32>} : memref<25x128xf32, #tpu.memory_space<vmem>>, vector<1x16xf32>,
      %broadcast_in_dim3A_266 = arith.constant 0.000000e+00 : f32
      %broadcast_in_dim3A_267 = vector.broadcast %broadcast_in_dim3A_266 : f32 to vector<16xf32>
      %swap3A_268 = arith.index_cast %scan3A_225 : i32 to index
      %swap3A_269 = arith.constant 96 : index
      %swap3A_270 = tpu.vector_load %arg10[%swap3A_268, %swap3A_269] {strides = array<i32>} : memref<25x128xf32, #tpu.memory_space<vmem>>, vector<1x16xf32>,
      %swap3A_271 = vector.shape_cast %swap3A_270 : vector<1x16xf32> to vector<16xf32>
      %swap3A_272 = vector.shape_cast %broadcast_in_dim3A_267 : vector<16xf32> to vector<1x16xf32>
      tpu.vector_store %arg10[%swap3A_268, %swap3A_269], %swap3A_272 {strides = array<i32>} : memref<25x128xf32, #tpu.memory_space<vmem>>, vector<1x16xf32>,
      %broadcast_in_dim3A_273 = arith.constant 0.000000e+00 : f32
      %broadcast_in_dim3A_274 = vector.broadcast %broadcast_in_dim3A_273 : f32 to vector<16xf32>
      %swap3A_275 = arith.index_cast %scan3A_225 : i32 to index
      %swap3A_276 = arith.constant 112 : index
      %swap3A_277 = tpu.vector_load %arg10[%swap3A_275, %swap3A_276] {strides = array<i32>} : memref<25x128xf32, #tpu.memory_space<vmem>>, vector<1x16xf32>,
      %swap3A_278 = vector.shape_cast %swap3A_277 : vector<1x16xf32> to vector<16xf32>
      %swap3A_279 = vector.shape_cast %broadcast_in_dim3A_274 : vector<16xf32> to vector<1x16xf32>
      tpu.vector_store %arg10[%swap3A_275, %swap3A_276], %swap3A_279 {strides = array<i32>} : memref<25x128xf32, #tpu.memory_space<vmem>>, vector<1x16xf32>,
    }
    %scan3A_5 = arith.constant 25 : i32
    %mul3A_6 = arith.constant 625 : i32
    %mul3A_7 = arith.muli %arg1, %mul3A_6 : i32
    %add3A_8 = arith.constant 0 : i32
    %add3A_9 = arith.addi %mul3A_7, %add3A_8 : i32
    "tpu.region"() ({
      %run_scoped3A_225 = tpu.sem_alloc : memref<!tpu.dma_semaphore, #tpu.memory_space<semaphore_mem>>
      %dma_start3A_226 = arith.constant 0 : i32
      %dma_start3A_227 = tpu.memref_slice %arg11[%add3A_9, %dma_start3A_226] : memref<10000x128xf32, #tpu.memory_space<vmem_shared>> -> memref<25x128xf32, #tpu.memory_space<vmem_shared>>
      %dma_start3A_228 = arith.constant 0 : i32
      %dma_start3A_229 = tpu.memref_slice %arg11[%add3A_9, %dma_start3A_228] : memref<10000x128xf32, #tpu.memory_space<vmem_shared>> -> memref<25x128xf32, #tpu.memory_space<vmem_shared>>
      tpu.enqueue_dma source(%arg10 : memref<25x128xf32, #tpu.memory_space<vmem>>) target(%dma_start3A_229 : memref<25x128xf32, #tpu.memory_space<vmem_shared>>) target_semaphore(%run_scoped3A_225 : memref<!tpu.dma_semaphore, #tpu.memory_space<semaphore_mem>>)
      %dma_wait3A_230 = arith.constant 0 : i32
      %dma_wait3A_231 = tpu.memref_slice %arg11[%add3A_9, %dma_wait3A_230] : memref<10000x128xf32, #tpu.memory_space<vmem_shared>> -> memref<25x128xf32, #tpu.memory_space<vmem_shared>>
      %dma_wait3A_232 = arith.constant 0 : i32
      %dma_wait3A_233 = tpu.memref_slice %arg11[%add3A_9, %dma_wait3A_232] : memref<10000x128xf32, #tpu.memory_space<vmem_shared>> -> memref<25x128xf32, #tpu.memory_space<vmem_shared>>
      tpu.wait_dma2 semaphore(%run_scoped3A_225 : memref<!tpu.dma_semaphore, #tpu.memory_space<semaphore_mem>>) src(%arg10 : memref<25x128xf32, #tpu.memory_space<vmem>>) dst(%dma_wait3A_233 : memref<25x128xf32, #tpu.memory_space<vmem_shared>>)
      tpu.yield
    }) : () -> ()
    %mul3A_10 = arith.constant 625 : i32
    %mul3A_11 = arith.muli %arg1, %mul3A_10 : i32
    %add3A_12 = arith.constant 25 : i32
    %add3A_13 = arith.addi %mul3A_11, %add3A_12 : i32
    "tpu.region"() ({
      %run_scoped3A_225 = tpu.sem_alloc : memref<!tpu.dma_semaphore, #tpu.memory_space<semaphore_mem>>
      %dma_start3A_226 = arith.constant 0 : i32
      %dma_start3A_227 = tpu.memref_slice %arg11[%add3A_13, %dma_start3A_226] : memref<10000x128xf32, #tpu.memory_space<vmem_shared>> -> memref<25x128xf32, #tpu.memory_space<vmem_shared>>
      %dma_start3A_228 = arith.constant 0 : i32
      %dma_start3A_229 = tpu.memref_slice %arg11[%add3A_13, %dma_start3A_228] : memref<10000x128xf32, #tpu.memory_space<vmem_shared>> -> memref<25x128xf32, #tpu.memory_space<vmem_shared>>
      tpu.enqueue_dma source(%arg10 : memref<25x128xf32, #tpu.memory_space<vmem>>) target(%dma_start3A_229 : memref<25x128xf32, #tpu.memory_space<vmem_shared>>) target_semaphore(%run_scoped3A_225 : memref<!tpu.dma_semaphore, #tpu.memory_space<semaphore_mem>>)
      %dma_wait3A_230 = arith.constant 0 : i32
      %dma_wait3A_231 = tpu.memref_slice %arg11[%add3A_13, %dma_wait3A_230] : memref<10000x128xf32, #tpu.memory_space<vmem_shared>> -> memref<25x128xf32, #tpu.memory_space<vmem_shared>>
      %dma_wait3A_232 = arith.constant 0 : i32
      %dma_wait3A_233 = tpu.memref_slice %arg11[%add3A_13, %dma_wait3A_232] : memref<10000x128xf32, #tpu.memory_space<vmem_shared>> -> memref<25x128xf32, #tpu.memory_space<vmem_shared>>
      tpu.wait_dma2 semaphore(%run_scoped3A_225 : memref<!tpu.dma_semaphore, #tpu.memory_space<semaphore_mem>>) src(%arg10 : memref<25x128xf32, #tpu.memory_space<vmem>>) dst(%dma_wait3A_233 : memref<25x128xf32, #tpu.memory_space<vmem_shared>>)
      tpu.yield
    }) : () -> ()
    %mul3A_14 = arith.constant 625 : i32
    %mul3A_15 = arith.muli %arg1, %mul3A_14 : i32
    %add3A_16 = arith.constant 50 : i32
    %add3A_17 = arith.addi %mul3A_15, %add3A_16 : i32
    "tpu.region"() ({
      %run_scoped3A_225 = tpu.sem_alloc : memref<!tpu.dma_semaphore, #tpu.memory_space<semaphore_mem>>
      %dma_start3A_226 = arith.constant 0 : i32
      %dma_start3A_227 = tpu.memref_slice %arg11[%add3A_17, %dma_start3A_226] : memref<10000x128xf32, #tpu.memory_space<vmem_shared>> -> memref<25x128xf32, #tpu.memory_space<vmem_shared>>
      %dma_start3A_228 = arith.constant 0 : i32
      %dma_start3A_229 = tpu.memref_slice %arg11[%add3A_17, %dma_start3A_228] : memref<10000x128xf32, #tpu.memory_space<vmem_shared>> -> memref<25x128xf32, #tpu.memory_space<vmem_shared>>
      tpu.enqueue_dma source(%arg10 : memref<25x128xf32, #tpu.memory_space<vmem>>) target(%dma_start3A_229 : memref<25x128xf32, #tpu.memory_space<vmem_shared>>) target_semaphore(%run_scoped3A_225 : memref<!tpu.dma_semaphore, #tpu.memory_space<semaphore_mem>>)
      %dma_wait3A_230 = arith.constant 0 : i32
      %dma_wait3A_231 = tpu.memref_slice %arg11[%add3A_17, %dma_wait3A_230] : memref<10000x128xf32, #tpu.memory_space<vmem_shared>> -> memref<25x128xf32, #tpu.memory_space<vmem_shared>>
      %dma_wait3A_232 = arith.constant 0 : i32
      %dma_wait3A_233 = tpu.memref_slice %arg11[%add3A_17, %dma_wait3A_232] : memref<10000x128xf32, #tpu.memory_space<vmem_shared>> -> memref<25x128xf32, #tpu.memory_space<vmem_shared>>
      tpu.wait_dma2 semaphore(%run_scoped3A_225 : memref<!tpu.dma_semaphore, #tpu.memory_space<semaphore_mem>>) src(%arg10 : memref<25x128xf32, #tpu.memory_space<vmem>>) dst(%dma_wait3A_233 : memref<25x128xf32, #tpu.memory_space<vmem_shared>>)
      tpu.yield
    }) : () -> ()
    %mul3A_18 = arith.constant 625 : i32
    %mul3A_19 = arith.muli %arg1, %mul3A_18 : i32
    %add3A_20 = arith.constant 75 : i32
    %add3A_21 = arith.addi %mul3A_19, %add3A_20 : i32
    "tpu.region"() ({
      %run_scoped3A_225 = tpu.sem_alloc : memref<!tpu.dma_semaphore, #tpu.memory_space<semaphore_mem>>
      %dma_start3A_226 = arith.constant 0 : i32
      %dma_start3A_227 = tpu.memref_slice %arg11[%add3A_21, %dma_start3A_226] : memref<10000x128xf32, #tpu.memory_space<vmem_shared>> -> memref<25x128xf32, #tpu.memory_space<vmem_shared>>
      %dma_start3A_228 = arith.constant 0 : i32
      %dma_start3A_229 = tpu.memref_slice %arg11[%add3A_21, %dma_start3A_228] : memref<10000x128xf32, #tpu.memory_space<vmem_shared>> -> memref<25x128xf32, #tpu.memory_space<vmem_shared>>
      tpu.enqueue_dma source(%arg10 : memref<25x128xf32, #tpu.memory_space<vmem>>) target(%dma_start3A_229 : memref<25x128xf32, #tpu.memory_space<vmem_shared>>) target_semaphore(%run_scoped3A_225 : memref<!tpu.dma_semaphore, #tpu.memory_space<semaphore_mem>>)
      %dma_wait3A_230 = arith.constant 0 : i32
      %dma_wait3A_231 = tpu.memref_slice %arg11[%add3A_21, %dma_wait3A_230] : memref<10000x128xf32, #tpu.memory_space<vmem_shared>> -> memref<25x128xf32, #tpu.memory_space<vmem_shared>>
      %dma_wait3A_232 = arith.constant 0 : i32
      %dma_wait3A_233 = tpu.memref_slice %arg11[%add3A_21, %dma_wait3A_232] : memref<10000x128xf32, #tpu.memory_space<vmem_shared>> -> memref<25x128xf32, #tpu.memory_space<vmem_shared>>
      tpu.wait_dma2 semaphore(%run_scoped3A_225 : memref<!tpu.dma_semaphore, #tpu.memory_space<semaphore_mem>>) src(%arg10 : memref<25x128xf32, #tpu.memory_space<vmem>>) dst(%dma_wait3A_233 : memref<25x128xf32, #tpu.memory_space<vmem_shared>>)
      tpu.yield
    }) : () -> ()
    %mul3A_22 = arith.constant 625 : i32
    %mul3A_23 = arith.muli %arg1, %mul3A_22 : i32
    %add3A_24 = arith.constant 100 : i32
    %add3A_25 = arith.addi %mul3A_23, %add3A_24 : i32
    "tpu.region"() ({
      %run_scoped3A_225 = tpu.sem_alloc : memref<!tpu.dma_semaphore, #tpu.memory_space<semaphore_mem>>
      %dma_start3A_226 = arith.constant 0 : i32
      %dma_start3A_227 = tpu.memref_slice %arg11[%add3A_25, %dma_start3A_226] : memref<10000x128xf32, #tpu.memory_space<vmem_shared>> -> memref<25x128xf32, #tpu.memory_space<vmem_shared>>
      %dma_start3A_228 = arith.constant 0 : i32
      %dma_start3A_229 = tpu.memref_slice %arg11[%add3A_25, %dma_start3A_228] : memref<10000x128xf32, #tpu.memory_space<vmem_shared>> -> memref<25x128xf32, #tpu.memory_space<vmem_shared>>
      tpu.enqueue_dma source(%arg10 : memref<25x128xf32, #tpu.memory_space<vmem>>) target(%dma_start3A_229 : memref<25x128xf32, #tpu.memory_space<vmem_shared>>) target_semaphore(%run_scoped3A_225 : memref<!tpu.dma_semaphore, #tpu.memory_space<semaphore_mem>>)
      %dma_wait3A_230 = arith.constant 0 : i32
      %dma_wait3A_231 = tpu.memref_slice %arg11[%add3A_25, %dma_wait3A_230] : memref<10000x128xf32, #tpu.memory_space<vmem_shared>> -> memref<25x128xf32, #tpu.memory_space<vmem_shared>>
      %dma_wait3A_232 = arith.constant 0 : i32
      %dma_wait3A_233 = tpu.memref_slice %arg11[%add3A_25, %dma_wait3A_232] : memref<10000x128xf32, #tpu.memory_space<vmem_shared>> -> memref<25x128xf32, #tpu.memory_space<vmem_shared>>
      tpu.wait_dma2 semaphore(%run_scoped3A_225 : memref<!tpu.dma_semaphore, #tpu.memory_space<semaphore_mem>>) src(%arg10 : memref<25x128xf32, #tpu.memory_space<vmem>>) dst(%dma_wait3A_233 : memref<25x128xf32, #tpu.memory_space<vmem_shared>>)
      tpu.yield
    }) : () -> ()
    %mul3A_26 = arith.constant 625 : i32
    %mul3A_27 = arith.muli %arg1, %mul3A_26 : i32
    %add3A_28 = arith.constant 125 : i32
    %add3A_29 = arith.addi %mul3A_27, %add3A_28 : i32
    "tpu.region"() ({
      %run_scoped3A_225 = tpu.sem_alloc : memref<!tpu.dma_semaphore, #tpu.memory_space<semaphore_mem>>
      %dma_start3A_226 = arith.constant 0 : i32
      %dma_start3A_227 = tpu.memref_slice %arg11[%add3A_29, %dma_start3A_226] : memref<10000x128xf32, #tpu.memory_space<vmem_shared>> -> memref<25x128xf32, #tpu.memory_space<vmem_shared>>
      %dma_start3A_228 = arith.constant 0 : i32
      %dma_start3A_229 = tpu.memref_slice %arg11[%add3A_29, %dma_start3A_228] : memref<10000x128xf32, #tpu.memory_space<vmem_shared>> -> memref<25x128xf32, #tpu.memory_space<vmem_shared>>
      tpu.enqueue_dma source(%arg10 : memref<25x128xf32, #tpu.memory_space<vmem>>) target(%dma_start3A_229 : memref<25x128xf32, #tpu.memory_space<vmem_shared>>) target_semaphore(%run_scoped3A_225 : memref<!tpu.dma_semaphore, #tpu.memory_space<semaphore_mem>>)
      %dma_wait3A_230 = arith.constant 0 : i32
      %dma_wait3A_231 = tpu.memref_slice %arg11[%add3A_29, %dma_wait3A_230] : memref<10000x128xf32, #tpu.memory_space<vmem_shared>> -> memref<25x128xf32, #tpu.memory_space<vmem_shared>>
      %dma_wait3A_232 = arith.constant 0 : i32
      %dma_wait3A_233 = tpu.memref_slice %arg11[%add3A_29, %dma_wait3A_232] : memref<10000x128xf32, #tpu.memory_space<vmem_shared>> -> memref<25x128xf32, #tpu.memory_space<vmem_shared>>
      tpu.wait_dma2 semaphore(%run_scoped3A_225 : memref<!tpu.dma_semaphore, #tpu.memory_space<semaphore_mem>>) src(%arg10 : memref<25x128xf32, #tpu.memory_space<vmem>>) dst(%dma_wait3A_233 : memref<25x128xf32, #tpu.memory_space<vmem_shared>>)
      tpu.yield
    }) : () -> ()
    %mul3A_30 = arith.constant 625 : i32
    %mul3A_31 = arith.muli %arg1, %mul3A_30 : i32
    %add3A_32 = arith.constant 150 : i32
    %add3A_33 = arith.addi %mul3A_31, %add3A_32 : i32
    "tpu.region"() ({
      %run_scoped3A_225 = tpu.sem_alloc : memref<!tpu.dma_semaphore, #tpu.memory_space<semaphore_mem>>
      %dma_start3A_226 = arith.constant 0 : i32
      %dma_start3A_227 = tpu.memref_slice %arg11[%add3A_33, %dma_start3A_226] : memref<10000x128xf32, #tpu.memory_space<vmem_shared>> -> memref<25x128xf32, #tpu.memory_space<vmem_shared>>
      %dma_start3A_228 = arith.constant 0 : i32
      %dma_start3A_229 = tpu.memref_slice %arg11[%add3A_33, %dma_start3A_228] : memref<10000x128xf32, #tpu.memory_space<vmem_shared>> -> memref<25x128xf32, #tpu.memory_space<vmem_shared>>
      tpu.enqueue_dma source(%arg10 : memref<25x128xf32, #tpu.memory_space<vmem>>) target(%dma_start3A_229 : memref<25x128xf32, #tpu.memory_space<vmem_shared>>) target_semaphore(%run_scoped3A_225 : memref<!tpu.dma_semaphore, #tpu.memory_space<semaphore_mem>>)
      %dma_wait3A_230 = arith.constant 0 : i32
      %dma_wait3A_231 = tpu.memref_slice %arg11[%add3A_33, %dma_wait3A_230] : memref<10000x128xf32, #tpu.memory_space<vmem_shared>> -> memref<25x128xf32, #tpu.memory_space<vmem_shared>>
      %dma_wait3A_232 = arith.constant 0 : i32
      %dma_wait3A_233 = tpu.memref_slice %arg11[%add3A_33, %dma_wait3A_232] : memref<10000x128xf32, #tpu.memory_space<vmem_shared>> -> memref<25x128xf32, #tpu.memory_space<vmem_shared>>
      tpu.wait_dma2 semaphore(%run_scoped3A_225 : memref<!tpu.dma_semaphore, #tpu.memory_space<semaphore_mem>>) src(%arg10 : memref<25x128xf32, #tpu.memory_space<vmem>>) dst(%dma_wait3A_233 : memref<25x128xf32, #tpu.memory_space<vmem_shared>>)
      tpu.yield
    }) : () -> ()
    %mul3A_34 = arith.constant 625 : i32
    %mul3A_35 = arith.muli %arg1, %mul3A_34 : i32
    %add3A_36 = arith.constant 175 : i32
    %add3A_37 = arith.addi %mul3A_35, %add3A_36 : i32
    "tpu.region"() ({
      %run_scoped3A_225 = tpu.sem_alloc : memref<!tpu.dma_semaphore, #tpu.memory_space<semaphore_mem>>
      %dma_start3A_226 = arith.constant 0 : i32
      %dma_start3A_227 = tpu.memref_slice %arg11[%add3A_37, %dma_start3A_226] : memref<10000x128xf32, #tpu.memory_space<vmem_shared>> -> memref<25x128xf32, #tpu.memory_space<vmem_shared>>
      %dma_start3A_228 = arith.constant 0 : i32
      %dma_start3A_229 = tpu.memref_slice %arg11[%add3A_37, %dma_start3A_228] : memref<10000x128xf32, #tpu.memory_space<vmem_shared>> -> memref<25x128xf32, #tpu.memory_space<vmem_shared>>
      tpu.enqueue_dma source(%arg10 : memref<25x128xf32, #tpu.memory_space<vmem>>) target(%dma_start3A_229 : memref<25x128xf32, #tpu.memory_space<vmem_shared>>) target_semaphore(%run_scoped3A_225 : memref<!tpu.dma_semaphore, #tpu.memory_space<semaphore_mem>>)
      %dma_wait3A_230 = arith.constant 0 : i32
      %dma_wait3A_231 = tpu.memref_slice %arg11[%add3A_37, %dma_wait3A_230] : memref<10000x128xf32, #tpu.memory_space<vmem_shared>> -> memref<25x128xf32, #tpu.memory_space<vmem_shared>>
      %dma_wait3A_232 = arith.constant 0 : i32
      %dma_wait3A_233 = tpu.memref_slice %arg11[%add3A_37, %dma_wait3A_232] : memref<10000x128xf32, #tpu.memory_space<vmem_shared>> -> memref<25x128xf32, #tpu.memory_space<vmem_shared>>
      tpu.wait_dma2 semaphore(%run_scoped3A_225 : memref<!tpu.dma_semaphore, #tpu.memory_space<semaphore_mem>>) src(%arg10 : memref<25x128xf32, #tpu.memory_space<vmem>>) dst(%dma_wait3A_233 : memref<25x128xf32, #tpu.memory_space<vmem_shared>>)
      tpu.yield
    }) : () -> ()
    %mul3A_38 = arith.constant 625 : i32
    %mul3A_39 = arith.muli %arg1, %mul3A_38 : i32
    %add3A_40 = arith.constant 200 : i32
    %add3A_41 = arith.addi %mul3A_39, %add3A_40 : i32
    "tpu.region"() ({
      %run_scoped3A_225 = tpu.sem_alloc : memref<!tpu.dma_semaphore, #tpu.memory_space<semaphore_mem>>
      %dma_start3A_226 = arith.constant 0 : i32
      %dma_start3A_227 = tpu.memref_slice %arg11[%add3A_41, %dma_start3A_226] : memref<10000x128xf32, #tpu.memory_space<vmem_shared>> -> memref<25x128xf32, #tpu.memory_space<vmem_shared>>
      %dma_start3A_228 = arith.constant 0 : i32
      %dma_start3A_229 = tpu.memref_slice %arg11[%add3A_41, %dma_start3A_228] : memref<10000x128xf32, #tpu.memory_space<vmem_shared>> -> memref<25x128xf32, #tpu.memory_space<vmem_shared>>
      tpu.enqueue_dma source(%arg10 : memref<25x128xf32, #tpu.memory_space<vmem>>) target(%dma_start3A_229 : memref<25x128xf32, #tpu.memory_space<vmem_shared>>) target_semaphore(%run_scoped3A_225 : memref<!tpu.dma_semaphore, #tpu.memory_space<semaphore_mem>>)
      %dma_wait3A_230 = arith.constant 0 : i32
      %dma_wait3A_231 = tpu.memref_slice %arg11[%add3A_41, %dma_wait3A_230] : memref<10000x128xf32, #tpu.memory_space<vmem_shared>> -> memref<25x128xf32, #tpu.memory_space<vmem_shared>>
      %dma_wait3A_232 = arith.constant 0 : i32
      %dma_wait3A_233 = tpu.memref_slice %arg11[%add3A_41, %dma_wait3A_232] : memref<10000x128xf32, #tpu.memory_space<vmem_shared>> -> memref<25x128xf32, #tpu.memory_space<vmem_shared>>
      tpu.wait_dma2 semaphore(%run_scoped3A_225 : memref<!tpu.dma_semaphore, #tpu.memory_space<semaphore_mem>>) src(%arg10 : memref<25x128xf32, #tpu.memory_space<vmem>>) dst(%dma_wait3A_233 : memref<25x128xf32, #tpu.memory_space<vmem_shared>>)
      tpu.yield
    }) : () -> ()
    %mul3A_42 = arith.constant 625 : i32
    %mul3A_43 = arith.muli %arg1, %mul3A_42 : i32
    %add3A_44 = arith.constant 225 : i32
    %add3A_45 = arith.addi %mul3A_43, %add3A_44 : i32
    "tpu.region"() ({
      %run_scoped3A_225 = tpu.sem_alloc : memref<!tpu.dma_semaphore, #tpu.memory_space<semaphore_mem>>
      %dma_start3A_226 = arith.constant 0 : i32
      %dma_start3A_227 = tpu.memref_slice %arg11[%add3A_45, %dma_start3A_226] : memref<10000x128xf32, #tpu.memory_space<vmem_shared>> -> memref<25x128xf32, #tpu.memory_space<vmem_shared>>
      %dma_start3A_228 = arith.constant 0 : i32
      %dma_start3A_229 = tpu.memref_slice %arg11[%add3A_45, %dma_start3A_228] : memref<10000x128xf32, #tpu.memory_space<vmem_shared>> -> memref<25x128xf32, #tpu.memory_space<vmem_shared>>
      tpu.enqueue_dma source(%arg10 : memref<25x128xf32, #tpu.memory_space<vmem>>) target(%dma_start3A_229 : memref<25x128xf32, #tpu.memory_space<vmem_shared>>) target_semaphore(%run_scoped3A_225 : memref<!tpu.dma_semaphore, #tpu.memory_space<semaphore_mem>>)
      %dma_wait3A_230 = arith.constant 0 : i32
      %dma_wait3A_231 = tpu.memref_slice %arg11[%add3A_45, %dma_wait3A_230] : memref<10000x128xf32, #tpu.memory_space<vmem_shared>> -> memref<25x128xf32, #tpu.memory_space<vmem_shared>>
      %dma_wait3A_232 = arith.constant 0 : i32
      %dma_wait3A_233 = tpu.memref_slice %arg11[%add3A_45, %dma_wait3A_232] : memref<10000x128xf32, #tpu.memory_space<vmem_shared>> -> memref<25x128xf32, #tpu.memory_space<vmem_shared>>
      tpu.wait_dma2 semaphore(%run_scoped3A_225 : memref<!tpu.dma_semaphore, #tpu.memory_space<semaphore_mem>>) src(%arg10 : memref<25x128xf32, #tpu.memory_space<vmem>>) dst(%dma_wait3A_233 : memref<25x128xf32, #tpu.memory_space<vmem_shared>>)
      tpu.yield
    }) : () -> ()
    %mul3A_46 = arith.constant 625 : i32
    %mul3A_47 = arith.muli %arg1, %mul3A_46 : i32
    %add3A_48 = arith.constant 250 : i32
    %add3A_49 = arith.addi %mul3A_47, %add3A_48 : i32
    "tpu.region"() ({
      %run_scoped3A_225 = tpu.sem_alloc : memref<!tpu.dma_semaphore, #tpu.memory_space<semaphore_mem>>
      %dma_start3A_226 = arith.constant 0 : i32
      %dma_start3A_227 = tpu.memref_slice %arg11[%add3A_49, %dma_start3A_226] : memref<10000x128xf32, #tpu.memory_space<vmem_shared>> -> memref<25x128xf32, #tpu.memory_space<vmem_shared>>
      %dma_start3A_228 = arith.constant 0 : i32
      %dma_start3A_229 = tpu.memref_slice %arg11[%add3A_49, %dma_start3A_228] : memref<10000x128xf32, #tpu.memory_space<vmem_shared>> -> memref<25x128xf32, #tpu.memory_space<vmem_shared>>
      tpu.enqueue_dma source(%arg10 : memref<25x128xf32, #tpu.memory_space<vmem>>) target(%dma_start3A_229 : memref<25x128xf32, #tpu.memory_space<vmem_shared>>) target_semaphore(%run_scoped3A_225 : memref<!tpu.dma_semaphore, #tpu.memory_space<semaphore_mem>>)
      %dma_wait3A_230 = arith.constant 0 : i32
      %dma_wait3A_231 = tpu.memref_slice %arg11[%add3A_49, %dma_wait3A_230] : memref<10000x128xf32, #tpu.memory_space<vmem_shared>> -> memref<25x128xf32, #tpu.memory_space<vmem_shared>>
      %dma_wait3A_232 = arith.constant 0 : i32
      %dma_wait3A_233 = tpu.memref_slice %arg11[%add3A_49, %dma_wait3A_232] : memref<10000x128xf32, #tpu.memory_space<vmem_shared>> -> memref<25x128xf32, #tpu.memory_space<vmem_shared>>
      tpu.wait_dma2 semaphore(%run_scoped3A_225 : memref<!tpu.dma_semaphore, #tpu.memory_space<semaphore_mem>>) src(%arg10 : memref<25x128xf32, #tpu.memory_space<vmem>>) dst(%dma_wait3A_233 : memref<25x128xf32, #tpu.memory_space<vmem_shared>>)
      tpu.yield
    }) : () -> ()
    %mul3A_50 = arith.constant 625 : i32
    %mul3A_51 = arith.muli %arg1, %mul3A_50 : i32
    %add3A_52 = arith.constant 275 : i32
    %add3A_53 = arith.addi %mul3A_51, %add3A_52 : i32
    "tpu.region"() ({
      %run_scoped3A_225 = tpu.sem_alloc : memref<!tpu.dma_semaphore, #tpu.memory_space<semaphore_mem>>
      %dma_start3A_226 = arith.constant 0 : i32
      %dma_start3A_227 = tpu.memref_slice %arg11[%add3A_53, %dma_start3A_226] : memref<10000x128xf32, #tpu.memory_space<vmem_shared>> -> memref<25x128xf32, #tpu.memory_space<vmem_shared>>
      %dma_start3A_228 = arith.constant 0 : i32
      %dma_start3A_229 = tpu.memref_slice %arg11[%add3A_53, %dma_start3A_228] : memref<10000x128xf32, #tpu.memory_space<vmem_shared>> -> memref<25x128xf32, #tpu.memory_space<vmem_shared>>
      tpu.enqueue_dma source(%arg10 : memref<25x128xf32, #tpu.memory_space<vmem>>) target(%dma_start3A_229 : memref<25x128xf32, #tpu.memory_space<vmem_shared>>) target_semaphore(%run_scoped3A_225 : memref<!tpu.dma_semaphore, #tpu.memory_space<semaphore_mem>>)
      %dma_wait3A_230 = arith.constant 0 : i32
      %dma_wait3A_231 = tpu.memref_slice %arg11[%add3A_53, %dma_wait3A_230] : memref<10000x128xf32, #tpu.memory_space<vmem_shared>> -> memref<25x128xf32, #tpu.memory_space<vmem_shared>>
      %dma_wait3A_232 = arith.constant 0 : i32
      %dma_wait3A_233 = tpu.memref_slice %arg11[%add3A_53, %dma_wait3A_232] : memref<10000x128xf32, #tpu.memory_space<vmem_shared>> -> memref<25x128xf32, #tpu.memory_space<vmem_shared>>
      tpu.wait_dma2 semaphore(%run_scoped3A_225 : memref<!tpu.dma_semaphore, #tpu.memory_space<semaphore_mem>>) src(%arg10 : memref<25x128xf32, #tpu.memory_space<vmem>>) dst(%dma_wait3A_233 : memref<25x128xf32, #tpu.memory_space<vmem_shared>>)
      tpu.yield
    }) : () -> ()
    %mul3A_54 = arith.constant 625 : i32
    %mul3A_55 = arith.muli %arg1, %mul3A_54 : i32
    %add3A_56 = arith.constant 300 : i32
    %add3A_57 = arith.addi %mul3A_55, %add3A_56 : i32
    "tpu.region"() ({
      %run_scoped3A_225 = tpu.sem_alloc : memref<!tpu.dma_semaphore, #tpu.memory_space<semaphore_mem>>
      %dma_start3A_226 = arith.constant 0 : i32
      %dma_start3A_227 = tpu.memref_slice %arg11[%add3A_57, %dma_start3A_226] : memref<10000x128xf32, #tpu.memory_space<vmem_shared>> -> memref<25x128xf32, #tpu.memory_space<vmem_shared>>
      %dma_start3A_228 = arith.constant 0 : i32
      %dma_start3A_229 = tpu.memref_slice %arg11[%add3A_57, %dma_start3A_228] : memref<10000x128xf32, #tpu.memory_space<vmem_shared>> -> memref<25x128xf32, #tpu.memory_space<vmem_shared>>
      tpu.enqueue_dma source(%arg10 : memref<25x128xf32, #tpu.memory_space<vmem>>) target(%dma_start3A_229 : memref<25x128xf32, #tpu.memory_space<vmem_shared>>) target_semaphore(%run_scoped3A_225 : memref<!tpu.dma_semaphore, #tpu.memory_space<semaphore_mem>>)
      %dma_wait3A_230 = arith.constant 0 : i32
      %dma_wait3A_231 = tpu.memref_slice %arg11[%add3A_57, %dma_wait3A_230] : memref<10000x128xf32, #tpu.memory_space<vmem_shared>> -> memref<25x128xf32, #tpu.memory_space<vmem_shared>>
      %dma_wait3A_232 = arith.constant 0 : i32
      %dma_wait3A_233 = tpu.memref_slice %arg11[%add3A_57, %dma_wait3A_232] : memref<10000x128xf32, #tpu.memory_space<vmem_shared>> -> memref<25x128xf32, #tpu.memory_space<vmem_shared>>
      tpu.wait_dma2 semaphore(%run_scoped3A_225 : memref<!tpu.dma_semaphore, #tpu.memory_space<semaphore_mem>>) src(%arg10 : memref<25x128xf32, #tpu.memory_space<vmem>>) dst(%dma_wait3A_233 : memref<25x128xf32, #tpu.memory_space<vmem_shared>>)
      tpu.yield
    }) : () -> ()
    %mul3A_58 = arith.constant 625 : i32
    %mul3A_59 = arith.muli %arg1, %mul3A_58 : i32
    %add3A_60 = arith.constant 325 : i32
    %add3A_61 = arith.addi %mul3A_59, %add3A_60 : i32
    "tpu.region"() ({
      %run_scoped3A_225 = tpu.sem_alloc : memref<!tpu.dma_semaphore, #tpu.memory_space<semaphore_mem>>
      %dma_start3A_226 = arith.constant 0 : i32
      %dma_start3A_227 = tpu.memref_slice %arg11[%add3A_61, %dma_start3A_226] : memref<10000x128xf32, #tpu.memory_space<vmem_shared>> -> memref<25x128xf32, #tpu.memory_space<vmem_shared>>
      %dma_start3A_228 = arith.constant 0 : i32
      %dma_start3A_229 = tpu.memref_slice %arg11[%add3A_61, %dma_start3A_228] : memref<10000x128xf32, #tpu.memory_space<vmem_shared>> -> memref<25x128xf32, #tpu.memory_space<vmem_shared>>
      tpu.enqueue_dma source(%arg10 : memref<25x128xf32, #tpu.memory_space<vmem>>) target(%dma_start3A_229 : memref<25x128xf32, #tpu.memory_space<vmem_shared>>) target_semaphore(%run_scoped3A_225 : memref<!tpu.dma_semaphore, #tpu.memory_space<semaphore_mem>>)
      %dma_wait3A_230 = arith.constant 0 : i32
      %dma_wait3A_231 = tpu.memref_slice %arg11[%add3A_61, %dma_wait3A_230] : memref<10000x128xf32, #tpu.memory_space<vmem_shared>> -> memref<25x128xf32, #tpu.memory_space<vmem_shared>>
      %dma_wait3A_232 = arith.constant 0 : i32
      %dma_wait3A_233 = tpu.memref_slice %arg11[%add3A_61, %dma_wait3A_232] : memref<10000x128xf32, #tpu.memory_space<vmem_shared>> -> memref<25x128xf32, #tpu.memory_space<vmem_shared>>
      tpu.wait_dma2 semaphore(%run_scoped3A_225 : memref<!tpu.dma_semaphore, #tpu.memory_space<semaphore_mem>>) src(%arg10 : memref<25x128xf32, #tpu.memory_space<vmem>>) dst(%dma_wait3A_233 : memref<25x128xf32, #tpu.memory_space<vmem_shared>>)
      tpu.yield
    }) : () -> ()
    %mul3A_62 = arith.constant 625 : i32
    %mul3A_63 = arith.muli %arg1, %mul3A_62 : i32
    %add3A_64 = arith.constant 350 : i32
    %add3A_65 = arith.addi %mul3A_63, %add3A_64 : i32
    "tpu.region"() ({
      %run_scoped3A_225 = tpu.sem_alloc : memref<!tpu.dma_semaphore, #tpu.memory_space<semaphore_mem>>
      %dma_start3A_226 = arith.constant 0 : i32
      %dma_start3A_227 = tpu.memref_slice %arg11[%add3A_65, %dma_start3A_226] : memref<10000x128xf32, #tpu.memory_space<vmem_shared>> -> memref<25x128xf32, #tpu.memory_space<vmem_shared>>
      %dma_start3A_228 = arith.constant 0 : i32
      %dma_start3A_229 = tpu.memref_slice %arg11[%add3A_65, %dma_start3A_228] : memref<10000x128xf32, #tpu.memory_space<vmem_shared>> -> memref<25x128xf32, #tpu.memory_space<vmem_shared>>
      tpu.enqueue_dma source(%arg10 : memref<25x128xf32, #tpu.memory_space<vmem>>) target(%dma_start3A_229 : memref<25x128xf32, #tpu.memory_space<vmem_shared>>) target_semaphore(%run_scoped3A_225 : memref<!tpu.dma_semaphore, #tpu.memory_space<semaphore_mem>>)
      %dma_wait3A_230 = arith.constant 0 : i32
      %dma_wait3A_231 = tpu.memref_slice %arg11[%add3A_65, %dma_wait3A_230] : memref<10000x128xf32, #tpu.memory_space<vmem_shared>> -> memref<25x128xf32, #tpu.memory_space<vmem_shared>>
      %dma_wait3A_232 = arith.constant 0 : i32
      %dma_wait3A_233 = tpu.memref_slice %arg11[%add3A_65, %dma_wait3A_232] : memref<10000x128xf32, #tpu.memory_space<vmem_shared>> -> memref<25x128xf32, #tpu.memory_space<vmem_shared>>
      tpu.wait_dma2 semaphore(%run_scoped3A_225 : memref<!tpu.dma_semaphore, #tpu.memory_space<semaphore_mem>>) src(%arg10 : memref<25x128xf32, #tpu.memory_space<vmem>>) dst(%dma_wait3A_233 : memref<25x128xf32, #tpu.memory_space<vmem_shared>>)
      tpu.yield
    }) : () -> ()
    %mul3A_66 = arith.constant 625 : i32
    %mul3A_67 = arith.muli %arg1, %mul3A_66 : i32
    %add3A_68 = arith.constant 375 : i32
    %add3A_69 = arith.addi %mul3A_67, %add3A_68 : i32
    "tpu.region"() ({
      %run_scoped3A_225 = tpu.sem_alloc : memref<!tpu.dma_semaphore, #tpu.memory_space<semaphore_mem>>
      %dma_start3A_226 = arith.constant 0 : i32
      %dma_start3A_227 = tpu.memref_slice %arg11[%add3A_69, %dma_start3A_226] : memref<10000x128xf32, #tpu.memory_space<vmem_shared>> -> memref<25x128xf32, #tpu.memory_space<vmem_shared>>
      %dma_start3A_228 = arith.constant 0 : i32
      %dma_start3A_229 = tpu.memref_slice %arg11[%add3A_69, %dma_start3A_228] : memref<10000x128xf32, #tpu.memory_space<vmem_shared>> -> memref<25x128xf32, #tpu.memory_space<vmem_shared>>
      tpu.enqueue_dma source(%arg10 : memref<25x128xf32, #tpu.memory_space<vmem>>) target(%dma_start3A_229 : memref<25x128xf32, #tpu.memory_space<vmem_shared>>) target_semaphore(%run_scoped3A_225 : memref<!tpu.dma_semaphore, #tpu.memory_space<semaphore_mem>>)
      %dma_wait3A_230 = arith.constant 0 : i32
      %dma_wait3A_231 = tpu.memref_slice %arg11[%add3A_69, %dma_wait3A_230] : memref<10000x128xf32, #tpu.memory_space<vmem_shared>> -> memref<25x128xf32, #tpu.memory_space<vmem_shared>>
      %dma_wait3A_232 = arith.constant 0 : i32
      %dma_wait3A_233 = tpu.memref_slice %arg11[%add3A_69, %dma_wait3A_232] : memref<10000x128xf32, #tpu.memory_space<vmem_shared>> -> memref<25x128xf32, #tpu.memory_space<vmem_shared>>
      tpu.wait_dma2 semaphore(%run_scoped3A_225 : memref<!tpu.dma_semaphore, #tpu.memory_space<semaphore_mem>>) src(%arg10 : memref<25x128xf32, #tpu.memory_space<vmem>>) dst(%dma_wait3A_233 : memref<25x128xf32, #tpu.memory_space<vmem_shared>>)
      tpu.yield
    }) : () -> ()
    %mul3A_70 = arith.constant 625 : i32
    %mul3A_71 = arith.muli %arg1, %mul3A_70 : i32
    %add3A_72 = arith.constant 400 : i32
    %add3A_73 = arith.addi %mul3A_71, %add3A_72 : i32
    "tpu.region"() ({
      %run_scoped3A_225 = tpu.sem_alloc : memref<!tpu.dma_semaphore, #tpu.memory_space<semaphore_mem>>
      %dma_start3A_226 = arith.constant 0 : i32
      %dma_start3A_227 = tpu.memref_slice %arg11[%add3A_73, %dma_start3A_226] : memref<10000x128xf32, #tpu.memory_space<vmem_shared>> -> memref<25x128xf32, #tpu.memory_space<vmem_shared>>
      %dma_start3A_228 = arith.constant 0 : i32
      %dma_start3A_229 = tpu.memref_slice %arg11[%add3A_73, %dma_start3A_228] : memref<10000x128xf32, #tpu.memory_space<vmem_shared>> -> memref<25x128xf32, #tpu.memory_space<vmem_shared>>
      tpu.enqueue_dma source(%arg10 : memref<25x128xf32, #tpu.memory_space<vmem>>) target(%dma_start3A_229 : memref<25x128xf32, #tpu.memory_space<vmem_shared>>) target_semaphore(%run_scoped3A_225 : memref<!tpu.dma_semaphore, #tpu.memory_space<semaphore_mem>>)
      %dma_wait3A_230 = arith.constant 0 : i32
      %dma_wait3A_231 = tpu.memref_slice %arg11[%add3A_73, %dma_wait3A_230] : memref<10000x128xf32, #tpu.memory_space<vmem_shared>> -> memref<25x128xf32, #tpu.memory_space<vmem_shared>>
      %dma_wait3A_232 = arith.constant 0 : i32
      %dma_wait3A_233 = tpu.memref_slice %arg11[%add3A_73, %dma_wait3A_232] : memref<10000x128xf32, #tpu.memory_space<vmem_shared>> -> memref<25x128xf32, #tpu.memory_space<vmem_shared>>
      tpu.wait_dma2 semaphore(%run_scoped3A_225 : memref<!tpu.dma_semaphore, #tpu.memory_space<semaphore_mem>>) src(%arg10 : memref<25x128xf32, #tpu.memory_space<vmem>>) dst(%dma_wait3A_233 : memref<25x128xf32, #tpu.memory_space<vmem_shared>>)
      tpu.yield
    }) : () -> ()
    %mul3A_74 = arith.constant 625 : i32
    %mul3A_75 = arith.muli %arg1, %mul3A_74 : i32
    %add3A_76 = arith.constant 425 : i32
    %add3A_77 = arith.addi %mul3A_75, %add3A_76 : i32
    "tpu.region"() ({
      %run_scoped3A_225 = tpu.sem_alloc : memref<!tpu.dma_semaphore, #tpu.memory_space<semaphore_mem>>
      %dma_start3A_226 = arith.constant 0 : i32
      %dma_start3A_227 = tpu.memref_slice %arg11[%add3A_77, %dma_start3A_226] : memref<10000x128xf32, #tpu.memory_space<vmem_shared>> -> memref<25x128xf32, #tpu.memory_space<vmem_shared>>
      %dma_start3A_228 = arith.constant 0 : i32
      %dma_start3A_229 = tpu.memref_slice %arg11[%add3A_77, %dma_start3A_228] : memref<10000x128xf32, #tpu.memory_space<vmem_shared>> -> memref<25x128xf32, #tpu.memory_space<vmem_shared>>
      tpu.enqueue_dma source(%arg10 : memref<25x128xf32, #tpu.memory_space<vmem>>) target(%dma_start3A_229 : memref<25x128xf32, #tpu.memory_space<vmem_shared>>) target_semaphore(%run_scoped3A_225 : memref<!tpu.dma_semaphore, #tpu.memory_space<semaphore_mem>>)
      %dma_wait3A_230 = arith.constant 0 : i32
      %dma_wait3A_231 = tpu.memref_slice %arg11[%add3A_77, %dma_wait3A_230] : memref<10000x128xf32, #tpu.memory_space<vmem_shared>> -> memref<25x128xf32, #tpu.memory_space<vmem_shared>>
      %dma_wait3A_232 = arith.constant 0 : i32
      %dma_wait3A_233 = tpu.memref_slice %arg11[%add3A_77, %dma_wait3A_232] : memref<10000x128xf32, #tpu.memory_space<vmem_shared>> -> memref<25x128xf32, #tpu.memory_space<vmem_shared>>
      tpu.wait_dma2 semaphore(%run_scoped3A_225 : memref<!tpu.dma_semaphore, #tpu.memory_space<semaphore_mem>>) src(%arg10 : memref<25x128xf32, #tpu.memory_space<vmem>>) dst(%dma_wait3A_233 : memref<25x128xf32, #tpu.memory_space<vmem_shared>>)
      tpu.yield
    }) : () -> ()
    %mul3A_78 = arith.constant 625 : i32
    %mul3A_79 = arith.muli %arg1, %mul3A_78 : i32
    %add3A_80 = arith.constant 450 : i32
    %add3A_81 = arith.addi %mul3A_79, %add3A_80 : i32
    "tpu.region"() ({
      %run_scoped3A_225 = tpu.sem_alloc : memref<!tpu.dma_semaphore, #tpu.memory_space<semaphore_mem>>
      %dma_start3A_226 = arith.constant 0 : i32
      %dma_start3A_227 = tpu.memref_slice %arg11[%add3A_81, %dma_start3A_226] : memref<10000x128xf32, #tpu.memory_space<vmem_shared>> -> memref<25x128xf32, #tpu.memory_space<vmem_shared>>
      %dma_start3A_228 = arith.constant 0 : i32
      %dma_start3A_229 = tpu.memref_slice %arg11[%add3A_81, %dma_start3A_228] : memref<10000x128xf32, #tpu.memory_space<vmem_shared>> -> memref<25x128xf32, #tpu.memory_space<vmem_shared>>
      tpu.enqueue_dma source(%arg10 : memref<25x128xf32, #tpu.memory_space<vmem>>) target(%dma_start3A_229 : memref<25x128xf32, #tpu.memory_space<vmem_shared>>) target_semaphore(%run_scoped3A_225 : memref<!tpu.dma_semaphore, #tpu.memory_space<semaphore_mem>>)
      %dma_wait3A_230 = arith.constant 0 : i32
      %dma_wait3A_231 = tpu.memref_slice %arg11[%add3A_81, %dma_wait3A_230] : memref<10000x128xf32, #tpu.memory_space<vmem_shared>> -> memref<25x128xf32, #tpu.memory_space<vmem_shared>>
      %dma_wait3A_232 = arith.constant 0 : i32
      %dma_wait3A_233 = tpu.memref_slice %arg11[%add3A_81, %dma_wait3A_232] : memref<10000x128xf32, #tpu.memory_space<vmem_shared>> -> memref<25x128xf32, #tpu.memory_space<vmem_shared>>
      tpu.wait_dma2 semaphore(%run_scoped3A_225 : memref<!tpu.dma_semaphore, #tpu.memory_space<semaphore_mem>>) src(%arg10 : memref<25x128xf32, #tpu.memory_space<vmem>>) dst(%dma_wait3A_233 : memref<25x128xf32, #tpu.memory_space<vmem_shared>>)
      tpu.yield
    }) : () -> ()
    %mul3A_82 = arith.constant 625 : i32
    %mul3A_83 = arith.muli %arg1, %mul3A_82 : i32
    %add3A_84 = arith.constant 475 : i32
    %add3A_85 = arith.addi %mul3A_83, %add3A_84 : i32
    "tpu.region"() ({
      %run_scoped3A_225 = tpu.sem_alloc : memref<!tpu.dma_semaphore, #tpu.memory_space<semaphore_mem>>
      %dma_start3A_226 = arith.constant 0 : i32
      %dma_start3A_227 = tpu.memref_slice %arg11[%add3A_85, %dma_start3A_226] : memref<10000x128xf32, #tpu.memory_space<vmem_shared>> -> memref<25x128xf32, #tpu.memory_space<vmem_shared>>
      %dma_start3A_228 = arith.constant 0 : i32
      %dma_start3A_229 = tpu.memref_slice %arg11[%add3A_85, %dma_start3A_228] : memref<10000x128xf32, #tpu.memory_space<vmem_shared>> -> memref<25x128xf32, #tpu.memory_space<vmem_shared>>
      tpu.enqueue_dma source(%arg10 : memref<25x128xf32, #tpu.memory_space<vmem>>) target(%dma_start3A_229 : memref<25x128xf32, #tpu.memory_space<vmem_shared>>) target_semaphore(%run_scoped3A_225 : memref<!tpu.dma_semaphore, #tpu.memory_space<semaphore_mem>>)
      %dma_wait3A_230 = arith.constant 0 : i32
      %dma_wait3A_231 = tpu.memref_slice %arg11[%add3A_85, %dma_wait3A_230] : memref<10000x128xf32, #tpu.memory_space<vmem_shared>> -> memref<25x128xf32, #tpu.memory_space<vmem_shared>>
      %dma_wait3A_232 = arith.constant 0 : i32
      %dma_wait3A_233 = tpu.memref_slice %arg11[%add3A_85, %dma_wait3A_232] : memref<10000x128xf32, #tpu.memory_space<vmem_shared>> -> memref<25x128xf32, #tpu.memory_space<vmem_shared>>
      tpu.wait_dma2 semaphore(%run_scoped3A_225 : memref<!tpu.dma_semaphore, #tpu.memory_space<semaphore_mem>>) src(%arg10 : memref<25x128xf32, #tpu.memory_space<vmem>>) dst(%dma_wait3A_233 : memref<25x128xf32, #tpu.memory_space<vmem_shared>>)
      tpu.yield
    }) : () -> ()
    %mul3A_86 = arith.constant 625 : i32
    %mul3A_87 = arith.muli %arg1, %mul3A_86 : i32
    %add3A_88 = arith.constant 500 : i32
    %add3A_89 = arith.addi %mul3A_87, %add3A_88 : i32
    "tpu.region"() ({
      %run_scoped3A_225 = tpu.sem_alloc : memref<!tpu.dma_semaphore, #tpu.memory_space<semaphore_mem>>
      %dma_start3A_226 = arith.constant 0 : i32
      %dma_start3A_227 = tpu.memref_slice %arg11[%add3A_89, %dma_start3A_226] : memref<10000x128xf32, #tpu.memory_space<vmem_shared>> -> memref<25x128xf32, #tpu.memory_space<vmem_shared>>
      %dma_start3A_228 = arith.constant 0 : i32
      %dma_start3A_229 = tpu.memref_slice %arg11[%add3A_89, %dma_start3A_228] : memref<10000x128xf32, #tpu.memory_space<vmem_shared>> -> memref<25x128xf32, #tpu.memory_space<vmem_shared>>
      tpu.enqueue_dma source(%arg10 : memref<25x128xf32, #tpu.memory_space<vmem>>) target(%dma_start3A_229 : memref<25x128xf32, #tpu.memory_space<vmem_shared>>) target_semaphore(%run_scoped3A_225 : memref<!tpu.dma_semaphore, #tpu.memory_space<semaphore_mem>>)
      %dma_wait3A_230 = arith.constant 0 : i32
      %dma_wait3A_231 = tpu.memref_slice %arg11[%add3A_89, %dma_wait3A_230] : memref<10000x128xf32, #tpu.memory_space<vmem_shared>> -> memref<25x128xf32, #tpu.memory_space<vmem_shared>>
      %dma_wait3A_232 = arith.constant 0 : i32
      %dma_wait3A_233 = tpu.memref_slice %arg11[%add3A_89, %dma_wait3A_232] : memref<10000x128xf32, #tpu.memory_space<vmem_shared>> -> memref<25x128xf32, #tpu.memory_space<vmem_shared>>
      tpu.wait_dma2 semaphore(%run_scoped3A_225 : memref<!tpu.dma_semaphore, #tpu.memory_space<semaphore_mem>>) src(%arg10 : memref<25x128xf32, #tpu.memory_space<vmem>>) dst(%dma_wait3A_233 : memref<25x128xf32, #tpu.memory_space<vmem_shared>>)
      tpu.yield
    }) : () -> ()
    %mul3A_90 = arith.constant 625 : i32
    %mul3A_91 = arith.muli %arg1, %mul3A_90 : i32
    %add3A_92 = arith.constant 525 : i32
    %add3A_93 = arith.addi %mul3A_91, %add3A_92 : i32
    "tpu.region"() ({
      %run_scoped3A_225 = tpu.sem_alloc : memref<!tpu.dma_semaphore, #tpu.memory_space<semaphore_mem>>
      %dma_start3A_226 = arith.constant 0 : i32
      %dma_start3A_227 = tpu.memref_slice %arg11[%add3A_93, %dma_start3A_226] : memref<10000x128xf32, #tpu.memory_space<vmem_shared>> -> memref<25x128xf32, #tpu.memory_space<vmem_shared>>
      %dma_start3A_228 = arith.constant 0 : i32
      %dma_start3A_229 = tpu.memref_slice %arg11[%add3A_93, %dma_start3A_228] : memref<10000x128xf32, #tpu.memory_space<vmem_shared>> -> memref<25x128xf32, #tpu.memory_space<vmem_shared>>
      tpu.enqueue_dma source(%arg10 : memref<25x128xf32, #tpu.memory_space<vmem>>) target(%dma_start3A_229 : memref<25x128xf32, #tpu.memory_space<vmem_shared>>) target_semaphore(%run_scoped3A_225 : memref<!tpu.dma_semaphore, #tpu.memory_space<semaphore_mem>>)
      %dma_wait3A_230 = arith.constant 0 : i32
      %dma_wait3A_231 = tpu.memref_slice %arg11[%add3A_93, %dma_wait3A_230] : memref<10000x128xf32, #tpu.memory_space<vmem_shared>> -> memref<25x128xf32, #tpu.memory_space<vmem_shared>>
      %dma_wait3A_232 = arith.constant 0 : i32
      %dma_wait3A_233 = tpu.memref_slice %arg11[%add3A_93, %dma_wait3A_232] : memref<10000x128xf32, #tpu.memory_space<vmem_shared>> -> memref<25x128xf32, #tpu.memory_space<vmem_shared>>
      tpu.wait_dma2 semaphore(%run_scoped3A_225 : memref<!tpu.dma_semaphore, #tpu.memory_space<semaphore_mem>>) src(%arg10 : memref<25x128xf32, #tpu.memory_space<vmem>>) dst(%dma_wait3A_233 : memref<25x128xf32, #tpu.memory_space<vmem_shared>>)
      tpu.yield
    }) : () -> ()
    %mul3A_94 = arith.constant 625 : i32
    %mul3A_95 = arith.muli %arg1, %mul3A_94 : i32
    %add3A_96 = arith.constant 550 : i32
    %add3A_97 = arith.addi %mul3A_95, %add3A_96 : i32
    "tpu.region"() ({
      %run_scoped3A_225 = tpu.sem_alloc : memref<!tpu.dma_semaphore, #tpu.memory_space<semaphore_mem>>
      %dma_start3A_226 = arith.constant 0 : i32
      %dma_start3A_227 = tpu.memref_slice %arg11[%add3A_97, %dma_start3A_226] : memref<10000x128xf32, #tpu.memory_space<vmem_shared>> -> memref<25x128xf32, #tpu.memory_space<vmem_shared>>
      %dma_start3A_228 = arith.constant 0 : i32
      %dma_start3A_229 = tpu.memref_slice %arg11[%add3A_97, %dma_start3A_228] : memref<10000x128xf32, #tpu.memory_space<vmem_shared>> -> memref<25x128xf32, #tpu.memory_space<vmem_shared>>
      tpu.enqueue_dma source(%arg10 : memref<25x128xf32, #tpu.memory_space<vmem>>) target(%dma_start3A_229 : memref<25x128xf32, #tpu.memory_space<vmem_shared>>) target_semaphore(%run_scoped3A_225 : memref<!tpu.dma_semaphore, #tpu.memory_space<semaphore_mem>>)
      %dma_wait3A_230 = arith.constant 0 : i32
      %dma_wait3A_231 = tpu.memref_slice %arg11[%add3A_97, %dma_wait3A_230] : memref<10000x128xf32, #tpu.memory_space<vmem_shared>> -> memref<25x128xf32, #tpu.memory_space<vmem_shared>>
      %dma_wait3A_232 = arith.constant 0 : i32
      %dma_wait3A_233 = tpu.memref_slice %arg11[%add3A_97, %dma_wait3A_232] : memref<10000x128xf32, #tpu.memory_space<vmem_shared>> -> memref<25x128xf32, #tpu.memory_space<vmem_shared>>
      tpu.wait_dma2 semaphore(%run_scoped3A_225 : memref<!tpu.dma_semaphore, #tpu.memory_space<semaphore_mem>>) src(%arg10 : memref<25x128xf32, #tpu.memory_space<vmem>>) dst(%dma_wait3A_233 : memref<25x128xf32, #tpu.memory_space<vmem_shared>>)
      tpu.yield
    }) : () -> ()
    %mul3A_98 = arith.constant 625 : i32
    %mul3A_99 = arith.muli %arg1, %mul3A_98 : i32
    %add3A_100 = arith.constant 575 : i32
    %add3A_101 = arith.addi %mul3A_99, %add3A_100 : i32
    "tpu.region"() ({
      %run_scoped3A_225 = tpu.sem_alloc : memref<!tpu.dma_semaphore, #tpu.memory_space<semaphore_mem>>
      %dma_start3A_226 = arith.constant 0 : i32
      %dma_start3A_227 = tpu.memref_slice %arg11[%add3A_101, %dma_start3A_226] : memref<10000x128xf32, #tpu.memory_space<vmem_shared>> -> memref<25x128xf32, #tpu.memory_space<vmem_shared>>
      %dma_start3A_228 = arith.constant 0 : i32
      %dma_start3A_229 = tpu.memref_slice %arg11[%add3A_101, %dma_start3A_228] : memref<10000x128xf32, #tpu.memory_space<vmem_shared>> -> memref<25x128xf32, #tpu.memory_space<vmem_shared>>
      tpu.enqueue_dma source(%arg10 : memref<25x128xf32, #tpu.memory_space<vmem>>) target(%dma_start3A_229 : memref<25x128xf32, #tpu.memory_space<vmem_shared>>) target_semaphore(%run_scoped3A_225 : memref<!tpu.dma_semaphore, #tpu.memory_space<semaphore_mem>>)
      %dma_wait3A_230 = arith.constant 0 : i32
      %dma_wait3A_231 = tpu.memref_slice %arg11[%add3A_101, %dma_wait3A_230] : memref<10000x128xf32, #tpu.memory_space<vmem_shared>> -> memref<25x128xf32, #tpu.memory_space<vmem_shared>>
      %dma_wait3A_232 = arith.constant 0 : i32
      %dma_wait3A_233 = tpu.memref_slice %arg11[%add3A_101, %dma_wait3A_232] : memref<10000x128xf32, #tpu.memory_space<vmem_shared>> -> memref<25x128xf32, #tpu.memory_space<vmem_shared>>
      tpu.wait_dma2 semaphore(%run_scoped3A_225 : memref<!tpu.dma_semaphore, #tpu.memory_space<semaphore_mem>>) src(%arg10 : memref<25x128xf32, #tpu.memory_space<vmem>>) dst(%dma_wait3A_233 : memref<25x128xf32, #tpu.memory_space<vmem_shared>>)
      tpu.yield
    }) : () -> ()
    %mul3A_102 = arith.constant 625 : i32
    %mul3A_103 = arith.muli %arg1, %mul3A_102 : i32
    %add3A_104 = arith.constant 600 : i32
    %add3A_105 = arith.addi %mul3A_103, %add3A_104 : i32
    "tpu.region"() ({
      %run_scoped3A_225 = tpu.sem_alloc : memref<!tpu.dma_semaphore, #tpu.memory_space<semaphore_mem>>
      %dma_start3A_226 = arith.constant 0 : i32
      %dma_start3A_227 = tpu.memref_slice %arg11[%add3A_105, %dma_start3A_226] : memref<10000x128xf32, #tpu.memory_space<vmem_shared>> -> memref<25x128xf32, #tpu.memory_space<vmem_shared>>
      %dma_start3A_228 = arith.constant 0 : i32
      %dma_start3A_229 = tpu.memref_slice %arg11[%add3A_105, %dma_start3A_228] : memref<10000x128xf32, #tpu.memory_space<vmem_shared>> -> memref<25x128xf32, #tpu.memory_space<vmem_shared>>
      tpu.enqueue_dma source(%arg10 : memref<25x128xf32, #tpu.memory_space<vmem>>) target(%dma_start3A_229 : memref<25x128xf32, #tpu.memory_space<vmem_shared>>) target_semaphore(%run_scoped3A_225 : memref<!tpu.dma_semaphore, #tpu.memory_space<semaphore_mem>>)
      %dma_wait3A_230 = arith.constant 0 : i32
      %dma_wait3A_231 = tpu.memref_slice %arg11[%add3A_105, %dma_wait3A_230] : memref<10000x128xf32, #tpu.memory_space<vmem_shared>> -> memref<25x128xf32, #tpu.memory_space<vmem_shared>>
      %dma_wait3A_232 = arith.constant 0 : i32
      %dma_wait3A_233 = tpu.memref_slice %arg11[%add3A_105, %dma_wait3A_232] : memref<10000x128xf32, #tpu.memory_space<vmem_shared>> -> memref<25x128xf32, #tpu.memory_space<vmem_shared>>
      tpu.wait_dma2 semaphore(%run_scoped3A_225 : memref<!tpu.dma_semaphore, #tpu.memory_space<semaphore_mem>>) src(%arg10 : memref<25x128xf32, #tpu.memory_space<vmem>>) dst(%dma_wait3A_233 : memref<25x128xf32, #tpu.memory_space<vmem_shared>>)
      tpu.yield
    }) : () -> ()
    "tpu.region"() ({
      %run_scoped3A_225 = tpu.sem_alloc : memref<!tpu.dma_semaphore, #tpu.memory_space<semaphore_mem>>
      %dma_start3A_226 = arith.constant 0 : i32
      %dma_start3A_227 = arith.constant 0 : i32
      %dma_start3A_228 = tpu.memref_slice %arg3[%add3A, %dma_start3A_226, %dma_start3A_227] : memref<32x125x80xi32, #tpu.memory_space<hbm>> -> memref<1x125x80xi32, #tpu.memory_space<hbm>>
      %dma_start3A_229 = tpu.memref_squeeze %dma_start3A_228 : memref<1x125x80xi32, #tpu.memory_space<hbm>> -> memref<125x80xi32, #tpu.memory_space<hbm>>
      %dma_start3A_230 = arith.constant 0 : i32
      %dma_start3A_231 = arith.constant 0 : i32
      %dma_start3A_232 = tpu.memref_slice %arg3[%add3A, %dma_start3A_230, %dma_start3A_231] : memref<32x125x80xi32, #tpu.memory_space<hbm>> -> memref<1x125x80xi32, #tpu.memory_space<hbm>>
      %dma_start3A_233 = tpu.memref_squeeze %dma_start3A_232 : memref<1x125x80xi32, #tpu.memory_space<hbm>> -> memref<125x80xi32, #tpu.memory_space<hbm>>
      tpu.enqueue_dma source(%dma_start3A_233 : memref<125x80xi32, #tpu.memory_space<hbm>>) target(%arg6 : memref<125x80xi32, #tpu.memory_space<vmem>>) target_semaphore(%run_scoped3A_225 : memref<!tpu.dma_semaphore, #tpu.memory_space<semaphore_mem>>)
      %dma_wait3A_234 = arith.constant 0 : i32
      %dma_wait3A_235 = arith.constant 0 : i32
      %dma_wait3A_236 = tpu.memref_slice %arg3[%add3A, %dma_wait3A_234, %dma_wait3A_235] : memref<32x125x80xi32, #tpu.memory_space<hbm>> -> memref<1x125x80xi32, #tpu.memory_space<hbm>>
      %dma_wait3A_237 = tpu.memref_squeeze %dma_wait3A_236 : memref<1x125x80xi32, #tpu.memory_space<hbm>> -> memref<125x80xi32, #tpu.memory_space<hbm>>
      %dma_wait3A_238 = arith.constant 0 : i32
      %dma_wait3A_239 = arith.constant 0 : i32
      %dma_wait3A_240 = tpu.memref_slice %arg3[%add3A, %dma_wait3A_238, %dma_wait3A_239] : memref<32x125x80xi32, #tpu.memory_space<hbm>> -> memref<1x125x80xi32, #tpu.memory_space<hbm>>
      %dma_wait3A_241 = tpu.memref_squeeze %dma_wait3A_240 : memref<1x125x80xi32, #tpu.memory_space<hbm>> -> memref<125x80xi32, #tpu.memory_space<hbm>>
      tpu.wait_dma2 semaphore(%run_scoped3A_225 : memref<!tpu.dma_semaphore, #tpu.memory_space<semaphore_mem>>) src(%dma_wait3A_241 : memref<125x80xi32, #tpu.memory_space<hbm>>) dst(%arg6 : memref<125x80xi32, #tpu.memory_space<vmem>>)
      tpu.yield
    }) : () -> ()
    "tpu.region"() ({
      %run_scoped3A_225 = tpu.sem_alloc : memref<!tpu.dma_semaphore, #tpu.memory_space<semaphore_mem>>
      %dma_start3A_226 = arith.constant 0 : i32
      %dma_start3A_227 = arith.constant 0 : i32
      %dma_start3A_228 = tpu.memref_slice %arg4[%add3A, %dma_start3A_226, %dma_start3A_227] : memref<32x125x80xi32, #tpu.memory_space<hbm>> -> memref<1x125x80xi32, #tpu.memory_space<hbm>>
      %dma_start3A_229 = tpu.memref_squeeze %dma_start3A_228 : memref<1x125x80xi32, #tpu.memory_space<hbm>> -> memref<125x80xi32, #tpu.memory_space<hbm>>
      %dma_start3A_230 = arith.constant 0 : i32
      %dma_start3A_231 = arith.constant 0 : i32
      %dma_start3A_232 = tpu.memref_slice %arg4[%add3A, %dma_start3A_230, %dma_start3A_231] : memref<32x125x80xi32, #tpu.memory_space<hbm>> -> memref<1x125x80xi32, #tpu.memory_space<hbm>>
      %dma_start3A_233 = tpu.memref_squeeze %dma_start3A_232 : memref<1x125x80xi32, #tpu.memory_space<hbm>> -> memref<125x80xi32, #tpu.memory_space<hbm>>
      tpu.enqueue_dma source(%dma_start3A_233 : memref<125x80xi32, #tpu.memory_space<hbm>>) target(%arg7 : memref<125x80xi32, #tpu.memory_space<vmem>>) target_semaphore(%run_scoped3A_225 : memref<!tpu.dma_semaphore, #tpu.memory_space<semaphore_mem>>)
      %dma_wait3A_234 = arith.constant 0 : i32
      %dma_wait3A_235 = arith.constant 0 : i32
      %dma_wait3A_236 = tpu.memref_slice %arg4[%add3A, %dma_wait3A_234, %dma_wait3A_235] : memref<32x125x80xi32, #tpu.memory_space<hbm>> -> memref<1x125x80xi32, #tpu.memory_space<hbm>>
      %dma_wait3A_237 = tpu.memref_squeeze %dma_wait3A_236 : memref<1x125x80xi32, #tpu.memory_space<hbm>> -> memref<125x80xi32, #tpu.memory_space<hbm>>
      %dma_wait3A_238 = arith.constant 0 : i32
      %dma_wait3A_239 = arith.constant 0 : i32
      %dma_wait3A_240 = tpu.memref_slice %arg4[%add3A, %dma_wait3A_238, %dma_wait3A_239] : memref<32x125x80xi32, #tpu.memory_space<hbm>> -> memref<1x125x80xi32, #tpu.memory_space<hbm>>
      %dma_wait3A_241 = tpu.memref_squeeze %dma_wait3A_240 : memref<1x125x80xi32, #tpu.memory_space<hbm>> -> memref<125x80xi32, #tpu.memory_space<hbm>>
      tpu.wait_dma2 semaphore(%run_scoped3A_225 : memref<!tpu.dma_semaphore, #tpu.memory_space<semaphore_mem>>) src(%dma_wait3A_241 : memref<125x80xi32, #tpu.memory_space<hbm>>) dst(%arg7 : memref<125x80xi32, #tpu.memory_space<vmem>>)
      tpu.yield
    }) : () -> ()
    %barrier3A = arith.constant 0 : index
    tpu.barrier barrier_id(%barrier3A)
    %dma_start3A = arith.constant 0 : i32
    %dma_start3A_106 = arith.constant 0 : i32
    %dma_start3A_107 = tpu.memref_slice %arg6[%dma_start3A, %dma_start3A_106] : memref<125x80xi32, #tpu.memory_space<vmem>> -> memref<1x80xi32, #tpu.memory_space<vmem>>
    %dma_start3A_108 = tpu.memref_squeeze %dma_start3A_107 : memref<1x80xi32, #tpu.memory_space<vmem>> -> memref<80xi32, #tpu.memory_space<vmem>>
    %dma_start3A_109 = arith.constant 0 : i32
    %dma_start3A_110 = arith.constant 0 : i32
    %dma_start3A_111 = tpu.memref_slice %arg2[%dma_start3A_109, %dma_start3A_110] : memref<10000x128xf32, #tpu.memory_space<hbm>> -> memref<10000x128xf32, #tpu.memory_space<hbm>>
    tpu.enqueue_indirect_dma source(%dma_start3A_111 : memref<10000x128xf32, #tpu.memory_space<hbm>>) target(%arg8 : memref<80x128xf32, #tpu.memory_space<vmem>>) offsets(%dma_start3A_108 : memref<80xi32, #tpu.memory_space<vmem>>) semaphore(%arg12 : memref<!tpu.dma_semaphore, #tpu.memory_space<semaphore_mem>>)
    %scan3A_112 = arith.constant 0 : i32
    %scan3A_113 = arith.constant 0 : i32
    %scan3A_114 = arith.constant 62 : i32
    %scan3A_115 = arith.addi %scan3A_113, %scan3A_114 : i32
    %scan3A_116 = arith.constant 1 : i32
    scf.for %scan3A_225 = %scan3A_113 to %scan3A_115 step %scan3A_116  : i32 {
      %mul3A_226 = arith.constant 2 : i32
      %mul3A_227 = arith.muli %mul3A_226, %scan3A_225 : i32
      %dma_wait3A_228 = arith.constant 0 : i32
      %dma_wait3A_229 = tpu.memref_slice %arg6[%mul3A_227, %dma_wait3A_228] : memref<125x80xi32, #tpu.memory_space<vmem>> -> memref<1x80xi32, #tpu.memory_space<vmem>>
      %dma_wait3A_230 = tpu.memref_squeeze %dma_wait3A_229 : memref<1x80xi32, #tpu.memory_space<vmem>> -> memref<80xi32, #tpu.memory_space<vmem>>
      %dma_wait3A_231 = arith.constant 0 : i32
      %dma_wait3A_232 = arith.constant 0 : i32
      %dma_wait3A_233 = tpu.memref_slice %arg2[%dma_wait3A_231, %dma_wait3A_232] : memref<10000x128xf32, #tpu.memory_space<hbm>> -> memref<10000x128xf32, #tpu.memory_space<hbm>>
      tpu.wait_indirect_dma semaphore(%arg12 : memref<!tpu.dma_semaphore, #tpu.memory_space<semaphore_mem>>) src(%dma_wait3A_233 : memref<10000x128xf32, #tpu.memory_space<hbm>>) dst(%arg8 : memref<80x128xf32, #tpu.memory_space<vmem>>)
      %add3A_234 = arith.constant 1 : i32
      %add3A_235 = arith.addi %mul3A_227, %add3A_234 : i32
      %dma_start3A_236 = arith.constant 0 : i32
      %dma_start3A_237 = tpu.memref_slice %arg6[%add3A_235, %dma_start3A_236] : memref<125x80xi32, #tpu.memory_space<vmem>> -> memref<1x80xi32, #tpu.memory_space<vmem>>
      %dma_start3A_238 = tpu.memref_squeeze %dma_start3A_237 : memref<1x80xi32, #tpu.memory_space<vmem>> -> memref<80xi32, #tpu.memory_space<vmem>>
      %dma_start3A_239 = arith.constant 0 : i32
      %dma_start3A_240 = arith.constant 0 : i32
      %dma_start3A_241 = tpu.memref_slice %arg2[%dma_start3A_239, %dma_start3A_240] : memref<10000x128xf32, #tpu.memory_space<hbm>> -> memref<10000x128xf32, #tpu.memory_space<hbm>>
      tpu.enqueue_indirect_dma source(%dma_start3A_241 : memref<10000x128xf32, #tpu.memory_space<hbm>>) target(%arg9 : memref<80x128xf32, #tpu.memory_space<vmem>>) offsets(%dma_start3A_238 : memref<80xi32, #tpu.memory_space<vmem>>) semaphore(%arg13 : memref<!tpu.dma_semaphore, #tpu.memory_space<semaphore_mem>>)
      "tpu.region"() ({
        %run_scoped3A_260 = tpu.sem_alloc : memref<!tpu.dma_semaphore, #tpu.memory_space<semaphore_mem>>
        %dma_start3A_261 = arith.constant 0 : i32
        %dma_start3A_262 = tpu.memref_slice %arg7[%mul3A_227, %dma_start3A_261] : memref<125x80xi32, #tpu.memory_space<vmem>> -> memref<1x80xi32, #tpu.memory_space<vmem>>
        %dma_start3A_263 = tpu.memref_squeeze %dma_start3A_262 : memref<1x80xi32, #tpu.memory_space<vmem>> -> memref<80xi32, #tpu.memory_space<vmem>>
        %dma_start3A_264 = arith.constant 0 : i32
        %dma_start3A_265 = arith.constant 0 : i32
        %dma_start3A_266 = tpu.memref_slice %arg11[%dma_start3A_264, %dma_start3A_265] : memref<10000x128xf32, #tpu.memory_space<vmem_shared>> -> memref<10000x128xf32, #tpu.memory_space<vmem_shared>>
        tpu.enqueue_indirect_dma source(%arg8 : memref<80x128xf32, #tpu.memory_space<vmem>>) target(%dma_start3A_266 : memref<10000x128xf32, #tpu.memory_space<vmem_shared>>) offsets(%dma_start3A_263 : memref<80xi32, #tpu.memory_space<vmem>>) semaphore(%run_scoped3A_260 : memref<!tpu.dma_semaphore, #tpu.memory_space<semaphore_mem>>) {add = true}
        %dma_wait3A_267 = arith.constant 0 : i32
        %dma_wait3A_268 = tpu.memref_slice %arg7[%mul3A_227, %dma_wait3A_267] : memref<125x80xi32, #tpu.memory_space<vmem>> -> memref<1x80xi32, #tpu.memory_space<vmem>>
        %dma_wait3A_269 = tpu.memref_squeeze %dma_wait3A_268 : memref<1x80xi32, #tpu.memory_space<vmem>> -> memref<80xi32, #tpu.memory_space<vmem>>
        %dma_wait3A_270 = arith.constant 0 : i32
        %dma_wait3A_271 = arith.constant 0 : i32
        %dma_wait3A_272 = tpu.memref_slice %arg11[%dma_wait3A_270, %dma_wait3A_271] : memref<10000x128xf32, #tpu.memory_space<vmem_shared>> -> memref<10000x128xf32, #tpu.memory_space<vmem_shared>>
        tpu.wait_indirect_dma semaphore(%run_scoped3A_260 : memref<!tpu.dma_semaphore, #tpu.memory_space<semaphore_mem>>) src(%arg8 : memref<80x128xf32, #tpu.memory_space<vmem>>) dst(%dma_wait3A_272 : memref<10000x128xf32, #tpu.memory_space<vmem_shared>>)
        tpu.yield
      }) : () -> ()
      %add3A_242 = arith.constant 1 : i32
      %add3A_243 = arith.addi %mul3A_227, %add3A_242 : i32
      %dma_wait3A_244 = arith.constant 0 : i32
      %dma_wait3A_245 = tpu.memref_slice %arg6[%add3A_243, %dma_wait3A_244] : memref<125x80xi32, #tpu.memory_space<vmem>> -> memref<1x80xi32, #tpu.memory_space<vmem>>
      %dma_wait3A_246 = tpu.memref_squeeze %dma_wait3A_245 : memref<1x80xi32, #tpu.memory_space<vmem>> -> memref<80xi32, #tpu.memory_space<vmem>>
      %dma_wait3A_247 = arith.constant 0 : i32
      %dma_wait3A_248 = arith.constant 0 : i32
      %dma_wait3A_249 = tpu.memref_slice %arg2[%dma_wait3A_247, %dma_wait3A_248] : memref<10000x128xf32, #tpu.memory_space<hbm>> -> memref<10000x128xf32, #tpu.memory_space<hbm>>
      tpu.wait_indirect_dma semaphore(%arg13 : memref<!tpu.dma_semaphore, #tpu.memory_space<semaphore_mem>>) src(%dma_wait3A_249 : memref<10000x128xf32, #tpu.memory_space<hbm>>) dst(%arg9 : memref<80x128xf32, #tpu.memory_space<vmem>>)
      %add3A_250 = arith.constant 2 : i32
      %add3A_251 = arith.addi %mul3A_227, %add3A_250 : i32
      %dma_start3A_252 = arith.constant 0 : i32
      %dma_start3A_253 = tpu.memref_slice %arg6[%add3A_251, %dma_start3A_252] : memref<125x80xi32, #tpu.memory_space<vmem>> -> memref<1x80xi32, #tpu.memory_space<vmem>>
      %dma_start3A_254 = tpu.memref_squeeze %dma_start3A_253 : memref<1x80xi32, #tpu.memory_space<vmem>> -> memref<80xi32, #tpu.memory_space<vmem>>
      %dma_start3A_255 = arith.constant 0 : i32
      %dma_start3A_256 = arith.constant 0 : i32
      %dma_start3A_257 = tpu.memref_slice %arg2[%dma_start3A_255, %dma_start3A_256] : memref<10000x128xf32, #tpu.memory_space<hbm>> -> memref<10000x128xf32, #tpu.memory_space<hbm>>
      tpu.enqueue_indirect_dma source(%dma_start3A_257 : memref<10000x128xf32, #tpu.memory_space<hbm>>) target(%arg8 : memref<80x128xf32, #tpu.memory_space<vmem>>) offsets(%dma_start3A_254 : memref<80xi32, #tpu.memory_space<vmem>>) semaphore(%arg12 : memref<!tpu.dma_semaphore, #tpu.memory_space<semaphore_mem>>)
      %add3A_258 = arith.constant 1 : i32
      %add3A_259 = arith.addi %mul3A_227, %add3A_258 : i32
      "tpu.region"() ({
        %run_scoped3A_260 = tpu.sem_alloc : memref<!tpu.dma_semaphore, #tpu.memory_space<semaphore_mem>>
        %dma_start3A_261 = arith.constant 0 : i32
        %dma_start3A_262 = tpu.memref_slice %arg7[%add3A_259, %dma_start3A_261] : memref<125x80xi32, #tpu.memory_space<vmem>> -> memref<1x80xi32, #tpu.memory_space<vmem>>
        %dma_start3A_263 = tpu.memref_squeeze %dma_start3A_262 : memref<1x80xi32, #tpu.memory_space<vmem>> -> memref<80xi32, #tpu.memory_space<vmem>>
        %dma_start3A_264 = arith.constant 0 : i32
        %dma_start3A_265 = arith.constant 0 : i32
        %dma_start3A_266 = tpu.memref_slice %arg11[%dma_start3A_264, %dma_start3A_265] : memref<10000x128xf32, #tpu.memory_space<vmem_shared>> -> memref<10000x128xf32, #tpu.memory_space<vmem_shared>>
        tpu.enqueue_indirect_dma source(%arg9 : memref<80x128xf32, #tpu.memory_space<vmem>>) target(%dma_start3A_266 : memref<10000x128xf32, #tpu.memory_space<vmem_shared>>) offsets(%dma_start3A_263 : memref<80xi32, #tpu.memory_space<vmem>>) semaphore(%run_scoped3A_260 : memref<!tpu.dma_semaphore, #tpu.memory_space<semaphore_mem>>) {add = true}
        %dma_wait3A_267 = arith.constant 0 : i32
        %dma_wait3A_268 = tpu.memref_slice %arg7[%add3A_259, %dma_wait3A_267] : memref<125x80xi32, #tpu.memory_space<vmem>> -> memref<1x80xi32, #tpu.memory_space<vmem>>
        %dma_wait3A_269 = tpu.memref_squeeze %dma_wait3A_268 : memref<1x80xi32, #tpu.memory_space<vmem>> -> memref<80xi32, #tpu.memory_space<vmem>>
        %dma_wait3A_270 = arith.constant 0 : i32
        %dma_wait3A_271 = arith.constant 0 : i32
        %dma_wait3A_272 = tpu.memref_slice %arg11[%dma_wait3A_270, %dma_wait3A_271] : memref<10000x128xf32, #tpu.memory_space<vmem_shared>> -> memref<10000x128xf32, #tpu.memory_space<vmem_shared>>
        tpu.wait_indirect_dma semaphore(%run_scoped3A_260 : memref<!tpu.dma_semaphore, #tpu.memory_space<semaphore_mem>>) src(%arg9 : memref<80x128xf32, #tpu.memory_space<vmem>>) dst(%dma_wait3A_272 : memref<10000x128xf32, #tpu.memory_space<vmem_shared>>)
        tpu.yield
      }) : () -> ()
    }
    %scan3A_117 = arith.constant 62 : i32
    %dma_wait3A = arith.constant 124 : i32
    %dma_wait3A_118 = arith.constant 0 : i32
    %dma_wait3A_119 = tpu.memref_slice %arg6[%dma_wait3A, %dma_wait3A_118] : memref<125x80xi32, #tpu.memory_space<vmem>> -> memref<1x80xi32, #tpu.memory_space<vmem>>
    %dma_wait3A_120 = tpu.memref_squeeze %dma_wait3A_119 : memref<1x80xi32, #tpu.memory_space<vmem>> -> memref<80xi32, #tpu.memory_space<vmem>>
    %dma_wait3A_121 = arith.constant 0 : i32
    %dma_wait3A_122 = arith.constant 0 : i32
    %dma_wait3A_123 = tpu.memref_slice %arg2[%dma_wait3A_121, %dma_wait3A_122] : memref<10000x128xf32, #tpu.memory_space<hbm>> -> memref<10000x128xf32, #tpu.memory_space<hbm>>
    tpu.wait_indirect_dma semaphore(%arg12 : memref<!tpu.dma_semaphore, #tpu.memory_space<semaphore_mem>>) src(%dma_wait3A_123 : memref<10000x128xf32, #tpu.memory_space<hbm>>) dst(%arg8 : memref<80x128xf32, #tpu.memory_space<vmem>>)
    %run_scoped3A = arith.constant 124 : i32
    "tpu.region"() ({
      %run_scoped3A_225 = tpu.sem_alloc : memref<!tpu.dma_semaphore, #tpu.memory_space<semaphore_mem>>
      %dma_start3A_226 = arith.constant 0 : i32
      %dma_start3A_227 = tpu.memref_slice %arg7[%run_scoped3A, %dma_start3A_226] : memref<125x80xi32, #tpu.memory_space<vmem>> -> memref<1x80xi32, #tpu.memory_space<vmem>>
      %dma_start3A_228 = tpu.memref_squeeze %dma_start3A_227 : memref<1x80xi32, #tpu.memory_space<vmem>> -> memref<80xi32, #tpu.memory_space<vmem>>
      %dma_start3A_229 = arith.constant 0 : i32
      %dma_start3A_230 = arith.constant 0 : i32
      %dma_start3A_231 = tpu.memref_slice %arg11[%dma_start3A_229, %dma_start3A_230] : memref<10000x128xf32, #tpu.memory_space<vmem_shared>> -> memref<10000x128xf32, #tpu.memory_space<vmem_shared>>
      tpu.enqueue_indirect_dma source(%arg8 : memref<80x128xf32, #tpu.memory_space<vmem>>) target(%dma_start3A_231 : memref<10000x128xf32, #tpu.memory_space<vmem_shared>>) offsets(%dma_start3A_228 : memref<80xi32, #tpu.memory_space<vmem>>) semaphore(%run_scoped3A_225 : memref<!tpu.dma_semaphore, #tpu.memory_space<semaphore_mem>>) {add = true}
      %dma_wait3A_232 = arith.constant 0 : i32
      %dma_wait3A_233 = tpu.memref_slice %arg7[%run_scoped3A, %dma_wait3A_232] : memref<125x80xi32, #tpu.memory_space<vmem>> -> memref<1x80xi32, #tpu.memory_space<vmem>>
      %dma_wait3A_234 = tpu.memref_squeeze %dma_wait3A_233 : memref<1x80xi32, #tpu.memory_space<vmem>> -> memref<80xi32, #tpu.memory_space<vmem>>
      %dma_wait3A_235 = arith.constant 0 : i32
      %dma_wait3A_236 = arith.constant 0 : i32
      %dma_wait3A_237 = tpu.memref_slice %arg11[%dma_wait3A_235, %dma_wait3A_236] : memref<10000x128xf32, #tpu.memory_space<vmem_shared>> -> memref<10000x128xf32, #tpu.memory_space<vmem_shared>>
      tpu.wait_indirect_dma semaphore(%run_scoped3A_225 : memref<!tpu.dma_semaphore, #tpu.memory_space<semaphore_mem>>) src(%arg8 : memref<80x128xf32, #tpu.memory_space<vmem>>) dst(%dma_wait3A_237 : memref<10000x128xf32, #tpu.memory_space<vmem_shared>>)
      tpu.yield
    }) : () -> ()
    %barrier3A_124 = arith.constant 0 : index
    tpu.barrier barrier_id(%barrier3A_124)
    %mul3A_125 = arith.constant 625 : i32
    %mul3A_126 = arith.muli %arg1, %mul3A_125 : i32
    %add3A_127 = arith.constant 0 : i32
    %add3A_128 = arith.addi %mul3A_126, %add3A_127 : i32
    "tpu.region"() ({
      %run_scoped3A_225 = tpu.sem_alloc : memref<!tpu.dma_semaphore, #tpu.memory_space<semaphore_mem>>
      %dma_start3A_226 = arith.constant 0 : i32
      %dma_start3A_227 = tpu.memref_slice %arg11[%add3A_128, %dma_start3A_226] : memref<10000x128xf32, #tpu.memory_space<vmem_shared>> -> memref<25x128xf32, #tpu.memory_space<vmem_shared>>
      %dma_start3A_228 = arith.constant 0 : i32
      %dma_start3A_229 = tpu.memref_slice %arg11[%add3A_128, %dma_start3A_228] : memref<10000x128xf32, #tpu.memory_space<vmem_shared>> -> memref<25x128xf32, #tpu.memory_space<vmem_shared>>
      tpu.enqueue_dma source(%dma_start3A_229 : memref<25x128xf32, #tpu.memory_space<vmem_shared>>) target(%arg10 : memref<25x128xf32, #tpu.memory_space<vmem>>) target_semaphore(%run_scoped3A_225 : memref<!tpu.dma_semaphore, #tpu.memory_space<semaphore_mem>>)
      %dma_wait3A_230 = arith.constant 0 : i32
      %dma_wait3A_231 = tpu.memref_slice %arg11[%add3A_128, %dma_wait3A_230] : memref<10000x128xf32, #tpu.memory_space<vmem_shared>> -> memref<25x128xf32, #tpu.memory_space<vmem_shared>>
      %dma_wait3A_232 = arith.constant 0 : i32
      %dma_wait3A_233 = tpu.memref_slice %arg11[%add3A_128, %dma_wait3A_232] : memref<10000x128xf32, #tpu.memory_space<vmem_shared>> -> memref<25x128xf32, #tpu.memory_space<vmem_shared>>
      tpu.wait_dma2 semaphore(%run_scoped3A_225 : memref<!tpu.dma_semaphore, #tpu.memory_space<semaphore_mem>>) src(%dma_wait3A_233 : memref<25x128xf32, #tpu.memory_space<vmem_shared>>) dst(%arg10 : memref<25x128xf32, #tpu.memory_space<vmem>>)
      tpu.yield
    }) : () -> ()
    "tpu.region"() ({
      %run_scoped3A_225 = tpu.sem_alloc : memref<!tpu.dma_semaphore, #tpu.memory_space<semaphore_mem>>
      %dma_start3A_226 = arith.constant 0 : i32
      %dma_start3A_227 = tpu.memref_slice %arg5[%arg0, %add3A_128, %dma_start3A_226] : memref<2x10000x128xf32, #tpu.memory_space<hbm>> -> memref<1x25x128xf32, #tpu.memory_space<hbm>>
      %dma_start3A_228 = tpu.memref_squeeze %dma_start3A_227 : memref<1x25x128xf32, #tpu.memory_space<hbm>> -> memref<25x128xf32, #tpu.memory_space<hbm>>
      %dma_start3A_229 = arith.constant 0 : i32
      %dma_start3A_230 = tpu.memref_slice %arg5[%arg0, %add3A_128, %dma_start3A_229] : memref<2x10000x128xf32, #tpu.memory_space<hbm>> -> memref<1x25x128xf32, #tpu.memory_space<hbm>>
      %dma_start3A_231 = tpu.memref_squeeze %dma_start3A_230 : memref<1x25x128xf32, #tpu.memory_space<hbm>> -> memref<25x128xf32, #tpu.memory_space<hbm>>
      tpu.enqueue_dma source(%arg10 : memref<25x128xf32, #tpu.memory_space<vmem>>) target(%dma_start3A_231 : memref<25x128xf32, #tpu.memory_space<hbm>>) target_semaphore(%run_scoped3A_225 : memref<!tpu.dma_semaphore, #tpu.memory_space<semaphore_mem>>)
      %dma_wait3A_232 = arith.constant 0 : i32
      %dma_wait3A_233 = tpu.memref_slice %arg5[%arg0, %add3A_128, %dma_wait3A_232] : memref<2x10000x128xf32, #tpu.memory_space<hbm>> -> memref<1x25x128xf32, #tpu.memory_space<hbm>>
      %dma_wait3A_234 = tpu.memref_squeeze %dma_wait3A_233 : memref<1x25x128xf32, #tpu.memory_space<hbm>> -> memref<25x128xf32, #tpu.memory_space<hbm>>
      %dma_wait3A_235 = arith.constant 0 : i32
      %dma_wait3A_236 = tpu.memref_slice %arg5[%arg0, %add3A_128, %dma_wait3A_235] : memref<2x10000x128xf32, #tpu.memory_space<hbm>> -> memref<1x25x128xf32, #tpu.memory_space<hbm>>
      %dma_wait3A_237 = tpu.memref_squeeze %dma_wait3A_236 : memref<1x25x128xf32, #tpu.memory_space<hbm>> -> memref<25x128xf32, #tpu.memory_space<hbm>>
      tpu.wait_dma2 semaphore(%run_scoped3A_225 : memref<!tpu.dma_semaphore, #tpu.memory_space<semaphore_mem>>) src(%arg10 : memref<25x128xf32, #tpu.memory_space<vmem>>) dst(%dma_wait3A_237 : memref<25x128xf32, #tpu.memory_space<hbm>>)
      tpu.yield
    }) : () -> ()
    %mul3A_129 = arith.constant 625 : i32
    %mul3A_130 = arith.muli %arg1, %mul3A_129 : i32
    %add3A_131 = arith.constant 25 : i32
    %add3A_132 = arith.addi %mul3A_130, %add3A_131 : i32
    "tpu.region"() ({
      %run_scoped3A_225 = tpu.sem_alloc : memref<!tpu.dma_semaphore, #tpu.memory_space<semaphore_mem>>
      %dma_start3A_226 = arith.constant 0 : i32
      %dma_start3A_227 = tpu.memref_slice %arg11[%add3A_132, %dma_start3A_226] : memref<10000x128xf32, #tpu.memory_space<vmem_shared>> -> memref<25x128xf32, #tpu.memory_space<vmem_shared>>
      %dma_start3A_228 = arith.constant 0 : i32
      %dma_start3A_229 = tpu.memref_slice %arg11[%add3A_132, %dma_start3A_228] : memref<10000x128xf32, #tpu.memory_space<vmem_shared>> -> memref<25x128xf32, #tpu.memory_space<vmem_shared>>
      tpu.enqueue_dma source(%dma_start3A_229 : memref<25x128xf32, #tpu.memory_space<vmem_shared>>) target(%arg10 : memref<25x128xf32, #tpu.memory_space<vmem>>) target_semaphore(%run_scoped3A_225 : memref<!tpu.dma_semaphore, #tpu.memory_space<semaphore_mem>>)
      %dma_wait3A_230 = arith.constant 0 : i32
      %dma_wait3A_231 = tpu.memref_slice %arg11[%add3A_132, %dma_wait3A_230] : memref<10000x128xf32, #tpu.memory_space<vmem_shared>> -> memref<25x128xf32, #tpu.memory_space<vmem_shared>>
      %dma_wait3A_232 = arith.constant 0 : i32
      %dma_wait3A_233 = tpu.memref_slice %arg11[%add3A_132, %dma_wait3A_232] : memref<10000x128xf32, #tpu.memory_space<vmem_shared>> -> memref<25x128xf32, #tpu.memory_space<vmem_shared>>
      tpu.wait_dma2 semaphore(%run_scoped3A_225 : memref<!tpu.dma_semaphore, #tpu.memory_space<semaphore_mem>>) src(%dma_wait3A_233 : memref<25x128xf32, #tpu.memory_space<vmem_shared>>) dst(%arg10 : memref<25x128xf32, #tpu.memory_space<vmem>>)
      tpu.yield
    }) : () -> ()
    "tpu.region"() ({
      %run_scoped3A_225 = tpu.sem_alloc : memref<!tpu.dma_semaphore, #tpu.memory_space<semaphore_mem>>
      %dma_start3A_226 = arith.constant 0 : i32
      %dma_start3A_227 = tpu.memref_slice %arg5[%arg0, %add3A_132, %dma_start3A_226] : memref<2x10000x128xf32, #tpu.memory_space<hbm>> -> memref<1x25x128xf32, #tpu.memory_space<hbm>>
      %dma_start3A_228 = tpu.memref_squeeze %dma_start3A_227 : memref<1x25x128xf32, #tpu.memory_space<hbm>> -> memref<25x128xf32, #tpu.memory_space<hbm>>
      %dma_start3A_229 = arith.constant 0 : i32
      %dma_start3A_230 = tpu.memref_slice %arg5[%arg0, %add3A_132, %dma_start3A_229] : memref<2x10000x128xf32, #tpu.memory_space<hbm>> -> memref<1x25x128xf32, #tpu.memory_space<hbm>>
      %dma_start3A_231 = tpu.memref_squeeze %dma_start3A_230 : memref<1x25x128xf32, #tpu.memory_space<hbm>> -> memref<25x128xf32, #tpu.memory_space<hbm>>
      tpu.enqueue_dma source(%arg10 : memref<25x128xf32, #tpu.memory_space<vmem>>) target(%dma_start3A_231 : memref<25x128xf32, #tpu.memory_space<hbm>>) target_semaphore(%run_scoped3A_225 : memref<!tpu.dma_semaphore, #tpu.memory_space<semaphore_mem>>)
      %dma_wait3A_232 = arith.constant 0 : i32
      %dma_wait3A_233 = tpu.memref_slice %arg5[%arg0, %add3A_132, %dma_wait3A_232] : memref<2x10000x128xf32, #tpu.memory_space<hbm>> -> memref<1x25x128xf32, #tpu.memory_space<hbm>>
      %dma_wait3A_234 = tpu.memref_squeeze %dma_wait3A_233 : memref<1x25x128xf32, #tpu.memory_space<hbm>> -> memref<25x128xf32, #tpu.memory_space<hbm>>
      %dma_wait3A_235 = arith.constant 0 : i32
      %dma_wait3A_236 = tpu.memref_slice %arg5[%arg0, %add3A_132, %dma_wait3A_235] : memref<2x10000x128xf32, #tpu.memory_space<hbm>> -> memref<1x25x128xf32, #tpu.memory_space<hbm>>
      %dma_wait3A_237 = tpu.memref_squeeze %dma_wait3A_236 : memref<1x25x128xf32, #tpu.memory_space<hbm>> -> memref<25x128xf32, #tpu.memory_space<hbm>>
      tpu.wait_dma2 semaphore(%run_scoped3A_225 : memref<!tpu.dma_semaphore, #tpu.memory_space<semaphore_mem>>) src(%arg10 : memref<25x128xf32, #tpu.memory_space<vmem>>) dst(%dma_wait3A_237 : memref<25x128xf32, #tpu.memory_space<hbm>>)
      tpu.yield
    }) : () -> ()
    %mul3A_133 = arith.constant 625 : i32
    %mul3A_134 = arith.muli %arg1, %mul3A_133 : i32
    %add3A_135 = arith.constant 50 : i32
    %add3A_136 = arith.addi %mul3A_134, %add3A_135 : i32
    "tpu.region"() ({
      %run_scoped3A_225 = tpu.sem_alloc : memref<!tpu.dma_semaphore, #tpu.memory_space<semaphore_mem>>
      %dma_start3A_226 = arith.constant 0 : i32
      %dma_start3A_227 = tpu.memref_slice %arg11[%add3A_136, %dma_start3A_226] : memref<10000x128xf32, #tpu.memory_space<vmem_shared>> -> memref<25x128xf32, #tpu.memory_space<vmem_shared>>
      %dma_start3A_228 = arith.constant 0 : i32
      %dma_start3A_229 = tpu.memref_slice %arg11[%add3A_136, %dma_start3A_228] : memref<10000x128xf32, #tpu.memory_space<vmem_shared>> -> memref<25x128xf32, #tpu.memory_space<vmem_shared>>
      tpu.enqueue_dma source(%dma_start3A_229 : memref<25x128xf32, #tpu.memory_space<vmem_shared>>) target(%arg10 : memref<25x128xf32, #tpu.memory_space<vmem>>) target_semaphore(%run_scoped3A_225 : memref<!tpu.dma_semaphore, #tpu.memory_space<semaphore_mem>>)
      %dma_wait3A_230 = arith.constant 0 : i32
      %dma_wait3A_231 = tpu.memref_slice %arg11[%add3A_136, %dma_wait3A_230] : memref<10000x128xf32, #tpu.memory_space<vmem_shared>> -> memref<25x128xf32, #tpu.memory_space<vmem_shared>>
      %dma_wait3A_232 = arith.constant 0 : i32
      %dma_wait3A_233 = tpu.memref_slice %arg11[%add3A_136, %dma_wait3A_232] : memref<10000x128xf32, #tpu.memory_space<vmem_shared>> -> memref<25x128xf32, #tpu.memory_space<vmem_shared>>
      tpu.wait_dma2 semaphore(%run_scoped3A_225 : memref<!tpu.dma_semaphore, #tpu.memory_space<semaphore_mem>>) src(%dma_wait3A_233 : memref<25x128xf32, #tpu.memory_space<vmem_shared>>) dst(%arg10 : memref<25x128xf32, #tpu.memory_space<vmem>>)
      tpu.yield
    }) : () -> ()
    "tpu.region"() ({
      %run_scoped3A_225 = tpu.sem_alloc : memref<!tpu.dma_semaphore, #tpu.memory_space<semaphore_mem>>
      %dma_start3A_226 = arith.constant 0 : i32
      %dma_start3A_227 = tpu.memref_slice %arg5[%arg0, %add3A_136, %dma_start3A_226] : memref<2x10000x128xf32, #tpu.memory_space<hbm>> -> memref<1x25x128xf32, #tpu.memory_space<hbm>>
      %dma_start3A_228 = tpu.memref_squeeze %dma_start3A_227 : memref<1x25x128xf32, #tpu.memory_space<hbm>> -> memref<25x128xf32, #tpu.memory_space<hbm>>
      %dma_start3A_229 = arith.constant 0 : i32
      %dma_start3A_230 = tpu.memref_slice %arg5[%arg0, %add3A_136, %dma_start3A_229] : memref<2x10000x128xf32, #tpu.memory_space<hbm>> -> memref<1x25x128xf32, #tpu.memory_space<hbm>>
      %dma_start3A_231 = tpu.memref_squeeze %dma_start3A_230 : memref<1x25x128xf32, #tpu.memory_space<hbm>> -> memref<25x128xf32, #tpu.memory_space<hbm>>
      tpu.enqueue_dma source(%arg10 : memref<25x128xf32, #tpu.memory_space<vmem>>) target(%dma_start3A_231 : memref<25x128xf32, #tpu.memory_space<hbm>>) target_semaphore(%run_scoped3A_225 : memref<!tpu.dma_semaphore, #tpu.memory_space<semaphore_mem>>)
      %dma_wait3A_232 = arith.constant 0 : i32
      %dma_wait3A_233 = tpu.memref_slice %arg5[%arg0, %add3A_136, %dma_wait3A_232] : memref<2x10000x128xf32, #tpu.memory_space<hbm>> -> memref<1x25x128xf32, #tpu.memory_space<hbm>>
      %dma_wait3A_234 = tpu.memref_squeeze %dma_wait3A_233 : memref<1x25x128xf32, #tpu.memory_space<hbm>> -> memref<25x128xf32, #tpu.memory_space<hbm>>
      %dma_wait3A_235 = arith.constant 0 : i32
      %dma_wait3A_236 = tpu.memref_slice %arg5[%arg0, %add3A_136, %dma_wait3A_235] : memref<2x10000x128xf32, #tpu.memory_space<hbm>> -> memref<1x25x128xf32, #tpu.memory_space<hbm>>
      %dma_wait3A_237 = tpu.memref_squeeze %dma_wait3A_236 : memref<1x25x128xf32, #tpu.memory_space<hbm>> -> memref<25x128xf32, #tpu.memory_space<hbm>>
      tpu.wait_dma2 semaphore(%run_scoped3A_225 : memref<!tpu.dma_semaphore, #tpu.memory_space<semaphore_mem>>) src(%arg10 : memref<25x128xf32, #tpu.memory_space<vmem>>) dst(%dma_wait3A_237 : memref<25x128xf32, #tpu.memory_space<hbm>>)
      tpu.yield
    }) : () -> ()
    %mul3A_137 = arith.constant 625 : i32
    %mul3A_138 = arith.muli %arg1, %mul3A_137 : i32
    %add3A_139 = arith.constant 75 : i32
    %add3A_140 = arith.addi %mul3A_138, %add3A_139 : i32
    "tpu.region"() ({
      %run_scoped3A_225 = tpu.sem_alloc : memref<!tpu.dma_semaphore, #tpu.memory_space<semaphore_mem>>
      %dma_start3A_226 = arith.constant 0 : i32
      %dma_start3A_227 = tpu.memref_slice %arg11[%add3A_140, %dma_start3A_226] : memref<10000x128xf32, #tpu.memory_space<vmem_shared>> -> memref<25x128xf32, #tpu.memory_space<vmem_shared>>
      %dma_start3A_228 = arith.constant 0 : i32
      %dma_start3A_229 = tpu.memref_slice %arg11[%add3A_140, %dma_start3A_228] : memref<10000x128xf32, #tpu.memory_space<vmem_shared>> -> memref<25x128xf32, #tpu.memory_space<vmem_shared>>
      tpu.enqueue_dma source(%dma_start3A_229 : memref<25x128xf32, #tpu.memory_space<vmem_shared>>) target(%arg10 : memref<25x128xf32, #tpu.memory_space<vmem>>) target_semaphore(%run_scoped3A_225 : memref<!tpu.dma_semaphore, #tpu.memory_space<semaphore_mem>>)
      %dma_wait3A_230 = arith.constant 0 : i32
      %dma_wait3A_231 = tpu.memref_slice %arg11[%add3A_140, %dma_wait3A_230] : memref<10000x128xf32, #tpu.memory_space<vmem_shared>> -> memref<25x128xf32, #tpu.memory_space<vmem_shared>>
      %dma_wait3A_232 = arith.constant 0 : i32
      %dma_wait3A_233 = tpu.memref_slice %arg11[%add3A_140, %dma_wait3A_232] : memref<10000x128xf32, #tpu.memory_space<vmem_shared>> -> memref<25x128xf32, #tpu.memory_space<vmem_shared>>
      tpu.wait_dma2 semaphore(%run_scoped3A_225 : memref<!tpu.dma_semaphore, #tpu.memory_space<semaphore_mem>>) src(%dma_wait3A_233 : memref<25x128xf32, #tpu.memory_space<vmem_shared>>) dst(%arg10 : memref<25x128xf32, #tpu.memory_space<vmem>>)
      tpu.yield
    }) : () -> ()
    "tpu.region"() ({
      %run_scoped3A_225 = tpu.sem_alloc : memref<!tpu.dma_semaphore, #tpu.memory_space<semaphore_mem>>
      %dma_start3A_226 = arith.constant 0 : i32
      %dma_start3A_227 = tpu.memref_slice %arg5[%arg0, %add3A_140, %dma_start3A_226] : memref<2x10000x128xf32, #tpu.memory_space<hbm>> -> memref<1x25x128xf32, #tpu.memory_space<hbm>>
      %dma_start3A_228 = tpu.memref_squeeze %dma_start3A_227 : memref<1x25x128xf32, #tpu.memory_space<hbm>> -> memref<25x128xf32, #tpu.memory_space<hbm>>
      %dma_start3A_229 = arith.constant 0 : i32
      %dma_start3A_230 = tpu.memref_slice %arg5[%arg0, %add3A_140, %dma_start3A_229] : memref<2x10000x128xf32, #tpu.memory_space<hbm>> -> memref<1x25x128xf32, #tpu.memory_space<hbm>>
      %dma_start3A_231 = tpu.memref_squeeze %dma_start3A_230 : memref<1x25x128xf32, #tpu.memory_space<hbm>> -> memref<25x128xf32, #tpu.memory_space<hbm>>
      tpu.enqueue_dma source(%arg10 : memref<25x128xf32, #tpu.memory_space<vmem>>) target(%dma_start3A_231 : memref<25x128xf32, #tpu.memory_space<hbm>>) target_semaphore(%run_scoped3A_225 : memref<!tpu.dma_semaphore, #tpu.memory_space<semaphore_mem>>)
      %dma_wait3A_232 = arith.constant 0 : i32
      %dma_wait3A_233 = tpu.memref_slice %arg5[%arg0, %add3A_140, %dma_wait3A_232] : memref<2x10000x128xf32, #tpu.memory_space<hbm>> -> memref<1x25x128xf32, #tpu.memory_space<hbm>>
      %dma_wait3A_234 = tpu.memref_squeeze %dma_wait3A_233 : memref<1x25x128xf32, #tpu.memory_space<hbm>> -> memref<25x128xf32, #tpu.memory_space<hbm>>
      %dma_wait3A_235 = arith.constant 0 : i32
      %dma_wait3A_236 = tpu.memref_slice %arg5[%arg0, %add3A_140, %dma_wait3A_235] : memref<2x10000x128xf32, #tpu.memory_space<hbm>> -> memref<1x25x128xf32, #tpu.memory_space<hbm>>
      %dma_wait3A_237 = tpu.memref_squeeze %dma_wait3A_236 : memref<1x25x128xf32, #tpu.memory_space<hbm>> -> memref<25x128xf32, #tpu.memory_space<hbm>>
      tpu.wait_dma2 semaphore(%run_scoped3A_225 : memref<!tpu.dma_semaphore, #tpu.memory_space<semaphore_mem>>) src(%arg10 : memref<25x128xf32, #tpu.memory_space<vmem>>) dst(%dma_wait3A_237 : memref<25x128xf32, #tpu.memory_space<hbm>>)
      tpu.yield
    }) : () -> ()
    %mul3A_141 = arith.constant 625 : i32
    %mul3A_142 = arith.muli %arg1, %mul3A_141 : i32
    %add3A_143 = arith.constant 100 : i32
    %add3A_144 = arith.addi %mul3A_142, %add3A_143 : i32
    "tpu.region"() ({
      %run_scoped3A_225 = tpu.sem_alloc : memref<!tpu.dma_semaphore, #tpu.memory_space<semaphore_mem>>
      %dma_start3A_226 = arith.constant 0 : i32
      %dma_start3A_227 = tpu.memref_slice %arg11[%add3A_144, %dma_start3A_226] : memref<10000x128xf32, #tpu.memory_space<vmem_shared>> -> memref<25x128xf32, #tpu.memory_space<vmem_shared>>
      %dma_start3A_228 = arith.constant 0 : i32
      %dma_start3A_229 = tpu.memref_slice %arg11[%add3A_144, %dma_start3A_228] : memref<10000x128xf32, #tpu.memory_space<vmem_shared>> -> memref<25x128xf32, #tpu.memory_space<vmem_shared>>
      tpu.enqueue_dma source(%dma_start3A_229 : memref<25x128xf32, #tpu.memory_space<vmem_shared>>) target(%arg10 : memref<25x128xf32, #tpu.memory_space<vmem>>) target_semaphore(%run_scoped3A_225 : memref<!tpu.dma_semaphore, #tpu.memory_space<semaphore_mem>>)
      %dma_wait3A_230 = arith.constant 0 : i32
      %dma_wait3A_231 = tpu.memref_slice %arg11[%add3A_144, %dma_wait3A_230] : memref<10000x128xf32, #tpu.memory_space<vmem_shared>> -> memref<25x128xf32, #tpu.memory_space<vmem_shared>>
      %dma_wait3A_232 = arith.constant 0 : i32
      %dma_wait3A_233 = tpu.memref_slice %arg11[%add3A_144, %dma_wait3A_232] : memref<10000x128xf32, #tpu.memory_space<vmem_shared>> -> memref<25x128xf32, #tpu.memory_space<vmem_shared>>
      tpu.wait_dma2 semaphore(%run_scoped3A_225 : memref<!tpu.dma_semaphore, #tpu.memory_space<semaphore_mem>>) src(%dma_wait3A_233 : memref<25x128xf32, #tpu.memory_space<vmem_shared>>) dst(%arg10 : memref<25x128xf32, #tpu.memory_space<vmem>>)
      tpu.yield
    }) : () -> ()
    "tpu.region"() ({
      %run_scoped3A_225 = tpu.sem_alloc : memref<!tpu.dma_semaphore, #tpu.memory_space<semaphore_mem>>
      %dma_start3A_226 = arith.constant 0 : i32
      %dma_start3A_227 = tpu.memref_slice %arg5[%arg0, %add3A_144, %dma_start3A_226] : memref<2x10000x128xf32, #tpu.memory_space<hbm>> -> memref<1x25x128xf32, #tpu.memory_space<hbm>>
      %dma_start3A_228 = tpu.memref_squeeze %dma_start3A_227 : memref<1x25x128xf32, #tpu.memory_space<hbm>> -> memref<25x128xf32, #tpu.memory_space<hbm>>
      %dma_start3A_229 = arith.constant 0 : i32
      %dma_start3A_230 = tpu.memref_slice %arg5[%arg0, %add3A_144, %dma_start3A_229] : memref<2x10000x128xf32, #tpu.memory_space<hbm>> -> memref<1x25x128xf32, #tpu.memory_space<hbm>>
      %dma_start3A_231 = tpu.memref_squeeze %dma_start3A_230 : memref<1x25x128xf32, #tpu.memory_space<hbm>> -> memref<25x128xf32, #tpu.memory_space<hbm>>
      tpu.enqueue_dma source(%arg10 : memref<25x128xf32, #tpu.memory_space<vmem>>) target(%dma_start3A_231 : memref<25x128xf32, #tpu.memory_space<hbm>>) target_semaphore(%run_scoped3A_225 : memref<!tpu.dma_semaphore, #tpu.memory_space<semaphore_mem>>)
      %dma_wait3A_232 = arith.constant 0 : i32
      %dma_wait3A_233 = tpu.memref_slice %arg5[%arg0, %add3A_144, %dma_wait3A_232] : memref<2x10000x128xf32, #tpu.memory_space<hbm>> -> memref<1x25x128xf32, #tpu.memory_space<hbm>>
      %dma_wait3A_234 = tpu.memref_squeeze %dma_wait3A_233 : memref<1x25x128xf32, #tpu.memory_space<hbm>> -> memref<25x128xf32, #tpu.memory_space<hbm>>
      %dma_wait3A_235 = arith.constant 0 : i32
      %dma_wait3A_236 = tpu.memref_slice %arg5[%arg0, %add3A_144, %dma_wait3A_235] : memref<2x10000x128xf32, #tpu.memory_space<hbm>> -> memref<1x25x128xf32, #tpu.memory_space<hbm>>
      %dma_wait3A_237 = tpu.memref_squeeze %dma_wait3A_236 : memref<1x25x128xf32, #tpu.memory_space<hbm>> -> memref<25x128xf32, #tpu.memory_space<hbm>>
      tpu.wait_dma2 semaphore(%run_scoped3A_225 : memref<!tpu.dma_semaphore, #tpu.memory_space<semaphore_mem>>) src(%arg10 : memref<25x128xf32, #tpu.memory_space<vmem>>) dst(%dma_wait3A_237 : memref<25x128xf32, #tpu.memory_space<hbm>>)
      tpu.yield
    }) : () -> ()
    %mul3A_145 = arith.constant 625 : i32
    %mul3A_146 = arith.muli %arg1, %mul3A_145 : i32
    %add3A_147 = arith.constant 125 : i32
    %add3A_148 = arith.addi %mul3A_146, %add3A_147 : i32
    "tpu.region"() ({
      %run_scoped3A_225 = tpu.sem_alloc : memref<!tpu.dma_semaphore, #tpu.memory_space<semaphore_mem>>
      %dma_start3A_226 = arith.constant 0 : i32
      %dma_start3A_227 = tpu.memref_slice %arg11[%add3A_148, %dma_start3A_226] : memref<10000x128xf32, #tpu.memory_space<vmem_shared>> -> memref<25x128xf32, #tpu.memory_space<vmem_shared>>
      %dma_start3A_228 = arith.constant 0 : i32
      %dma_start3A_229 = tpu.memref_slice %arg11[%add3A_148, %dma_start3A_228] : memref<10000x128xf32, #tpu.memory_space<vmem_shared>> -> memref<25x128xf32, #tpu.memory_space<vmem_shared>>
      tpu.enqueue_dma source(%dma_start3A_229 : memref<25x128xf32, #tpu.memory_space<vmem_shared>>) target(%arg10 : memref<25x128xf32, #tpu.memory_space<vmem>>) target_semaphore(%run_scoped3A_225 : memref<!tpu.dma_semaphore, #tpu.memory_space<semaphore_mem>>)
      %dma_wait3A_230 = arith.constant 0 : i32
      %dma_wait3A_231 = tpu.memref_slice %arg11[%add3A_148, %dma_wait3A_230] : memref<10000x128xf32, #tpu.memory_space<vmem_shared>> -> memref<25x128xf32, #tpu.memory_space<vmem_shared>>
      %dma_wait3A_232 = arith.constant 0 : i32
      %dma_wait3A_233 = tpu.memref_slice %arg11[%add3A_148, %dma_wait3A_232] : memref<10000x128xf32, #tpu.memory_space<vmem_shared>> -> memref<25x128xf32, #tpu.memory_space<vmem_shared>>
      tpu.wait_dma2 semaphore(%run_scoped3A_225 : memref<!tpu.dma_semaphore, #tpu.memory_space<semaphore_mem>>) src(%dma_wait3A_233 : memref<25x128xf32, #tpu.memory_space<vmem_shared>>) dst(%arg10 : memref<25x128xf32, #tpu.memory_space<vmem>>)
      tpu.yield
    }) : () -> ()
    "tpu.region"() ({
      %run_scoped3A_225 = tpu.sem_alloc : memref<!tpu.dma_semaphore, #tpu.memory_space<semaphore_mem>>
      %dma_start3A_226 = arith.constant 0 : i32
      %dma_start3A_227 = tpu.memref_slice %arg5[%arg0, %add3A_148, %dma_start3A_226] : memref<2x10000x128xf32, #tpu.memory_space<hbm>> -> memref<1x25x128xf32, #tpu.memory_space<hbm>>
      %dma_start3A_228 = tpu.memref_squeeze %dma_start3A_227 : memref<1x25x128xf32, #tpu.memory_space<hbm>> -> memref<25x128xf32, #tpu.memory_space<hbm>>
      %dma_start3A_229 = arith.constant 0 : i32
      %dma_start3A_230 = tpu.memref_slice %arg5[%arg0, %add3A_148, %dma_start3A_229] : memref<2x10000x128xf32, #tpu.memory_space<hbm>> -> memref<1x25x128xf32, #tpu.memory_space<hbm>>
      %dma_start3A_231 = tpu.memref_squeeze %dma_start3A_230 : memref<1x25x128xf32, #tpu.memory_space<hbm>> -> memref<25x128xf32, #tpu.memory_space<hbm>>
      tpu.enqueue_dma source(%arg10 : memref<25x128xf32, #tpu.memory_space<vmem>>) target(%dma_start3A_231 : memref<25x128xf32, #tpu.memory_space<hbm>>) target_semaphore(%run_scoped3A_225 : memref<!tpu.dma_semaphore, #tpu.memory_space<semaphore_mem>>)
      %dma_wait3A_232 = arith.constant 0 : i32
      %dma_wait3A_233 = tpu.memref_slice %arg5[%arg0, %add3A_148, %dma_wait3A_232] : memref<2x10000x128xf32, #tpu.memory_space<hbm>> -> memref<1x25x128xf32, #tpu.memory_space<hbm>>
      %dma_wait3A_234 = tpu.memref_squeeze %dma_wait3A_233 : memref<1x25x128xf32, #tpu.memory_space<hbm>> -> memref<25x128xf32, #tpu.memory_space<hbm>>
      %dma_wait3A_235 = arith.constant 0 : i32
      %dma_wait3A_236 = tpu.memref_slice %arg5[%arg0, %add3A_148, %dma_wait3A_235] : memref<2x10000x128xf32, #tpu.memory_space<hbm>> -> memref<1x25x128xf32, #tpu.memory_space<hbm>>
      %dma_wait3A_237 = tpu.memref_squeeze %dma_wait3A_236 : memref<1x25x128xf32, #tpu.memory_space<hbm>> -> memref<25x128xf32, #tpu.memory_space<hbm>>
      tpu.wait_dma2 semaphore(%run_scoped3A_225 : memref<!tpu.dma_semaphore, #tpu.memory_space<semaphore_mem>>) src(%arg10 : memref<25x128xf32, #tpu.memory_space<vmem>>) dst(%dma_wait3A_237 : memref<25x128xf32, #tpu.memory_space<hbm>>)
      tpu.yield
    }) : () -> ()
    %mul3A_149 = arith.constant 625 : i32
    %mul3A_150 = arith.muli %arg1, %mul3A_149 : i32
    %add3A_151 = arith.constant 150 : i32
    %add3A_152 = arith.addi %mul3A_150, %add3A_151 : i32
    "tpu.region"() ({
      %run_scoped3A_225 = tpu.sem_alloc : memref<!tpu.dma_semaphore, #tpu.memory_space<semaphore_mem>>
      %dma_start3A_226 = arith.constant 0 : i32
      %dma_start3A_227 = tpu.memref_slice %arg11[%add3A_152, %dma_start3A_226] : memref<10000x128xf32, #tpu.memory_space<vmem_shared>> -> memref<25x128xf32, #tpu.memory_space<vmem_shared>>
      %dma_start3A_228 = arith.constant 0 : i32
      %dma_start3A_229 = tpu.memref_slice %arg11[%add3A_152, %dma_start3A_228] : memref<10000x128xf32, #tpu.memory_space<vmem_shared>> -> memref<25x128xf32, #tpu.memory_space<vmem_shared>>
      tpu.enqueue_dma source(%dma_start3A_229 : memref<25x128xf32, #tpu.memory_space<vmem_shared>>) target(%arg10 : memref<25x128xf32, #tpu.memory_space<vmem>>) target_semaphore(%run_scoped3A_225 : memref<!tpu.dma_semaphore, #tpu.memory_space<semaphore_mem>>)
      %dma_wait3A_230 = arith.constant 0 : i32
      %dma_wait3A_231 = tpu.memref_slice %arg11[%add3A_152, %dma_wait3A_230] : memref<10000x128xf32, #tpu.memory_space<vmem_shared>> -> memref<25x128xf32, #tpu.memory_space<vmem_shared>>
      %dma_wait3A_232 = arith.constant 0 : i32
      %dma_wait3A_233 = tpu.memref_slice %arg11[%add3A_152, %dma_wait3A_232] : memref<10000x128xf32, #tpu.memory_space<vmem_shared>> -> memref<25x128xf32, #tpu.memory_space<vmem_shared>>
      tpu.wait_dma2 semaphore(%run_scoped3A_225 : memref<!tpu.dma_semaphore, #tpu.memory_space<semaphore_mem>>) src(%dma_wait3A_233 : memref<25x128xf32, #tpu.memory_space<vmem_shared>>) dst(%arg10 : memref<25x128xf32, #tpu.memory_space<vmem>>)
      tpu.yield
    }) : () -> ()
    "tpu.region"() ({
      %run_scoped3A_225 = tpu.sem_alloc : memref<!tpu.dma_semaphore, #tpu.memory_space<semaphore_mem>>
      %dma_start3A_226 = arith.constant 0 : i32
      %dma_start3A_227 = tpu.memref_slice %arg5[%arg0, %add3A_152, %dma_start3A_226] : memref<2x10000x128xf32, #tpu.memory_space<hbm>> -> memref<1x25x128xf32, #tpu.memory_space<hbm>>
      %dma_start3A_228 = tpu.memref_squeeze %dma_start3A_227 : memref<1x25x128xf32, #tpu.memory_space<hbm>> -> memref<25x128xf32, #tpu.memory_space<hbm>>
      %dma_start3A_229 = arith.constant 0 : i32
      %dma_start3A_230 = tpu.memref_slice %arg5[%arg0, %add3A_152, %dma_start3A_229] : memref<2x10000x128xf32, #tpu.memory_space<hbm>> -> memref<1x25x128xf32, #tpu.memory_space<hbm>>
      %dma_start3A_231 = tpu.memref_squeeze %dma_start3A_230 : memref<1x25x128xf32, #tpu.memory_space<hbm>> -> memref<25x128xf32, #tpu.memory_space<hbm>>
      tpu.enqueue_dma source(%arg10 : memref<25x128xf32, #tpu.memory_space<vmem>>) target(%dma_start3A_231 : memref<25x128xf32, #tpu.memory_space<hbm>>) target_semaphore(%run_scoped3A_225 : memref<!tpu.dma_semaphore, #tpu.memory_space<semaphore_mem>>)
      %dma_wait3A_232 = arith.constant 0 : i32
      %dma_wait3A_233 = tpu.memref_slice %arg5[%arg0, %add3A_152, %dma_wait3A_232] : memref<2x10000x128xf32, #tpu.memory_space<hbm>> -> memref<1x25x128xf32, #tpu.memory_space<hbm>>
      %dma_wait3A_234 = tpu.memref_squeeze %dma_wait3A_233 : memref<1x25x128xf32, #tpu.memory_space<hbm>> -> memref<25x128xf32, #tpu.memory_space<hbm>>
      %dma_wait3A_235 = arith.constant 0 : i32
      %dma_wait3A_236 = tpu.memref_slice %arg5[%arg0, %add3A_152, %dma_wait3A_235] : memref<2x10000x128xf32, #tpu.memory_space<hbm>> -> memref<1x25x128xf32, #tpu.memory_space<hbm>>
      %dma_wait3A_237 = tpu.memref_squeeze %dma_wait3A_236 : memref<1x25x128xf32, #tpu.memory_space<hbm>> -> memref<25x128xf32, #tpu.memory_space<hbm>>
      tpu.wait_dma2 semaphore(%run_scoped3A_225 : memref<!tpu.dma_semaphore, #tpu.memory_space<semaphore_mem>>) src(%arg10 : memref<25x128xf32, #tpu.memory_space<vmem>>) dst(%dma_wait3A_237 : memref<25x128xf32, #tpu.memory_space<hbm>>)
      tpu.yield
    }) : () -> ()
    %mul3A_153 = arith.constant 625 : i32
    %mul3A_154 = arith.muli %arg1, %mul3A_153 : i32
    %add3A_155 = arith.constant 175 : i32
    %add3A_156 = arith.addi %mul3A_154, %add3A_155 : i32
    "tpu.region"() ({
      %run_scoped3A_225 = tpu.sem_alloc : memref<!tpu.dma_semaphore, #tpu.memory_space<semaphore_mem>>
      %dma_start3A_226 = arith.constant 0 : i32
      %dma_start3A_227 = tpu.memref_slice %arg11[%add3A_156, %dma_start3A_226] : memref<10000x128xf32, #tpu.memory_space<vmem_shared>> -> memref<25x128xf32, #tpu.memory_space<vmem_shared>>
      %dma_start3A_228 = arith.constant 0 : i32
      %dma_start3A_229 = tpu.memref_slice %arg11[%add3A_156, %dma_start3A_228] : memref<10000x128xf32, #tpu.memory_space<vmem_shared>> -> memref<25x128xf32, #tpu.memory_space<vmem_shared>>
      tpu.enqueue_dma source(%dma_start3A_229 : memref<25x128xf32, #tpu.memory_space<vmem_shared>>) target(%arg10 : memref<25x128xf32, #tpu.memory_space<vmem>>) target_semaphore(%run_scoped3A_225 : memref<!tpu.dma_semaphore, #tpu.memory_space<semaphore_mem>>)
      %dma_wait3A_230 = arith.constant 0 : i32
      %dma_wait3A_231 = tpu.memref_slice %arg11[%add3A_156, %dma_wait3A_230] : memref<10000x128xf32, #tpu.memory_space<vmem_shared>> -> memref<25x128xf32, #tpu.memory_space<vmem_shared>>
      %dma_wait3A_232 = arith.constant 0 : i32
      %dma_wait3A_233 = tpu.memref_slice %arg11[%add3A_156, %dma_wait3A_232] : memref<10000x128xf32, #tpu.memory_space<vmem_shared>> -> memref<25x128xf32, #tpu.memory_space<vmem_shared>>
      tpu.wait_dma2 semaphore(%run_scoped3A_225 : memref<!tpu.dma_semaphore, #tpu.memory_space<semaphore_mem>>) src(%dma_wait3A_233 : memref<25x128xf32, #tpu.memory_space<vmem_shared>>) dst(%arg10 : memref<25x128xf32, #tpu.memory_space<vmem>>)
      tpu.yield
    }) : () -> ()
    "tpu.region"() ({
      %run_scoped3A_225 = tpu.sem_alloc : memref<!tpu.dma_semaphore, #tpu.memory_space<semaphore_mem>>
      %dma_start3A_226 = arith.constant 0 : i32
      %dma_start3A_227 = tpu.memref_slice %arg5[%arg0, %add3A_156, %dma_start3A_226] : memref<2x10000x128xf32, #tpu.memory_space<hbm>> -> memref<1x25x128xf32, #tpu.memory_space<hbm>>
      %dma_start3A_228 = tpu.memref_squeeze %dma_start3A_227 : memref<1x25x128xf32, #tpu.memory_space<hbm>> -> memref<25x128xf32, #tpu.memory_space<hbm>>
      %dma_start3A_229 = arith.constant 0 : i32
      %dma_start3A_230 = tpu.memref_slice %arg5[%arg0, %add3A_156, %dma_start3A_229] : memref<2x10000x128xf32, #tpu.memory_space<hbm>> -> memref<1x25x128xf32, #tpu.memory_space<hbm>>
      %dma_start3A_231 = tpu.memref_squeeze %dma_start3A_230 : memref<1x25x128xf32, #tpu.memory_space<hbm>> -> memref<25x128xf32, #tpu.memory_space<hbm>>
      tpu.enqueue_dma source(%arg10 : memref<25x128xf32, #tpu.memory_space<vmem>>) target(%dma_start3A_231 : memref<25x128xf32, #tpu.memory_space<hbm>>) target_semaphore(%run_scoped3A_225 : memref<!tpu.dma_semaphore, #tpu.memory_space<semaphore_mem>>)
      %dma_wait3A_232 = arith.constant 0 : i32
      %dma_wait3A_233 = tpu.memref_slice %arg5[%arg0, %add3A_156, %dma_wait3A_232] : memref<2x10000x128xf32, #tpu.memory_space<hbm>> -> memref<1x25x128xf32, #tpu.memory_space<hbm>>
      %dma_wait3A_234 = tpu.memref_squeeze %dma_wait3A_233 : memref<1x25x128xf32, #tpu.memory_space<hbm>> -> memref<25x128xf32, #tpu.memory_space<hbm>>
      %dma_wait3A_235 = arith.constant 0 : i32
      %dma_wait3A_236 = tpu.memref_slice %arg5[%arg0, %add3A_156, %dma_wait3A_235] : memref<2x10000x128xf32, #tpu.memory_space<hbm>> -> memref<1x25x128xf32, #tpu.memory_space<hbm>>
      %dma_wait3A_237 = tpu.memref_squeeze %dma_wait3A_236 : memref<1x25x128xf32, #tpu.memory_space<hbm>> -> memref<25x128xf32, #tpu.memory_space<hbm>>
      tpu.wait_dma2 semaphore(%run_scoped3A_225 : memref<!tpu.dma_semaphore, #tpu.memory_space<semaphore_mem>>) src(%arg10 : memref<25x128xf32, #tpu.memory_space<vmem>>) dst(%dma_wait3A_237 : memref<25x128xf32, #tpu.memory_space<hbm>>)
      tpu.yield
    }) : () -> ()
    %mul3A_157 = arith.constant 625 : i32
    %mul3A_158 = arith.muli %arg1, %mul3A_157 : i32
    %add3A_159 = arith.constant 200 : i32
    %add3A_160 = arith.addi %mul3A_158, %add3A_159 : i32
    "tpu.region"() ({
      %run_scoped3A_225 = tpu.sem_alloc : memref<!tpu.dma_semaphore, #tpu.memory_space<semaphore_mem>>
      %dma_start3A_226 = arith.constant 0 : i32
      %dma_start3A_227 = tpu.memref_slice %arg11[%add3A_160, %dma_start3A_226] : memref<10000x128xf32, #tpu.memory_space<vmem_shared>> -> memref<25x128xf32, #tpu.memory_space<vmem_shared>>
      %dma_start3A_228 = arith.constant 0 : i32
      %dma_start3A_229 = tpu.memref_slice %arg11[%add3A_160, %dma_start3A_228] : memref<10000x128xf32, #tpu.memory_space<vmem_shared>> -> memref<25x128xf32, #tpu.memory_space<vmem_shared>>
      tpu.enqueue_dma source(%dma_start3A_229 : memref<25x128xf32, #tpu.memory_space<vmem_shared>>) target(%arg10 : memref<25x128xf32, #tpu.memory_space<vmem>>) target_semaphore(%run_scoped3A_225 : memref<!tpu.dma_semaphore, #tpu.memory_space<semaphore_mem>>)
      %dma_wait3A_230 = arith.constant 0 : i32
      %dma_wait3A_231 = tpu.memref_slice %arg11[%add3A_160, %dma_wait3A_230] : memref<10000x128xf32, #tpu.memory_space<vmem_shared>> -> memref<25x128xf32, #tpu.memory_space<vmem_shared>>
      %dma_wait3A_232 = arith.constant 0 : i32
      %dma_wait3A_233 = tpu.memref_slice %arg11[%add3A_160, %dma_wait3A_232] : memref<10000x128xf32, #tpu.memory_space<vmem_shared>> -> memref<25x128xf32, #tpu.memory_space<vmem_shared>>
      tpu.wait_dma2 semaphore(%run_scoped3A_225 : memref<!tpu.dma_semaphore, #tpu.memory_space<semaphore_mem>>) src(%dma_wait3A_233 : memref<25x128xf32, #tpu.memory_space<vmem_shared>>) dst(%arg10 : memref<25x128xf32, #tpu.memory_space<vmem>>)
      tpu.yield
    }) : () -> ()
    "tpu.region"() ({
      %run_scoped3A_225 = tpu.sem_alloc : memref<!tpu.dma_semaphore, #tpu.memory_space<semaphore_mem>>
      %dma_start3A_226 = arith.constant 0 : i32
      %dma_start3A_227 = tpu.memref_slice %arg5[%arg0, %add3A_160, %dma_start3A_226] : memref<2x10000x128xf32, #tpu.memory_space<hbm>> -> memref<1x25x128xf32, #tpu.memory_space<hbm>>
      %dma_start3A_228 = tpu.memref_squeeze %dma_start3A_227 : memref<1x25x128xf32, #tpu.memory_space<hbm>> -> memref<25x128xf32, #tpu.memory_space<hbm>>
      %dma_start3A_229 = arith.constant 0 : i32
      %dma_start3A_230 = tpu.memref_slice %arg5[%arg0, %add3A_160, %dma_start3A_229] : memref<2x10000x128xf32, #tpu.memory_space<hbm>> -> memref<1x25x128xf32, #tpu.memory_space<hbm>>
      %dma_start3A_231 = tpu.memref_squeeze %dma_start3A_230 : memref<1x25x128xf32, #tpu.memory_space<hbm>> -> memref<25x128xf32, #tpu.memory_space<hbm>>
      tpu.enqueue_dma source(%arg10 : memref<25x128xf32, #tpu.memory_space<vmem>>) target(%dma_start3A_231 : memref<25x128xf32, #tpu.memory_space<hbm>>) target_semaphore(%run_scoped3A_225 : memref<!tpu.dma_semaphore, #tpu.memory_space<semaphore_mem>>)
      %dma_wait3A_232 = arith.constant 0 : i32
      %dma_wait3A_233 = tpu.memref_slice %arg5[%arg0, %add3A_160, %dma_wait3A_232] : memref<2x10000x128xf32, #tpu.memory_space<hbm>> -> memref<1x25x128xf32, #tpu.memory_space<hbm>>
      %dma_wait3A_234 = tpu.memref_squeeze %dma_wait3A_233 : memref<1x25x128xf32, #tpu.memory_space<hbm>> -> memref<25x128xf32, #tpu.memory_space<hbm>>
      %dma_wait3A_235 = arith.constant 0 : i32
      %dma_wait3A_236 = tpu.memref_slice %arg5[%arg0, %add3A_160, %dma_wait3A_235] : memref<2x10000x128xf32, #tpu.memory_space<hbm>> -> memref<1x25x128xf32, #tpu.memory_space<hbm>>
      %dma_wait3A_237 = tpu.memref_squeeze %dma_wait3A_236 : memref<1x25x128xf32, #tpu.memory_space<hbm>> -> memref<25x128xf32, #tpu.memory_space<hbm>>
      tpu.wait_dma2 semaphore(%run_scoped3A_225 : memref<!tpu.dma_semaphore, #tpu.memory_space<semaphore_mem>>) src(%arg10 : memref<25x128xf32, #tpu.memory_space<vmem>>) dst(%dma_wait3A_237 : memref<25x128xf32, #tpu.memory_space<hbm>>)
      tpu.yield
    }) : () -> ()
    %mul3A_161 = arith.constant 625 : i32
    %mul3A_162 = arith.muli %arg1, %mul3A_161 : i32
    %add3A_163 = arith.constant 225 : i32
    %add3A_164 = arith.addi %mul3A_162, %add3A_163 : i32
    "tpu.region"() ({
      %run_scoped3A_225 = tpu.sem_alloc : memref<!tpu.dma_semaphore, #tpu.memory_space<semaphore_mem>>
      %dma_start3A_226 = arith.constant 0 : i32
      %dma_start3A_227 = tpu.memref_slice %arg11[%add3A_164, %dma_start3A_226] : memref<10000x128xf32, #tpu.memory_space<vmem_shared>> -> memref<25x128xf32, #tpu.memory_space<vmem_shared>>
      %dma_start3A_228 = arith.constant 0 : i32
      %dma_start3A_229 = tpu.memref_slice %arg11[%add3A_164, %dma_start3A_228] : memref<10000x128xf32, #tpu.memory_space<vmem_shared>> -> memref<25x128xf32, #tpu.memory_space<vmem_shared>>
      tpu.enqueue_dma source(%dma_start3A_229 : memref<25x128xf32, #tpu.memory_space<vmem_shared>>) target(%arg10 : memref<25x128xf32, #tpu.memory_space<vmem>>) target_semaphore(%run_scoped3A_225 : memref<!tpu.dma_semaphore, #tpu.memory_space<semaphore_mem>>)
      %dma_wait3A_230 = arith.constant 0 : i32
      %dma_wait3A_231 = tpu.memref_slice %arg11[%add3A_164, %dma_wait3A_230] : memref<10000x128xf32, #tpu.memory_space<vmem_shared>> -> memref<25x128xf32, #tpu.memory_space<vmem_shared>>
      %dma_wait3A_232 = arith.constant 0 : i32
      %dma_wait3A_233 = tpu.memref_slice %arg11[%add3A_164, %dma_wait3A_232] : memref<10000x128xf32, #tpu.memory_space<vmem_shared>> -> memref<25x128xf32, #tpu.memory_space<vmem_shared>>
      tpu.wait_dma2 semaphore(%run_scoped3A_225 : memref<!tpu.dma_semaphore, #tpu.memory_space<semaphore_mem>>) src(%dma_wait3A_233 : memref<25x128xf32, #tpu.memory_space<vmem_shared>>) dst(%arg10 : memref<25x128xf32, #tpu.memory_space<vmem>>)
      tpu.yield
    }) : () -> ()
    "tpu.region"() ({
      %run_scoped3A_225 = tpu.sem_alloc : memref<!tpu.dma_semaphore, #tpu.memory_space<semaphore_mem>>
      %dma_start3A_226 = arith.constant 0 : i32
      %dma_start3A_227 = tpu.memref_slice %arg5[%arg0, %add3A_164, %dma_start3A_226] : memref<2x10000x128xf32, #tpu.memory_space<hbm>> -> memref<1x25x128xf32, #tpu.memory_space<hbm>>
      %dma_start3A_228 = tpu.memref_squeeze %dma_start3A_227 : memref<1x25x128xf32, #tpu.memory_space<hbm>> -> memref<25x128xf32, #tpu.memory_space<hbm>>
      %dma_start3A_229 = arith.constant 0 : i32
      %dma_start3A_230 = tpu.memref_slice %arg5[%arg0, %add3A_164, %dma_start3A_229] : memref<2x10000x128xf32, #tpu.memory_space<hbm>> -> memref<1x25x128xf32, #tpu.memory_space<hbm>>
      %dma_start3A_231 = tpu.memref_squeeze %dma_start3A_230 : memref<1x25x128xf32, #tpu.memory_space<hbm>> -> memref<25x128xf32, #tpu.memory_space<hbm>>
      tpu.enqueue_dma source(%arg10 : memref<25x128xf32, #tpu.memory_space<vmem>>) target(%dma_start3A_231 : memref<25x128xf32, #tpu.memory_space<hbm>>) target_semaphore(%run_scoped3A_225 : memref<!tpu.dma_semaphore, #tpu.memory_space<semaphore_mem>>)
      %dma_wait3A_232 = arith.constant 0 : i32
      %dma_wait3A_233 = tpu.memref_slice %arg5[%arg0, %add3A_164, %dma_wait3A_232] : memref<2x10000x128xf32, #tpu.memory_space<hbm>> -> memref<1x25x128xf32, #tpu.memory_space<hbm>>
      %dma_wait3A_234 = tpu.memref_squeeze %dma_wait3A_233 : memref<1x25x128xf32, #tpu.memory_space<hbm>> -> memref<25x128xf32, #tpu.memory_space<hbm>>
      %dma_wait3A_235 = arith.constant 0 : i32
      %dma_wait3A_236 = tpu.memref_slice %arg5[%arg0, %add3A_164, %dma_wait3A_235] : memref<2x10000x128xf32, #tpu.memory_space<hbm>> -> memref<1x25x128xf32, #tpu.memory_space<hbm>>
      %dma_wait3A_237 = tpu.memref_squeeze %dma_wait3A_236 : memref<1x25x128xf32, #tpu.memory_space<hbm>> -> memref<25x128xf32, #tpu.memory_space<hbm>>
      tpu.wait_dma2 semaphore(%run_scoped3A_225 : memref<!tpu.dma_semaphore, #tpu.memory_space<semaphore_mem>>) src(%arg10 : memref<25x128xf32, #tpu.memory_space<vmem>>) dst(%dma_wait3A_237 : memref<25x128xf32, #tpu.memory_space<hbm>>)
      tpu.yield
    }) : () -> ()
    %mul3A_165 = arith.constant 625 : i32
    %mul3A_166 = arith.muli %arg1, %mul3A_165 : i32
    %add3A_167 = arith.constant 250 : i32
    %add3A_168 = arith.addi %mul3A_166, %add3A_167 : i32
    "tpu.region"() ({
      %run_scoped3A_225 = tpu.sem_alloc : memref<!tpu.dma_semaphore, #tpu.memory_space<semaphore_mem>>
      %dma_start3A_226 = arith.constant 0 : i32
      %dma_start3A_227 = tpu.memref_slice %arg11[%add3A_168, %dma_start3A_226] : memref<10000x128xf32, #tpu.memory_space<vmem_shared>> -> memref<25x128xf32, #tpu.memory_space<vmem_shared>>
      %dma_start3A_228 = arith.constant 0 : i32
      %dma_start3A_229 = tpu.memref_slice %arg11[%add3A_168, %dma_start3A_228] : memref<10000x128xf32, #tpu.memory_space<vmem_shared>> -> memref<25x128xf32, #tpu.memory_space<vmem_shared>>
      tpu.enqueue_dma source(%dma_start3A_229 : memref<25x128xf32, #tpu.memory_space<vmem_shared>>) target(%arg10 : memref<25x128xf32, #tpu.memory_space<vmem>>) target_semaphore(%run_scoped3A_225 : memref<!tpu.dma_semaphore, #tpu.memory_space<semaphore_mem>>)
      %dma_wait3A_230 = arith.constant 0 : i32
      %dma_wait3A_231 = tpu.memref_slice %arg11[%add3A_168, %dma_wait3A_230] : memref<10000x128xf32, #tpu.memory_space<vmem_shared>> -> memref<25x128xf32, #tpu.memory_space<vmem_shared>>
      %dma_wait3A_232 = arith.constant 0 : i32
      %dma_wait3A_233 = tpu.memref_slice %arg11[%add3A_168, %dma_wait3A_232] : memref<10000x128xf32, #tpu.memory_space<vmem_shared>> -> memref<25x128xf32, #tpu.memory_space<vmem_shared>>
      tpu.wait_dma2 semaphore(%run_scoped3A_225 : memref<!tpu.dma_semaphore, #tpu.memory_space<semaphore_mem>>) src(%dma_wait3A_233 : memref<25x128xf32, #tpu.memory_space<vmem_shared>>) dst(%arg10 : memref<25x128xf32, #tpu.memory_space<vmem>>)
      tpu.yield
    }) : () -> ()
    "tpu.region"() ({
      %run_scoped3A_225 = tpu.sem_alloc : memref<!tpu.dma_semaphore, #tpu.memory_space<semaphore_mem>>
      %dma_start3A_226 = arith.constant 0 : i32
      %dma_start3A_227 = tpu.memref_slice %arg5[%arg0, %add3A_168, %dma_start3A_226] : memref<2x10000x128xf32, #tpu.memory_space<hbm>> -> memref<1x25x128xf32, #tpu.memory_space<hbm>>
      %dma_start3A_228 = tpu.memref_squeeze %dma_start3A_227 : memref<1x25x128xf32, #tpu.memory_space<hbm>> -> memref<25x128xf32, #tpu.memory_space<hbm>>
      %dma_start3A_229 = arith.constant 0 : i32
      %dma_start3A_230 = tpu.memref_slice %arg5[%arg0, %add3A_168, %dma_start3A_229] : memref<2x10000x128xf32, #tpu.memory_space<hbm>> -> memref<1x25x128xf32, #tpu.memory_space<hbm>>
      %dma_start3A_231 = tpu.memref_squeeze %dma_start3A_230 : memref<1x25x128xf32, #tpu.memory_space<hbm>> -> memref<25x128xf32, #tpu.memory_space<hbm>>
      tpu.enqueue_dma source(%arg10 : memref<25x128xf32, #tpu.memory_space<vmem>>) target(%dma_start3A_231 : memref<25x128xf32, #tpu.memory_space<hbm>>) target_semaphore(%run_scoped3A_225 : memref<!tpu.dma_semaphore, #tpu.memory_space<semaphore_mem>>)
      %dma_wait3A_232 = arith.constant 0 : i32
      %dma_wait3A_233 = tpu.memref_slice %arg5[%arg0, %add3A_168, %dma_wait3A_232] : memref<2x10000x128xf32, #tpu.memory_space<hbm>> -> memref<1x25x128xf32, #tpu.memory_space<hbm>>
      %dma_wait3A_234 = tpu.memref_squeeze %dma_wait3A_233 : memref<1x25x128xf32, #tpu.memory_space<hbm>> -> memref<25x128xf32, #tpu.memory_space<hbm>>
      %dma_wait3A_235 = arith.constant 0 : i32
      %dma_wait3A_236 = tpu.memref_slice %arg5[%arg0, %add3A_168, %dma_wait3A_235] : memref<2x10000x128xf32, #tpu.memory_space<hbm>> -> memref<1x25x128xf32, #tpu.memory_space<hbm>>
      %dma_wait3A_237 = tpu.memref_squeeze %dma_wait3A_236 : memref<1x25x128xf32, #tpu.memory_space<hbm>> -> memref<25x128xf32, #tpu.memory_space<hbm>>
      tpu.wait_dma2 semaphore(%run_scoped3A_225 : memref<!tpu.dma_semaphore, #tpu.memory_space<semaphore_mem>>) src(%arg10 : memref<25x128xf32, #tpu.memory_space<vmem>>) dst(%dma_wait3A_237 : memref<25x128xf32, #tpu.memory_space<hbm>>)
      tpu.yield
    }) : () -> ()
    %mul3A_169 = arith.constant 625 : i32
    %mul3A_170 = arith.muli %arg1, %mul3A_169 : i32
    %add3A_171 = arith.constant 275 : i32
    %add3A_172 = arith.addi %mul3A_170, %add3A_171 : i32
    "tpu.region"() ({
      %run_scoped3A_225 = tpu.sem_alloc : memref<!tpu.dma_semaphore, #tpu.memory_space<semaphore_mem>>
      %dma_start3A_226 = arith.constant 0 : i32
      %dma_start3A_227 = tpu.memref_slice %arg11[%add3A_172, %dma_start3A_226] : memref<10000x128xf32, #tpu.memory_space<vmem_shared>> -> memref<25x128xf32, #tpu.memory_space<vmem_shared>>
      %dma_start3A_228 = arith.constant 0 : i32
      %dma_start3A_229 = tpu.memref_slice %arg11[%add3A_172, %dma_start3A_228] : memref<10000x128xf32, #tpu.memory_space<vmem_shared>> -> memref<25x128xf32, #tpu.memory_space<vmem_shared>>
      tpu.enqueue_dma source(%dma_start3A_229 : memref<25x128xf32, #tpu.memory_space<vmem_shared>>) target(%arg10 : memref<25x128xf32, #tpu.memory_space<vmem>>) target_semaphore(%run_scoped3A_225 : memref<!tpu.dma_semaphore, #tpu.memory_space<semaphore_mem>>)
      %dma_wait3A_230 = arith.constant 0 : i32
      %dma_wait3A_231 = tpu.memref_slice %arg11[%add3A_172, %dma_wait3A_230] : memref<10000x128xf32, #tpu.memory_space<vmem_shared>> -> memref<25x128xf32, #tpu.memory_space<vmem_shared>>
      %dma_wait3A_232 = arith.constant 0 : i32
      %dma_wait3A_233 = tpu.memref_slice %arg11[%add3A_172, %dma_wait3A_232] : memref<10000x128xf32, #tpu.memory_space<vmem_shared>> -> memref<25x128xf32, #tpu.memory_space<vmem_shared>>
      tpu.wait_dma2 semaphore(%run_scoped3A_225 : memref<!tpu.dma_semaphore, #tpu.memory_space<semaphore_mem>>) src(%dma_wait3A_233 : memref<25x128xf32, #tpu.memory_space<vmem_shared>>) dst(%arg10 : memref<25x128xf32, #tpu.memory_space<vmem>>)
      tpu.yield
    }) : () -> ()
    "tpu.region"() ({
      %run_scoped3A_225 = tpu.sem_alloc : memref<!tpu.dma_semaphore, #tpu.memory_space<semaphore_mem>>
      %dma_start3A_226 = arith.constant 0 : i32
      %dma_start3A_227 = tpu.memref_slice %arg5[%arg0, %add3A_172, %dma_start3A_226] : memref<2x10000x128xf32, #tpu.memory_space<hbm>> -> memref<1x25x128xf32, #tpu.memory_space<hbm>>
      %dma_start3A_228 = tpu.memref_squeeze %dma_start3A_227 : memref<1x25x128xf32, #tpu.memory_space<hbm>> -> memref<25x128xf32, #tpu.memory_space<hbm>>
      %dma_start3A_229 = arith.constant 0 : i32
      %dma_start3A_230 = tpu.memref_slice %arg5[%arg0, %add3A_172, %dma_start3A_229] : memref<2x10000x128xf32, #tpu.memory_space<hbm>> -> memref<1x25x128xf32, #tpu.memory_space<hbm>>
      %dma_start3A_231 = tpu.memref_squeeze %dma_start3A_230 : memref<1x25x128xf32, #tpu.memory_space<hbm>> -> memref<25x128xf32, #tpu.memory_space<hbm>>
      tpu.enqueue_dma source(%arg10 : memref<25x128xf32, #tpu.memory_space<vmem>>) target(%dma_start3A_231 : memref<25x128xf32, #tpu.memory_space<hbm>>) target_semaphore(%run_scoped3A_225 : memref<!tpu.dma_semaphore, #tpu.memory_space<semaphore_mem>>)
      %dma_wait3A_232 = arith.constant 0 : i32
      %dma_wait3A_233 = tpu.memref_slice %arg5[%arg0, %add3A_172, %dma_wait3A_232] : memref<2x10000x128xf32, #tpu.memory_space<hbm>> -> memref<1x25x128xf32, #tpu.memory_space<hbm>>
      %dma_wait3A_234 = tpu.memref_squeeze %dma_wait3A_233 : memref<1x25x128xf32, #tpu.memory_space<hbm>> -> memref<25x128xf32, #tpu.memory_space<hbm>>
      %dma_wait3A_235 = arith.constant 0 : i32
      %dma_wait3A_236 = tpu.memref_slice %arg5[%arg0, %add3A_172, %dma_wait3A_235] : memref<2x10000x128xf32, #tpu.memory_space<hbm>> -> memref<1x25x128xf32, #tpu.memory_space<hbm>>
      %dma_wait3A_237 = tpu.memref_squeeze %dma_wait3A_236 : memref<1x25x128xf32, #tpu.memory_space<hbm>> -> memref<25x128xf32, #tpu.memory_space<hbm>>
      tpu.wait_dma2 semaphore(%run_scoped3A_225 : memref<!tpu.dma_semaphore, #tpu.memory_space<semaphore_mem>>) src(%arg10 : memref<25x128xf32, #tpu.memory_space<vmem>>) dst(%dma_wait3A_237 : memref<25x128xf32, #tpu.memory_space<hbm>>)
      tpu.yield
    }) : () -> ()
    %mul3A_173 = arith.constant 625 : i32
    %mul3A_174 = arith.muli %arg1, %mul3A_173 : i32
    %add3A_175 = arith.constant 300 : i32
    %add3A_176 = arith.addi %mul3A_174, %add3A_175 : i32
    "tpu.region"() ({
      %run_scoped3A_225 = tpu.sem_alloc : memref<!tpu.dma_semaphore, #tpu.memory_space<semaphore_mem>>
      %dma_start3A_226 = arith.constant 0 : i32
      %dma_start3A_227 = tpu.memref_slice %arg11[%add3A_176, %dma_start3A_226] : memref<10000x128xf32, #tpu.memory_space<vmem_shared>> -> memref<25x128xf32, #tpu.memory_space<vmem_shared>>
      %dma_start3A_228 = arith.constant 0 : i32
      %dma_start3A_229 = tpu.memref_slice %arg11[%add3A_176, %dma_start3A_228] : memref<10000x128xf32, #tpu.memory_space<vmem_shared>> -> memref<25x128xf32, #tpu.memory_space<vmem_shared>>
      tpu.enqueue_dma source(%dma_start3A_229 : memref<25x128xf32, #tpu.memory_space<vmem_shared>>) target(%arg10 : memref<25x128xf32, #tpu.memory_space<vmem>>) target_semaphore(%run_scoped3A_225 : memref<!tpu.dma_semaphore, #tpu.memory_space<semaphore_mem>>)
      %dma_wait3A_230 = arith.constant 0 : i32
      %dma_wait3A_231 = tpu.memref_slice %arg11[%add3A_176, %dma_wait3A_230] : memref<10000x128xf32, #tpu.memory_space<vmem_shared>> -> memref<25x128xf32, #tpu.memory_space<vmem_shared>>
      %dma_wait3A_232 = arith.constant 0 : i32
      %dma_wait3A_233 = tpu.memref_slice %arg11[%add3A_176, %dma_wait3A_232] : memref<10000x128xf32, #tpu.memory_space<vmem_shared>> -> memref<25x128xf32, #tpu.memory_space<vmem_shared>>
      tpu.wait_dma2 semaphore(%run_scoped3A_225 : memref<!tpu.dma_semaphore, #tpu.memory_space<semaphore_mem>>) src(%dma_wait3A_233 : memref<25x128xf32, #tpu.memory_space<vmem_shared>>) dst(%arg10 : memref<25x128xf32, #tpu.memory_space<vmem>>)
      tpu.yield
    }) : () -> ()
    "tpu.region"() ({
      %run_scoped3A_225 = tpu.sem_alloc : memref<!tpu.dma_semaphore, #tpu.memory_space<semaphore_mem>>
      %dma_start3A_226 = arith.constant 0 : i32
      %dma_start3A_227 = tpu.memref_slice %arg5[%arg0, %add3A_176, %dma_start3A_226] : memref<2x10000x128xf32, #tpu.memory_space<hbm>> -> memref<1x25x128xf32, #tpu.memory_space<hbm>>
      %dma_start3A_228 = tpu.memref_squeeze %dma_start3A_227 : memref<1x25x128xf32, #tpu.memory_space<hbm>> -> memref<25x128xf32, #tpu.memory_space<hbm>>
      %dma_start3A_229 = arith.constant 0 : i32
      %dma_start3A_230 = tpu.memref_slice %arg5[%arg0, %add3A_176, %dma_start3A_229] : memref<2x10000x128xf32, #tpu.memory_space<hbm>> -> memref<1x25x128xf32, #tpu.memory_space<hbm>>
      %dma_start3A_231 = tpu.memref_squeeze %dma_start3A_230 : memref<1x25x128xf32, #tpu.memory_space<hbm>> -> memref<25x128xf32, #tpu.memory_space<hbm>>
      tpu.enqueue_dma source(%arg10 : memref<25x128xf32, #tpu.memory_space<vmem>>) target(%dma_start3A_231 : memref<25x128xf32, #tpu.memory_space<hbm>>) target_semaphore(%run_scoped3A_225 : memref<!tpu.dma_semaphore, #tpu.memory_space<semaphore_mem>>)
      %dma_wait3A_232 = arith.constant 0 : i32
      %dma_wait3A_233 = tpu.memref_slice %arg5[%arg0, %add3A_176, %dma_wait3A_232] : memref<2x10000x128xf32, #tpu.memory_space<hbm>> -> memref<1x25x128xf32, #tpu.memory_space<hbm>>
      %dma_wait3A_234 = tpu.memref_squeeze %dma_wait3A_233 : memref<1x25x128xf32, #tpu.memory_space<hbm>> -> memref<25x128xf32, #tpu.memory_space<hbm>>
      %dma_wait3A_235 = arith.constant 0 : i32
      %dma_wait3A_236 = tpu.memref_slice %arg5[%arg0, %add3A_176, %dma_wait3A_235] : memref<2x10000x128xf32, #tpu.memory_space<hbm>> -> memref<1x25x128xf32, #tpu.memory_space<hbm>>
      %dma_wait3A_237 = tpu.memref_squeeze %dma_wait3A_236 : memref<1x25x128xf32, #tpu.memory_space<hbm>> -> memref<25x128xf32, #tpu.memory_space<hbm>>
      tpu.wait_dma2 semaphore(%run_scoped3A_225 : memref<!tpu.dma_semaphore, #tpu.memory_space<semaphore_mem>>) src(%arg10 : memref<25x128xf32, #tpu.memory_space<vmem>>) dst(%dma_wait3A_237 : memref<25x128xf32, #tpu.memory_space<hbm>>)
      tpu.yield
    }) : () -> ()
    %mul3A_177 = arith.constant 625 : i32
    %mul3A_178 = arith.muli %arg1, %mul3A_177 : i32
    %add3A_179 = arith.constant 325 : i32
    %add3A_180 = arith.addi %mul3A_178, %add3A_179 : i32
    "tpu.region"() ({
      %run_scoped3A_225 = tpu.sem_alloc : memref<!tpu.dma_semaphore, #tpu.memory_space<semaphore_mem>>
      %dma_start3A_226 = arith.constant 0 : i32
      %dma_start3A_227 = tpu.memref_slice %arg11[%add3A_180, %dma_start3A_226] : memref<10000x128xf32, #tpu.memory_space<vmem_shared>> -> memref<25x128xf32, #tpu.memory_space<vmem_shared>>
      %dma_start3A_228 = arith.constant 0 : i32
      %dma_start3A_229 = tpu.memref_slice %arg11[%add3A_180, %dma_start3A_228] : memref<10000x128xf32, #tpu.memory_space<vmem_shared>> -> memref<25x128xf32, #tpu.memory_space<vmem_shared>>
      tpu.enqueue_dma source(%dma_start3A_229 : memref<25x128xf32, #tpu.memory_space<vmem_shared>>) target(%arg10 : memref<25x128xf32, #tpu.memory_space<vmem>>) target_semaphore(%run_scoped3A_225 : memref<!tpu.dma_semaphore, #tpu.memory_space<semaphore_mem>>)
      %dma_wait3A_230 = arith.constant 0 : i32
      %dma_wait3A_231 = tpu.memref_slice %arg11[%add3A_180, %dma_wait3A_230] : memref<10000x128xf32, #tpu.memory_space<vmem_shared>> -> memref<25x128xf32, #tpu.memory_space<vmem_shared>>
      %dma_wait3A_232 = arith.constant 0 : i32
      %dma_wait3A_233 = tpu.memref_slice %arg11[%add3A_180, %dma_wait3A_232] : memref<10000x128xf32, #tpu.memory_space<vmem_shared>> -> memref<25x128xf32, #tpu.memory_space<vmem_shared>>
      tpu.wait_dma2 semaphore(%run_scoped3A_225 : memref<!tpu.dma_semaphore, #tpu.memory_space<semaphore_mem>>) src(%dma_wait3A_233 : memref<25x128xf32, #tpu.memory_space<vmem_shared>>) dst(%arg10 : memref<25x128xf32, #tpu.memory_space<vmem>>)
      tpu.yield
    }) : () -> ()
    "tpu.region"() ({
      %run_scoped3A_225 = tpu.sem_alloc : memref<!tpu.dma_semaphore, #tpu.memory_space<semaphore_mem>>
      %dma_start3A_226 = arith.constant 0 : i32
      %dma_start3A_227 = tpu.memref_slice %arg5[%arg0, %add3A_180, %dma_start3A_226] : memref<2x10000x128xf32, #tpu.memory_space<hbm>> -> memref<1x25x128xf32, #tpu.memory_space<hbm>>
      %dma_start3A_228 = tpu.memref_squeeze %dma_start3A_227 : memref<1x25x128xf32, #tpu.memory_space<hbm>> -> memref<25x128xf32, #tpu.memory_space<hbm>>
      %dma_start3A_229 = arith.constant 0 : i32
      %dma_start3A_230 = tpu.memref_slice %arg5[%arg0, %add3A_180, %dma_start3A_229] : memref<2x10000x128xf32, #tpu.memory_space<hbm>> -> memref<1x25x128xf32, #tpu.memory_space<hbm>>
      %dma_start3A_231 = tpu.memref_squeeze %dma_start3A_230 : memref<1x25x128xf32, #tpu.memory_space<hbm>> -> memref<25x128xf32, #tpu.memory_space<hbm>>
      tpu.enqueue_dma source(%arg10 : memref<25x128xf32, #tpu.memory_space<vmem>>) target(%dma_start3A_231 : memref<25x128xf32, #tpu.memory_space<hbm>>) target_semaphore(%run_scoped3A_225 : memref<!tpu.dma_semaphore, #tpu.memory_space<semaphore_mem>>)
      %dma_wait3A_232 = arith.constant 0 : i32
      %dma_wait3A_233 = tpu.memref_slice %arg5[%arg0, %add3A_180, %dma_wait3A_232] : memref<2x10000x128xf32, #tpu.memory_space<hbm>> -> memref<1x25x128xf32, #tpu.memory_space<hbm>>
      %dma_wait3A_234 = tpu.memref_squeeze %dma_wait3A_233 : memref<1x25x128xf32, #tpu.memory_space<hbm>> -> memref<25x128xf32, #tpu.memory_space<hbm>>
      %dma_wait3A_235 = arith.constant 0 : i32
      %dma_wait3A_236 = tpu.memref_slice %arg5[%arg0, %add3A_180, %dma_wait3A_235] : memref<2x10000x128xf32, #tpu.memory_space<hbm>> -> memref<1x25x128xf32, #tpu.memory_space<hbm>>
      %dma_wait3A_237 = tpu.memref_squeeze %dma_wait3A_236 : memref<1x25x128xf32, #tpu.memory_space<hbm>> -> memref<25x128xf32, #tpu.memory_space<hbm>>
      tpu.wait_dma2 semaphore(%run_scoped3A_225 : memref<!tpu.dma_semaphore, #tpu.memory_space<semaphore_mem>>) src(%arg10 : memref<25x128xf32, #tpu.memory_space<vmem>>) dst(%dma_wait3A_237 : memref<25x128xf32, #tpu.memory_space<hbm>>)
      tpu.yield
    }) : () -> ()
    %mul3A_181 = arith.constant 625 : i32
    %mul3A_182 = arith.muli %arg1, %mul3A_181 : i32
    %add3A_183 = arith.constant 350 : i32
    %add3A_184 = arith.addi %mul3A_182, %add3A_183 : i32
    "tpu.region"() ({
      %run_scoped3A_225 = tpu.sem_alloc : memref<!tpu.dma_semaphore, #tpu.memory_space<semaphore_mem>>
      %dma_start3A_226 = arith.constant 0 : i32
      %dma_start3A_227 = tpu.memref_slice %arg11[%add3A_184, %dma_start3A_226] : memref<10000x128xf32, #tpu.memory_space<vmem_shared>> -> memref<25x128xf32, #tpu.memory_space<vmem_shared>>
      %dma_start3A_228 = arith.constant 0 : i32
      %dma_start3A_229 = tpu.memref_slice %arg11[%add3A_184, %dma_start3A_228] : memref<10000x128xf32, #tpu.memory_space<vmem_shared>> -> memref<25x128xf32, #tpu.memory_space<vmem_shared>>
      tpu.enqueue_dma source(%dma_start3A_229 : memref<25x128xf32, #tpu.memory_space<vmem_shared>>) target(%arg10 : memref<25x128xf32, #tpu.memory_space<vmem>>) target_semaphore(%run_scoped3A_225 : memref<!tpu.dma_semaphore, #tpu.memory_space<semaphore_mem>>)
      %dma_wait3A_230 = arith.constant 0 : i32
      %dma_wait3A_231 = tpu.memref_slice %arg11[%add3A_184, %dma_wait3A_230] : memref<10000x128xf32, #tpu.memory_space<vmem_shared>> -> memref<25x128xf32, #tpu.memory_space<vmem_shared>>
      %dma_wait3A_232 = arith.constant 0 : i32
      %dma_wait3A_233 = tpu.memref_slice %arg11[%add3A_184, %dma_wait3A_232] : memref<10000x128xf32, #tpu.memory_space<vmem_shared>> -> memref<25x128xf32, #tpu.memory_space<vmem_shared>>
      tpu.wait_dma2 semaphore(%run_scoped3A_225 : memref<!tpu.dma_semaphore, #tpu.memory_space<semaphore_mem>>) src(%dma_wait3A_233 : memref<25x128xf32, #tpu.memory_space<vmem_shared>>) dst(%arg10 : memref<25x128xf32, #tpu.memory_space<vmem>>)
      tpu.yield
    }) : () -> ()
    "tpu.region"() ({
      %run_scoped3A_225 = tpu.sem_alloc : memref<!tpu.dma_semaphore, #tpu.memory_space<semaphore_mem>>
      %dma_start3A_226 = arith.constant 0 : i32
      %dma_start3A_227 = tpu.memref_slice %arg5[%arg0, %add3A_184, %dma_start3A_226] : memref<2x10000x128xf32, #tpu.memory_space<hbm>> -> memref<1x25x128xf32, #tpu.memory_space<hbm>>
      %dma_start3A_228 = tpu.memref_squeeze %dma_start3A_227 : memref<1x25x128xf32, #tpu.memory_space<hbm>> -> memref<25x128xf32, #tpu.memory_space<hbm>>
      %dma_start3A_229 = arith.constant 0 : i32
      %dma_start3A_230 = tpu.memref_slice %arg5[%arg0, %add3A_184, %dma_start3A_229] : memref<2x10000x128xf32, #tpu.memory_space<hbm>> -> memref<1x25x128xf32, #tpu.memory_space<hbm>>
      %dma_start3A_231 = tpu.memref_squeeze %dma_start3A_230 : memref<1x25x128xf32, #tpu.memory_space<hbm>> -> memref<25x128xf32, #tpu.memory_space<hbm>>
      tpu.enqueue_dma source(%arg10 : memref<25x128xf32, #tpu.memory_space<vmem>>) target(%dma_start3A_231 : memref<25x128xf32, #tpu.memory_space<hbm>>) target_semaphore(%run_scoped3A_225 : memref<!tpu.dma_semaphore, #tpu.memory_space<semaphore_mem>>)
      %dma_wait3A_232 = arith.constant 0 : i32
      %dma_wait3A_233 = tpu.memref_slice %arg5[%arg0, %add3A_184, %dma_wait3A_232] : memref<2x10000x128xf32, #tpu.memory_space<hbm>> -> memref<1x25x128xf32, #tpu.memory_space<hbm>>
      %dma_wait3A_234 = tpu.memref_squeeze %dma_wait3A_233 : memref<1x25x128xf32, #tpu.memory_space<hbm>> -> memref<25x128xf32, #tpu.memory_space<hbm>>
      %dma_wait3A_235 = arith.constant 0 : i32
      %dma_wait3A_236 = tpu.memref_slice %arg5[%arg0, %add3A_184, %dma_wait3A_235] : memref<2x10000x128xf32, #tpu.memory_space<hbm>> -> memref<1x25x128xf32, #tpu.memory_space<hbm>>
      %dma_wait3A_237 = tpu.memref_squeeze %dma_wait3A_236 : memref<1x25x128xf32, #tpu.memory_space<hbm>> -> memref<25x128xf32, #tpu.memory_space<hbm>>
      tpu.wait_dma2 semaphore(%run_scoped3A_225 : memref<!tpu.dma_semaphore, #tpu.memory_space<semaphore_mem>>) src(%arg10 : memref<25x128xf32, #tpu.memory_space<vmem>>) dst(%dma_wait3A_237 : memref<25x128xf32, #tpu.memory_space<hbm>>)
      tpu.yield
    }) : () -> ()
    %mul3A_185 = arith.constant 625 : i32
    %mul3A_186 = arith.muli %arg1, %mul3A_185 : i32
    %add3A_187 = arith.constant 375 : i32
    %add3A_188 = arith.addi %mul3A_186, %add3A_187 : i32
    "tpu.region"() ({
      %run_scoped3A_225 = tpu.sem_alloc : memref<!tpu.dma_semaphore, #tpu.memory_space<semaphore_mem>>
      %dma_start3A_226 = arith.constant 0 : i32
      %dma_start3A_227 = tpu.memref_slice %arg11[%add3A_188, %dma_start3A_226] : memref<10000x128xf32, #tpu.memory_space<vmem_shared>> -> memref<25x128xf32, #tpu.memory_space<vmem_shared>>
      %dma_start3A_228 = arith.constant 0 : i32
      %dma_start3A_229 = tpu.memref_slice %arg11[%add3A_188, %dma_start3A_228] : memref<10000x128xf32, #tpu.memory_space<vmem_shared>> -> memref<25x128xf32, #tpu.memory_space<vmem_shared>>
      tpu.enqueue_dma source(%dma_start3A_229 : memref<25x128xf32, #tpu.memory_space<vmem_shared>>) target(%arg10 : memref<25x128xf32, #tpu.memory_space<vmem>>) target_semaphore(%run_scoped3A_225 : memref<!tpu.dma_semaphore, #tpu.memory_space<semaphore_mem>>)
      %dma_wait3A_230 = arith.constant 0 : i32
      %dma_wait3A_231 = tpu.memref_slice %arg11[%add3A_188, %dma_wait3A_230] : memref<10000x128xf32, #tpu.memory_space<vmem_shared>> -> memref<25x128xf32, #tpu.memory_space<vmem_shared>>
      %dma_wait3A_232 = arith.constant 0 : i32
      %dma_wait3A_233 = tpu.memref_slice %arg11[%add3A_188, %dma_wait3A_232] : memref<10000x128xf32, #tpu.memory_space<vmem_shared>> -> memref<25x128xf32, #tpu.memory_space<vmem_shared>>
      tpu.wait_dma2 semaphore(%run_scoped3A_225 : memref<!tpu.dma_semaphore, #tpu.memory_space<semaphore_mem>>) src(%dma_wait3A_233 : memref<25x128xf32, #tpu.memory_space<vmem_shared>>) dst(%arg10 : memref<25x128xf32, #tpu.memory_space<vmem>>)
      tpu.yield
    }) : () -> ()
    "tpu.region"() ({
      %run_scoped3A_225 = tpu.sem_alloc : memref<!tpu.dma_semaphore, #tpu.memory_space<semaphore_mem>>
      %dma_start3A_226 = arith.constant 0 : i32
      %dma_start3A_227 = tpu.memref_slice %arg5[%arg0, %add3A_188, %dma_start3A_226] : memref<2x10000x128xf32, #tpu.memory_space<hbm>> -> memref<1x25x128xf32, #tpu.memory_space<hbm>>
      %dma_start3A_228 = tpu.memref_squeeze %dma_start3A_227 : memref<1x25x128xf32, #tpu.memory_space<hbm>> -> memref<25x128xf32, #tpu.memory_space<hbm>>
      %dma_start3A_229 = arith.constant 0 : i32
      %dma_start3A_230 = tpu.memref_slice %arg5[%arg0, %add3A_188, %dma_start3A_229] : memref<2x10000x128xf32, #tpu.memory_space<hbm>> -> memref<1x25x128xf32, #tpu.memory_space<hbm>>
      %dma_start3A_231 = tpu.memref_squeeze %dma_start3A_230 : memref<1x25x128xf32, #tpu.memory_space<hbm>> -> memref<25x128xf32, #tpu.memory_space<hbm>>
      tpu.enqueue_dma source(%arg10 : memref<25x128xf32, #tpu.memory_space<vmem>>) target(%dma_start3A_231 : memref<25x128xf32, #tpu.memory_space<hbm>>) target_semaphore(%run_scoped3A_225 : memref<!tpu.dma_semaphore, #tpu.memory_space<semaphore_mem>>)
      %dma_wait3A_232 = arith.constant 0 : i32
      %dma_wait3A_233 = tpu.memref_slice %arg5[%arg0, %add3A_188, %dma_wait3A_232] : memref<2x10000x128xf32, #tpu.memory_space<hbm>> -> memref<1x25x128xf32, #tpu.memory_space<hbm>>
      %dma_wait3A_234 = tpu.memref_squeeze %dma_wait3A_233 : memref<1x25x128xf32, #tpu.memory_space<hbm>> -> memref<25x128xf32, #tpu.memory_space<hbm>>
      %dma_wait3A_235 = arith.constant 0 : i32
      %dma_wait3A_236 = tpu.memref_slice %arg5[%arg0, %add3A_188, %dma_wait3A_235] : memref<2x10000x128xf32, #tpu.memory_space<hbm>> -> memref<1x25x128xf32, #tpu.memory_space<hbm>>
      %dma_wait3A_237 = tpu.memref_squeeze %dma_wait3A_236 : memref<1x25x128xf32, #tpu.memory_space<hbm>> -> memref<25x128xf32, #tpu.memory_space<hbm>>
      tpu.wait_dma2 semaphore(%run_scoped3A_225 : memref<!tpu.dma_semaphore, #tpu.memory_space<semaphore_mem>>) src(%arg10 : memref<25x128xf32, #tpu.memory_space<vmem>>) dst(%dma_wait3A_237 : memref<25x128xf32, #tpu.memory_space<hbm>>)
      tpu.yield
    }) : () -> ()
    %mul3A_189 = arith.constant 625 : i32
    %mul3A_190 = arith.muli %arg1, %mul3A_189 : i32
    %add3A_191 = arith.constant 400 : i32
    %add3A_192 = arith.addi %mul3A_190, %add3A_191 : i32
    "tpu.region"() ({
      %run_scoped3A_225 = tpu.sem_alloc : memref<!tpu.dma_semaphore, #tpu.memory_space<semaphore_mem>>
      %dma_start3A_226 = arith.constant 0 : i32
      %dma_start3A_227 = tpu.memref_slice %arg11[%add3A_192, %dma_start3A_226] : memref<10000x128xf32, #tpu.memory_space<vmem_shared>> -> memref<25x128xf32, #tpu.memory_space<vmem_shared>>
      %dma_start3A_228 = arith.constant 0 : i32
      %dma_start3A_229 = tpu.memref_slice %arg11[%add3A_192, %dma_start3A_228] : memref<10000x128xf32, #tpu.memory_space<vmem_shared>> -> memref<25x128xf32, #tpu.memory_space<vmem_shared>>
      tpu.enqueue_dma source(%dma_start3A_229 : memref<25x128xf32, #tpu.memory_space<vmem_shared>>) target(%arg10 : memref<25x128xf32, #tpu.memory_space<vmem>>) target_semaphore(%run_scoped3A_225 : memref<!tpu.dma_semaphore, #tpu.memory_space<semaphore_mem>>)
      %dma_wait3A_230 = arith.constant 0 : i32
      %dma_wait3A_231 = tpu.memref_slice %arg11[%add3A_192, %dma_wait3A_230] : memref<10000x128xf32, #tpu.memory_space<vmem_shared>> -> memref<25x128xf32, #tpu.memory_space<vmem_shared>>
      %dma_wait3A_232 = arith.constant 0 : i32
      %dma_wait3A_233 = tpu.memref_slice %arg11[%add3A_192, %dma_wait3A_232] : memref<10000x128xf32, #tpu.memory_space<vmem_shared>> -> memref<25x128xf32, #tpu.memory_space<vmem_shared>>
      tpu.wait_dma2 semaphore(%run_scoped3A_225 : memref<!tpu.dma_semaphore, #tpu.memory_space<semaphore_mem>>) src(%dma_wait3A_233 : memref<25x128xf32, #tpu.memory_space<vmem_shared>>) dst(%arg10 : memref<25x128xf32, #tpu.memory_space<vmem>>)
      tpu.yield
    }) : () -> ()
    "tpu.region"() ({
      %run_scoped3A_225 = tpu.sem_alloc : memref<!tpu.dma_semaphore, #tpu.memory_space<semaphore_mem>>
      %dma_start3A_226 = arith.constant 0 : i32
      %dma_start3A_227 = tpu.memref_slice %arg5[%arg0, %add3A_192, %dma_start3A_226] : memref<2x10000x128xf32, #tpu.memory_space<hbm>> -> memref<1x25x128xf32, #tpu.memory_space<hbm>>
      %dma_start3A_228 = tpu.memref_squeeze %dma_start3A_227 : memref<1x25x128xf32, #tpu.memory_space<hbm>> -> memref<25x128xf32, #tpu.memory_space<hbm>>
      %dma_start3A_229 = arith.constant 0 : i32
      %dma_start3A_230 = tpu.memref_slice %arg5[%arg0, %add3A_192, %dma_start3A_229] : memref<2x10000x128xf32, #tpu.memory_space<hbm>> -> memref<1x25x128xf32, #tpu.memory_space<hbm>>
      %dma_start3A_231 = tpu.memref_squeeze %dma_start3A_230 : memref<1x25x128xf32, #tpu.memory_space<hbm>> -> memref<25x128xf32, #tpu.memory_space<hbm>>
      tpu.enqueue_dma source(%arg10 : memref<25x128xf32, #tpu.memory_space<vmem>>) target(%dma_start3A_231 : memref<25x128xf32, #tpu.memory_space<hbm>>) target_semaphore(%run_scoped3A_225 : memref<!tpu.dma_semaphore, #tpu.memory_space<semaphore_mem>>)
      %dma_wait3A_232 = arith.constant 0 : i32
      %dma_wait3A_233 = tpu.memref_slice %arg5[%arg0, %add3A_192, %dma_wait3A_232] : memref<2x10000x128xf32, #tpu.memory_space<hbm>> -> memref<1x25x128xf32, #tpu.memory_space<hbm>>
      %dma_wait3A_234 = tpu.memref_squeeze %dma_wait3A_233 : memref<1x25x128xf32, #tpu.memory_space<hbm>> -> memref<25x128xf32, #tpu.memory_space<hbm>>
      %dma_wait3A_235 = arith.constant 0 : i32
      %dma_wait3A_236 = tpu.memref_slice %arg5[%arg0, %add3A_192, %dma_wait3A_235] : memref<2x10000x128xf32, #tpu.memory_space<hbm>> -> memref<1x25x128xf32, #tpu.memory_space<hbm>>
      %dma_wait3A_237 = tpu.memref_squeeze %dma_wait3A_236 : memref<1x25x128xf32, #tpu.memory_space<hbm>> -> memref<25x128xf32, #tpu.memory_space<hbm>>
      tpu.wait_dma2 semaphore(%run_scoped3A_225 : memref<!tpu.dma_semaphore, #tpu.memory_space<semaphore_mem>>) src(%arg10 : memref<25x128xf32, #tpu.memory_space<vmem>>) dst(%dma_wait3A_237 : memref<25x128xf32, #tpu.memory_space<hbm>>)
      tpu.yield
    }) : () -> ()
    %mul3A_193 = arith.constant 625 : i32
    %mul3A_194 = arith.muli %arg1, %mul3A_193 : i32
    %add3A_195 = arith.constant 425 : i32
    %add3A_196 = arith.addi %mul3A_194, %add3A_195 : i32
    "tpu.region"() ({
      %run_scoped3A_225 = tpu.sem_alloc : memref<!tpu.dma_semaphore, #tpu.memory_space<semaphore_mem>>
      %dma_start3A_226 = arith.constant 0 : i32
      %dma_start3A_227 = tpu.memref_slice %arg11[%add3A_196, %dma_start3A_226] : memref<10000x128xf32, #tpu.memory_space<vmem_shared>> -> memref<25x128xf32, #tpu.memory_space<vmem_shared>>
      %dma_start3A_228 = arith.constant 0 : i32
      %dma_start3A_229 = tpu.memref_slice %arg11[%add3A_196, %dma_start3A_228] : memref<10000x128xf32, #tpu.memory_space<vmem_shared>> -> memref<25x128xf32, #tpu.memory_space<vmem_shared>>
      tpu.enqueue_dma source(%dma_start3A_229 : memref<25x128xf32, #tpu.memory_space<vmem_shared>>) target(%arg10 : memref<25x128xf32, #tpu.memory_space<vmem>>) target_semaphore(%run_scoped3A_225 : memref<!tpu.dma_semaphore, #tpu.memory_space<semaphore_mem>>)
      %dma_wait3A_230 = arith.constant 0 : i32
      %dma_wait3A_231 = tpu.memref_slice %arg11[%add3A_196, %dma_wait3A_230] : memref<10000x128xf32, #tpu.memory_space<vmem_shared>> -> memref<25x128xf32, #tpu.memory_space<vmem_shared>>
      %dma_wait3A_232 = arith.constant 0 : i32
      %dma_wait3A_233 = tpu.memref_slice %arg11[%add3A_196, %dma_wait3A_232] : memref<10000x128xf32, #tpu.memory_space<vmem_shared>> -> memref<25x128xf32, #tpu.memory_space<vmem_shared>>
      tpu.wait_dma2 semaphore(%run_scoped3A_225 : memref<!tpu.dma_semaphore, #tpu.memory_space<semaphore_mem>>) src(%dma_wait3A_233 : memref<25x128xf32, #tpu.memory_space<vmem_shared>>) dst(%arg10 : memref<25x128xf32, #tpu.memory_space<vmem>>)
      tpu.yield
    }) : () -> ()
    "tpu.region"() ({
      %run_scoped3A_225 = tpu.sem_alloc : memref<!tpu.dma_semaphore, #tpu.memory_space<semaphore_mem>>
      %dma_start3A_226 = arith.constant 0 : i32
      %dma_start3A_227 = tpu.memref_slice %arg5[%arg0, %add3A_196, %dma_start3A_226] : memref<2x10000x128xf32, #tpu.memory_space<hbm>> -> memref<1x25x128xf32, #tpu.memory_space<hbm>>
      %dma_start3A_228 = tpu.memref_squeeze %dma_start3A_227 : memref<1x25x128xf32, #tpu.memory_space<hbm>> -> memref<25x128xf32, #tpu.memory_space<hbm>>
      %dma_start3A_229 = arith.constant 0 : i32
      %dma_start3A_230 = tpu.memref_slice %arg5[%arg0, %add3A_196, %dma_start3A_229] : memref<2x10000x128xf32, #tpu.memory_space<hbm>> -> memref<1x25x128xf32, #tpu.memory_space<hbm>>
      %dma_start3A_231 = tpu.memref_squeeze %dma_start3A_230 : memref<1x25x128xf32, #tpu.memory_space<hbm>> -> memref<25x128xf32, #tpu.memory_space<hbm>>
      tpu.enqueue_dma source(%arg10 : memref<25x128xf32, #tpu.memory_space<vmem>>) target(%dma_start3A_231 : memref<25x128xf32, #tpu.memory_space<hbm>>) target_semaphore(%run_scoped3A_225 : memref<!tpu.dma_semaphore, #tpu.memory_space<semaphore_mem>>)
      %dma_wait3A_232 = arith.constant 0 : i32
      %dma_wait3A_233 = tpu.memref_slice %arg5[%arg0, %add3A_196, %dma_wait3A_232] : memref<2x10000x128xf32, #tpu.memory_space<hbm>> -> memref<1x25x128xf32, #tpu.memory_space<hbm>>
      %dma_wait3A_234 = tpu.memref_squeeze %dma_wait3A_233 : memref<1x25x128xf32, #tpu.memory_space<hbm>> -> memref<25x128xf32, #tpu.memory_space<hbm>>
      %dma_wait3A_235 = arith.constant 0 : i32
      %dma_wait3A_236 = tpu.memref_slice %arg5[%arg0, %add3A_196, %dma_wait3A_235] : memref<2x10000x128xf32, #tpu.memory_space<hbm>> -> memref<1x25x128xf32, #tpu.memory_space<hbm>>
      %dma_wait3A_237 = tpu.memref_squeeze %dma_wait3A_236 : memref<1x25x128xf32, #tpu.memory_space<hbm>> -> memref<25x128xf32, #tpu.memory_space<hbm>>
      tpu.wait_dma2 semaphore(%run_scoped3A_225 : memref<!tpu.dma_semaphore, #tpu.memory_space<semaphore_mem>>) src(%arg10 : memref<25x128xf32, #tpu.memory_space<vmem>>) dst(%dma_wait3A_237 : memref<25x128xf32, #tpu.memory_space<hbm>>)
      tpu.yield
    }) : () -> ()
    %mul3A_197 = arith.constant 625 : i32
    %mul3A_198 = arith.muli %arg1, %mul3A_197 : i32
    %add3A_199 = arith.constant 450 : i32
    %add3A_200 = arith.addi %mul3A_198, %add3A_199 : i32
    "tpu.region"() ({
      %run_scoped3A_225 = tpu.sem_alloc : memref<!tpu.dma_semaphore, #tpu.memory_space<semaphore_mem>>
      %dma_start3A_226 = arith.constant 0 : i32
      %dma_start3A_227 = tpu.memref_slice %arg11[%add3A_200, %dma_start3A_226] : memref<10000x128xf32, #tpu.memory_space<vmem_shared>> -> memref<25x128xf32, #tpu.memory_space<vmem_shared>>
      %dma_start3A_228 = arith.constant 0 : i32
      %dma_start3A_229 = tpu.memref_slice %arg11[%add3A_200, %dma_start3A_228] : memref<10000x128xf32, #tpu.memory_space<vmem_shared>> -> memref<25x128xf32, #tpu.memory_space<vmem_shared>>
      tpu.enqueue_dma source(%dma_start3A_229 : memref<25x128xf32, #tpu.memory_space<vmem_shared>>) target(%arg10 : memref<25x128xf32, #tpu.memory_space<vmem>>) target_semaphore(%run_scoped3A_225 : memref<!tpu.dma_semaphore, #tpu.memory_space<semaphore_mem>>)
      %dma_wait3A_230 = arith.constant 0 : i32
      %dma_wait3A_231 = tpu.memref_slice %arg11[%add3A_200, %dma_wait3A_230] : memref<10000x128xf32, #tpu.memory_space<vmem_shared>> -> memref<25x128xf32, #tpu.memory_space<vmem_shared>>
      %dma_wait3A_232 = arith.constant 0 : i32
      %dma_wait3A_233 = tpu.memref_slice %arg11[%add3A_200, %dma_wait3A_232] : memref<10000x128xf32, #tpu.memory_space<vmem_shared>> -> memref<25x128xf32, #tpu.memory_space<vmem_shared>>
      tpu.wait_dma2 semaphore(%run_scoped3A_225 : memref<!tpu.dma_semaphore, #tpu.memory_space<semaphore_mem>>) src(%dma_wait3A_233 : memref<25x128xf32, #tpu.memory_space<vmem_shared>>) dst(%arg10 : memref<25x128xf32, #tpu.memory_space<vmem>>)
      tpu.yield
    }) : () -> ()
    "tpu.region"() ({
      %run_scoped3A_225 = tpu.sem_alloc : memref<!tpu.dma_semaphore, #tpu.memory_space<semaphore_mem>>
      %dma_start3A_226 = arith.constant 0 : i32
      %dma_start3A_227 = tpu.memref_slice %arg5[%arg0, %add3A_200, %dma_start3A_226] : memref<2x10000x128xf32, #tpu.memory_space<hbm>> -> memref<1x25x128xf32, #tpu.memory_space<hbm>>
      %dma_start3A_228 = tpu.memref_squeeze %dma_start3A_227 : memref<1x25x128xf32, #tpu.memory_space<hbm>> -> memref<25x128xf32, #tpu.memory_space<hbm>>
      %dma_start3A_229 = arith.constant 0 : i32
      %dma_start3A_230 = tpu.memref_slice %arg5[%arg0, %add3A_200, %dma_start3A_229] : memref<2x10000x128xf32, #tpu.memory_space<hbm>> -> memref<1x25x128xf32, #tpu.memory_space<hbm>>
      %dma_start3A_231 = tpu.memref_squeeze %dma_start3A_230 : memref<1x25x128xf32, #tpu.memory_space<hbm>> -> memref<25x128xf32, #tpu.memory_space<hbm>>
      tpu.enqueue_dma source(%arg10 : memref<25x128xf32, #tpu.memory_space<vmem>>) target(%dma_start3A_231 : memref<25x128xf32, #tpu.memory_space<hbm>>) target_semaphore(%run_scoped3A_225 : memref<!tpu.dma_semaphore, #tpu.memory_space<semaphore_mem>>)
      %dma_wait3A_232 = arith.constant 0 : i32
      %dma_wait3A_233 = tpu.memref_slice %arg5[%arg0, %add3A_200, %dma_wait3A_232] : memref<2x10000x128xf32, #tpu.memory_space<hbm>> -> memref<1x25x128xf32, #tpu.memory_space<hbm>>
      %dma_wait3A_234 = tpu.memref_squeeze %dma_wait3A_233 : memref<1x25x128xf32, #tpu.memory_space<hbm>> -> memref<25x128xf32, #tpu.memory_space<hbm>>
      %dma_wait3A_235 = arith.constant 0 : i32
      %dma_wait3A_236 = tpu.memref_slice %arg5[%arg0, %add3A_200, %dma_wait3A_235] : memref<2x10000x128xf32, #tpu.memory_space<hbm>> -> memref<1x25x128xf32, #tpu.memory_space<hbm>>
      %dma_wait3A_237 = tpu.memref_squeeze %dma_wait3A_236 : memref<1x25x128xf32, #tpu.memory_space<hbm>> -> memref<25x128xf32, #tpu.memory_space<hbm>>
      tpu.wait_dma2 semaphore(%run_scoped3A_225 : memref<!tpu.dma_semaphore, #tpu.memory_space<semaphore_mem>>) src(%arg10 : memref<25x128xf32, #tpu.memory_space<vmem>>) dst(%dma_wait3A_237 : memref<25x128xf32, #tpu.memory_space<hbm>>)
      tpu.yield
    }) : () -> ()
    %mul3A_201 = arith.constant 625 : i32
    %mul3A_202 = arith.muli %arg1, %mul3A_201 : i32
    %add3A_203 = arith.constant 475 : i32
    %add3A_204 = arith.addi %mul3A_202, %add3A_203 : i32
    "tpu.region"() ({
      %run_scoped3A_225 = tpu.sem_alloc : memref<!tpu.dma_semaphore, #tpu.memory_space<semaphore_mem>>
      %dma_start3A_226 = arith.constant 0 : i32
      %dma_start3A_227 = tpu.memref_slice %arg11[%add3A_204, %dma_start3A_226] : memref<10000x128xf32, #tpu.memory_space<vmem_shared>> -> memref<25x128xf32, #tpu.memory_space<vmem_shared>>
      %dma_start3A_228 = arith.constant 0 : i32
      %dma_start3A_229 = tpu.memref_slice %arg11[%add3A_204, %dma_start3A_228] : memref<10000x128xf32, #tpu.memory_space<vmem_shared>> -> memref<25x128xf32, #tpu.memory_space<vmem_shared>>
      tpu.enqueue_dma source(%dma_start3A_229 : memref<25x128xf32, #tpu.memory_space<vmem_shared>>) target(%arg10 : memref<25x128xf32, #tpu.memory_space<vmem>>) target_semaphore(%run_scoped3A_225 : memref<!tpu.dma_semaphore, #tpu.memory_space<semaphore_mem>>)
      %dma_wait3A_230 = arith.constant 0 : i32
      %dma_wait3A_231 = tpu.memref_slice %arg11[%add3A_204, %dma_wait3A_230] : memref<10000x128xf32, #tpu.memory_space<vmem_shared>> -> memref<25x128xf32, #tpu.memory_space<vmem_shared>>
      %dma_wait3A_232 = arith.constant 0 : i32
      %dma_wait3A_233 = tpu.memref_slice %arg11[%add3A_204, %dma_wait3A_232] : memref<10000x128xf32, #tpu.memory_space<vmem_shared>> -> memref<25x128xf32, #tpu.memory_space<vmem_shared>>
      tpu.wait_dma2 semaphore(%run_scoped3A_225 : memref<!tpu.dma_semaphore, #tpu.memory_space<semaphore_mem>>) src(%dma_wait3A_233 : memref<25x128xf32, #tpu.memory_space<vmem_shared>>) dst(%arg10 : memref<25x128xf32, #tpu.memory_space<vmem>>)
      tpu.yield
    }) : () -> ()
    "tpu.region"() ({
      %run_scoped3A_225 = tpu.sem_alloc : memref<!tpu.dma_semaphore, #tpu.memory_space<semaphore_mem>>
      %dma_start3A_226 = arith.constant 0 : i32
      %dma_start3A_227 = tpu.memref_slice %arg5[%arg0, %add3A_204, %dma_start3A_226] : memref<2x10000x128xf32, #tpu.memory_space<hbm>> -> memref<1x25x128xf32, #tpu.memory_space<hbm>>
      %dma_start3A_228 = tpu.memref_squeeze %dma_start3A_227 : memref<1x25x128xf32, #tpu.memory_space<hbm>> -> memref<25x128xf32, #tpu.memory_space<hbm>>
      %dma_start3A_229 = arith.constant 0 : i32
      %dma_start3A_230 = tpu.memref_slice %arg5[%arg0, %add3A_204, %dma_start3A_229] : memref<2x10000x128xf32, #tpu.memory_space<hbm>> -> memref<1x25x128xf32, #tpu.memory_space<hbm>>
      %dma_start3A_231 = tpu.memref_squeeze %dma_start3A_230 : memref<1x25x128xf32, #tpu.memory_space<hbm>> -> memref<25x128xf32, #tpu.memory_space<hbm>>
      tpu.enqueue_dma source(%arg10 : memref<25x128xf32, #tpu.memory_space<vmem>>) target(%dma_start3A_231 : memref<25x128xf32, #tpu.memory_space<hbm>>) target_semaphore(%run_scoped3A_225 : memref<!tpu.dma_semaphore, #tpu.memory_space<semaphore_mem>>)
      %dma_wait3A_232 = arith.constant 0 : i32
      %dma_wait3A_233 = tpu.memref_slice %arg5[%arg0, %add3A_204, %dma_wait3A_232] : memref<2x10000x128xf32, #tpu.memory_space<hbm>> -> memref<1x25x128xf32, #tpu.memory_space<hbm>>
      %dma_wait3A_234 = tpu.memref_squeeze %dma_wait3A_233 : memref<1x25x128xf32, #tpu.memory_space<hbm>> -> memref<25x128xf32, #tpu.memory_space<hbm>>
      %dma_wait3A_235 = arith.constant 0 : i32
      %dma_wait3A_236 = tpu.memref_slice %arg5[%arg0, %add3A_204, %dma_wait3A_235] : memref<2x10000x128xf32, #tpu.memory_space<hbm>> -> memref<1x25x128xf32, #tpu.memory_space<hbm>>
      %dma_wait3A_237 = tpu.memref_squeeze %dma_wait3A_236 : memref<1x25x128xf32, #tpu.memory_space<hbm>> -> memref<25x128xf32, #tpu.memory_space<hbm>>
      tpu.wait_dma2 semaphore(%run_scoped3A_225 : memref<!tpu.dma_semaphore, #tpu.memory_space<semaphore_mem>>) src(%arg10 : memref<25x128xf32, #tpu.memory_space<vmem>>) dst(%dma_wait3A_237 : memref<25x128xf32, #tpu.memory_space<hbm>>)
      tpu.yield
    }) : () -> ()
    %mul3A_205 = arith.constant 625 : i32
    %mul3A_206 = arith.muli %arg1, %mul3A_205 : i32
    %add3A_207 = arith.constant 500 : i32
    %add3A_208 = arith.addi %mul3A_206, %add3A_207 : i32
    "tpu.region"() ({
      %run_scoped3A_225 = tpu.sem_alloc : memref<!tpu.dma_semaphore, #tpu.memory_space<semaphore_mem>>
      %dma_start3A_226 = arith.constant 0 : i32
      %dma_start3A_227 = tpu.memref_slice %arg11[%add3A_208, %dma_start3A_226] : memref<10000x128xf32, #tpu.memory_space<vmem_shared>> -> memref<25x128xf32, #tpu.memory_space<vmem_shared>>
      %dma_start3A_228 = arith.constant 0 : i32
      %dma_start3A_229 = tpu.memref_slice %arg11[%add3A_208, %dma_start3A_228] : memref<10000x128xf32, #tpu.memory_space<vmem_shared>> -> memref<25x128xf32, #tpu.memory_space<vmem_shared>>
      tpu.enqueue_dma source(%dma_start3A_229 : memref<25x128xf32, #tpu.memory_space<vmem_shared>>) target(%arg10 : memref<25x128xf32, #tpu.memory_space<vmem>>) target_semaphore(%run_scoped3A_225 : memref<!tpu.dma_semaphore, #tpu.memory_space<semaphore_mem>>)
      %dma_wait3A_230 = arith.constant 0 : i32
      %dma_wait3A_231 = tpu.memref_slice %arg11[%add3A_208, %dma_wait3A_230] : memref<10000x128xf32, #tpu.memory_space<vmem_shared>> -> memref<25x128xf32, #tpu.memory_space<vmem_shared>>
      %dma_wait3A_232 = arith.constant 0 : i32
      %dma_wait3A_233 = tpu.memref_slice %arg11[%add3A_208, %dma_wait3A_232] : memref<10000x128xf32, #tpu.memory_space<vmem_shared>> -> memref<25x128xf32, #tpu.memory_space<vmem_shared>>
      tpu.wait_dma2 semaphore(%run_scoped3A_225 : memref<!tpu.dma_semaphore, #tpu.memory_space<semaphore_mem>>) src(%dma_wait3A_233 : memref<25x128xf32, #tpu.memory_space<vmem_shared>>) dst(%arg10 : memref<25x128xf32, #tpu.memory_space<vmem>>)
      tpu.yield
    }) : () -> ()
    "tpu.region"() ({
      %run_scoped3A_225 = tpu.sem_alloc : memref<!tpu.dma_semaphore, #tpu.memory_space<semaphore_mem>>
      %dma_start3A_226 = arith.constant 0 : i32
      %dma_start3A_227 = tpu.memref_slice %arg5[%arg0, %add3A_208, %dma_start3A_226] : memref<2x10000x128xf32, #tpu.memory_space<hbm>> -> memref<1x25x128xf32, #tpu.memory_space<hbm>>
      %dma_start3A_228 = tpu.memref_squeeze %dma_start3A_227 : memref<1x25x128xf32, #tpu.memory_space<hbm>> -> memref<25x128xf32, #tpu.memory_space<hbm>>
      %dma_start3A_229 = arith.constant 0 : i32
      %dma_start3A_230 = tpu.memref_slice %arg5[%arg0, %add3A_208, %dma_start3A_229] : memref<2x10000x128xf32, #tpu.memory_space<hbm>> -> memref<1x25x128xf32, #tpu.memory_space<hbm>>
      %dma_start3A_231 = tpu.memref_squeeze %dma_start3A_230 : memref<1x25x128xf32, #tpu.memory_space<hbm>> -> memref<25x128xf32, #tpu.memory_space<hbm>>
      tpu.enqueue_dma source(%arg10 : memref<25x128xf32, #tpu.memory_space<vmem>>) target(%dma_start3A_231 : memref<25x128xf32, #tpu.memory_space<hbm>>) target_semaphore(%run_scoped3A_225 : memref<!tpu.dma_semaphore, #tpu.memory_space<semaphore_mem>>)
      %dma_wait3A_232 = arith.constant 0 : i32
      %dma_wait3A_233 = tpu.memref_slice %arg5[%arg0, %add3A_208, %dma_wait3A_232] : memref<2x10000x128xf32, #tpu.memory_space<hbm>> -> memref<1x25x128xf32, #tpu.memory_space<hbm>>
      %dma_wait3A_234 = tpu.memref_squeeze %dma_wait3A_233 : memref<1x25x128xf32, #tpu.memory_space<hbm>> -> memref<25x128xf32, #tpu.memory_space<hbm>>
      %dma_wait3A_235 = arith.constant 0 : i32
      %dma_wait3A_236 = tpu.memref_slice %arg5[%arg0, %add3A_208, %dma_wait3A_235] : memref<2x10000x128xf32, #tpu.memory_space<hbm>> -> memref<1x25x128xf32, #tpu.memory_space<hbm>>
      %dma_wait3A_237 = tpu.memref_squeeze %dma_wait3A_236 : memref<1x25x128xf32, #tpu.memory_space<hbm>> -> memref<25x128xf32, #tpu.memory_space<hbm>>
      tpu.wait_dma2 semaphore(%run_scoped3A_225 : memref<!tpu.dma_semaphore, #tpu.memory_space<semaphore_mem>>) src(%arg10 : memref<25x128xf32, #tpu.memory_space<vmem>>) dst(%dma_wait3A_237 : memref<25x128xf32, #tpu.memory_space<hbm>>)
      tpu.yield
    }) : () -> ()
    %mul3A_209 = arith.constant 625 : i32
    %mul3A_210 = arith.muli %arg1, %mul3A_209 : i32
    %add3A_211 = arith.constant 525 : i32
    %add3A_212 = arith.addi %mul3A_210, %add3A_211 : i32
    "tpu.region"() ({
      %run_scoped3A_225 = tpu.sem_alloc : memref<!tpu.dma_semaphore, #tpu.memory_space<semaphore_mem>>
      %dma_start3A_226 = arith.constant 0 : i32
      %dma_start3A_227 = tpu.memref_slice %arg11[%add3A_212, %dma_start3A_226] : memref<10000x128xf32, #tpu.memory_space<vmem_shared>> -> memref<25x128xf32, #tpu.memory_space<vmem_shared>>
      %dma_start3A_228 = arith.constant 0 : i32
      %dma_start3A_229 = tpu.memref_slice %arg11[%add3A_212, %dma_start3A_228] : memref<10000x128xf32, #tpu.memory_space<vmem_shared>> -> memref<25x128xf32, #tpu.memory_space<vmem_shared>>
      tpu.enqueue_dma source(%dma_start3A_229 : memref<25x128xf32, #tpu.memory_space<vmem_shared>>) target(%arg10 : memref<25x128xf32, #tpu.memory_space<vmem>>) target_semaphore(%run_scoped3A_225 : memref<!tpu.dma_semaphore, #tpu.memory_space<semaphore_mem>>)
      %dma_wait3A_230 = arith.constant 0 : i32
      %dma_wait3A_231 = tpu.memref_slice %arg11[%add3A_212, %dma_wait3A_230] : memref<10000x128xf32, #tpu.memory_space<vmem_shared>> -> memref<25x128xf32, #tpu.memory_space<vmem_shared>>
      %dma_wait3A_232 = arith.constant 0 : i32
      %dma_wait3A_233 = tpu.memref_slice %arg11[%add3A_212, %dma_wait3A_232] : memref<10000x128xf32, #tpu.memory_space<vmem_shared>> -> memref<25x128xf32, #tpu.memory_space<vmem_shared>>
      tpu.wait_dma2 semaphore(%run_scoped3A_225 : memref<!tpu.dma_semaphore, #tpu.memory_space<semaphore_mem>>) src(%dma_wait3A_233 : memref<25x128xf32, #tpu.memory_space<vmem_shared>>) dst(%arg10 : memref<25x128xf32, #tpu.memory_space<vmem>>)
      tpu.yield
    }) : () -> ()
    "tpu.region"() ({
      %run_scoped3A_225 = tpu.sem_alloc : memref<!tpu.dma_semaphore, #tpu.memory_space<semaphore_mem>>
      %dma_start3A_226 = arith.constant 0 : i32
      %dma_start3A_227 = tpu.memref_slice %arg5[%arg0, %add3A_212, %dma_start3A_226] : memref<2x10000x128xf32, #tpu.memory_space<hbm>> -> memref<1x25x128xf32, #tpu.memory_space<hbm>>
      %dma_start3A_228 = tpu.memref_squeeze %dma_start3A_227 : memref<1x25x128xf32, #tpu.memory_space<hbm>> -> memref<25x128xf32, #tpu.memory_space<hbm>>
      %dma_start3A_229 = arith.constant 0 : i32
      %dma_start3A_230 = tpu.memref_slice %arg5[%arg0, %add3A_212, %dma_start3A_229] : memref<2x10000x128xf32, #tpu.memory_space<hbm>> -> memref<1x25x128xf32, #tpu.memory_space<hbm>>
      %dma_start3A_231 = tpu.memref_squeeze %dma_start3A_230 : memref<1x25x128xf32, #tpu.memory_space<hbm>> -> memref<25x128xf32, #tpu.memory_space<hbm>>
      tpu.enqueue_dma source(%arg10 : memref<25x128xf32, #tpu.memory_space<vmem>>) target(%dma_start3A_231 : memref<25x128xf32, #tpu.memory_space<hbm>>) target_semaphore(%run_scoped3A_225 : memref<!tpu.dma_semaphore, #tpu.memory_space<semaphore_mem>>)
      %dma_wait3A_232 = arith.constant 0 : i32
      %dma_wait3A_233 = tpu.memref_slice %arg5[%arg0, %add3A_212, %dma_wait3A_232] : memref<2x10000x128xf32, #tpu.memory_space<hbm>> -> memref<1x25x128xf32, #tpu.memory_space<hbm>>
      %dma_wait3A_234 = tpu.memref_squeeze %dma_wait3A_233 : memref<1x25x128xf32, #tpu.memory_space<hbm>> -> memref<25x128xf32, #tpu.memory_space<hbm>>
      %dma_wait3A_235 = arith.constant 0 : i32
      %dma_wait3A_236 = tpu.memref_slice %arg5[%arg0, %add3A_212, %dma_wait3A_235] : memref<2x10000x128xf32, #tpu.memory_space<hbm>> -> memref<1x25x128xf32, #tpu.memory_space<hbm>>
      %dma_wait3A_237 = tpu.memref_squeeze %dma_wait3A_236 : memref<1x25x128xf32, #tpu.memory_space<hbm>> -> memref<25x128xf32, #tpu.memory_space<hbm>>
      tpu.wait_dma2 semaphore(%run_scoped3A_225 : memref<!tpu.dma_semaphore, #tpu.memory_space<semaphore_mem>>) src(%arg10 : memref<25x128xf32, #tpu.memory_space<vmem>>) dst(%dma_wait3A_237 : memref<25x128xf32, #tpu.memory_space<hbm>>)
      tpu.yield
    }) : () -> ()
    %mul3A_213 = arith.constant 625 : i32
    %mul3A_214 = arith.muli %arg1, %mul3A_213 : i32
    %add3A_215 = arith.constant 550 : i32
    %add3A_216 = arith.addi %mul3A_214, %add3A_215 : i32
    "tpu.region"() ({
      %run_scoped3A_225 = tpu.sem_alloc : memref<!tpu.dma_semaphore, #tpu.memory_space<semaphore_mem>>
      %dma_start3A_226 = arith.constant 0 : i32
      %dma_start3A_227 = tpu.memref_slice %arg11[%add3A_216, %dma_start3A_226] : memref<10000x128xf32, #tpu.memory_space<vmem_shared>> -> memref<25x128xf32, #tpu.memory_space<vmem_shared>>
      %dma_start3A_228 = arith.constant 0 : i32
      %dma_start3A_229 = tpu.memref_slice %arg11[%add3A_216, %dma_start3A_228] : memref<10000x128xf32, #tpu.memory_space<vmem_shared>> -> memref<25x128xf32, #tpu.memory_space<vmem_shared>>
      tpu.enqueue_dma source(%dma_start3A_229 : memref<25x128xf32, #tpu.memory_space<vmem_shared>>) target(%arg10 : memref<25x128xf32, #tpu.memory_space<vmem>>) target_semaphore(%run_scoped3A_225 : memref<!tpu.dma_semaphore, #tpu.memory_space<semaphore_mem>>)
      %dma_wait3A_230 = arith.constant 0 : i32
      %dma_wait3A_231 = tpu.memref_slice %arg11[%add3A_216, %dma_wait3A_230] : memref<10000x128xf32, #tpu.memory_space<vmem_shared>> -> memref<25x128xf32, #tpu.memory_space<vmem_shared>>
      %dma_wait3A_232 = arith.constant 0 : i32
      %dma_wait3A_233 = tpu.memref_slice %arg11[%add3A_216, %dma_wait3A_232] : memref<10000x128xf32, #tpu.memory_space<vmem_shared>> -> memref<25x128xf32, #tpu.memory_space<vmem_shared>>
      tpu.wait_dma2 semaphore(%run_scoped3A_225 : memref<!tpu.dma_semaphore, #tpu.memory_space<semaphore_mem>>) src(%dma_wait3A_233 : memref<25x128xf32, #tpu.memory_space<vmem_shared>>) dst(%arg10 : memref<25x128xf32, #tpu.memory_space<vmem>>)
      tpu.yield
    }) : () -> ()
    "tpu.region"() ({
      %run_scoped3A_225 = tpu.sem_alloc : memref<!tpu.dma_semaphore, #tpu.memory_space<semaphore_mem>>
      %dma_start3A_226 = arith.constant 0 : i32
      %dma_start3A_227 = tpu.memref_slice %arg5[%arg0, %add3A_216, %dma_start3A_226] : memref<2x10000x128xf32, #tpu.memory_space<hbm>> -> memref<1x25x128xf32, #tpu.memory_space<hbm>>
      %dma_start3A_228 = tpu.memref_squeeze %dma_start3A_227 : memref<1x25x128xf32, #tpu.memory_space<hbm>> -> memref<25x128xf32, #tpu.memory_space<hbm>>
      %dma_start3A_229 = arith.constant 0 : i32
      %dma_start3A_230 = tpu.memref_slice %arg5[%arg0, %add3A_216, %dma_start3A_229] : memref<2x10000x128xf32, #tpu.memory_space<hbm>> -> memref<1x25x128xf32, #tpu.memory_space<hbm>>
      %dma_start3A_231 = tpu.memref_squeeze %dma_start3A_230 : memref<1x25x128xf32, #tpu.memory_space<hbm>> -> memref<25x128xf32, #tpu.memory_space<hbm>>
      tpu.enqueue_dma source(%arg10 : memref<25x128xf32, #tpu.memory_space<vmem>>) target(%dma_start3A_231 : memref<25x128xf32, #tpu.memory_space<hbm>>) target_semaphore(%run_scoped3A_225 : memref<!tpu.dma_semaphore, #tpu.memory_space<semaphore_mem>>)
      %dma_wait3A_232 = arith.constant 0 : i32
      %dma_wait3A_233 = tpu.memref_slice %arg5[%arg0, %add3A_216, %dma_wait3A_232] : memref<2x10000x128xf32, #tpu.memory_space<hbm>> -> memref<1x25x128xf32, #tpu.memory_space<hbm>>
      %dma_wait3A_234 = tpu.memref_squeeze %dma_wait3A_233 : memref<1x25x128xf32, #tpu.memory_space<hbm>> -> memref<25x128xf32, #tpu.memory_space<hbm>>
      %dma_wait3A_235 = arith.constant 0 : i32
      %dma_wait3A_236 = tpu.memref_slice %arg5[%arg0, %add3A_216, %dma_wait3A_235] : memref<2x10000x128xf32, #tpu.memory_space<hbm>> -> memref<1x25x128xf32, #tpu.memory_space<hbm>>
      %dma_wait3A_237 = tpu.memref_squeeze %dma_wait3A_236 : memref<1x25x128xf32, #tpu.memory_space<hbm>> -> memref<25x128xf32, #tpu.memory_space<hbm>>
      tpu.wait_dma2 semaphore(%run_scoped3A_225 : memref<!tpu.dma_semaphore, #tpu.memory_space<semaphore_mem>>) src(%arg10 : memref<25x128xf32, #tpu.memory_space<vmem>>) dst(%dma_wait3A_237 : memref<25x128xf32, #tpu.memory_space<hbm>>)
      tpu.yield
    }) : () -> ()
    %mul3A_217 = arith.constant 625 : i32
    %mul3A_218 = arith.muli %arg1, %mul3A_217 : i32
    %add3A_219 = arith.constant 575 : i32
    %add3A_220 = arith.addi %mul3A_218, %add3A_219 : i32
    "tpu.region"() ({
      %run_scoped3A_225 = tpu.sem_alloc : memref<!tpu.dma_semaphore, #tpu.memory_space<semaphore_mem>>
      %dma_start3A_226 = arith.constant 0 : i32
      %dma_start3A_227 = tpu.memref_slice %arg11[%add3A_220, %dma_start3A_226] : memref<10000x128xf32, #tpu.memory_space<vmem_shared>> -> memref<25x128xf32, #tpu.memory_space<vmem_shared>>
      %dma_start3A_228 = arith.constant 0 : i32
      %dma_start3A_229 = tpu.memref_slice %arg11[%add3A_220, %dma_start3A_228] : memref<10000x128xf32, #tpu.memory_space<vmem_shared>> -> memref<25x128xf32, #tpu.memory_space<vmem_shared>>
      tpu.enqueue_dma source(%dma_start3A_229 : memref<25x128xf32, #tpu.memory_space<vmem_shared>>) target(%arg10 : memref<25x128xf32, #tpu.memory_space<vmem>>) target_semaphore(%run_scoped3A_225 : memref<!tpu.dma_semaphore, #tpu.memory_space<semaphore_mem>>)
      %dma_wait3A_230 = arith.constant 0 : i32
      %dma_wait3A_231 = tpu.memref_slice %arg11[%add3A_220, %dma_wait3A_230] : memref<10000x128xf32, #tpu.memory_space<vmem_shared>> -> memref<25x128xf32, #tpu.memory_space<vmem_shared>>
      %dma_wait3A_232 = arith.constant 0 : i32
      %dma_wait3A_233 = tpu.memref_slice %arg11[%add3A_220, %dma_wait3A_232] : memref<10000x128xf32, #tpu.memory_space<vmem_shared>> -> memref<25x128xf32, #tpu.memory_space<vmem_shared>>
      tpu.wait_dma2 semaphore(%run_scoped3A_225 : memref<!tpu.dma_semaphore, #tpu.memory_space<semaphore_mem>>) src(%dma_wait3A_233 : memref<25x128xf32, #tpu.memory_space<vmem_shared>>) dst(%arg10 : memref<25x128xf32, #tpu.memory_space<vmem>>)
      tpu.yield
    }) : () -> ()
    "tpu.region"() ({
      %run_scoped3A_225 = tpu.sem_alloc : memref<!tpu.dma_semaphore, #tpu.memory_space<semaphore_mem>>
      %dma_start3A_226 = arith.constant 0 : i32
      %dma_start3A_227 = tpu.memref_slice %arg5[%arg0, %add3A_220, %dma_start3A_226] : memref<2x10000x128xf32, #tpu.memory_space<hbm>> -> memref<1x25x128xf32, #tpu.memory_space<hbm>>
      %dma_start3A_228 = tpu.memref_squeeze %dma_start3A_227 : memref<1x25x128xf32, #tpu.memory_space<hbm>> -> memref<25x128xf32, #tpu.memory_space<hbm>>
      %dma_start3A_229 = arith.constant 0 : i32
      %dma_start3A_230 = tpu.memref_slice %arg5[%arg0, %add3A_220, %dma_start3A_229] : memref<2x10000x128xf32, #tpu.memory_space<hbm>> -> memref<1x25x128xf32, #tpu.memory_space<hbm>>
      %dma_start3A_231 = tpu.memref_squeeze %dma_start3A_230 : memref<1x25x128xf32, #tpu.memory_space<hbm>> -> memref<25x128xf32, #tpu.memory_space<hbm>>
      tpu.enqueue_dma source(%arg10 : memref<25x128xf32, #tpu.memory_space<vmem>>) target(%dma_start3A_231 : memref<25x128xf32, #tpu.memory_space<hbm>>) target_semaphore(%run_scoped3A_225 : memref<!tpu.dma_semaphore, #tpu.memory_space<semaphore_mem>>)
      %dma_wait3A_232 = arith.constant 0 : i32
      %dma_wait3A_233 = tpu.memref_slice %arg5[%arg0, %add3A_220, %dma_wait3A_232] : memref<2x10000x128xf32, #tpu.memory_space<hbm>> -> memref<1x25x128xf32, #tpu.memory_space<hbm>>
      %dma_wait3A_234 = tpu.memref_squeeze %dma_wait3A_233 : memref<1x25x128xf32, #tpu.memory_space<hbm>> -> memref<25x128xf32, #tpu.memory_space<hbm>>
      %dma_wait3A_235 = arith.constant 0 : i32
      %dma_wait3A_236 = tpu.memref_slice %arg5[%arg0, %add3A_220, %dma_wait3A_235] : memref<2x10000x128xf32, #tpu.memory_space<hbm>> -> memref<1x25x128xf32, #tpu.memory_space<hbm>>
      %dma_wait3A_237 = tpu.memref_squeeze %dma_wait3A_236 : memref<1x25x128xf32, #tpu.memory_space<hbm>> -> memref<25x128xf32, #tpu.memory_space<hbm>>
      tpu.wait_dma2 semaphore(%run_scoped3A_225 : memref<!tpu.dma_semaphore, #tpu.memory_space<semaphore_mem>>) src(%arg10 : memref<25x128xf32, #tpu.memory_space<vmem>>) dst(%dma_wait3A_237 : memref<25x128xf32, #tpu.memory_space<hbm>>)
      tpu.yield
    }) : () -> ()
    %mul3A_221 = arith.constant 625 : i32
    %mul3A_222 = arith.muli %arg1, %mul3A_221 : i32
    %add3A_223 = arith.constant 600 : i32
    %add3A_224 = arith.addi %mul3A_222, %add3A_223 : i32
    "tpu.region"() ({
      %run_scoped3A_225 = tpu.sem_alloc : memref<!tpu.dma_semaphore, #tpu.memory_space<semaphore_mem>>
      %dma_start3A_226 = arith.constant 0 : i32
      %dma_start3A_227 = tpu.memref_slice %arg11[%add3A_224, %dma_start3A_226] : memref<10000x128xf32, #tpu.memory_space<vmem_shared>> -> memref<25x128xf32, #tpu.memory_space<vmem_shared>>
      %dma_start3A_228 = arith.constant 0 : i32
      %dma_start3A_229 = tpu.memref_slice %arg11[%add3A_224, %dma_start3A_228] : memref<10000x128xf32, #tpu.memory_space<vmem_shared>> -> memref<25x128xf32, #tpu.memory_space<vmem_shared>>
      tpu.enqueue_dma source(%dma_start3A_229 : memref<25x128xf32, #tpu.memory_space<vmem_shared>>) target(%arg10 : memref<25x128xf32, #tpu.memory_space<vmem>>) target_semaphore(%run_scoped3A_225 : memref<!tpu.dma_semaphore, #tpu.memory_space<semaphore_mem>>)
      %dma_wait3A_230 = arith.constant 0 : i32
      %dma_wait3A_231 = tpu.memref_slice %arg11[%add3A_224, %dma_wait3A_230] : memref<10000x128xf32, #tpu.memory_space<vmem_shared>> -> memref<25x128xf32, #tpu.memory_space<vmem_shared>>
      %dma_wait3A_232 = arith.constant 0 : i32
      %dma_wait3A_233 = tpu.memref_slice %arg11[%add3A_224, %dma_wait3A_232] : memref<10000x128xf32, #tpu.memory_space<vmem_shared>> -> memref<25x128xf32, #tpu.memory_space<vmem_shared>>
      tpu.wait_dma2 semaphore(%run_scoped3A_225 : memref<!tpu.dma_semaphore, #tpu.memory_space<semaphore_mem>>) src(%dma_wait3A_233 : memref<25x128xf32, #tpu.memory_space<vmem_shared>>) dst(%arg10 : memref<25x128xf32, #tpu.memory_space<vmem>>)
      tpu.yield
    }) : () -> ()
    "tpu.region"() ({
      %run_scoped3A_225 = tpu.sem_alloc : memref<!tpu.dma_semaphore, #tpu.memory_space<semaphore_mem>>
      %dma_start3A_226 = arith.constant 0 : i32
      %dma_start3A_227 = tpu.memref_slice %arg5[%arg0, %add3A_224, %dma_start3A_226] : memref<2x10000x128xf32, #tpu.memory_space<hbm>> -> memref<1x25x128xf32, #tpu.memory_space<hbm>>
      %dma_start3A_228 = tpu.memref_squeeze %dma_start3A_227 : memref<1x25x128xf32, #tpu.memory_space<hbm>> -> memref<25x128xf32, #tpu.memory_space<hbm>>
      %dma_start3A_229 = arith.constant 0 : i32
      %dma_start3A_230 = tpu.memref_slice %arg5[%arg0, %add3A_224, %dma_start3A_229] : memref<2x10000x128xf32, #tpu.memory_space<hbm>> -> memref<1x25x128xf32, #tpu.memory_space<hbm>>
      %dma_start3A_231 = tpu.memref_squeeze %dma_start3A_230 : memref<1x25x128xf32, #tpu.memory_space<hbm>> -> memref<25x128xf32, #tpu.memory_space<hbm>>
      tpu.enqueue_dma source(%arg10 : memref<25x128xf32, #tpu.memory_space<vmem>>) target(%dma_start3A_231 : memref<25x128xf32, #tpu.memory_space<hbm>>) target_semaphore(%run_scoped3A_225 : memref<!tpu.dma_semaphore, #tpu.memory_space<semaphore_mem>>)
      %dma_wait3A_232 = arith.constant 0 : i32
      %dma_wait3A_233 = tpu.memref_slice %arg5[%arg0, %add3A_224, %dma_wait3A_232] : memref<2x10000x128xf32, #tpu.memory_space<hbm>> -> memref<1x25x128xf32, #tpu.memory_space<hbm>>
      %dma_wait3A_234 = tpu.memref_squeeze %dma_wait3A_233 : memref<1x25x128xf32, #tpu.memory_space<hbm>> -> memref<25x128xf32, #tpu.memory_space<hbm>>
      %dma_wait3A_235 = arith.constant 0 : i32
      %dma_wait3A_236 = tpu.memref_slice %arg5[%arg0, %add3A_224, %dma_wait3A_235] : memref<2x10000x128xf32, #tpu.memory_space<hbm>> -> memref<1x25x128xf32, #tpu.memory_space<hbm>>
      %dma_wait3A_237 = tpu.memref_squeeze %dma_wait3A_236 : memref<1x25x128xf32, #tpu.memory_space<hbm>> -> memref<25x128xf32, #tpu.memory_space<hbm>>
      tpu.wait_dma2 semaphore(%run_scoped3A_225 : memref<!tpu.dma_semaphore, #tpu.memory_space<semaphore_mem>>) src(%arg10 : memref<25x128xf32, #tpu.memory_space<vmem>>) dst(%dma_wait3A_237 : memref<25x128xf32, #tpu.memory_space<hbm>>)
      tpu.yield
    }) : () -> ()
    return
  }
}

#map = affine_map<(d0, d1) -> (0, 0)>
#map1 = affine_map<(d0, d1) -> (0, 0, 0)>
module attributes {stable_mosaic.version = 14 : i64} {
  func.func @sc_agg(%arg0: i32, %arg1: i32, %arg2: memref<10000x136xf32, #tpu.memory_space<hbm>>, %arg3: memref<32x125x80xi32, #tpu.memory_space<hbm>>, %arg4: memref<32x125x80xi32, #tpu.memory_space<hbm>>, %arg5: memref<2x10000x136xf32, #tpu.memory_space<hbm>>, %arg6: memref<125x80xi32, #tpu.memory_space<vmem>>, %arg7: memref<125x80xi32, #tpu.memory_space<vmem>>, %arg8: memref<80x136xf32, #tpu.memory_space<vmem>>, %arg9: memref<80x136xf32, #tpu.memory_space<vmem>>, %arg10: memref<25x136xf32, #tpu.memory_space<vmem>>, %arg11: memref<10000x136xf32, #tpu.memory_space<vmem_shared>>, %arg12: memref<!tpu.dma_semaphore, #tpu.memory_space<semaphore_mem>>, %arg13: memref<!tpu.dma_semaphore, #tpu.memory_space<semaphore_mem>>) attributes {dimension_semantics = [#tpu.dimension_semantics<core_parallel>, #tpu.dimension_semantics<subcore_parallel>], iteration_bounds = array<i64: 2, 16>, scalar_prefetch = 0 : i64, scratch_operands = 8 : i64, tpu.core_type = #tpu.core_type<sc_vector_subcore>, window_params = [{transform_indices = #map}, {transform_indices = #map1}, {transform_indices = #map1}, {transform_indices = #map1}]} {
    %mul3A = arith.constant 2 : i32
    %mul3A_0 = arith.muli %arg1, %mul3A : i32
    %add3A = arith.addi %mul3A_0, %arg0 : i32
    %scan3A = arith.constant 0 : i32
    %scan3A_1 = arith.constant 0 : i32
    %scan3A_2 = arith.constant 25 : i32
    %scan3A_3 = arith.addi %scan3A_1, %scan3A_2 : i32
    %scan3A_4 = arith.constant 1 : i32
    scf.for %scan3A_225 = %scan3A_1 to %scan3A_3 step %scan3A_4  : i32 {
      %broadcast_in_dim3A = arith.constant 0.000000e+00 : f32
      %broadcast_in_dim3A_226 = vector.broadcast %broadcast_in_dim3A : f32 to vector<16xf32>
      %swap3A = arith.index_cast %scan3A_225 : i32 to index
      %swap3A_227 = arith.constant 0 : index
      %swap3A_228 = tpu.vector_load %arg10[%swap3A, %swap3A_227] {strides = array<i32>} : memref<25x136xf32, #tpu.memory_space<vmem>>, vector<1x16xf32>,
      %swap3A_229 = vector.shape_cast %swap3A_228 : vector<1x16xf32> to vector<16xf32>
      %swap3A_230 = vector.shape_cast %broadcast_in_dim3A_226 : vector<16xf32> to vector<1x16xf32>
      tpu.vector_store %arg10[%swap3A, %swap3A_227], %swap3A_230 {strides = array<i32>} : memref<25x136xf32, #tpu.memory_space<vmem>>, vector<1x16xf32>,
      %broadcast_in_dim3A_231 = arith.constant 0.000000e+00 : f32
      %broadcast_in_dim3A_232 = vector.broadcast %broadcast_in_dim3A_231 : f32 to vector<16xf32>
      %swap3A_233 = arith.index_cast %scan3A_225 : i32 to index
      %swap3A_234 = arith.constant 16 : index
      %swap3A_235 = tpu.vector_load %arg10[%swap3A_233, %swap3A_234] {strides = array<i32>} : memref<25x136xf32, #tpu.memory_space<vmem>>, vector<1x16xf32>,
      %swap3A_236 = vector.shape_cast %swap3A_235 : vector<1x16xf32> to vector<16xf32>
      %swap3A_237 = vector.shape_cast %broadcast_in_dim3A_232 : vector<16xf32> to vector<1x16xf32>
      tpu.vector_store %arg10[%swap3A_233, %swap3A_234], %swap3A_237 {strides = array<i32>} : memref<25x136xf32, #tpu.memory_space<vmem>>, vector<1x16xf32>,
      %broadcast_in_dim3A_238 = arith.constant 0.000000e+00 : f32
      %broadcast_in_dim3A_239 = vector.broadcast %broadcast_in_dim3A_238 : f32 to vector<16xf32>
      %swap3A_240 = arith.index_cast %scan3A_225 : i32 to index
      %swap3A_241 = arith.constant 32 : index
      %swap3A_242 = tpu.vector_load %arg10[%swap3A_240, %swap3A_241] {strides = array<i32>} : memref<25x136xf32, #tpu.memory_space<vmem>>, vector<1x16xf32>,
      %swap3A_243 = vector.shape_cast %swap3A_242 : vector<1x16xf32> to vector<16xf32>
      %swap3A_244 = vector.shape_cast %broadcast_in_dim3A_239 : vector<16xf32> to vector<1x16xf32>
      tpu.vector_store %arg10[%swap3A_240, %swap3A_241], %swap3A_244 {strides = array<i32>} : memref<25x136xf32, #tpu.memory_space<vmem>>, vector<1x16xf32>,
      %broadcast_in_dim3A_245 = arith.constant 0.000000e+00 : f32
      %broadcast_in_dim3A_246 = vector.broadcast %broadcast_in_dim3A_245 : f32 to vector<16xf32>
      %swap3A_247 = arith.index_cast %scan3A_225 : i32 to index
      %swap3A_248 = arith.constant 48 : index
      %swap3A_249 = tpu.vector_load %arg10[%swap3A_247, %swap3A_248] {strides = array<i32>} : memref<25x136xf32, #tpu.memory_space<vmem>>, vector<1x16xf32>,
      %swap3A_250 = vector.shape_cast %swap3A_249 : vector<1x16xf32> to vector<16xf32>
      %swap3A_251 = vector.shape_cast %broadcast_in_dim3A_246 : vector<16xf32> to vector<1x16xf32>
      tpu.vector_store %arg10[%swap3A_247, %swap3A_248], %swap3A_251 {strides = array<i32>} : memref<25x136xf32, #tpu.memory_space<vmem>>, vector<1x16xf32>,
      %broadcast_in_dim3A_252 = arith.constant 0.000000e+00 : f32
      %broadcast_in_dim3A_253 = vector.broadcast %broadcast_in_dim3A_252 : f32 to vector<16xf32>
      %swap3A_254 = arith.index_cast %scan3A_225 : i32 to index
      %swap3A_255 = arith.constant 64 : index
      %swap3A_256 = tpu.vector_load %arg10[%swap3A_254, %swap3A_255] {strides = array<i32>} : memref<25x136xf32, #tpu.memory_space<vmem>>, vector<1x16xf32>,
      %swap3A_257 = vector.shape_cast %swap3A_256 : vector<1x16xf32> to vector<16xf32>
      %swap3A_258 = vector.shape_cast %broadcast_in_dim3A_253 : vector<16xf32> to vector<1x16xf32>
      tpu.vector_store %arg10[%swap3A_254, %swap3A_255], %swap3A_258 {strides = array<i32>} : memref<25x136xf32, #tpu.memory_space<vmem>>, vector<1x16xf32>,
      %broadcast_in_dim3A_259 = arith.constant 0.000000e+00 : f32
      %broadcast_in_dim3A_260 = vector.broadcast %broadcast_in_dim3A_259 : f32 to vector<16xf32>
      %swap3A_261 = arith.index_cast %scan3A_225 : i32 to index
      %swap3A_262 = arith.constant 80 : index
      %swap3A_263 = tpu.vector_load %arg10[%swap3A_261, %swap3A_262] {strides = array<i32>} : memref<25x136xf32, #tpu.memory_space<vmem>>, vector<1x16xf32>,
      %swap3A_264 = vector.shape_cast %swap3A_263 : vector<1x16xf32> to vector<16xf32>
      %swap3A_265 = vector.shape_cast %broadcast_in_dim3A_260 : vector<16xf32> to vector<1x16xf32>
      tpu.vector_store %arg10[%swap3A_261, %swap3A_262], %swap3A_265 {strides = array<i32>} : memref<25x136xf32, #tpu.memory_space<vmem>>, vector<1x16xf32>,
      %broadcast_in_dim3A_266 = arith.constant 0.000000e+00 : f32
      %broadcast_in_dim3A_267 = vector.broadcast %broadcast_in_dim3A_266 : f32 to vector<16xf32>
      %swap3A_268 = arith.index_cast %scan3A_225 : i32 to index
      %swap3A_269 = arith.constant 96 : index
      %swap3A_270 = tpu.vector_load %arg10[%swap3A_268, %swap3A_269] {strides = array<i32>} : memref<25x136xf32, #tpu.memory_space<vmem>>, vector<1x16xf32>,
      %swap3A_271 = vector.shape_cast %swap3A_270 : vector<1x16xf32> to vector<16xf32>
      %swap3A_272 = vector.shape_cast %broadcast_in_dim3A_267 : vector<16xf32> to vector<1x16xf32>
      tpu.vector_store %arg10[%swap3A_268, %swap3A_269], %swap3A_272 {strides = array<i32>} : memref<25x136xf32, #tpu.memory_space<vmem>>, vector<1x16xf32>,
      %broadcast_in_dim3A_273 = arith.constant 0.000000e+00 : f32
      %broadcast_in_dim3A_274 = vector.broadcast %broadcast_in_dim3A_273 : f32 to vector<16xf32>
      %swap3A_275 = arith.index_cast %scan3A_225 : i32 to index
      %swap3A_276 = arith.constant 112 : index
      %swap3A_277 = tpu.vector_load %arg10[%swap3A_275, %swap3A_276] {strides = array<i32>} : memref<25x136xf32, #tpu.memory_space<vmem>>, vector<1x16xf32>,
      %swap3A_278 = vector.shape_cast %swap3A_277 : vector<1x16xf32> to vector<16xf32>
      %swap3A_279 = vector.shape_cast %broadcast_in_dim3A_274 : vector<16xf32> to vector<1x16xf32>
      tpu.vector_store %arg10[%swap3A_275, %swap3A_276], %swap3A_279 {strides = array<i32>} : memref<25x136xf32, #tpu.memory_space<vmem>>, vector<1x16xf32>,
    }
    %scan3A_5 = arith.constant 25 : i32
    %mul3A_6 = arith.constant 625 : i32
    %mul3A_7 = arith.muli %arg1, %mul3A_6 : i32
    %add3A_8 = arith.constant 0 : i32
    %add3A_9 = arith.addi %mul3A_7, %add3A_8 : i32
    "tpu.region"() ({
      %run_scoped3A_225 = tpu.sem_alloc : memref<!tpu.dma_semaphore, #tpu.memory_space<semaphore_mem>>
      %dma_start3A_226 = arith.constant 0 : i32
      %dma_start3A_227 = tpu.memref_slice %arg11[%add3A_9, %dma_start3A_226] : memref<10000x136xf32, #tpu.memory_space<vmem_shared>> -> memref<25x136xf32, #tpu.memory_space<vmem_shared>>
      %dma_start3A_228 = arith.constant 0 : i32
      %dma_start3A_229 = tpu.memref_slice %arg11[%add3A_9, %dma_start3A_228] : memref<10000x136xf32, #tpu.memory_space<vmem_shared>> -> memref<25x136xf32, #tpu.memory_space<vmem_shared>>
      tpu.enqueue_dma source(%arg10 : memref<25x136xf32, #tpu.memory_space<vmem>>) target(%dma_start3A_229 : memref<25x136xf32, #tpu.memory_space<vmem_shared>>) target_semaphore(%run_scoped3A_225 : memref<!tpu.dma_semaphore, #tpu.memory_space<semaphore_mem>>)
      %dma_wait3A_230 = arith.constant 0 : i32
      %dma_wait3A_231 = tpu.memref_slice %arg11[%add3A_9, %dma_wait3A_230] : memref<10000x136xf32, #tpu.memory_space<vmem_shared>> -> memref<25x136xf32, #tpu.memory_space<vmem_shared>>
      %dma_wait3A_232 = arith.constant 0 : i32
      %dma_wait3A_233 = tpu.memref_slice %arg11[%add3A_9, %dma_wait3A_232] : memref<10000x136xf32, #tpu.memory_space<vmem_shared>> -> memref<25x136xf32, #tpu.memory_space<vmem_shared>>
      tpu.wait_dma2 semaphore(%run_scoped3A_225 : memref<!tpu.dma_semaphore, #tpu.memory_space<semaphore_mem>>) src(%arg10 : memref<25x136xf32, #tpu.memory_space<vmem>>) dst(%dma_wait3A_233 : memref<25x136xf32, #tpu.memory_space<vmem_shared>>)
      tpu.yield
    }) : () -> ()
    %mul3A_10 = arith.constant 625 : i32
    %mul3A_11 = arith.muli %arg1, %mul3A_10 : i32
    %add3A_12 = arith.constant 25 : i32
    %add3A_13 = arith.addi %mul3A_11, %add3A_12 : i32
    "tpu.region"() ({
      %run_scoped3A_225 = tpu.sem_alloc : memref<!tpu.dma_semaphore, #tpu.memory_space<semaphore_mem>>
      %dma_start3A_226 = arith.constant 0 : i32
      %dma_start3A_227 = tpu.memref_slice %arg11[%add3A_13, %dma_start3A_226] : memref<10000x136xf32, #tpu.memory_space<vmem_shared>> -> memref<25x136xf32, #tpu.memory_space<vmem_shared>>
      %dma_start3A_228 = arith.constant 0 : i32
      %dma_start3A_229 = tpu.memref_slice %arg11[%add3A_13, %dma_start3A_228] : memref<10000x136xf32, #tpu.memory_space<vmem_shared>> -> memref<25x136xf32, #tpu.memory_space<vmem_shared>>
      tpu.enqueue_dma source(%arg10 : memref<25x136xf32, #tpu.memory_space<vmem>>) target(%dma_start3A_229 : memref<25x136xf32, #tpu.memory_space<vmem_shared>>) target_semaphore(%run_scoped3A_225 : memref<!tpu.dma_semaphore, #tpu.memory_space<semaphore_mem>>)
      %dma_wait3A_230 = arith.constant 0 : i32
      %dma_wait3A_231 = tpu.memref_slice %arg11[%add3A_13, %dma_wait3A_230] : memref<10000x136xf32, #tpu.memory_space<vmem_shared>> -> memref<25x136xf32, #tpu.memory_space<vmem_shared>>
      %dma_wait3A_232 = arith.constant 0 : i32
      %dma_wait3A_233 = tpu.memref_slice %arg11[%add3A_13, %dma_wait3A_232] : memref<10000x136xf32, #tpu.memory_space<vmem_shared>> -> memref<25x136xf32, #tpu.memory_space<vmem_shared>>
      tpu.wait_dma2 semaphore(%run_scoped3A_225 : memref<!tpu.dma_semaphore, #tpu.memory_space<semaphore_mem>>) src(%arg10 : memref<25x136xf32, #tpu.memory_space<vmem>>) dst(%dma_wait3A_233 : memref<25x136xf32, #tpu.memory_space<vmem_shared>>)
      tpu.yield
    }) : () -> ()
    %mul3A_14 = arith.constant 625 : i32
    %mul3A_15 = arith.muli %arg1, %mul3A_14 : i32
    %add3A_16 = arith.constant 50 : i32
    %add3A_17 = arith.addi %mul3A_15, %add3A_16 : i32
    "tpu.region"() ({
      %run_scoped3A_225 = tpu.sem_alloc : memref<!tpu.dma_semaphore, #tpu.memory_space<semaphore_mem>>
      %dma_start3A_226 = arith.constant 0 : i32
      %dma_start3A_227 = tpu.memref_slice %arg11[%add3A_17, %dma_start3A_226] : memref<10000x136xf32, #tpu.memory_space<vmem_shared>> -> memref<25x136xf32, #tpu.memory_space<vmem_shared>>
      %dma_start3A_228 = arith.constant 0 : i32
      %dma_start3A_229 = tpu.memref_slice %arg11[%add3A_17, %dma_start3A_228] : memref<10000x136xf32, #tpu.memory_space<vmem_shared>> -> memref<25x136xf32, #tpu.memory_space<vmem_shared>>
      tpu.enqueue_dma source(%arg10 : memref<25x136xf32, #tpu.memory_space<vmem>>) target(%dma_start3A_229 : memref<25x136xf32, #tpu.memory_space<vmem_shared>>) target_semaphore(%run_scoped3A_225 : memref<!tpu.dma_semaphore, #tpu.memory_space<semaphore_mem>>)
      %dma_wait3A_230 = arith.constant 0 : i32
      %dma_wait3A_231 = tpu.memref_slice %arg11[%add3A_17, %dma_wait3A_230] : memref<10000x136xf32, #tpu.memory_space<vmem_shared>> -> memref<25x136xf32, #tpu.memory_space<vmem_shared>>
      %dma_wait3A_232 = arith.constant 0 : i32
      %dma_wait3A_233 = tpu.memref_slice %arg11[%add3A_17, %dma_wait3A_232] : memref<10000x136xf32, #tpu.memory_space<vmem_shared>> -> memref<25x136xf32, #tpu.memory_space<vmem_shared>>
      tpu.wait_dma2 semaphore(%run_scoped3A_225 : memref<!tpu.dma_semaphore, #tpu.memory_space<semaphore_mem>>) src(%arg10 : memref<25x136xf32, #tpu.memory_space<vmem>>) dst(%dma_wait3A_233 : memref<25x136xf32, #tpu.memory_space<vmem_shared>>)
      tpu.yield
    }) : () -> ()
    %mul3A_18 = arith.constant 625 : i32
    %mul3A_19 = arith.muli %arg1, %mul3A_18 : i32
    %add3A_20 = arith.constant 75 : i32
    %add3A_21 = arith.addi %mul3A_19, %add3A_20 : i32
    "tpu.region"() ({
      %run_scoped3A_225 = tpu.sem_alloc : memref<!tpu.dma_semaphore, #tpu.memory_space<semaphore_mem>>
      %dma_start3A_226 = arith.constant 0 : i32
      %dma_start3A_227 = tpu.memref_slice %arg11[%add3A_21, %dma_start3A_226] : memref<10000x136xf32, #tpu.memory_space<vmem_shared>> -> memref<25x136xf32, #tpu.memory_space<vmem_shared>>
      %dma_start3A_228 = arith.constant 0 : i32
      %dma_start3A_229 = tpu.memref_slice %arg11[%add3A_21, %dma_start3A_228] : memref<10000x136xf32, #tpu.memory_space<vmem_shared>> -> memref<25x136xf32, #tpu.memory_space<vmem_shared>>
      tpu.enqueue_dma source(%arg10 : memref<25x136xf32, #tpu.memory_space<vmem>>) target(%dma_start3A_229 : memref<25x136xf32, #tpu.memory_space<vmem_shared>>) target_semaphore(%run_scoped3A_225 : memref<!tpu.dma_semaphore, #tpu.memory_space<semaphore_mem>>)
      %dma_wait3A_230 = arith.constant 0 : i32
      %dma_wait3A_231 = tpu.memref_slice %arg11[%add3A_21, %dma_wait3A_230] : memref<10000x136xf32, #tpu.memory_space<vmem_shared>> -> memref<25x136xf32, #tpu.memory_space<vmem_shared>>
      %dma_wait3A_232 = arith.constant 0 : i32
      %dma_wait3A_233 = tpu.memref_slice %arg11[%add3A_21, %dma_wait3A_232] : memref<10000x136xf32, #tpu.memory_space<vmem_shared>> -> memref<25x136xf32, #tpu.memory_space<vmem_shared>>
      tpu.wait_dma2 semaphore(%run_scoped3A_225 : memref<!tpu.dma_semaphore, #tpu.memory_space<semaphore_mem>>) src(%arg10 : memref<25x136xf32, #tpu.memory_space<vmem>>) dst(%dma_wait3A_233 : memref<25x136xf32, #tpu.memory_space<vmem_shared>>)
      tpu.yield
    }) : () -> ()
    %mul3A_22 = arith.constant 625 : i32
    %mul3A_23 = arith.muli %arg1, %mul3A_22 : i32
    %add3A_24 = arith.constant 100 : i32
    %add3A_25 = arith.addi %mul3A_23, %add3A_24 : i32
    "tpu.region"() ({
      %run_scoped3A_225 = tpu.sem_alloc : memref<!tpu.dma_semaphore, #tpu.memory_space<semaphore_mem>>
      %dma_start3A_226 = arith.constant 0 : i32
      %dma_start3A_227 = tpu.memref_slice %arg11[%add3A_25, %dma_start3A_226] : memref<10000x136xf32, #tpu.memory_space<vmem_shared>> -> memref<25x136xf32, #tpu.memory_space<vmem_shared>>
      %dma_start3A_228 = arith.constant 0 : i32
      %dma_start3A_229 = tpu.memref_slice %arg11[%add3A_25, %dma_start3A_228] : memref<10000x136xf32, #tpu.memory_space<vmem_shared>> -> memref<25x136xf32, #tpu.memory_space<vmem_shared>>
      tpu.enqueue_dma source(%arg10 : memref<25x136xf32, #tpu.memory_space<vmem>>) target(%dma_start3A_229 : memref<25x136xf32, #tpu.memory_space<vmem_shared>>) target_semaphore(%run_scoped3A_225 : memref<!tpu.dma_semaphore, #tpu.memory_space<semaphore_mem>>)
      %dma_wait3A_230 = arith.constant 0 : i32
      %dma_wait3A_231 = tpu.memref_slice %arg11[%add3A_25, %dma_wait3A_230] : memref<10000x136xf32, #tpu.memory_space<vmem_shared>> -> memref<25x136xf32, #tpu.memory_space<vmem_shared>>
      %dma_wait3A_232 = arith.constant 0 : i32
      %dma_wait3A_233 = tpu.memref_slice %arg11[%add3A_25, %dma_wait3A_232] : memref<10000x136xf32, #tpu.memory_space<vmem_shared>> -> memref<25x136xf32, #tpu.memory_space<vmem_shared>>
      tpu.wait_dma2 semaphore(%run_scoped3A_225 : memref<!tpu.dma_semaphore, #tpu.memory_space<semaphore_mem>>) src(%arg10 : memref<25x136xf32, #tpu.memory_space<vmem>>) dst(%dma_wait3A_233 : memref<25x136xf32, #tpu.memory_space<vmem_shared>>)
      tpu.yield
    }) : () -> ()
    %mul3A_26 = arith.constant 625 : i32
    %mul3A_27 = arith.muli %arg1, %mul3A_26 : i32
    %add3A_28 = arith.constant 125 : i32
    %add3A_29 = arith.addi %mul3A_27, %add3A_28 : i32
    "tpu.region"() ({
      %run_scoped3A_225 = tpu.sem_alloc : memref<!tpu.dma_semaphore, #tpu.memory_space<semaphore_mem>>
      %dma_start3A_226 = arith.constant 0 : i32
      %dma_start3A_227 = tpu.memref_slice %arg11[%add3A_29, %dma_start3A_226] : memref<10000x136xf32, #tpu.memory_space<vmem_shared>> -> memref<25x136xf32, #tpu.memory_space<vmem_shared>>
      %dma_start3A_228 = arith.constant 0 : i32
      %dma_start3A_229 = tpu.memref_slice %arg11[%add3A_29, %dma_start3A_228] : memref<10000x136xf32, #tpu.memory_space<vmem_shared>> -> memref<25x136xf32, #tpu.memory_space<vmem_shared>>
      tpu.enqueue_dma source(%arg10 : memref<25x136xf32, #tpu.memory_space<vmem>>) target(%dma_start3A_229 : memref<25x136xf32, #tpu.memory_space<vmem_shared>>) target_semaphore(%run_scoped3A_225 : memref<!tpu.dma_semaphore, #tpu.memory_space<semaphore_mem>>)
      %dma_wait3A_230 = arith.constant 0 : i32
      %dma_wait3A_231 = tpu.memref_slice %arg11[%add3A_29, %dma_wait3A_230] : memref<10000x136xf32, #tpu.memory_space<vmem_shared>> -> memref<25x136xf32, #tpu.memory_space<vmem_shared>>
      %dma_wait3A_232 = arith.constant 0 : i32
      %dma_wait3A_233 = tpu.memref_slice %arg11[%add3A_29, %dma_wait3A_232] : memref<10000x136xf32, #tpu.memory_space<vmem_shared>> -> memref<25x136xf32, #tpu.memory_space<vmem_shared>>
      tpu.wait_dma2 semaphore(%run_scoped3A_225 : memref<!tpu.dma_semaphore, #tpu.memory_space<semaphore_mem>>) src(%arg10 : memref<25x136xf32, #tpu.memory_space<vmem>>) dst(%dma_wait3A_233 : memref<25x136xf32, #tpu.memory_space<vmem_shared>>)
      tpu.yield
    }) : () -> ()
    %mul3A_30 = arith.constant 625 : i32
    %mul3A_31 = arith.muli %arg1, %mul3A_30 : i32
    %add3A_32 = arith.constant 150 : i32
    %add3A_33 = arith.addi %mul3A_31, %add3A_32 : i32
    "tpu.region"() ({
      %run_scoped3A_225 = tpu.sem_alloc : memref<!tpu.dma_semaphore, #tpu.memory_space<semaphore_mem>>
      %dma_start3A_226 = arith.constant 0 : i32
      %dma_start3A_227 = tpu.memref_slice %arg11[%add3A_33, %dma_start3A_226] : memref<10000x136xf32, #tpu.memory_space<vmem_shared>> -> memref<25x136xf32, #tpu.memory_space<vmem_shared>>
      %dma_start3A_228 = arith.constant 0 : i32
      %dma_start3A_229 = tpu.memref_slice %arg11[%add3A_33, %dma_start3A_228] : memref<10000x136xf32, #tpu.memory_space<vmem_shared>> -> memref<25x136xf32, #tpu.memory_space<vmem_shared>>
      tpu.enqueue_dma source(%arg10 : memref<25x136xf32, #tpu.memory_space<vmem>>) target(%dma_start3A_229 : memref<25x136xf32, #tpu.memory_space<vmem_shared>>) target_semaphore(%run_scoped3A_225 : memref<!tpu.dma_semaphore, #tpu.memory_space<semaphore_mem>>)
      %dma_wait3A_230 = arith.constant 0 : i32
      %dma_wait3A_231 = tpu.memref_slice %arg11[%add3A_33, %dma_wait3A_230] : memref<10000x136xf32, #tpu.memory_space<vmem_shared>> -> memref<25x136xf32, #tpu.memory_space<vmem_shared>>
      %dma_wait3A_232 = arith.constant 0 : i32
      %dma_wait3A_233 = tpu.memref_slice %arg11[%add3A_33, %dma_wait3A_232] : memref<10000x136xf32, #tpu.memory_space<vmem_shared>> -> memref<25x136xf32, #tpu.memory_space<vmem_shared>>
      tpu.wait_dma2 semaphore(%run_scoped3A_225 : memref<!tpu.dma_semaphore, #tpu.memory_space<semaphore_mem>>) src(%arg10 : memref<25x136xf32, #tpu.memory_space<vmem>>) dst(%dma_wait3A_233 : memref<25x136xf32, #tpu.memory_space<vmem_shared>>)
      tpu.yield
    }) : () -> ()
    %mul3A_34 = arith.constant 625 : i32
    %mul3A_35 = arith.muli %arg1, %mul3A_34 : i32
    %add3A_36 = arith.constant 175 : i32
    %add3A_37 = arith.addi %mul3A_35, %add3A_36 : i32
    "tpu.region"() ({
      %run_scoped3A_225 = tpu.sem_alloc : memref<!tpu.dma_semaphore, #tpu.memory_space<semaphore_mem>>
      %dma_start3A_226 = arith.constant 0 : i32
      %dma_start3A_227 = tpu.memref_slice %arg11[%add3A_37, %dma_start3A_226] : memref<10000x136xf32, #tpu.memory_space<vmem_shared>> -> memref<25x136xf32, #tpu.memory_space<vmem_shared>>
      %dma_start3A_228 = arith.constant 0 : i32
      %dma_start3A_229 = tpu.memref_slice %arg11[%add3A_37, %dma_start3A_228] : memref<10000x136xf32, #tpu.memory_space<vmem_shared>> -> memref<25x136xf32, #tpu.memory_space<vmem_shared>>
      tpu.enqueue_dma source(%arg10 : memref<25x136xf32, #tpu.memory_space<vmem>>) target(%dma_start3A_229 : memref<25x136xf32, #tpu.memory_space<vmem_shared>>) target_semaphore(%run_scoped3A_225 : memref<!tpu.dma_semaphore, #tpu.memory_space<semaphore_mem>>)
      %dma_wait3A_230 = arith.constant 0 : i32
      %dma_wait3A_231 = tpu.memref_slice %arg11[%add3A_37, %dma_wait3A_230] : memref<10000x136xf32, #tpu.memory_space<vmem_shared>> -> memref<25x136xf32, #tpu.memory_space<vmem_shared>>
      %dma_wait3A_232 = arith.constant 0 : i32
      %dma_wait3A_233 = tpu.memref_slice %arg11[%add3A_37, %dma_wait3A_232] : memref<10000x136xf32, #tpu.memory_space<vmem_shared>> -> memref<25x136xf32, #tpu.memory_space<vmem_shared>>
      tpu.wait_dma2 semaphore(%run_scoped3A_225 : memref<!tpu.dma_semaphore, #tpu.memory_space<semaphore_mem>>) src(%arg10 : memref<25x136xf32, #tpu.memory_space<vmem>>) dst(%dma_wait3A_233 : memref<25x136xf32, #tpu.memory_space<vmem_shared>>)
      tpu.yield
    }) : () -> ()
    %mul3A_38 = arith.constant 625 : i32
    %mul3A_39 = arith.muli %arg1, %mul3A_38 : i32
    %add3A_40 = arith.constant 200 : i32
    %add3A_41 = arith.addi %mul3A_39, %add3A_40 : i32
    "tpu.region"() ({
      %run_scoped3A_225 = tpu.sem_alloc : memref<!tpu.dma_semaphore, #tpu.memory_space<semaphore_mem>>
      %dma_start3A_226 = arith.constant 0 : i32
      %dma_start3A_227 = tpu.memref_slice %arg11[%add3A_41, %dma_start3A_226] : memref<10000x136xf32, #tpu.memory_space<vmem_shared>> -> memref<25x136xf32, #tpu.memory_space<vmem_shared>>
      %dma_start3A_228 = arith.constant 0 : i32
      %dma_start3A_229 = tpu.memref_slice %arg11[%add3A_41, %dma_start3A_228] : memref<10000x136xf32, #tpu.memory_space<vmem_shared>> -> memref<25x136xf32, #tpu.memory_space<vmem_shared>>
      tpu.enqueue_dma source(%arg10 : memref<25x136xf32, #tpu.memory_space<vmem>>) target(%dma_start3A_229 : memref<25x136xf32, #tpu.memory_space<vmem_shared>>) target_semaphore(%run_scoped3A_225 : memref<!tpu.dma_semaphore, #tpu.memory_space<semaphore_mem>>)
      %dma_wait3A_230 = arith.constant 0 : i32
      %dma_wait3A_231 = tpu.memref_slice %arg11[%add3A_41, %dma_wait3A_230] : memref<10000x136xf32, #tpu.memory_space<vmem_shared>> -> memref<25x136xf32, #tpu.memory_space<vmem_shared>>
      %dma_wait3A_232 = arith.constant 0 : i32
      %dma_wait3A_233 = tpu.memref_slice %arg11[%add3A_41, %dma_wait3A_232] : memref<10000x136xf32, #tpu.memory_space<vmem_shared>> -> memref<25x136xf32, #tpu.memory_space<vmem_shared>>
      tpu.wait_dma2 semaphore(%run_scoped3A_225 : memref<!tpu.dma_semaphore, #tpu.memory_space<semaphore_mem>>) src(%arg10 : memref<25x136xf32, #tpu.memory_space<vmem>>) dst(%dma_wait3A_233 : memref<25x136xf32, #tpu.memory_space<vmem_shared>>)
      tpu.yield
    }) : () -> ()
    %mul3A_42 = arith.constant 625 : i32
    %mul3A_43 = arith.muli %arg1, %mul3A_42 : i32
    %add3A_44 = arith.constant 225 : i32
    %add3A_45 = arith.addi %mul3A_43, %add3A_44 : i32
    "tpu.region"() ({
      %run_scoped3A_225 = tpu.sem_alloc : memref<!tpu.dma_semaphore, #tpu.memory_space<semaphore_mem>>
      %dma_start3A_226 = arith.constant 0 : i32
      %dma_start3A_227 = tpu.memref_slice %arg11[%add3A_45, %dma_start3A_226] : memref<10000x136xf32, #tpu.memory_space<vmem_shared>> -> memref<25x136xf32, #tpu.memory_space<vmem_shared>>
      %dma_start3A_228 = arith.constant 0 : i32
      %dma_start3A_229 = tpu.memref_slice %arg11[%add3A_45, %dma_start3A_228] : memref<10000x136xf32, #tpu.memory_space<vmem_shared>> -> memref<25x136xf32, #tpu.memory_space<vmem_shared>>
      tpu.enqueue_dma source(%arg10 : memref<25x136xf32, #tpu.memory_space<vmem>>) target(%dma_start3A_229 : memref<25x136xf32, #tpu.memory_space<vmem_shared>>) target_semaphore(%run_scoped3A_225 : memref<!tpu.dma_semaphore, #tpu.memory_space<semaphore_mem>>)
      %dma_wait3A_230 = arith.constant 0 : i32
      %dma_wait3A_231 = tpu.memref_slice %arg11[%add3A_45, %dma_wait3A_230] : memref<10000x136xf32, #tpu.memory_space<vmem_shared>> -> memref<25x136xf32, #tpu.memory_space<vmem_shared>>
      %dma_wait3A_232 = arith.constant 0 : i32
      %dma_wait3A_233 = tpu.memref_slice %arg11[%add3A_45, %dma_wait3A_232] : memref<10000x136xf32, #tpu.memory_space<vmem_shared>> -> memref<25x136xf32, #tpu.memory_space<vmem_shared>>
      tpu.wait_dma2 semaphore(%run_scoped3A_225 : memref<!tpu.dma_semaphore, #tpu.memory_space<semaphore_mem>>) src(%arg10 : memref<25x136xf32, #tpu.memory_space<vmem>>) dst(%dma_wait3A_233 : memref<25x136xf32, #tpu.memory_space<vmem_shared>>)
      tpu.yield
    }) : () -> ()
    %mul3A_46 = arith.constant 625 : i32
    %mul3A_47 = arith.muli %arg1, %mul3A_46 : i32
    %add3A_48 = arith.constant 250 : i32
    %add3A_49 = arith.addi %mul3A_47, %add3A_48 : i32
    "tpu.region"() ({
      %run_scoped3A_225 = tpu.sem_alloc : memref<!tpu.dma_semaphore, #tpu.memory_space<semaphore_mem>>
      %dma_start3A_226 = arith.constant 0 : i32
      %dma_start3A_227 = tpu.memref_slice %arg11[%add3A_49, %dma_start3A_226] : memref<10000x136xf32, #tpu.memory_space<vmem_shared>> -> memref<25x136xf32, #tpu.memory_space<vmem_shared>>
      %dma_start3A_228 = arith.constant 0 : i32
      %dma_start3A_229 = tpu.memref_slice %arg11[%add3A_49, %dma_start3A_228] : memref<10000x136xf32, #tpu.memory_space<vmem_shared>> -> memref<25x136xf32, #tpu.memory_space<vmem_shared>>
      tpu.enqueue_dma source(%arg10 : memref<25x136xf32, #tpu.memory_space<vmem>>) target(%dma_start3A_229 : memref<25x136xf32, #tpu.memory_space<vmem_shared>>) target_semaphore(%run_scoped3A_225 : memref<!tpu.dma_semaphore, #tpu.memory_space<semaphore_mem>>)
      %dma_wait3A_230 = arith.constant 0 : i32
      %dma_wait3A_231 = tpu.memref_slice %arg11[%add3A_49, %dma_wait3A_230] : memref<10000x136xf32, #tpu.memory_space<vmem_shared>> -> memref<25x136xf32, #tpu.memory_space<vmem_shared>>
      %dma_wait3A_232 = arith.constant 0 : i32
      %dma_wait3A_233 = tpu.memref_slice %arg11[%add3A_49, %dma_wait3A_232] : memref<10000x136xf32, #tpu.memory_space<vmem_shared>> -> memref<25x136xf32, #tpu.memory_space<vmem_shared>>
      tpu.wait_dma2 semaphore(%run_scoped3A_225 : memref<!tpu.dma_semaphore, #tpu.memory_space<semaphore_mem>>) src(%arg10 : memref<25x136xf32, #tpu.memory_space<vmem>>) dst(%dma_wait3A_233 : memref<25x136xf32, #tpu.memory_space<vmem_shared>>)
      tpu.yield
    }) : () -> ()
    %mul3A_50 = arith.constant 625 : i32
    %mul3A_51 = arith.muli %arg1, %mul3A_50 : i32
    %add3A_52 = arith.constant 275 : i32
    %add3A_53 = arith.addi %mul3A_51, %add3A_52 : i32
    "tpu.region"() ({
      %run_scoped3A_225 = tpu.sem_alloc : memref<!tpu.dma_semaphore, #tpu.memory_space<semaphore_mem>>
      %dma_start3A_226 = arith.constant 0 : i32
      %dma_start3A_227 = tpu.memref_slice %arg11[%add3A_53, %dma_start3A_226] : memref<10000x136xf32, #tpu.memory_space<vmem_shared>> -> memref<25x136xf32, #tpu.memory_space<vmem_shared>>
      %dma_start3A_228 = arith.constant 0 : i32
      %dma_start3A_229 = tpu.memref_slice %arg11[%add3A_53, %dma_start3A_228] : memref<10000x136xf32, #tpu.memory_space<vmem_shared>> -> memref<25x136xf32, #tpu.memory_space<vmem_shared>>
      tpu.enqueue_dma source(%arg10 : memref<25x136xf32, #tpu.memory_space<vmem>>) target(%dma_start3A_229 : memref<25x136xf32, #tpu.memory_space<vmem_shared>>) target_semaphore(%run_scoped3A_225 : memref<!tpu.dma_semaphore, #tpu.memory_space<semaphore_mem>>)
      %dma_wait3A_230 = arith.constant 0 : i32
      %dma_wait3A_231 = tpu.memref_slice %arg11[%add3A_53, %dma_wait3A_230] : memref<10000x136xf32, #tpu.memory_space<vmem_shared>> -> memref<25x136xf32, #tpu.memory_space<vmem_shared>>
      %dma_wait3A_232 = arith.constant 0 : i32
      %dma_wait3A_233 = tpu.memref_slice %arg11[%add3A_53, %dma_wait3A_232] : memref<10000x136xf32, #tpu.memory_space<vmem_shared>> -> memref<25x136xf32, #tpu.memory_space<vmem_shared>>
      tpu.wait_dma2 semaphore(%run_scoped3A_225 : memref<!tpu.dma_semaphore, #tpu.memory_space<semaphore_mem>>) src(%arg10 : memref<25x136xf32, #tpu.memory_space<vmem>>) dst(%dma_wait3A_233 : memref<25x136xf32, #tpu.memory_space<vmem_shared>>)
      tpu.yield
    }) : () -> ()
    %mul3A_54 = arith.constant 625 : i32
    %mul3A_55 = arith.muli %arg1, %mul3A_54 : i32
    %add3A_56 = arith.constant 300 : i32
    %add3A_57 = arith.addi %mul3A_55, %add3A_56 : i32
    "tpu.region"() ({
      %run_scoped3A_225 = tpu.sem_alloc : memref<!tpu.dma_semaphore, #tpu.memory_space<semaphore_mem>>
      %dma_start3A_226 = arith.constant 0 : i32
      %dma_start3A_227 = tpu.memref_slice %arg11[%add3A_57, %dma_start3A_226] : memref<10000x136xf32, #tpu.memory_space<vmem_shared>> -> memref<25x136xf32, #tpu.memory_space<vmem_shared>>
      %dma_start3A_228 = arith.constant 0 : i32
      %dma_start3A_229 = tpu.memref_slice %arg11[%add3A_57, %dma_start3A_228] : memref<10000x136xf32, #tpu.memory_space<vmem_shared>> -> memref<25x136xf32, #tpu.memory_space<vmem_shared>>
      tpu.enqueue_dma source(%arg10 : memref<25x136xf32, #tpu.memory_space<vmem>>) target(%dma_start3A_229 : memref<25x136xf32, #tpu.memory_space<vmem_shared>>) target_semaphore(%run_scoped3A_225 : memref<!tpu.dma_semaphore, #tpu.memory_space<semaphore_mem>>)
      %dma_wait3A_230 = arith.constant 0 : i32
      %dma_wait3A_231 = tpu.memref_slice %arg11[%add3A_57, %dma_wait3A_230] : memref<10000x136xf32, #tpu.memory_space<vmem_shared>> -> memref<25x136xf32, #tpu.memory_space<vmem_shared>>
      %dma_wait3A_232 = arith.constant 0 : i32
      %dma_wait3A_233 = tpu.memref_slice %arg11[%add3A_57, %dma_wait3A_232] : memref<10000x136xf32, #tpu.memory_space<vmem_shared>> -> memref<25x136xf32, #tpu.memory_space<vmem_shared>>
      tpu.wait_dma2 semaphore(%run_scoped3A_225 : memref<!tpu.dma_semaphore, #tpu.memory_space<semaphore_mem>>) src(%arg10 : memref<25x136xf32, #tpu.memory_space<vmem>>) dst(%dma_wait3A_233 : memref<25x136xf32, #tpu.memory_space<vmem_shared>>)
      tpu.yield
    }) : () -> ()
    %mul3A_58 = arith.constant 625 : i32
    %mul3A_59 = arith.muli %arg1, %mul3A_58 : i32
    %add3A_60 = arith.constant 325 : i32
    %add3A_61 = arith.addi %mul3A_59, %add3A_60 : i32
    "tpu.region"() ({
      %run_scoped3A_225 = tpu.sem_alloc : memref<!tpu.dma_semaphore, #tpu.memory_space<semaphore_mem>>
      %dma_start3A_226 = arith.constant 0 : i32
      %dma_start3A_227 = tpu.memref_slice %arg11[%add3A_61, %dma_start3A_226] : memref<10000x136xf32, #tpu.memory_space<vmem_shared>> -> memref<25x136xf32, #tpu.memory_space<vmem_shared>>
      %dma_start3A_228 = arith.constant 0 : i32
      %dma_start3A_229 = tpu.memref_slice %arg11[%add3A_61, %dma_start3A_228] : memref<10000x136xf32, #tpu.memory_space<vmem_shared>> -> memref<25x136xf32, #tpu.memory_space<vmem_shared>>
      tpu.enqueue_dma source(%arg10 : memref<25x136xf32, #tpu.memory_space<vmem>>) target(%dma_start3A_229 : memref<25x136xf32, #tpu.memory_space<vmem_shared>>) target_semaphore(%run_scoped3A_225 : memref<!tpu.dma_semaphore, #tpu.memory_space<semaphore_mem>>)
      %dma_wait3A_230 = arith.constant 0 : i32
      %dma_wait3A_231 = tpu.memref_slice %arg11[%add3A_61, %dma_wait3A_230] : memref<10000x136xf32, #tpu.memory_space<vmem_shared>> -> memref<25x136xf32, #tpu.memory_space<vmem_shared>>
      %dma_wait3A_232 = arith.constant 0 : i32
      %dma_wait3A_233 = tpu.memref_slice %arg11[%add3A_61, %dma_wait3A_232] : memref<10000x136xf32, #tpu.memory_space<vmem_shared>> -> memref<25x136xf32, #tpu.memory_space<vmem_shared>>
      tpu.wait_dma2 semaphore(%run_scoped3A_225 : memref<!tpu.dma_semaphore, #tpu.memory_space<semaphore_mem>>) src(%arg10 : memref<25x136xf32, #tpu.memory_space<vmem>>) dst(%dma_wait3A_233 : memref<25x136xf32, #tpu.memory_space<vmem_shared>>)
      tpu.yield
    }) : () -> ()
    %mul3A_62 = arith.constant 625 : i32
    %mul3A_63 = arith.muli %arg1, %mul3A_62 : i32
    %add3A_64 = arith.constant 350 : i32
    %add3A_65 = arith.addi %mul3A_63, %add3A_64 : i32
    "tpu.region"() ({
      %run_scoped3A_225 = tpu.sem_alloc : memref<!tpu.dma_semaphore, #tpu.memory_space<semaphore_mem>>
      %dma_start3A_226 = arith.constant 0 : i32
      %dma_start3A_227 = tpu.memref_slice %arg11[%add3A_65, %dma_start3A_226] : memref<10000x136xf32, #tpu.memory_space<vmem_shared>> -> memref<25x136xf32, #tpu.memory_space<vmem_shared>>
      %dma_start3A_228 = arith.constant 0 : i32
      %dma_start3A_229 = tpu.memref_slice %arg11[%add3A_65, %dma_start3A_228] : memref<10000x136xf32, #tpu.memory_space<vmem_shared>> -> memref<25x136xf32, #tpu.memory_space<vmem_shared>>
      tpu.enqueue_dma source(%arg10 : memref<25x136xf32, #tpu.memory_space<vmem>>) target(%dma_start3A_229 : memref<25x136xf32, #tpu.memory_space<vmem_shared>>) target_semaphore(%run_scoped3A_225 : memref<!tpu.dma_semaphore, #tpu.memory_space<semaphore_mem>>)
      %dma_wait3A_230 = arith.constant 0 : i32
      %dma_wait3A_231 = tpu.memref_slice %arg11[%add3A_65, %dma_wait3A_230] : memref<10000x136xf32, #tpu.memory_space<vmem_shared>> -> memref<25x136xf32, #tpu.memory_space<vmem_shared>>
      %dma_wait3A_232 = arith.constant 0 : i32
      %dma_wait3A_233 = tpu.memref_slice %arg11[%add3A_65, %dma_wait3A_232] : memref<10000x136xf32, #tpu.memory_space<vmem_shared>> -> memref<25x136xf32, #tpu.memory_space<vmem_shared>>
      tpu.wait_dma2 semaphore(%run_scoped3A_225 : memref<!tpu.dma_semaphore, #tpu.memory_space<semaphore_mem>>) src(%arg10 : memref<25x136xf32, #tpu.memory_space<vmem>>) dst(%dma_wait3A_233 : memref<25x136xf32, #tpu.memory_space<vmem_shared>>)
      tpu.yield
    }) : () -> ()
    %mul3A_66 = arith.constant 625 : i32
    %mul3A_67 = arith.muli %arg1, %mul3A_66 : i32
    %add3A_68 = arith.constant 375 : i32
    %add3A_69 = arith.addi %mul3A_67, %add3A_68 : i32
    "tpu.region"() ({
      %run_scoped3A_225 = tpu.sem_alloc : memref<!tpu.dma_semaphore, #tpu.memory_space<semaphore_mem>>
      %dma_start3A_226 = arith.constant 0 : i32
      %dma_start3A_227 = tpu.memref_slice %arg11[%add3A_69, %dma_start3A_226] : memref<10000x136xf32, #tpu.memory_space<vmem_shared>> -> memref<25x136xf32, #tpu.memory_space<vmem_shared>>
      %dma_start3A_228 = arith.constant 0 : i32
      %dma_start3A_229 = tpu.memref_slice %arg11[%add3A_69, %dma_start3A_228] : memref<10000x136xf32, #tpu.memory_space<vmem_shared>> -> memref<25x136xf32, #tpu.memory_space<vmem_shared>>
      tpu.enqueue_dma source(%arg10 : memref<25x136xf32, #tpu.memory_space<vmem>>) target(%dma_start3A_229 : memref<25x136xf32, #tpu.memory_space<vmem_shared>>) target_semaphore(%run_scoped3A_225 : memref<!tpu.dma_semaphore, #tpu.memory_space<semaphore_mem>>)
      %dma_wait3A_230 = arith.constant 0 : i32
      %dma_wait3A_231 = tpu.memref_slice %arg11[%add3A_69, %dma_wait3A_230] : memref<10000x136xf32, #tpu.memory_space<vmem_shared>> -> memref<25x136xf32, #tpu.memory_space<vmem_shared>>
      %dma_wait3A_232 = arith.constant 0 : i32
      %dma_wait3A_233 = tpu.memref_slice %arg11[%add3A_69, %dma_wait3A_232] : memref<10000x136xf32, #tpu.memory_space<vmem_shared>> -> memref<25x136xf32, #tpu.memory_space<vmem_shared>>
      tpu.wait_dma2 semaphore(%run_scoped3A_225 : memref<!tpu.dma_semaphore, #tpu.memory_space<semaphore_mem>>) src(%arg10 : memref<25x136xf32, #tpu.memory_space<vmem>>) dst(%dma_wait3A_233 : memref<25x136xf32, #tpu.memory_space<vmem_shared>>)
      tpu.yield
    }) : () -> ()
    %mul3A_70 = arith.constant 625 : i32
    %mul3A_71 = arith.muli %arg1, %mul3A_70 : i32
    %add3A_72 = arith.constant 400 : i32
    %add3A_73 = arith.addi %mul3A_71, %add3A_72 : i32
    "tpu.region"() ({
      %run_scoped3A_225 = tpu.sem_alloc : memref<!tpu.dma_semaphore, #tpu.memory_space<semaphore_mem>>
      %dma_start3A_226 = arith.constant 0 : i32
      %dma_start3A_227 = tpu.memref_slice %arg11[%add3A_73, %dma_start3A_226] : memref<10000x136xf32, #tpu.memory_space<vmem_shared>> -> memref<25x136xf32, #tpu.memory_space<vmem_shared>>
      %dma_start3A_228 = arith.constant 0 : i32
      %dma_start3A_229 = tpu.memref_slice %arg11[%add3A_73, %dma_start3A_228] : memref<10000x136xf32, #tpu.memory_space<vmem_shared>> -> memref<25x136xf32, #tpu.memory_space<vmem_shared>>
      tpu.enqueue_dma source(%arg10 : memref<25x136xf32, #tpu.memory_space<vmem>>) target(%dma_start3A_229 : memref<25x136xf32, #tpu.memory_space<vmem_shared>>) target_semaphore(%run_scoped3A_225 : memref<!tpu.dma_semaphore, #tpu.memory_space<semaphore_mem>>)
      %dma_wait3A_230 = arith.constant 0 : i32
      %dma_wait3A_231 = tpu.memref_slice %arg11[%add3A_73, %dma_wait3A_230] : memref<10000x136xf32, #tpu.memory_space<vmem_shared>> -> memref<25x136xf32, #tpu.memory_space<vmem_shared>>
      %dma_wait3A_232 = arith.constant 0 : i32
      %dma_wait3A_233 = tpu.memref_slice %arg11[%add3A_73, %dma_wait3A_232] : memref<10000x136xf32, #tpu.memory_space<vmem_shared>> -> memref<25x136xf32, #tpu.memory_space<vmem_shared>>
      tpu.wait_dma2 semaphore(%run_scoped3A_225 : memref<!tpu.dma_semaphore, #tpu.memory_space<semaphore_mem>>) src(%arg10 : memref<25x136xf32, #tpu.memory_space<vmem>>) dst(%dma_wait3A_233 : memref<25x136xf32, #tpu.memory_space<vmem_shared>>)
      tpu.yield
    }) : () -> ()
    %mul3A_74 = arith.constant 625 : i32
    %mul3A_75 = arith.muli %arg1, %mul3A_74 : i32
    %add3A_76 = arith.constant 425 : i32
    %add3A_77 = arith.addi %mul3A_75, %add3A_76 : i32
    "tpu.region"() ({
      %run_scoped3A_225 = tpu.sem_alloc : memref<!tpu.dma_semaphore, #tpu.memory_space<semaphore_mem>>
      %dma_start3A_226 = arith.constant 0 : i32
      %dma_start3A_227 = tpu.memref_slice %arg11[%add3A_77, %dma_start3A_226] : memref<10000x136xf32, #tpu.memory_space<vmem_shared>> -> memref<25x136xf32, #tpu.memory_space<vmem_shared>>
      %dma_start3A_228 = arith.constant 0 : i32
      %dma_start3A_229 = tpu.memref_slice %arg11[%add3A_77, %dma_start3A_228] : memref<10000x136xf32, #tpu.memory_space<vmem_shared>> -> memref<25x136xf32, #tpu.memory_space<vmem_shared>>
      tpu.enqueue_dma source(%arg10 : memref<25x136xf32, #tpu.memory_space<vmem>>) target(%dma_start3A_229 : memref<25x136xf32, #tpu.memory_space<vmem_shared>>) target_semaphore(%run_scoped3A_225 : memref<!tpu.dma_semaphore, #tpu.memory_space<semaphore_mem>>)
      %dma_wait3A_230 = arith.constant 0 : i32
      %dma_wait3A_231 = tpu.memref_slice %arg11[%add3A_77, %dma_wait3A_230] : memref<10000x136xf32, #tpu.memory_space<vmem_shared>> -> memref<25x136xf32, #tpu.memory_space<vmem_shared>>
      %dma_wait3A_232 = arith.constant 0 : i32
      %dma_wait3A_233 = tpu.memref_slice %arg11[%add3A_77, %dma_wait3A_232] : memref<10000x136xf32, #tpu.memory_space<vmem_shared>> -> memref<25x136xf32, #tpu.memory_space<vmem_shared>>
      tpu.wait_dma2 semaphore(%run_scoped3A_225 : memref<!tpu.dma_semaphore, #tpu.memory_space<semaphore_mem>>) src(%arg10 : memref<25x136xf32, #tpu.memory_space<vmem>>) dst(%dma_wait3A_233 : memref<25x136xf32, #tpu.memory_space<vmem_shared>>)
      tpu.yield
    }) : () -> ()
    %mul3A_78 = arith.constant 625 : i32
    %mul3A_79 = arith.muli %arg1, %mul3A_78 : i32
    %add3A_80 = arith.constant 450 : i32
    %add3A_81 = arith.addi %mul3A_79, %add3A_80 : i32
    "tpu.region"() ({
      %run_scoped3A_225 = tpu.sem_alloc : memref<!tpu.dma_semaphore, #tpu.memory_space<semaphore_mem>>
      %dma_start3A_226 = arith.constant 0 : i32
      %dma_start3A_227 = tpu.memref_slice %arg11[%add3A_81, %dma_start3A_226] : memref<10000x136xf32, #tpu.memory_space<vmem_shared>> -> memref<25x136xf32, #tpu.memory_space<vmem_shared>>
      %dma_start3A_228 = arith.constant 0 : i32
      %dma_start3A_229 = tpu.memref_slice %arg11[%add3A_81, %dma_start3A_228] : memref<10000x136xf32, #tpu.memory_space<vmem_shared>> -> memref<25x136xf32, #tpu.memory_space<vmem_shared>>
      tpu.enqueue_dma source(%arg10 : memref<25x136xf32, #tpu.memory_space<vmem>>) target(%dma_start3A_229 : memref<25x136xf32, #tpu.memory_space<vmem_shared>>) target_semaphore(%run_scoped3A_225 : memref<!tpu.dma_semaphore, #tpu.memory_space<semaphore_mem>>)
      %dma_wait3A_230 = arith.constant 0 : i32
      %dma_wait3A_231 = tpu.memref_slice %arg11[%add3A_81, %dma_wait3A_230] : memref<10000x136xf32, #tpu.memory_space<vmem_shared>> -> memref<25x136xf32, #tpu.memory_space<vmem_shared>>
      %dma_wait3A_232 = arith.constant 0 : i32
      %dma_wait3A_233 = tpu.memref_slice %arg11[%add3A_81, %dma_wait3A_232] : memref<10000x136xf32, #tpu.memory_space<vmem_shared>> -> memref<25x136xf32, #tpu.memory_space<vmem_shared>>
      tpu.wait_dma2 semaphore(%run_scoped3A_225 : memref<!tpu.dma_semaphore, #tpu.memory_space<semaphore_mem>>) src(%arg10 : memref<25x136xf32, #tpu.memory_space<vmem>>) dst(%dma_wait3A_233 : memref<25x136xf32, #tpu.memory_space<vmem_shared>>)
      tpu.yield
    }) : () -> ()
    %mul3A_82 = arith.constant 625 : i32
    %mul3A_83 = arith.muli %arg1, %mul3A_82 : i32
    %add3A_84 = arith.constant 475 : i32
    %add3A_85 = arith.addi %mul3A_83, %add3A_84 : i32
    "tpu.region"() ({
      %run_scoped3A_225 = tpu.sem_alloc : memref<!tpu.dma_semaphore, #tpu.memory_space<semaphore_mem>>
      %dma_start3A_226 = arith.constant 0 : i32
      %dma_start3A_227 = tpu.memref_slice %arg11[%add3A_85, %dma_start3A_226] : memref<10000x136xf32, #tpu.memory_space<vmem_shared>> -> memref<25x136xf32, #tpu.memory_space<vmem_shared>>
      %dma_start3A_228 = arith.constant 0 : i32
      %dma_start3A_229 = tpu.memref_slice %arg11[%add3A_85, %dma_start3A_228] : memref<10000x136xf32, #tpu.memory_space<vmem_shared>> -> memref<25x136xf32, #tpu.memory_space<vmem_shared>>
      tpu.enqueue_dma source(%arg10 : memref<25x136xf32, #tpu.memory_space<vmem>>) target(%dma_start3A_229 : memref<25x136xf32, #tpu.memory_space<vmem_shared>>) target_semaphore(%run_scoped3A_225 : memref<!tpu.dma_semaphore, #tpu.memory_space<semaphore_mem>>)
      %dma_wait3A_230 = arith.constant 0 : i32
      %dma_wait3A_231 = tpu.memref_slice %arg11[%add3A_85, %dma_wait3A_230] : memref<10000x136xf32, #tpu.memory_space<vmem_shared>> -> memref<25x136xf32, #tpu.memory_space<vmem_shared>>
      %dma_wait3A_232 = arith.constant 0 : i32
      %dma_wait3A_233 = tpu.memref_slice %arg11[%add3A_85, %dma_wait3A_232] : memref<10000x136xf32, #tpu.memory_space<vmem_shared>> -> memref<25x136xf32, #tpu.memory_space<vmem_shared>>
      tpu.wait_dma2 semaphore(%run_scoped3A_225 : memref<!tpu.dma_semaphore, #tpu.memory_space<semaphore_mem>>) src(%arg10 : memref<25x136xf32, #tpu.memory_space<vmem>>) dst(%dma_wait3A_233 : memref<25x136xf32, #tpu.memory_space<vmem_shared>>)
      tpu.yield
    }) : () -> ()
    %mul3A_86 = arith.constant 625 : i32
    %mul3A_87 = arith.muli %arg1, %mul3A_86 : i32
    %add3A_88 = arith.constant 500 : i32
    %add3A_89 = arith.addi %mul3A_87, %add3A_88 : i32
    "tpu.region"() ({
      %run_scoped3A_225 = tpu.sem_alloc : memref<!tpu.dma_semaphore, #tpu.memory_space<semaphore_mem>>
      %dma_start3A_226 = arith.constant 0 : i32
      %dma_start3A_227 = tpu.memref_slice %arg11[%add3A_89, %dma_start3A_226] : memref<10000x136xf32, #tpu.memory_space<vmem_shared>> -> memref<25x136xf32, #tpu.memory_space<vmem_shared>>
      %dma_start3A_228 = arith.constant 0 : i32
      %dma_start3A_229 = tpu.memref_slice %arg11[%add3A_89, %dma_start3A_228] : memref<10000x136xf32, #tpu.memory_space<vmem_shared>> -> memref<25x136xf32, #tpu.memory_space<vmem_shared>>
      tpu.enqueue_dma source(%arg10 : memref<25x136xf32, #tpu.memory_space<vmem>>) target(%dma_start3A_229 : memref<25x136xf32, #tpu.memory_space<vmem_shared>>) target_semaphore(%run_scoped3A_225 : memref<!tpu.dma_semaphore, #tpu.memory_space<semaphore_mem>>)
      %dma_wait3A_230 = arith.constant 0 : i32
      %dma_wait3A_231 = tpu.memref_slice %arg11[%add3A_89, %dma_wait3A_230] : memref<10000x136xf32, #tpu.memory_space<vmem_shared>> -> memref<25x136xf32, #tpu.memory_space<vmem_shared>>
      %dma_wait3A_232 = arith.constant 0 : i32
      %dma_wait3A_233 = tpu.memref_slice %arg11[%add3A_89, %dma_wait3A_232] : memref<10000x136xf32, #tpu.memory_space<vmem_shared>> -> memref<25x136xf32, #tpu.memory_space<vmem_shared>>
      tpu.wait_dma2 semaphore(%run_scoped3A_225 : memref<!tpu.dma_semaphore, #tpu.memory_space<semaphore_mem>>) src(%arg10 : memref<25x136xf32, #tpu.memory_space<vmem>>) dst(%dma_wait3A_233 : memref<25x136xf32, #tpu.memory_space<vmem_shared>>)
      tpu.yield
    }) : () -> ()
    %mul3A_90 = arith.constant 625 : i32
    %mul3A_91 = arith.muli %arg1, %mul3A_90 : i32
    %add3A_92 = arith.constant 525 : i32
    %add3A_93 = arith.addi %mul3A_91, %add3A_92 : i32
    "tpu.region"() ({
      %run_scoped3A_225 = tpu.sem_alloc : memref<!tpu.dma_semaphore, #tpu.memory_space<semaphore_mem>>
      %dma_start3A_226 = arith.constant 0 : i32
      %dma_start3A_227 = tpu.memref_slice %arg11[%add3A_93, %dma_start3A_226] : memref<10000x136xf32, #tpu.memory_space<vmem_shared>> -> memref<25x136xf32, #tpu.memory_space<vmem_shared>>
      %dma_start3A_228 = arith.constant 0 : i32
      %dma_start3A_229 = tpu.memref_slice %arg11[%add3A_93, %dma_start3A_228] : memref<10000x136xf32, #tpu.memory_space<vmem_shared>> -> memref<25x136xf32, #tpu.memory_space<vmem_shared>>
      tpu.enqueue_dma source(%arg10 : memref<25x136xf32, #tpu.memory_space<vmem>>) target(%dma_start3A_229 : memref<25x136xf32, #tpu.memory_space<vmem_shared>>) target_semaphore(%run_scoped3A_225 : memref<!tpu.dma_semaphore, #tpu.memory_space<semaphore_mem>>)
      %dma_wait3A_230 = arith.constant 0 : i32
      %dma_wait3A_231 = tpu.memref_slice %arg11[%add3A_93, %dma_wait3A_230] : memref<10000x136xf32, #tpu.memory_space<vmem_shared>> -> memref<25x136xf32, #tpu.memory_space<vmem_shared>>
      %dma_wait3A_232 = arith.constant 0 : i32
      %dma_wait3A_233 = tpu.memref_slice %arg11[%add3A_93, %dma_wait3A_232] : memref<10000x136xf32, #tpu.memory_space<vmem_shared>> -> memref<25x136xf32, #tpu.memory_space<vmem_shared>>
      tpu.wait_dma2 semaphore(%run_scoped3A_225 : memref<!tpu.dma_semaphore, #tpu.memory_space<semaphore_mem>>) src(%arg10 : memref<25x136xf32, #tpu.memory_space<vmem>>) dst(%dma_wait3A_233 : memref<25x136xf32, #tpu.memory_space<vmem_shared>>)
      tpu.yield
    }) : () -> ()
    %mul3A_94 = arith.constant 625 : i32
    %mul3A_95 = arith.muli %arg1, %mul3A_94 : i32
    %add3A_96 = arith.constant 550 : i32
    %add3A_97 = arith.addi %mul3A_95, %add3A_96 : i32
    "tpu.region"() ({
      %run_scoped3A_225 = tpu.sem_alloc : memref<!tpu.dma_semaphore, #tpu.memory_space<semaphore_mem>>
      %dma_start3A_226 = arith.constant 0 : i32
      %dma_start3A_227 = tpu.memref_slice %arg11[%add3A_97, %dma_start3A_226] : memref<10000x136xf32, #tpu.memory_space<vmem_shared>> -> memref<25x136xf32, #tpu.memory_space<vmem_shared>>
      %dma_start3A_228 = arith.constant 0 : i32
      %dma_start3A_229 = tpu.memref_slice %arg11[%add3A_97, %dma_start3A_228] : memref<10000x136xf32, #tpu.memory_space<vmem_shared>> -> memref<25x136xf32, #tpu.memory_space<vmem_shared>>
      tpu.enqueue_dma source(%arg10 : memref<25x136xf32, #tpu.memory_space<vmem>>) target(%dma_start3A_229 : memref<25x136xf32, #tpu.memory_space<vmem_shared>>) target_semaphore(%run_scoped3A_225 : memref<!tpu.dma_semaphore, #tpu.memory_space<semaphore_mem>>)
      %dma_wait3A_230 = arith.constant 0 : i32
      %dma_wait3A_231 = tpu.memref_slice %arg11[%add3A_97, %dma_wait3A_230] : memref<10000x136xf32, #tpu.memory_space<vmem_shared>> -> memref<25x136xf32, #tpu.memory_space<vmem_shared>>
      %dma_wait3A_232 = arith.constant 0 : i32
      %dma_wait3A_233 = tpu.memref_slice %arg11[%add3A_97, %dma_wait3A_232] : memref<10000x136xf32, #tpu.memory_space<vmem_shared>> -> memref<25x136xf32, #tpu.memory_space<vmem_shared>>
      tpu.wait_dma2 semaphore(%run_scoped3A_225 : memref<!tpu.dma_semaphore, #tpu.memory_space<semaphore_mem>>) src(%arg10 : memref<25x136xf32, #tpu.memory_space<vmem>>) dst(%dma_wait3A_233 : memref<25x136xf32, #tpu.memory_space<vmem_shared>>)
      tpu.yield
    }) : () -> ()
    %mul3A_98 = arith.constant 625 : i32
    %mul3A_99 = arith.muli %arg1, %mul3A_98 : i32
    %add3A_100 = arith.constant 575 : i32
    %add3A_101 = arith.addi %mul3A_99, %add3A_100 : i32
    "tpu.region"() ({
      %run_scoped3A_225 = tpu.sem_alloc : memref<!tpu.dma_semaphore, #tpu.memory_space<semaphore_mem>>
      %dma_start3A_226 = arith.constant 0 : i32
      %dma_start3A_227 = tpu.memref_slice %arg11[%add3A_101, %dma_start3A_226] : memref<10000x136xf32, #tpu.memory_space<vmem_shared>> -> memref<25x136xf32, #tpu.memory_space<vmem_shared>>
      %dma_start3A_228 = arith.constant 0 : i32
      %dma_start3A_229 = tpu.memref_slice %arg11[%add3A_101, %dma_start3A_228] : memref<10000x136xf32, #tpu.memory_space<vmem_shared>> -> memref<25x136xf32, #tpu.memory_space<vmem_shared>>
      tpu.enqueue_dma source(%arg10 : memref<25x136xf32, #tpu.memory_space<vmem>>) target(%dma_start3A_229 : memref<25x136xf32, #tpu.memory_space<vmem_shared>>) target_semaphore(%run_scoped3A_225 : memref<!tpu.dma_semaphore, #tpu.memory_space<semaphore_mem>>)
      %dma_wait3A_230 = arith.constant 0 : i32
      %dma_wait3A_231 = tpu.memref_slice %arg11[%add3A_101, %dma_wait3A_230] : memref<10000x136xf32, #tpu.memory_space<vmem_shared>> -> memref<25x136xf32, #tpu.memory_space<vmem_shared>>
      %dma_wait3A_232 = arith.constant 0 : i32
      %dma_wait3A_233 = tpu.memref_slice %arg11[%add3A_101, %dma_wait3A_232] : memref<10000x136xf32, #tpu.memory_space<vmem_shared>> -> memref<25x136xf32, #tpu.memory_space<vmem_shared>>
      tpu.wait_dma2 semaphore(%run_scoped3A_225 : memref<!tpu.dma_semaphore, #tpu.memory_space<semaphore_mem>>) src(%arg10 : memref<25x136xf32, #tpu.memory_space<vmem>>) dst(%dma_wait3A_233 : memref<25x136xf32, #tpu.memory_space<vmem_shared>>)
      tpu.yield
    }) : () -> ()
    %mul3A_102 = arith.constant 625 : i32
    %mul3A_103 = arith.muli %arg1, %mul3A_102 : i32
    %add3A_104 = arith.constant 600 : i32
    %add3A_105 = arith.addi %mul3A_103, %add3A_104 : i32
    "tpu.region"() ({
      %run_scoped3A_225 = tpu.sem_alloc : memref<!tpu.dma_semaphore, #tpu.memory_space<semaphore_mem>>
      %dma_start3A_226 = arith.constant 0 : i32
      %dma_start3A_227 = tpu.memref_slice %arg11[%add3A_105, %dma_start3A_226] : memref<10000x136xf32, #tpu.memory_space<vmem_shared>> -> memref<25x136xf32, #tpu.memory_space<vmem_shared>>
      %dma_start3A_228 = arith.constant 0 : i32
      %dma_start3A_229 = tpu.memref_slice %arg11[%add3A_105, %dma_start3A_228] : memref<10000x136xf32, #tpu.memory_space<vmem_shared>> -> memref<25x136xf32, #tpu.memory_space<vmem_shared>>
      tpu.enqueue_dma source(%arg10 : memref<25x136xf32, #tpu.memory_space<vmem>>) target(%dma_start3A_229 : memref<25x136xf32, #tpu.memory_space<vmem_shared>>) target_semaphore(%run_scoped3A_225 : memref<!tpu.dma_semaphore, #tpu.memory_space<semaphore_mem>>)
      %dma_wait3A_230 = arith.constant 0 : i32
      %dma_wait3A_231 = tpu.memref_slice %arg11[%add3A_105, %dma_wait3A_230] : memref<10000x136xf32, #tpu.memory_space<vmem_shared>> -> memref<25x136xf32, #tpu.memory_space<vmem_shared>>
      %dma_wait3A_232 = arith.constant 0 : i32
      %dma_wait3A_233 = tpu.memref_slice %arg11[%add3A_105, %dma_wait3A_232] : memref<10000x136xf32, #tpu.memory_space<vmem_shared>> -> memref<25x136xf32, #tpu.memory_space<vmem_shared>>
      tpu.wait_dma2 semaphore(%run_scoped3A_225 : memref<!tpu.dma_semaphore, #tpu.memory_space<semaphore_mem>>) src(%arg10 : memref<25x136xf32, #tpu.memory_space<vmem>>) dst(%dma_wait3A_233 : memref<25x136xf32, #tpu.memory_space<vmem_shared>>)
      tpu.yield
    }) : () -> ()
    "tpu.region"() ({
      %run_scoped3A_225 = tpu.sem_alloc : memref<!tpu.dma_semaphore, #tpu.memory_space<semaphore_mem>>
      %dma_start3A_226 = arith.constant 0 : i32
      %dma_start3A_227 = arith.constant 0 : i32
      %dma_start3A_228 = tpu.memref_slice %arg3[%add3A, %dma_start3A_226, %dma_start3A_227] : memref<32x125x80xi32, #tpu.memory_space<hbm>> -> memref<1x125x80xi32, #tpu.memory_space<hbm>>
      %dma_start3A_229 = tpu.memref_squeeze %dma_start3A_228 : memref<1x125x80xi32, #tpu.memory_space<hbm>> -> memref<125x80xi32, #tpu.memory_space<hbm>>
      %dma_start3A_230 = arith.constant 0 : i32
      %dma_start3A_231 = arith.constant 0 : i32
      %dma_start3A_232 = tpu.memref_slice %arg3[%add3A, %dma_start3A_230, %dma_start3A_231] : memref<32x125x80xi32, #tpu.memory_space<hbm>> -> memref<1x125x80xi32, #tpu.memory_space<hbm>>
      %dma_start3A_233 = tpu.memref_squeeze %dma_start3A_232 : memref<1x125x80xi32, #tpu.memory_space<hbm>> -> memref<125x80xi32, #tpu.memory_space<hbm>>
      tpu.enqueue_dma source(%dma_start3A_233 : memref<125x80xi32, #tpu.memory_space<hbm>>) target(%arg6 : memref<125x80xi32, #tpu.memory_space<vmem>>) target_semaphore(%run_scoped3A_225 : memref<!tpu.dma_semaphore, #tpu.memory_space<semaphore_mem>>)
      %dma_wait3A_234 = arith.constant 0 : i32
      %dma_wait3A_235 = arith.constant 0 : i32
      %dma_wait3A_236 = tpu.memref_slice %arg3[%add3A, %dma_wait3A_234, %dma_wait3A_235] : memref<32x125x80xi32, #tpu.memory_space<hbm>> -> memref<1x125x80xi32, #tpu.memory_space<hbm>>
      %dma_wait3A_237 = tpu.memref_squeeze %dma_wait3A_236 : memref<1x125x80xi32, #tpu.memory_space<hbm>> -> memref<125x80xi32, #tpu.memory_space<hbm>>
      %dma_wait3A_238 = arith.constant 0 : i32
      %dma_wait3A_239 = arith.constant 0 : i32
      %dma_wait3A_240 = tpu.memref_slice %arg3[%add3A, %dma_wait3A_238, %dma_wait3A_239] : memref<32x125x80xi32, #tpu.memory_space<hbm>> -> memref<1x125x80xi32, #tpu.memory_space<hbm>>
      %dma_wait3A_241 = tpu.memref_squeeze %dma_wait3A_240 : memref<1x125x80xi32, #tpu.memory_space<hbm>> -> memref<125x80xi32, #tpu.memory_space<hbm>>
      tpu.wait_dma2 semaphore(%run_scoped3A_225 : memref<!tpu.dma_semaphore, #tpu.memory_space<semaphore_mem>>) src(%dma_wait3A_241 : memref<125x80xi32, #tpu.memory_space<hbm>>) dst(%arg6 : memref<125x80xi32, #tpu.memory_space<vmem>>)
      tpu.yield
    }) : () -> ()
    "tpu.region"() ({
      %run_scoped3A_225 = tpu.sem_alloc : memref<!tpu.dma_semaphore, #tpu.memory_space<semaphore_mem>>
      %dma_start3A_226 = arith.constant 0 : i32
      %dma_start3A_227 = arith.constant 0 : i32
      %dma_start3A_228 = tpu.memref_slice %arg4[%add3A, %dma_start3A_226, %dma_start3A_227] : memref<32x125x80xi32, #tpu.memory_space<hbm>> -> memref<1x125x80xi32, #tpu.memory_space<hbm>>
      %dma_start3A_229 = tpu.memref_squeeze %dma_start3A_228 : memref<1x125x80xi32, #tpu.memory_space<hbm>> -> memref<125x80xi32, #tpu.memory_space<hbm>>
      %dma_start3A_230 = arith.constant 0 : i32
      %dma_start3A_231 = arith.constant 0 : i32
      %dma_start3A_232 = tpu.memref_slice %arg4[%add3A, %dma_start3A_230, %dma_start3A_231] : memref<32x125x80xi32, #tpu.memory_space<hbm>> -> memref<1x125x80xi32, #tpu.memory_space<hbm>>
      %dma_start3A_233 = tpu.memref_squeeze %dma_start3A_232 : memref<1x125x80xi32, #tpu.memory_space<hbm>> -> memref<125x80xi32, #tpu.memory_space<hbm>>
      tpu.enqueue_dma source(%dma_start3A_233 : memref<125x80xi32, #tpu.memory_space<hbm>>) target(%arg7 : memref<125x80xi32, #tpu.memory_space<vmem>>) target_semaphore(%run_scoped3A_225 : memref<!tpu.dma_semaphore, #tpu.memory_space<semaphore_mem>>)
      %dma_wait3A_234 = arith.constant 0 : i32
      %dma_wait3A_235 = arith.constant 0 : i32
      %dma_wait3A_236 = tpu.memref_slice %arg4[%add3A, %dma_wait3A_234, %dma_wait3A_235] : memref<32x125x80xi32, #tpu.memory_space<hbm>> -> memref<1x125x80xi32, #tpu.memory_space<hbm>>
      %dma_wait3A_237 = tpu.memref_squeeze %dma_wait3A_236 : memref<1x125x80xi32, #tpu.memory_space<hbm>> -> memref<125x80xi32, #tpu.memory_space<hbm>>
      %dma_wait3A_238 = arith.constant 0 : i32
      %dma_wait3A_239 = arith.constant 0 : i32
      %dma_wait3A_240 = tpu.memref_slice %arg4[%add3A, %dma_wait3A_238, %dma_wait3A_239] : memref<32x125x80xi32, #tpu.memory_space<hbm>> -> memref<1x125x80xi32, #tpu.memory_space<hbm>>
      %dma_wait3A_241 = tpu.memref_squeeze %dma_wait3A_240 : memref<1x125x80xi32, #tpu.memory_space<hbm>> -> memref<125x80xi32, #tpu.memory_space<hbm>>
      tpu.wait_dma2 semaphore(%run_scoped3A_225 : memref<!tpu.dma_semaphore, #tpu.memory_space<semaphore_mem>>) src(%dma_wait3A_241 : memref<125x80xi32, #tpu.memory_space<hbm>>) dst(%arg7 : memref<125x80xi32, #tpu.memory_space<vmem>>)
      tpu.yield
    }) : () -> ()
    %barrier3A = arith.constant 0 : index
    tpu.barrier barrier_id(%barrier3A)
    %dma_start3A = arith.constant 0 : i32
    %dma_start3A_106 = arith.constant 0 : i32
    %dma_start3A_107 = tpu.memref_slice %arg6[%dma_start3A, %dma_start3A_106] : memref<125x80xi32, #tpu.memory_space<vmem>> -> memref<1x80xi32, #tpu.memory_space<vmem>>
    %dma_start3A_108 = tpu.memref_squeeze %dma_start3A_107 : memref<1x80xi32, #tpu.memory_space<vmem>> -> memref<80xi32, #tpu.memory_space<vmem>>
    %dma_start3A_109 = arith.constant 0 : i32
    %dma_start3A_110 = arith.constant 0 : i32
    %dma_start3A_111 = tpu.memref_slice %arg2[%dma_start3A_109, %dma_start3A_110] : memref<10000x136xf32, #tpu.memory_space<hbm>> -> memref<10000x136xf32, #tpu.memory_space<hbm>>
    tpu.enqueue_indirect_dma source(%dma_start3A_111 : memref<10000x136xf32, #tpu.memory_space<hbm>>) target(%arg8 : memref<80x136xf32, #tpu.memory_space<vmem>>) offsets(%dma_start3A_108 : memref<80xi32, #tpu.memory_space<vmem>>) semaphore(%arg12 : memref<!tpu.dma_semaphore, #tpu.memory_space<semaphore_mem>>)
    %scan3A_112 = arith.constant 0 : i32
    %scan3A_113 = arith.constant 0 : i32
    %scan3A_114 = arith.constant 62 : i32
    %scan3A_115 = arith.addi %scan3A_113, %scan3A_114 : i32
    %scan3A_116 = arith.constant 1 : i32
    scf.for %scan3A_225 = %scan3A_113 to %scan3A_115 step %scan3A_116  : i32 {
      %mul3A_226 = arith.constant 2 : i32
      %mul3A_227 = arith.muli %mul3A_226, %scan3A_225 : i32
      %dma_wait3A_228 = arith.constant 0 : i32
      %dma_wait3A_229 = tpu.memref_slice %arg6[%mul3A_227, %dma_wait3A_228] : memref<125x80xi32, #tpu.memory_space<vmem>> -> memref<1x80xi32, #tpu.memory_space<vmem>>
      %dma_wait3A_230 = tpu.memref_squeeze %dma_wait3A_229 : memref<1x80xi32, #tpu.memory_space<vmem>> -> memref<80xi32, #tpu.memory_space<vmem>>
      %dma_wait3A_231 = arith.constant 0 : i32
      %dma_wait3A_232 = arith.constant 0 : i32
      %dma_wait3A_233 = tpu.memref_slice %arg2[%dma_wait3A_231, %dma_wait3A_232] : memref<10000x136xf32, #tpu.memory_space<hbm>> -> memref<10000x136xf32, #tpu.memory_space<hbm>>
      tpu.wait_indirect_dma semaphore(%arg12 : memref<!tpu.dma_semaphore, #tpu.memory_space<semaphore_mem>>) src(%dma_wait3A_233 : memref<10000x136xf32, #tpu.memory_space<hbm>>) dst(%arg8 : memref<80x136xf32, #tpu.memory_space<vmem>>)
      %add3A_234 = arith.constant 1 : i32
      %add3A_235 = arith.addi %mul3A_227, %add3A_234 : i32
      %dma_start3A_236 = arith.constant 0 : i32
      %dma_start3A_237 = tpu.memref_slice %arg6[%add3A_235, %dma_start3A_236] : memref<125x80xi32, #tpu.memory_space<vmem>> -> memref<1x80xi32, #tpu.memory_space<vmem>>
      %dma_start3A_238 = tpu.memref_squeeze %dma_start3A_237 : memref<1x80xi32, #tpu.memory_space<vmem>> -> memref<80xi32, #tpu.memory_space<vmem>>
      %dma_start3A_239 = arith.constant 0 : i32
      %dma_start3A_240 = arith.constant 0 : i32
      %dma_start3A_241 = tpu.memref_slice %arg2[%dma_start3A_239, %dma_start3A_240] : memref<10000x136xf32, #tpu.memory_space<hbm>> -> memref<10000x136xf32, #tpu.memory_space<hbm>>
      tpu.enqueue_indirect_dma source(%dma_start3A_241 : memref<10000x136xf32, #tpu.memory_space<hbm>>) target(%arg9 : memref<80x136xf32, #tpu.memory_space<vmem>>) offsets(%dma_start3A_238 : memref<80xi32, #tpu.memory_space<vmem>>) semaphore(%arg13 : memref<!tpu.dma_semaphore, #tpu.memory_space<semaphore_mem>>)
      "tpu.region"() ({
        %run_scoped3A_260 = tpu.sem_alloc : memref<!tpu.dma_semaphore, #tpu.memory_space<semaphore_mem>>
        %dma_start3A_261 = arith.constant 0 : i32
        %dma_start3A_262 = tpu.memref_slice %arg7[%mul3A_227, %dma_start3A_261] : memref<125x80xi32, #tpu.memory_space<vmem>> -> memref<1x80xi32, #tpu.memory_space<vmem>>
        %dma_start3A_263 = tpu.memref_squeeze %dma_start3A_262 : memref<1x80xi32, #tpu.memory_space<vmem>> -> memref<80xi32, #tpu.memory_space<vmem>>
        %dma_start3A_264 = arith.constant 0 : i32
        %dma_start3A_265 = arith.constant 0 : i32
        %dma_start3A_266 = tpu.memref_slice %arg11[%dma_start3A_264, %dma_start3A_265] : memref<10000x136xf32, #tpu.memory_space<vmem_shared>> -> memref<10000x136xf32, #tpu.memory_space<vmem_shared>>
        tpu.enqueue_indirect_dma source(%arg8 : memref<80x136xf32, #tpu.memory_space<vmem>>) target(%dma_start3A_266 : memref<10000x136xf32, #tpu.memory_space<vmem_shared>>) offsets(%dma_start3A_263 : memref<80xi32, #tpu.memory_space<vmem>>) semaphore(%run_scoped3A_260 : memref<!tpu.dma_semaphore, #tpu.memory_space<semaphore_mem>>) {add = true}
        %dma_wait3A_267 = arith.constant 0 : i32
        %dma_wait3A_268 = tpu.memref_slice %arg7[%mul3A_227, %dma_wait3A_267] : memref<125x80xi32, #tpu.memory_space<vmem>> -> memref<1x80xi32, #tpu.memory_space<vmem>>
        %dma_wait3A_269 = tpu.memref_squeeze %dma_wait3A_268 : memref<1x80xi32, #tpu.memory_space<vmem>> -> memref<80xi32, #tpu.memory_space<vmem>>
        %dma_wait3A_270 = arith.constant 0 : i32
        %dma_wait3A_271 = arith.constant 0 : i32
        %dma_wait3A_272 = tpu.memref_slice %arg11[%dma_wait3A_270, %dma_wait3A_271] : memref<10000x136xf32, #tpu.memory_space<vmem_shared>> -> memref<10000x136xf32, #tpu.memory_space<vmem_shared>>
        tpu.wait_indirect_dma semaphore(%run_scoped3A_260 : memref<!tpu.dma_semaphore, #tpu.memory_space<semaphore_mem>>) src(%arg8 : memref<80x136xf32, #tpu.memory_space<vmem>>) dst(%dma_wait3A_272 : memref<10000x136xf32, #tpu.memory_space<vmem_shared>>)
        tpu.yield
      }) : () -> ()
      %add3A_242 = arith.constant 1 : i32
      %add3A_243 = arith.addi %mul3A_227, %add3A_242 : i32
      %dma_wait3A_244 = arith.constant 0 : i32
      %dma_wait3A_245 = tpu.memref_slice %arg6[%add3A_243, %dma_wait3A_244] : memref<125x80xi32, #tpu.memory_space<vmem>> -> memref<1x80xi32, #tpu.memory_space<vmem>>
      %dma_wait3A_246 = tpu.memref_squeeze %dma_wait3A_245 : memref<1x80xi32, #tpu.memory_space<vmem>> -> memref<80xi32, #tpu.memory_space<vmem>>
      %dma_wait3A_247 = arith.constant 0 : i32
      %dma_wait3A_248 = arith.constant 0 : i32
      %dma_wait3A_249 = tpu.memref_slice %arg2[%dma_wait3A_247, %dma_wait3A_248] : memref<10000x136xf32, #tpu.memory_space<hbm>> -> memref<10000x136xf32, #tpu.memory_space<hbm>>
      tpu.wait_indirect_dma semaphore(%arg13 : memref<!tpu.dma_semaphore, #tpu.memory_space<semaphore_mem>>) src(%dma_wait3A_249 : memref<10000x136xf32, #tpu.memory_space<hbm>>) dst(%arg9 : memref<80x136xf32, #tpu.memory_space<vmem>>)
      %add3A_250 = arith.constant 2 : i32
      %add3A_251 = arith.addi %mul3A_227, %add3A_250 : i32
      %dma_start3A_252 = arith.constant 0 : i32
      %dma_start3A_253 = tpu.memref_slice %arg6[%add3A_251, %dma_start3A_252] : memref<125x80xi32, #tpu.memory_space<vmem>> -> memref<1x80xi32, #tpu.memory_space<vmem>>
      %dma_start3A_254 = tpu.memref_squeeze %dma_start3A_253 : memref<1x80xi32, #tpu.memory_space<vmem>> -> memref<80xi32, #tpu.memory_space<vmem>>
      %dma_start3A_255 = arith.constant 0 : i32
      %dma_start3A_256 = arith.constant 0 : i32
      %dma_start3A_257 = tpu.memref_slice %arg2[%dma_start3A_255, %dma_start3A_256] : memref<10000x136xf32, #tpu.memory_space<hbm>> -> memref<10000x136xf32, #tpu.memory_space<hbm>>
      tpu.enqueue_indirect_dma source(%dma_start3A_257 : memref<10000x136xf32, #tpu.memory_space<hbm>>) target(%arg8 : memref<80x136xf32, #tpu.memory_space<vmem>>) offsets(%dma_start3A_254 : memref<80xi32, #tpu.memory_space<vmem>>) semaphore(%arg12 : memref<!tpu.dma_semaphore, #tpu.memory_space<semaphore_mem>>)
      %add3A_258 = arith.constant 1 : i32
      %add3A_259 = arith.addi %mul3A_227, %add3A_258 : i32
      "tpu.region"() ({
        %run_scoped3A_260 = tpu.sem_alloc : memref<!tpu.dma_semaphore, #tpu.memory_space<semaphore_mem>>
        %dma_start3A_261 = arith.constant 0 : i32
        %dma_start3A_262 = tpu.memref_slice %arg7[%add3A_259, %dma_start3A_261] : memref<125x80xi32, #tpu.memory_space<vmem>> -> memref<1x80xi32, #tpu.memory_space<vmem>>
        %dma_start3A_263 = tpu.memref_squeeze %dma_start3A_262 : memref<1x80xi32, #tpu.memory_space<vmem>> -> memref<80xi32, #tpu.memory_space<vmem>>
        %dma_start3A_264 = arith.constant 0 : i32
        %dma_start3A_265 = arith.constant 0 : i32
        %dma_start3A_266 = tpu.memref_slice %arg11[%dma_start3A_264, %dma_start3A_265] : memref<10000x136xf32, #tpu.memory_space<vmem_shared>> -> memref<10000x136xf32, #tpu.memory_space<vmem_shared>>
        tpu.enqueue_indirect_dma source(%arg9 : memref<80x136xf32, #tpu.memory_space<vmem>>) target(%dma_start3A_266 : memref<10000x136xf32, #tpu.memory_space<vmem_shared>>) offsets(%dma_start3A_263 : memref<80xi32, #tpu.memory_space<vmem>>) semaphore(%run_scoped3A_260 : memref<!tpu.dma_semaphore, #tpu.memory_space<semaphore_mem>>) {add = true}
        %dma_wait3A_267 = arith.constant 0 : i32
        %dma_wait3A_268 = tpu.memref_slice %arg7[%add3A_259, %dma_wait3A_267] : memref<125x80xi32, #tpu.memory_space<vmem>> -> memref<1x80xi32, #tpu.memory_space<vmem>>
        %dma_wait3A_269 = tpu.memref_squeeze %dma_wait3A_268 : memref<1x80xi32, #tpu.memory_space<vmem>> -> memref<80xi32, #tpu.memory_space<vmem>>
        %dma_wait3A_270 = arith.constant 0 : i32
        %dma_wait3A_271 = arith.constant 0 : i32
        %dma_wait3A_272 = tpu.memref_slice %arg11[%dma_wait3A_270, %dma_wait3A_271] : memref<10000x136xf32, #tpu.memory_space<vmem_shared>> -> memref<10000x136xf32, #tpu.memory_space<vmem_shared>>
        tpu.wait_indirect_dma semaphore(%run_scoped3A_260 : memref<!tpu.dma_semaphore, #tpu.memory_space<semaphore_mem>>) src(%arg9 : memref<80x136xf32, #tpu.memory_space<vmem>>) dst(%dma_wait3A_272 : memref<10000x136xf32, #tpu.memory_space<vmem_shared>>)
        tpu.yield
      }) : () -> ()
    }
    %scan3A_117 = arith.constant 62 : i32
    %dma_wait3A = arith.constant 124 : i32
    %dma_wait3A_118 = arith.constant 0 : i32
    %dma_wait3A_119 = tpu.memref_slice %arg6[%dma_wait3A, %dma_wait3A_118] : memref<125x80xi32, #tpu.memory_space<vmem>> -> memref<1x80xi32, #tpu.memory_space<vmem>>
    %dma_wait3A_120 = tpu.memref_squeeze %dma_wait3A_119 : memref<1x80xi32, #tpu.memory_space<vmem>> -> memref<80xi32, #tpu.memory_space<vmem>>
    %dma_wait3A_121 = arith.constant 0 : i32
    %dma_wait3A_122 = arith.constant 0 : i32
    %dma_wait3A_123 = tpu.memref_slice %arg2[%dma_wait3A_121, %dma_wait3A_122] : memref<10000x136xf32, #tpu.memory_space<hbm>> -> memref<10000x136xf32, #tpu.memory_space<hbm>>
    tpu.wait_indirect_dma semaphore(%arg12 : memref<!tpu.dma_semaphore, #tpu.memory_space<semaphore_mem>>) src(%dma_wait3A_123 : memref<10000x136xf32, #tpu.memory_space<hbm>>) dst(%arg8 : memref<80x136xf32, #tpu.memory_space<vmem>>)
    %run_scoped3A = arith.constant 124 : i32
    "tpu.region"() ({
      %run_scoped3A_225 = tpu.sem_alloc : memref<!tpu.dma_semaphore, #tpu.memory_space<semaphore_mem>>
      %dma_start3A_226 = arith.constant 0 : i32
      %dma_start3A_227 = tpu.memref_slice %arg7[%run_scoped3A, %dma_start3A_226] : memref<125x80xi32, #tpu.memory_space<vmem>> -> memref<1x80xi32, #tpu.memory_space<vmem>>
      %dma_start3A_228 = tpu.memref_squeeze %dma_start3A_227 : memref<1x80xi32, #tpu.memory_space<vmem>> -> memref<80xi32, #tpu.memory_space<vmem>>
      %dma_start3A_229 = arith.constant 0 : i32
      %dma_start3A_230 = arith.constant 0 : i32
      %dma_start3A_231 = tpu.memref_slice %arg11[%dma_start3A_229, %dma_start3A_230] : memref<10000x136xf32, #tpu.memory_space<vmem_shared>> -> memref<10000x136xf32, #tpu.memory_space<vmem_shared>>
      tpu.enqueue_indirect_dma source(%arg8 : memref<80x136xf32, #tpu.memory_space<vmem>>) target(%dma_start3A_231 : memref<10000x136xf32, #tpu.memory_space<vmem_shared>>) offsets(%dma_start3A_228 : memref<80xi32, #tpu.memory_space<vmem>>) semaphore(%run_scoped3A_225 : memref<!tpu.dma_semaphore, #tpu.memory_space<semaphore_mem>>) {add = true}
      %dma_wait3A_232 = arith.constant 0 : i32
      %dma_wait3A_233 = tpu.memref_slice %arg7[%run_scoped3A, %dma_wait3A_232] : memref<125x80xi32, #tpu.memory_space<vmem>> -> memref<1x80xi32, #tpu.memory_space<vmem>>
      %dma_wait3A_234 = tpu.memref_squeeze %dma_wait3A_233 : memref<1x80xi32, #tpu.memory_space<vmem>> -> memref<80xi32, #tpu.memory_space<vmem>>
      %dma_wait3A_235 = arith.constant 0 : i32
      %dma_wait3A_236 = arith.constant 0 : i32
      %dma_wait3A_237 = tpu.memref_slice %arg11[%dma_wait3A_235, %dma_wait3A_236] : memref<10000x136xf32, #tpu.memory_space<vmem_shared>> -> memref<10000x136xf32, #tpu.memory_space<vmem_shared>>
      tpu.wait_indirect_dma semaphore(%run_scoped3A_225 : memref<!tpu.dma_semaphore, #tpu.memory_space<semaphore_mem>>) src(%arg8 : memref<80x136xf32, #tpu.memory_space<vmem>>) dst(%dma_wait3A_237 : memref<10000x136xf32, #tpu.memory_space<vmem_shared>>)
      tpu.yield
    }) : () -> ()
    %barrier3A_124 = arith.constant 0 : index
    tpu.barrier barrier_id(%barrier3A_124)
    %mul3A_125 = arith.constant 625 : i32
    %mul3A_126 = arith.muli %arg1, %mul3A_125 : i32
    %add3A_127 = arith.constant 0 : i32
    %add3A_128 = arith.addi %mul3A_126, %add3A_127 : i32
    "tpu.region"() ({
      %run_scoped3A_225 = tpu.sem_alloc : memref<!tpu.dma_semaphore, #tpu.memory_space<semaphore_mem>>
      %dma_start3A_226 = arith.constant 0 : i32
      %dma_start3A_227 = tpu.memref_slice %arg11[%add3A_128, %dma_start3A_226] : memref<10000x136xf32, #tpu.memory_space<vmem_shared>> -> memref<25x136xf32, #tpu.memory_space<vmem_shared>>
      %dma_start3A_228 = arith.constant 0 : i32
      %dma_start3A_229 = tpu.memref_slice %arg11[%add3A_128, %dma_start3A_228] : memref<10000x136xf32, #tpu.memory_space<vmem_shared>> -> memref<25x136xf32, #tpu.memory_space<vmem_shared>>
      tpu.enqueue_dma source(%dma_start3A_229 : memref<25x136xf32, #tpu.memory_space<vmem_shared>>) target(%arg10 : memref<25x136xf32, #tpu.memory_space<vmem>>) target_semaphore(%run_scoped3A_225 : memref<!tpu.dma_semaphore, #tpu.memory_space<semaphore_mem>>)
      %dma_wait3A_230 = arith.constant 0 : i32
      %dma_wait3A_231 = tpu.memref_slice %arg11[%add3A_128, %dma_wait3A_230] : memref<10000x136xf32, #tpu.memory_space<vmem_shared>> -> memref<25x136xf32, #tpu.memory_space<vmem_shared>>
      %dma_wait3A_232 = arith.constant 0 : i32
      %dma_wait3A_233 = tpu.memref_slice %arg11[%add3A_128, %dma_wait3A_232] : memref<10000x136xf32, #tpu.memory_space<vmem_shared>> -> memref<25x136xf32, #tpu.memory_space<vmem_shared>>
      tpu.wait_dma2 semaphore(%run_scoped3A_225 : memref<!tpu.dma_semaphore, #tpu.memory_space<semaphore_mem>>) src(%dma_wait3A_233 : memref<25x136xf32, #tpu.memory_space<vmem_shared>>) dst(%arg10 : memref<25x136xf32, #tpu.memory_space<vmem>>)
      tpu.yield
    }) : () -> ()
    "tpu.region"() ({
      %run_scoped3A_225 = tpu.sem_alloc : memref<!tpu.dma_semaphore, #tpu.memory_space<semaphore_mem>>
      %dma_start3A_226 = arith.constant 0 : i32
      %dma_start3A_227 = tpu.memref_slice %arg5[%arg0, %add3A_128, %dma_start3A_226] : memref<2x10000x136xf32, #tpu.memory_space<hbm>> -> memref<1x25x136xf32, #tpu.memory_space<hbm>>
      %dma_start3A_228 = tpu.memref_squeeze %dma_start3A_227 : memref<1x25x136xf32, #tpu.memory_space<hbm>> -> memref<25x136xf32, #tpu.memory_space<hbm>>
      %dma_start3A_229 = arith.constant 0 : i32
      %dma_start3A_230 = tpu.memref_slice %arg5[%arg0, %add3A_128, %dma_start3A_229] : memref<2x10000x136xf32, #tpu.memory_space<hbm>> -> memref<1x25x136xf32, #tpu.memory_space<hbm>>
      %dma_start3A_231 = tpu.memref_squeeze %dma_start3A_230 : memref<1x25x136xf32, #tpu.memory_space<hbm>> -> memref<25x136xf32, #tpu.memory_space<hbm>>
      tpu.enqueue_dma source(%arg10 : memref<25x136xf32, #tpu.memory_space<vmem>>) target(%dma_start3A_231 : memref<25x136xf32, #tpu.memory_space<hbm>>) target_semaphore(%run_scoped3A_225 : memref<!tpu.dma_semaphore, #tpu.memory_space<semaphore_mem>>)
      %dma_wait3A_232 = arith.constant 0 : i32
      %dma_wait3A_233 = tpu.memref_slice %arg5[%arg0, %add3A_128, %dma_wait3A_232] : memref<2x10000x136xf32, #tpu.memory_space<hbm>> -> memref<1x25x136xf32, #tpu.memory_space<hbm>>
      %dma_wait3A_234 = tpu.memref_squeeze %dma_wait3A_233 : memref<1x25x136xf32, #tpu.memory_space<hbm>> -> memref<25x136xf32, #tpu.memory_space<hbm>>
      %dma_wait3A_235 = arith.constant 0 : i32
      %dma_wait3A_236 = tpu.memref_slice %arg5[%arg0, %add3A_128, %dma_wait3A_235] : memref<2x10000x136xf32, #tpu.memory_space<hbm>> -> memref<1x25x136xf32, #tpu.memory_space<hbm>>
      %dma_wait3A_237 = tpu.memref_squeeze %dma_wait3A_236 : memref<1x25x136xf32, #tpu.memory_space<hbm>> -> memref<25x136xf32, #tpu.memory_space<hbm>>
      tpu.wait_dma2 semaphore(%run_scoped3A_225 : memref<!tpu.dma_semaphore, #tpu.memory_space<semaphore_mem>>) src(%arg10 : memref<25x136xf32, #tpu.memory_space<vmem>>) dst(%dma_wait3A_237 : memref<25x136xf32, #tpu.memory_space<hbm>>)
      tpu.yield
    }) : () -> ()
    %mul3A_129 = arith.constant 625 : i32
    %mul3A_130 = arith.muli %arg1, %mul3A_129 : i32
    %add3A_131 = arith.constant 25 : i32
    %add3A_132 = arith.addi %mul3A_130, %add3A_131 : i32
    "tpu.region"() ({
      %run_scoped3A_225 = tpu.sem_alloc : memref<!tpu.dma_semaphore, #tpu.memory_space<semaphore_mem>>
      %dma_start3A_226 = arith.constant 0 : i32
      %dma_start3A_227 = tpu.memref_slice %arg11[%add3A_132, %dma_start3A_226] : memref<10000x136xf32, #tpu.memory_space<vmem_shared>> -> memref<25x136xf32, #tpu.memory_space<vmem_shared>>
      %dma_start3A_228 = arith.constant 0 : i32
      %dma_start3A_229 = tpu.memref_slice %arg11[%add3A_132, %dma_start3A_228] : memref<10000x136xf32, #tpu.memory_space<vmem_shared>> -> memref<25x136xf32, #tpu.memory_space<vmem_shared>>
      tpu.enqueue_dma source(%dma_start3A_229 : memref<25x136xf32, #tpu.memory_space<vmem_shared>>) target(%arg10 : memref<25x136xf32, #tpu.memory_space<vmem>>) target_semaphore(%run_scoped3A_225 : memref<!tpu.dma_semaphore, #tpu.memory_space<semaphore_mem>>)
      %dma_wait3A_230 = arith.constant 0 : i32
      %dma_wait3A_231 = tpu.memref_slice %arg11[%add3A_132, %dma_wait3A_230] : memref<10000x136xf32, #tpu.memory_space<vmem_shared>> -> memref<25x136xf32, #tpu.memory_space<vmem_shared>>
      %dma_wait3A_232 = arith.constant 0 : i32
      %dma_wait3A_233 = tpu.memref_slice %arg11[%add3A_132, %dma_wait3A_232] : memref<10000x136xf32, #tpu.memory_space<vmem_shared>> -> memref<25x136xf32, #tpu.memory_space<vmem_shared>>
      tpu.wait_dma2 semaphore(%run_scoped3A_225 : memref<!tpu.dma_semaphore, #tpu.memory_space<semaphore_mem>>) src(%dma_wait3A_233 : memref<25x136xf32, #tpu.memory_space<vmem_shared>>) dst(%arg10 : memref<25x136xf32, #tpu.memory_space<vmem>>)
      tpu.yield
    }) : () -> ()
    "tpu.region"() ({
      %run_scoped3A_225 = tpu.sem_alloc : memref<!tpu.dma_semaphore, #tpu.memory_space<semaphore_mem>>
      %dma_start3A_226 = arith.constant 0 : i32
      %dma_start3A_227 = tpu.memref_slice %arg5[%arg0, %add3A_132, %dma_start3A_226] : memref<2x10000x136xf32, #tpu.memory_space<hbm>> -> memref<1x25x136xf32, #tpu.memory_space<hbm>>
      %dma_start3A_228 = tpu.memref_squeeze %dma_start3A_227 : memref<1x25x136xf32, #tpu.memory_space<hbm>> -> memref<25x136xf32, #tpu.memory_space<hbm>>
      %dma_start3A_229 = arith.constant 0 : i32
      %dma_start3A_230 = tpu.memref_slice %arg5[%arg0, %add3A_132, %dma_start3A_229] : memref<2x10000x136xf32, #tpu.memory_space<hbm>> -> memref<1x25x136xf32, #tpu.memory_space<hbm>>
      %dma_start3A_231 = tpu.memref_squeeze %dma_start3A_230 : memref<1x25x136xf32, #tpu.memory_space<hbm>> -> memref<25x136xf32, #tpu.memory_space<hbm>>
      tpu.enqueue_dma source(%arg10 : memref<25x136xf32, #tpu.memory_space<vmem>>) target(%dma_start3A_231 : memref<25x136xf32, #tpu.memory_space<hbm>>) target_semaphore(%run_scoped3A_225 : memref<!tpu.dma_semaphore, #tpu.memory_space<semaphore_mem>>)
      %dma_wait3A_232 = arith.constant 0 : i32
      %dma_wait3A_233 = tpu.memref_slice %arg5[%arg0, %add3A_132, %dma_wait3A_232] : memref<2x10000x136xf32, #tpu.memory_space<hbm>> -> memref<1x25x136xf32, #tpu.memory_space<hbm>>
      %dma_wait3A_234 = tpu.memref_squeeze %dma_wait3A_233 : memref<1x25x136xf32, #tpu.memory_space<hbm>> -> memref<25x136xf32, #tpu.memory_space<hbm>>
      %dma_wait3A_235 = arith.constant 0 : i32
      %dma_wait3A_236 = tpu.memref_slice %arg5[%arg0, %add3A_132, %dma_wait3A_235] : memref<2x10000x136xf32, #tpu.memory_space<hbm>> -> memref<1x25x136xf32, #tpu.memory_space<hbm>>
      %dma_wait3A_237 = tpu.memref_squeeze %dma_wait3A_236 : memref<1x25x136xf32, #tpu.memory_space<hbm>> -> memref<25x136xf32, #tpu.memory_space<hbm>>
      tpu.wait_dma2 semaphore(%run_scoped3A_225 : memref<!tpu.dma_semaphore, #tpu.memory_space<semaphore_mem>>) src(%arg10 : memref<25x136xf32, #tpu.memory_space<vmem>>) dst(%dma_wait3A_237 : memref<25x136xf32, #tpu.memory_space<hbm>>)
      tpu.yield
    }) : () -> ()
    %mul3A_133 = arith.constant 625 : i32
    %mul3A_134 = arith.muli %arg1, %mul3A_133 : i32
    %add3A_135 = arith.constant 50 : i32
    %add3A_136 = arith.addi %mul3A_134, %add3A_135 : i32
    "tpu.region"() ({
      %run_scoped3A_225 = tpu.sem_alloc : memref<!tpu.dma_semaphore, #tpu.memory_space<semaphore_mem>>
      %dma_start3A_226 = arith.constant 0 : i32
      %dma_start3A_227 = tpu.memref_slice %arg11[%add3A_136, %dma_start3A_226] : memref<10000x136xf32, #tpu.memory_space<vmem_shared>> -> memref<25x136xf32, #tpu.memory_space<vmem_shared>>
      %dma_start3A_228 = arith.constant 0 : i32
      %dma_start3A_229 = tpu.memref_slice %arg11[%add3A_136, %dma_start3A_228] : memref<10000x136xf32, #tpu.memory_space<vmem_shared>> -> memref<25x136xf32, #tpu.memory_space<vmem_shared>>
      tpu.enqueue_dma source(%dma_start3A_229 : memref<25x136xf32, #tpu.memory_space<vmem_shared>>) target(%arg10 : memref<25x136xf32, #tpu.memory_space<vmem>>) target_semaphore(%run_scoped3A_225 : memref<!tpu.dma_semaphore, #tpu.memory_space<semaphore_mem>>)
      %dma_wait3A_230 = arith.constant 0 : i32
      %dma_wait3A_231 = tpu.memref_slice %arg11[%add3A_136, %dma_wait3A_230] : memref<10000x136xf32, #tpu.memory_space<vmem_shared>> -> memref<25x136xf32, #tpu.memory_space<vmem_shared>>
      %dma_wait3A_232 = arith.constant 0 : i32
      %dma_wait3A_233 = tpu.memref_slice %arg11[%add3A_136, %dma_wait3A_232] : memref<10000x136xf32, #tpu.memory_space<vmem_shared>> -> memref<25x136xf32, #tpu.memory_space<vmem_shared>>
      tpu.wait_dma2 semaphore(%run_scoped3A_225 : memref<!tpu.dma_semaphore, #tpu.memory_space<semaphore_mem>>) src(%dma_wait3A_233 : memref<25x136xf32, #tpu.memory_space<vmem_shared>>) dst(%arg10 : memref<25x136xf32, #tpu.memory_space<vmem>>)
      tpu.yield
    }) : () -> ()
    "tpu.region"() ({
      %run_scoped3A_225 = tpu.sem_alloc : memref<!tpu.dma_semaphore, #tpu.memory_space<semaphore_mem>>
      %dma_start3A_226 = arith.constant 0 : i32
      %dma_start3A_227 = tpu.memref_slice %arg5[%arg0, %add3A_136, %dma_start3A_226] : memref<2x10000x136xf32, #tpu.memory_space<hbm>> -> memref<1x25x136xf32, #tpu.memory_space<hbm>>
      %dma_start3A_228 = tpu.memref_squeeze %dma_start3A_227 : memref<1x25x136xf32, #tpu.memory_space<hbm>> -> memref<25x136xf32, #tpu.memory_space<hbm>>
      %dma_start3A_229 = arith.constant 0 : i32
      %dma_start3A_230 = tpu.memref_slice %arg5[%arg0, %add3A_136, %dma_start3A_229] : memref<2x10000x136xf32, #tpu.memory_space<hbm>> -> memref<1x25x136xf32, #tpu.memory_space<hbm>>
      %dma_start3A_231 = tpu.memref_squeeze %dma_start3A_230 : memref<1x25x136xf32, #tpu.memory_space<hbm>> -> memref<25x136xf32, #tpu.memory_space<hbm>>
      tpu.enqueue_dma source(%arg10 : memref<25x136xf32, #tpu.memory_space<vmem>>) target(%dma_start3A_231 : memref<25x136xf32, #tpu.memory_space<hbm>>) target_semaphore(%run_scoped3A_225 : memref<!tpu.dma_semaphore, #tpu.memory_space<semaphore_mem>>)
      %dma_wait3A_232 = arith.constant 0 : i32
      %dma_wait3A_233 = tpu.memref_slice %arg5[%arg0, %add3A_136, %dma_wait3A_232] : memref<2x10000x136xf32, #tpu.memory_space<hbm>> -> memref<1x25x136xf32, #tpu.memory_space<hbm>>
      %dma_wait3A_234 = tpu.memref_squeeze %dma_wait3A_233 : memref<1x25x136xf32, #tpu.memory_space<hbm>> -> memref<25x136xf32, #tpu.memory_space<hbm>>
      %dma_wait3A_235 = arith.constant 0 : i32
      %dma_wait3A_236 = tpu.memref_slice %arg5[%arg0, %add3A_136, %dma_wait3A_235] : memref<2x10000x136xf32, #tpu.memory_space<hbm>> -> memref<1x25x136xf32, #tpu.memory_space<hbm>>
      %dma_wait3A_237 = tpu.memref_squeeze %dma_wait3A_236 : memref<1x25x136xf32, #tpu.memory_space<hbm>> -> memref<25x136xf32, #tpu.memory_space<hbm>>
      tpu.wait_dma2 semaphore(%run_scoped3A_225 : memref<!tpu.dma_semaphore, #tpu.memory_space<semaphore_mem>>) src(%arg10 : memref<25x136xf32, #tpu.memory_space<vmem>>) dst(%dma_wait3A_237 : memref<25x136xf32, #tpu.memory_space<hbm>>)
      tpu.yield
    }) : () -> ()
    %mul3A_137 = arith.constant 625 : i32
    %mul3A_138 = arith.muli %arg1, %mul3A_137 : i32
    %add3A_139 = arith.constant 75 : i32
    %add3A_140 = arith.addi %mul3A_138, %add3A_139 : i32
    "tpu.region"() ({
      %run_scoped3A_225 = tpu.sem_alloc : memref<!tpu.dma_semaphore, #tpu.memory_space<semaphore_mem>>
      %dma_start3A_226 = arith.constant 0 : i32
      %dma_start3A_227 = tpu.memref_slice %arg11[%add3A_140, %dma_start3A_226] : memref<10000x136xf32, #tpu.memory_space<vmem_shared>> -> memref<25x136xf32, #tpu.memory_space<vmem_shared>>
      %dma_start3A_228 = arith.constant 0 : i32
      %dma_start3A_229 = tpu.memref_slice %arg11[%add3A_140, %dma_start3A_228] : memref<10000x136xf32, #tpu.memory_space<vmem_shared>> -> memref<25x136xf32, #tpu.memory_space<vmem_shared>>
      tpu.enqueue_dma source(%dma_start3A_229 : memref<25x136xf32, #tpu.memory_space<vmem_shared>>) target(%arg10 : memref<25x136xf32, #tpu.memory_space<vmem>>) target_semaphore(%run_scoped3A_225 : memref<!tpu.dma_semaphore, #tpu.memory_space<semaphore_mem>>)
      %dma_wait3A_230 = arith.constant 0 : i32
      %dma_wait3A_231 = tpu.memref_slice %arg11[%add3A_140, %dma_wait3A_230] : memref<10000x136xf32, #tpu.memory_space<vmem_shared>> -> memref<25x136xf32, #tpu.memory_space<vmem_shared>>
      %dma_wait3A_232 = arith.constant 0 : i32
      %dma_wait3A_233 = tpu.memref_slice %arg11[%add3A_140, %dma_wait3A_232] : memref<10000x136xf32, #tpu.memory_space<vmem_shared>> -> memref<25x136xf32, #tpu.memory_space<vmem_shared>>
      tpu.wait_dma2 semaphore(%run_scoped3A_225 : memref<!tpu.dma_semaphore, #tpu.memory_space<semaphore_mem>>) src(%dma_wait3A_233 : memref<25x136xf32, #tpu.memory_space<vmem_shared>>) dst(%arg10 : memref<25x136xf32, #tpu.memory_space<vmem>>)
      tpu.yield
    }) : () -> ()
    "tpu.region"() ({
      %run_scoped3A_225 = tpu.sem_alloc : memref<!tpu.dma_semaphore, #tpu.memory_space<semaphore_mem>>
      %dma_start3A_226 = arith.constant 0 : i32
      %dma_start3A_227 = tpu.memref_slice %arg5[%arg0, %add3A_140, %dma_start3A_226] : memref<2x10000x136xf32, #tpu.memory_space<hbm>> -> memref<1x25x136xf32, #tpu.memory_space<hbm>>
      %dma_start3A_228 = tpu.memref_squeeze %dma_start3A_227 : memref<1x25x136xf32, #tpu.memory_space<hbm>> -> memref<25x136xf32, #tpu.memory_space<hbm>>
      %dma_start3A_229 = arith.constant 0 : i32
      %dma_start3A_230 = tpu.memref_slice %arg5[%arg0, %add3A_140, %dma_start3A_229] : memref<2x10000x136xf32, #tpu.memory_space<hbm>> -> memref<1x25x136xf32, #tpu.memory_space<hbm>>
      %dma_start3A_231 = tpu.memref_squeeze %dma_start3A_230 : memref<1x25x136xf32, #tpu.memory_space<hbm>> -> memref<25x136xf32, #tpu.memory_space<hbm>>
      tpu.enqueue_dma source(%arg10 : memref<25x136xf32, #tpu.memory_space<vmem>>) target(%dma_start3A_231 : memref<25x136xf32, #tpu.memory_space<hbm>>) target_semaphore(%run_scoped3A_225 : memref<!tpu.dma_semaphore, #tpu.memory_space<semaphore_mem>>)
      %dma_wait3A_232 = arith.constant 0 : i32
      %dma_wait3A_233 = tpu.memref_slice %arg5[%arg0, %add3A_140, %dma_wait3A_232] : memref<2x10000x136xf32, #tpu.memory_space<hbm>> -> memref<1x25x136xf32, #tpu.memory_space<hbm>>
      %dma_wait3A_234 = tpu.memref_squeeze %dma_wait3A_233 : memref<1x25x136xf32, #tpu.memory_space<hbm>> -> memref<25x136xf32, #tpu.memory_space<hbm>>
      %dma_wait3A_235 = arith.constant 0 : i32
      %dma_wait3A_236 = tpu.memref_slice %arg5[%arg0, %add3A_140, %dma_wait3A_235] : memref<2x10000x136xf32, #tpu.memory_space<hbm>> -> memref<1x25x136xf32, #tpu.memory_space<hbm>>
      %dma_wait3A_237 = tpu.memref_squeeze %dma_wait3A_236 : memref<1x25x136xf32, #tpu.memory_space<hbm>> -> memref<25x136xf32, #tpu.memory_space<hbm>>
      tpu.wait_dma2 semaphore(%run_scoped3A_225 : memref<!tpu.dma_semaphore, #tpu.memory_space<semaphore_mem>>) src(%arg10 : memref<25x136xf32, #tpu.memory_space<vmem>>) dst(%dma_wait3A_237 : memref<25x136xf32, #tpu.memory_space<hbm>>)
      tpu.yield
    }) : () -> ()
    %mul3A_141 = arith.constant 625 : i32
    %mul3A_142 = arith.muli %arg1, %mul3A_141 : i32
    %add3A_143 = arith.constant 100 : i32
    %add3A_144 = arith.addi %mul3A_142, %add3A_143 : i32
    "tpu.region"() ({
      %run_scoped3A_225 = tpu.sem_alloc : memref<!tpu.dma_semaphore, #tpu.memory_space<semaphore_mem>>
      %dma_start3A_226 = arith.constant 0 : i32
      %dma_start3A_227 = tpu.memref_slice %arg11[%add3A_144, %dma_start3A_226] : memref<10000x136xf32, #tpu.memory_space<vmem_shared>> -> memref<25x136xf32, #tpu.memory_space<vmem_shared>>
      %dma_start3A_228 = arith.constant 0 : i32
      %dma_start3A_229 = tpu.memref_slice %arg11[%add3A_144, %dma_start3A_228] : memref<10000x136xf32, #tpu.memory_space<vmem_shared>> -> memref<25x136xf32, #tpu.memory_space<vmem_shared>>
      tpu.enqueue_dma source(%dma_start3A_229 : memref<25x136xf32, #tpu.memory_space<vmem_shared>>) target(%arg10 : memref<25x136xf32, #tpu.memory_space<vmem>>) target_semaphore(%run_scoped3A_225 : memref<!tpu.dma_semaphore, #tpu.memory_space<semaphore_mem>>)
      %dma_wait3A_230 = arith.constant 0 : i32
      %dma_wait3A_231 = tpu.memref_slice %arg11[%add3A_144, %dma_wait3A_230] : memref<10000x136xf32, #tpu.memory_space<vmem_shared>> -> memref<25x136xf32, #tpu.memory_space<vmem_shared>>
      %dma_wait3A_232 = arith.constant 0 : i32
      %dma_wait3A_233 = tpu.memref_slice %arg11[%add3A_144, %dma_wait3A_232] : memref<10000x136xf32, #tpu.memory_space<vmem_shared>> -> memref<25x136xf32, #tpu.memory_space<vmem_shared>>
      tpu.wait_dma2 semaphore(%run_scoped3A_225 : memref<!tpu.dma_semaphore, #tpu.memory_space<semaphore_mem>>) src(%dma_wait3A_233 : memref<25x136xf32, #tpu.memory_space<vmem_shared>>) dst(%arg10 : memref<25x136xf32, #tpu.memory_space<vmem>>)
      tpu.yield
    }) : () -> ()
    "tpu.region"() ({
      %run_scoped3A_225 = tpu.sem_alloc : memref<!tpu.dma_semaphore, #tpu.memory_space<semaphore_mem>>
      %dma_start3A_226 = arith.constant 0 : i32
      %dma_start3A_227 = tpu.memref_slice %arg5[%arg0, %add3A_144, %dma_start3A_226] : memref<2x10000x136xf32, #tpu.memory_space<hbm>> -> memref<1x25x136xf32, #tpu.memory_space<hbm>>
      %dma_start3A_228 = tpu.memref_squeeze %dma_start3A_227 : memref<1x25x136xf32, #tpu.memory_space<hbm>> -> memref<25x136xf32, #tpu.memory_space<hbm>>
      %dma_start3A_229 = arith.constant 0 : i32
      %dma_start3A_230 = tpu.memref_slice %arg5[%arg0, %add3A_144, %dma_start3A_229] : memref<2x10000x136xf32, #tpu.memory_space<hbm>> -> memref<1x25x136xf32, #tpu.memory_space<hbm>>
      %dma_start3A_231 = tpu.memref_squeeze %dma_start3A_230 : memref<1x25x136xf32, #tpu.memory_space<hbm>> -> memref<25x136xf32, #tpu.memory_space<hbm>>
      tpu.enqueue_dma source(%arg10 : memref<25x136xf32, #tpu.memory_space<vmem>>) target(%dma_start3A_231 : memref<25x136xf32, #tpu.memory_space<hbm>>) target_semaphore(%run_scoped3A_225 : memref<!tpu.dma_semaphore, #tpu.memory_space<semaphore_mem>>)
      %dma_wait3A_232 = arith.constant 0 : i32
      %dma_wait3A_233 = tpu.memref_slice %arg5[%arg0, %add3A_144, %dma_wait3A_232] : memref<2x10000x136xf32, #tpu.memory_space<hbm>> -> memref<1x25x136xf32, #tpu.memory_space<hbm>>
      %dma_wait3A_234 = tpu.memref_squeeze %dma_wait3A_233 : memref<1x25x136xf32, #tpu.memory_space<hbm>> -> memref<25x136xf32, #tpu.memory_space<hbm>>
      %dma_wait3A_235 = arith.constant 0 : i32
      %dma_wait3A_236 = tpu.memref_slice %arg5[%arg0, %add3A_144, %dma_wait3A_235] : memref<2x10000x136xf32, #tpu.memory_space<hbm>> -> memref<1x25x136xf32, #tpu.memory_space<hbm>>
      %dma_wait3A_237 = tpu.memref_squeeze %dma_wait3A_236 : memref<1x25x136xf32, #tpu.memory_space<hbm>> -> memref<25x136xf32, #tpu.memory_space<hbm>>
      tpu.wait_dma2 semaphore(%run_scoped3A_225 : memref<!tpu.dma_semaphore, #tpu.memory_space<semaphore_mem>>) src(%arg10 : memref<25x136xf32, #tpu.memory_space<vmem>>) dst(%dma_wait3A_237 : memref<25x136xf32, #tpu.memory_space<hbm>>)
      tpu.yield
    }) : () -> ()
    %mul3A_145 = arith.constant 625 : i32
    %mul3A_146 = arith.muli %arg1, %mul3A_145 : i32
    %add3A_147 = arith.constant 125 : i32
    %add3A_148 = arith.addi %mul3A_146, %add3A_147 : i32
    "tpu.region"() ({
      %run_scoped3A_225 = tpu.sem_alloc : memref<!tpu.dma_semaphore, #tpu.memory_space<semaphore_mem>>
      %dma_start3A_226 = arith.constant 0 : i32
      %dma_start3A_227 = tpu.memref_slice %arg11[%add3A_148, %dma_start3A_226] : memref<10000x136xf32, #tpu.memory_space<vmem_shared>> -> memref<25x136xf32, #tpu.memory_space<vmem_shared>>
      %dma_start3A_228 = arith.constant 0 : i32
      %dma_start3A_229 = tpu.memref_slice %arg11[%add3A_148, %dma_start3A_228] : memref<10000x136xf32, #tpu.memory_space<vmem_shared>> -> memref<25x136xf32, #tpu.memory_space<vmem_shared>>
      tpu.enqueue_dma source(%dma_start3A_229 : memref<25x136xf32, #tpu.memory_space<vmem_shared>>) target(%arg10 : memref<25x136xf32, #tpu.memory_space<vmem>>) target_semaphore(%run_scoped3A_225 : memref<!tpu.dma_semaphore, #tpu.memory_space<semaphore_mem>>)
      %dma_wait3A_230 = arith.constant 0 : i32
      %dma_wait3A_231 = tpu.memref_slice %arg11[%add3A_148, %dma_wait3A_230] : memref<10000x136xf32, #tpu.memory_space<vmem_shared>> -> memref<25x136xf32, #tpu.memory_space<vmem_shared>>
      %dma_wait3A_232 = arith.constant 0 : i32
      %dma_wait3A_233 = tpu.memref_slice %arg11[%add3A_148, %dma_wait3A_232] : memref<10000x136xf32, #tpu.memory_space<vmem_shared>> -> memref<25x136xf32, #tpu.memory_space<vmem_shared>>
      tpu.wait_dma2 semaphore(%run_scoped3A_225 : memref<!tpu.dma_semaphore, #tpu.memory_space<semaphore_mem>>) src(%dma_wait3A_233 : memref<25x136xf32, #tpu.memory_space<vmem_shared>>) dst(%arg10 : memref<25x136xf32, #tpu.memory_space<vmem>>)
      tpu.yield
    }) : () -> ()
    "tpu.region"() ({
      %run_scoped3A_225 = tpu.sem_alloc : memref<!tpu.dma_semaphore, #tpu.memory_space<semaphore_mem>>
      %dma_start3A_226 = arith.constant 0 : i32
      %dma_start3A_227 = tpu.memref_slice %arg5[%arg0, %add3A_148, %dma_start3A_226] : memref<2x10000x136xf32, #tpu.memory_space<hbm>> -> memref<1x25x136xf32, #tpu.memory_space<hbm>>
      %dma_start3A_228 = tpu.memref_squeeze %dma_start3A_227 : memref<1x25x136xf32, #tpu.memory_space<hbm>> -> memref<25x136xf32, #tpu.memory_space<hbm>>
      %dma_start3A_229 = arith.constant 0 : i32
      %dma_start3A_230 = tpu.memref_slice %arg5[%arg0, %add3A_148, %dma_start3A_229] : memref<2x10000x136xf32, #tpu.memory_space<hbm>> -> memref<1x25x136xf32, #tpu.memory_space<hbm>>
      %dma_start3A_231 = tpu.memref_squeeze %dma_start3A_230 : memref<1x25x136xf32, #tpu.memory_space<hbm>> -> memref<25x136xf32, #tpu.memory_space<hbm>>
      tpu.enqueue_dma source(%arg10 : memref<25x136xf32, #tpu.memory_space<vmem>>) target(%dma_start3A_231 : memref<25x136xf32, #tpu.memory_space<hbm>>) target_semaphore(%run_scoped3A_225 : memref<!tpu.dma_semaphore, #tpu.memory_space<semaphore_mem>>)
      %dma_wait3A_232 = arith.constant 0 : i32
      %dma_wait3A_233 = tpu.memref_slice %arg5[%arg0, %add3A_148, %dma_wait3A_232] : memref<2x10000x136xf32, #tpu.memory_space<hbm>> -> memref<1x25x136xf32, #tpu.memory_space<hbm>>
      %dma_wait3A_234 = tpu.memref_squeeze %dma_wait3A_233 : memref<1x25x136xf32, #tpu.memory_space<hbm>> -> memref<25x136xf32, #tpu.memory_space<hbm>>
      %dma_wait3A_235 = arith.constant 0 : i32
      %dma_wait3A_236 = tpu.memref_slice %arg5[%arg0, %add3A_148, %dma_wait3A_235] : memref<2x10000x136xf32, #tpu.memory_space<hbm>> -> memref<1x25x136xf32, #tpu.memory_space<hbm>>
      %dma_wait3A_237 = tpu.memref_squeeze %dma_wait3A_236 : memref<1x25x136xf32, #tpu.memory_space<hbm>> -> memref<25x136xf32, #tpu.memory_space<hbm>>
      tpu.wait_dma2 semaphore(%run_scoped3A_225 : memref<!tpu.dma_semaphore, #tpu.memory_space<semaphore_mem>>) src(%arg10 : memref<25x136xf32, #tpu.memory_space<vmem>>) dst(%dma_wait3A_237 : memref<25x136xf32, #tpu.memory_space<hbm>>)
      tpu.yield
    }) : () -> ()
    %mul3A_149 = arith.constant 625 : i32
    %mul3A_150 = arith.muli %arg1, %mul3A_149 : i32
    %add3A_151 = arith.constant 150 : i32
    %add3A_152 = arith.addi %mul3A_150, %add3A_151 : i32
    "tpu.region"() ({
      %run_scoped3A_225 = tpu.sem_alloc : memref<!tpu.dma_semaphore, #tpu.memory_space<semaphore_mem>>
      %dma_start3A_226 = arith.constant 0 : i32
      %dma_start3A_227 = tpu.memref_slice %arg11[%add3A_152, %dma_start3A_226] : memref<10000x136xf32, #tpu.memory_space<vmem_shared>> -> memref<25x136xf32, #tpu.memory_space<vmem_shared>>
      %dma_start3A_228 = arith.constant 0 : i32
      %dma_start3A_229 = tpu.memref_slice %arg11[%add3A_152, %dma_start3A_228] : memref<10000x136xf32, #tpu.memory_space<vmem_shared>> -> memref<25x136xf32, #tpu.memory_space<vmem_shared>>
      tpu.enqueue_dma source(%dma_start3A_229 : memref<25x136xf32, #tpu.memory_space<vmem_shared>>) target(%arg10 : memref<25x136xf32, #tpu.memory_space<vmem>>) target_semaphore(%run_scoped3A_225 : memref<!tpu.dma_semaphore, #tpu.memory_space<semaphore_mem>>)
      %dma_wait3A_230 = arith.constant 0 : i32
      %dma_wait3A_231 = tpu.memref_slice %arg11[%add3A_152, %dma_wait3A_230] : memref<10000x136xf32, #tpu.memory_space<vmem_shared>> -> memref<25x136xf32, #tpu.memory_space<vmem_shared>>
      %dma_wait3A_232 = arith.constant 0 : i32
      %dma_wait3A_233 = tpu.memref_slice %arg11[%add3A_152, %dma_wait3A_232] : memref<10000x136xf32, #tpu.memory_space<vmem_shared>> -> memref<25x136xf32, #tpu.memory_space<vmem_shared>>
      tpu.wait_dma2 semaphore(%run_scoped3A_225 : memref<!tpu.dma_semaphore, #tpu.memory_space<semaphore_mem>>) src(%dma_wait3A_233 : memref<25x136xf32, #tpu.memory_space<vmem_shared>>) dst(%arg10 : memref<25x136xf32, #tpu.memory_space<vmem>>)
      tpu.yield
    }) : () -> ()
    "tpu.region"() ({
      %run_scoped3A_225 = tpu.sem_alloc : memref<!tpu.dma_semaphore, #tpu.memory_space<semaphore_mem>>
      %dma_start3A_226 = arith.constant 0 : i32
      %dma_start3A_227 = tpu.memref_slice %arg5[%arg0, %add3A_152, %dma_start3A_226] : memref<2x10000x136xf32, #tpu.memory_space<hbm>> -> memref<1x25x136xf32, #tpu.memory_space<hbm>>
      %dma_start3A_228 = tpu.memref_squeeze %dma_start3A_227 : memref<1x25x136xf32, #tpu.memory_space<hbm>> -> memref<25x136xf32, #tpu.memory_space<hbm>>
      %dma_start3A_229 = arith.constant 0 : i32
      %dma_start3A_230 = tpu.memref_slice %arg5[%arg0, %add3A_152, %dma_start3A_229] : memref<2x10000x136xf32, #tpu.memory_space<hbm>> -> memref<1x25x136xf32, #tpu.memory_space<hbm>>
      %dma_start3A_231 = tpu.memref_squeeze %dma_start3A_230 : memref<1x25x136xf32, #tpu.memory_space<hbm>> -> memref<25x136xf32, #tpu.memory_space<hbm>>
      tpu.enqueue_dma source(%arg10 : memref<25x136xf32, #tpu.memory_space<vmem>>) target(%dma_start3A_231 : memref<25x136xf32, #tpu.memory_space<hbm>>) target_semaphore(%run_scoped3A_225 : memref<!tpu.dma_semaphore, #tpu.memory_space<semaphore_mem>>)
      %dma_wait3A_232 = arith.constant 0 : i32
      %dma_wait3A_233 = tpu.memref_slice %arg5[%arg0, %add3A_152, %dma_wait3A_232] : memref<2x10000x136xf32, #tpu.memory_space<hbm>> -> memref<1x25x136xf32, #tpu.memory_space<hbm>>
      %dma_wait3A_234 = tpu.memref_squeeze %dma_wait3A_233 : memref<1x25x136xf32, #tpu.memory_space<hbm>> -> memref<25x136xf32, #tpu.memory_space<hbm>>
      %dma_wait3A_235 = arith.constant 0 : i32
      %dma_wait3A_236 = tpu.memref_slice %arg5[%arg0, %add3A_152, %dma_wait3A_235] : memref<2x10000x136xf32, #tpu.memory_space<hbm>> -> memref<1x25x136xf32, #tpu.memory_space<hbm>>
      %dma_wait3A_237 = tpu.memref_squeeze %dma_wait3A_236 : memref<1x25x136xf32, #tpu.memory_space<hbm>> -> memref<25x136xf32, #tpu.memory_space<hbm>>
      tpu.wait_dma2 semaphore(%run_scoped3A_225 : memref<!tpu.dma_semaphore, #tpu.memory_space<semaphore_mem>>) src(%arg10 : memref<25x136xf32, #tpu.memory_space<vmem>>) dst(%dma_wait3A_237 : memref<25x136xf32, #tpu.memory_space<hbm>>)
      tpu.yield
    }) : () -> ()
    %mul3A_153 = arith.constant 625 : i32
    %mul3A_154 = arith.muli %arg1, %mul3A_153 : i32
    %add3A_155 = arith.constant 175 : i32
    %add3A_156 = arith.addi %mul3A_154, %add3A_155 : i32
    "tpu.region"() ({
      %run_scoped3A_225 = tpu.sem_alloc : memref<!tpu.dma_semaphore, #tpu.memory_space<semaphore_mem>>
      %dma_start3A_226 = arith.constant 0 : i32
      %dma_start3A_227 = tpu.memref_slice %arg11[%add3A_156, %dma_start3A_226] : memref<10000x136xf32, #tpu.memory_space<vmem_shared>> -> memref<25x136xf32, #tpu.memory_space<vmem_shared>>
      %dma_start3A_228 = arith.constant 0 : i32
      %dma_start3A_229 = tpu.memref_slice %arg11[%add3A_156, %dma_start3A_228] : memref<10000x136xf32, #tpu.memory_space<vmem_shared>> -> memref<25x136xf32, #tpu.memory_space<vmem_shared>>
      tpu.enqueue_dma source(%dma_start3A_229 : memref<25x136xf32, #tpu.memory_space<vmem_shared>>) target(%arg10 : memref<25x136xf32, #tpu.memory_space<vmem>>) target_semaphore(%run_scoped3A_225 : memref<!tpu.dma_semaphore, #tpu.memory_space<semaphore_mem>>)
      %dma_wait3A_230 = arith.constant 0 : i32
      %dma_wait3A_231 = tpu.memref_slice %arg11[%add3A_156, %dma_wait3A_230] : memref<10000x136xf32, #tpu.memory_space<vmem_shared>> -> memref<25x136xf32, #tpu.memory_space<vmem_shared>>
      %dma_wait3A_232 = arith.constant 0 : i32
      %dma_wait3A_233 = tpu.memref_slice %arg11[%add3A_156, %dma_wait3A_232] : memref<10000x136xf32, #tpu.memory_space<vmem_shared>> -> memref<25x136xf32, #tpu.memory_space<vmem_shared>>
      tpu.wait_dma2 semaphore(%run_scoped3A_225 : memref<!tpu.dma_semaphore, #tpu.memory_space<semaphore_mem>>) src(%dma_wait3A_233 : memref<25x136xf32, #tpu.memory_space<vmem_shared>>) dst(%arg10 : memref<25x136xf32, #tpu.memory_space<vmem>>)
      tpu.yield
    }) : () -> ()
    "tpu.region"() ({
      %run_scoped3A_225 = tpu.sem_alloc : memref<!tpu.dma_semaphore, #tpu.memory_space<semaphore_mem>>
      %dma_start3A_226 = arith.constant 0 : i32
      %dma_start3A_227 = tpu.memref_slice %arg5[%arg0, %add3A_156, %dma_start3A_226] : memref<2x10000x136xf32, #tpu.memory_space<hbm>> -> memref<1x25x136xf32, #tpu.memory_space<hbm>>
      %dma_start3A_228 = tpu.memref_squeeze %dma_start3A_227 : memref<1x25x136xf32, #tpu.memory_space<hbm>> -> memref<25x136xf32, #tpu.memory_space<hbm>>
      %dma_start3A_229 = arith.constant 0 : i32
      %dma_start3A_230 = tpu.memref_slice %arg5[%arg0, %add3A_156, %dma_start3A_229] : memref<2x10000x136xf32, #tpu.memory_space<hbm>> -> memref<1x25x136xf32, #tpu.memory_space<hbm>>
      %dma_start3A_231 = tpu.memref_squeeze %dma_start3A_230 : memref<1x25x136xf32, #tpu.memory_space<hbm>> -> memref<25x136xf32, #tpu.memory_space<hbm>>
      tpu.enqueue_dma source(%arg10 : memref<25x136xf32, #tpu.memory_space<vmem>>) target(%dma_start3A_231 : memref<25x136xf32, #tpu.memory_space<hbm>>) target_semaphore(%run_scoped3A_225 : memref<!tpu.dma_semaphore, #tpu.memory_space<semaphore_mem>>)
      %dma_wait3A_232 = arith.constant 0 : i32
      %dma_wait3A_233 = tpu.memref_slice %arg5[%arg0, %add3A_156, %dma_wait3A_232] : memref<2x10000x136xf32, #tpu.memory_space<hbm>> -> memref<1x25x136xf32, #tpu.memory_space<hbm>>
      %dma_wait3A_234 = tpu.memref_squeeze %dma_wait3A_233 : memref<1x25x136xf32, #tpu.memory_space<hbm>> -> memref<25x136xf32, #tpu.memory_space<hbm>>
      %dma_wait3A_235 = arith.constant 0 : i32
      %dma_wait3A_236 = tpu.memref_slice %arg5[%arg0, %add3A_156, %dma_wait3A_235] : memref<2x10000x136xf32, #tpu.memory_space<hbm>> -> memref<1x25x136xf32, #tpu.memory_space<hbm>>
      %dma_wait3A_237 = tpu.memref_squeeze %dma_wait3A_236 : memref<1x25x136xf32, #tpu.memory_space<hbm>> -> memref<25x136xf32, #tpu.memory_space<hbm>>
      tpu.wait_dma2 semaphore(%run_scoped3A_225 : memref<!tpu.dma_semaphore, #tpu.memory_space<semaphore_mem>>) src(%arg10 : memref<25x136xf32, #tpu.memory_space<vmem>>) dst(%dma_wait3A_237 : memref<25x136xf32, #tpu.memory_space<hbm>>)
      tpu.yield
    }) : () -> ()
    %mul3A_157 = arith.constant 625 : i32
    %mul3A_158 = arith.muli %arg1, %mul3A_157 : i32
    %add3A_159 = arith.constant 200 : i32
    %add3A_160 = arith.addi %mul3A_158, %add3A_159 : i32
    "tpu.region"() ({
      %run_scoped3A_225 = tpu.sem_alloc : memref<!tpu.dma_semaphore, #tpu.memory_space<semaphore_mem>>
      %dma_start3A_226 = arith.constant 0 : i32
      %dma_start3A_227 = tpu.memref_slice %arg11[%add3A_160, %dma_start3A_226] : memref<10000x136xf32, #tpu.memory_space<vmem_shared>> -> memref<25x136xf32, #tpu.memory_space<vmem_shared>>
      %dma_start3A_228 = arith.constant 0 : i32
      %dma_start3A_229 = tpu.memref_slice %arg11[%add3A_160, %dma_start3A_228] : memref<10000x136xf32, #tpu.memory_space<vmem_shared>> -> memref<25x136xf32, #tpu.memory_space<vmem_shared>>
      tpu.enqueue_dma source(%dma_start3A_229 : memref<25x136xf32, #tpu.memory_space<vmem_shared>>) target(%arg10 : memref<25x136xf32, #tpu.memory_space<vmem>>) target_semaphore(%run_scoped3A_225 : memref<!tpu.dma_semaphore, #tpu.memory_space<semaphore_mem>>)
      %dma_wait3A_230 = arith.constant 0 : i32
      %dma_wait3A_231 = tpu.memref_slice %arg11[%add3A_160, %dma_wait3A_230] : memref<10000x136xf32, #tpu.memory_space<vmem_shared>> -> memref<25x136xf32, #tpu.memory_space<vmem_shared>>
      %dma_wait3A_232 = arith.constant 0 : i32
      %dma_wait3A_233 = tpu.memref_slice %arg11[%add3A_160, %dma_wait3A_232] : memref<10000x136xf32, #tpu.memory_space<vmem_shared>> -> memref<25x136xf32, #tpu.memory_space<vmem_shared>>
      tpu.wait_dma2 semaphore(%run_scoped3A_225 : memref<!tpu.dma_semaphore, #tpu.memory_space<semaphore_mem>>) src(%dma_wait3A_233 : memref<25x136xf32, #tpu.memory_space<vmem_shared>>) dst(%arg10 : memref<25x136xf32, #tpu.memory_space<vmem>>)
      tpu.yield
    }) : () -> ()
    "tpu.region"() ({
      %run_scoped3A_225 = tpu.sem_alloc : memref<!tpu.dma_semaphore, #tpu.memory_space<semaphore_mem>>
      %dma_start3A_226 = arith.constant 0 : i32
      %dma_start3A_227 = tpu.memref_slice %arg5[%arg0, %add3A_160, %dma_start3A_226] : memref<2x10000x136xf32, #tpu.memory_space<hbm>> -> memref<1x25x136xf32, #tpu.memory_space<hbm>>
      %dma_start3A_228 = tpu.memref_squeeze %dma_start3A_227 : memref<1x25x136xf32, #tpu.memory_space<hbm>> -> memref<25x136xf32, #tpu.memory_space<hbm>>
      %dma_start3A_229 = arith.constant 0 : i32
      %dma_start3A_230 = tpu.memref_slice %arg5[%arg0, %add3A_160, %dma_start3A_229] : memref<2x10000x136xf32, #tpu.memory_space<hbm>> -> memref<1x25x136xf32, #tpu.memory_space<hbm>>
      %dma_start3A_231 = tpu.memref_squeeze %dma_start3A_230 : memref<1x25x136xf32, #tpu.memory_space<hbm>> -> memref<25x136xf32, #tpu.memory_space<hbm>>
      tpu.enqueue_dma source(%arg10 : memref<25x136xf32, #tpu.memory_space<vmem>>) target(%dma_start3A_231 : memref<25x136xf32, #tpu.memory_space<hbm>>) target_semaphore(%run_scoped3A_225 : memref<!tpu.dma_semaphore, #tpu.memory_space<semaphore_mem>>)
      %dma_wait3A_232 = arith.constant 0 : i32
      %dma_wait3A_233 = tpu.memref_slice %arg5[%arg0, %add3A_160, %dma_wait3A_232] : memref<2x10000x136xf32, #tpu.memory_space<hbm>> -> memref<1x25x136xf32, #tpu.memory_space<hbm>>
      %dma_wait3A_234 = tpu.memref_squeeze %dma_wait3A_233 : memref<1x25x136xf32, #tpu.memory_space<hbm>> -> memref<25x136xf32, #tpu.memory_space<hbm>>
      %dma_wait3A_235 = arith.constant 0 : i32
      %dma_wait3A_236 = tpu.memref_slice %arg5[%arg0, %add3A_160, %dma_wait3A_235] : memref<2x10000x136xf32, #tpu.memory_space<hbm>> -> memref<1x25x136xf32, #tpu.memory_space<hbm>>
      %dma_wait3A_237 = tpu.memref_squeeze %dma_wait3A_236 : memref<1x25x136xf32, #tpu.memory_space<hbm>> -> memref<25x136xf32, #tpu.memory_space<hbm>>
      tpu.wait_dma2 semaphore(%run_scoped3A_225 : memref<!tpu.dma_semaphore, #tpu.memory_space<semaphore_mem>>) src(%arg10 : memref<25x136xf32, #tpu.memory_space<vmem>>) dst(%dma_wait3A_237 : memref<25x136xf32, #tpu.memory_space<hbm>>)
      tpu.yield
    }) : () -> ()
    %mul3A_161 = arith.constant 625 : i32
    %mul3A_162 = arith.muli %arg1, %mul3A_161 : i32
    %add3A_163 = arith.constant 225 : i32
    %add3A_164 = arith.addi %mul3A_162, %add3A_163 : i32
    "tpu.region"() ({
      %run_scoped3A_225 = tpu.sem_alloc : memref<!tpu.dma_semaphore, #tpu.memory_space<semaphore_mem>>
      %dma_start3A_226 = arith.constant 0 : i32
      %dma_start3A_227 = tpu.memref_slice %arg11[%add3A_164, %dma_start3A_226] : memref<10000x136xf32, #tpu.memory_space<vmem_shared>> -> memref<25x136xf32, #tpu.memory_space<vmem_shared>>
      %dma_start3A_228 = arith.constant 0 : i32
      %dma_start3A_229 = tpu.memref_slice %arg11[%add3A_164, %dma_start3A_228] : memref<10000x136xf32, #tpu.memory_space<vmem_shared>> -> memref<25x136xf32, #tpu.memory_space<vmem_shared>>
      tpu.enqueue_dma source(%dma_start3A_229 : memref<25x136xf32, #tpu.memory_space<vmem_shared>>) target(%arg10 : memref<25x136xf32, #tpu.memory_space<vmem>>) target_semaphore(%run_scoped3A_225 : memref<!tpu.dma_semaphore, #tpu.memory_space<semaphore_mem>>)
      %dma_wait3A_230 = arith.constant 0 : i32
      %dma_wait3A_231 = tpu.memref_slice %arg11[%add3A_164, %dma_wait3A_230] : memref<10000x136xf32, #tpu.memory_space<vmem_shared>> -> memref<25x136xf32, #tpu.memory_space<vmem_shared>>
      %dma_wait3A_232 = arith.constant 0 : i32
      %dma_wait3A_233 = tpu.memref_slice %arg11[%add3A_164, %dma_wait3A_232] : memref<10000x136xf32, #tpu.memory_space<vmem_shared>> -> memref<25x136xf32, #tpu.memory_space<vmem_shared>>
      tpu.wait_dma2 semaphore(%run_scoped3A_225 : memref<!tpu.dma_semaphore, #tpu.memory_space<semaphore_mem>>) src(%dma_wait3A_233 : memref<25x136xf32, #tpu.memory_space<vmem_shared>>) dst(%arg10 : memref<25x136xf32, #tpu.memory_space<vmem>>)
      tpu.yield
    }) : () -> ()
    "tpu.region"() ({
      %run_scoped3A_225 = tpu.sem_alloc : memref<!tpu.dma_semaphore, #tpu.memory_space<semaphore_mem>>
      %dma_start3A_226 = arith.constant 0 : i32
      %dma_start3A_227 = tpu.memref_slice %arg5[%arg0, %add3A_164, %dma_start3A_226] : memref<2x10000x136xf32, #tpu.memory_space<hbm>> -> memref<1x25x136xf32, #tpu.memory_space<hbm>>
      %dma_start3A_228 = tpu.memref_squeeze %dma_start3A_227 : memref<1x25x136xf32, #tpu.memory_space<hbm>> -> memref<25x136xf32, #tpu.memory_space<hbm>>
      %dma_start3A_229 = arith.constant 0 : i32
      %dma_start3A_230 = tpu.memref_slice %arg5[%arg0, %add3A_164, %dma_start3A_229] : memref<2x10000x136xf32, #tpu.memory_space<hbm>> -> memref<1x25x136xf32, #tpu.memory_space<hbm>>
      %dma_start3A_231 = tpu.memref_squeeze %dma_start3A_230 : memref<1x25x136xf32, #tpu.memory_space<hbm>> -> memref<25x136xf32, #tpu.memory_space<hbm>>
      tpu.enqueue_dma source(%arg10 : memref<25x136xf32, #tpu.memory_space<vmem>>) target(%dma_start3A_231 : memref<25x136xf32, #tpu.memory_space<hbm>>) target_semaphore(%run_scoped3A_225 : memref<!tpu.dma_semaphore, #tpu.memory_space<semaphore_mem>>)
      %dma_wait3A_232 = arith.constant 0 : i32
      %dma_wait3A_233 = tpu.memref_slice %arg5[%arg0, %add3A_164, %dma_wait3A_232] : memref<2x10000x136xf32, #tpu.memory_space<hbm>> -> memref<1x25x136xf32, #tpu.memory_space<hbm>>
      %dma_wait3A_234 = tpu.memref_squeeze %dma_wait3A_233 : memref<1x25x136xf32, #tpu.memory_space<hbm>> -> memref<25x136xf32, #tpu.memory_space<hbm>>
      %dma_wait3A_235 = arith.constant 0 : i32
      %dma_wait3A_236 = tpu.memref_slice %arg5[%arg0, %add3A_164, %dma_wait3A_235] : memref<2x10000x136xf32, #tpu.memory_space<hbm>> -> memref<1x25x136xf32, #tpu.memory_space<hbm>>
      %dma_wait3A_237 = tpu.memref_squeeze %dma_wait3A_236 : memref<1x25x136xf32, #tpu.memory_space<hbm>> -> memref<25x136xf32, #tpu.memory_space<hbm>>
      tpu.wait_dma2 semaphore(%run_scoped3A_225 : memref<!tpu.dma_semaphore, #tpu.memory_space<semaphore_mem>>) src(%arg10 : memref<25x136xf32, #tpu.memory_space<vmem>>) dst(%dma_wait3A_237 : memref<25x136xf32, #tpu.memory_space<hbm>>)
      tpu.yield
    }) : () -> ()
    %mul3A_165 = arith.constant 625 : i32
    %mul3A_166 = arith.muli %arg1, %mul3A_165 : i32
    %add3A_167 = arith.constant 250 : i32
    %add3A_168 = arith.addi %mul3A_166, %add3A_167 : i32
    "tpu.region"() ({
      %run_scoped3A_225 = tpu.sem_alloc : memref<!tpu.dma_semaphore, #tpu.memory_space<semaphore_mem>>
      %dma_start3A_226 = arith.constant 0 : i32
      %dma_start3A_227 = tpu.memref_slice %arg11[%add3A_168, %dma_start3A_226] : memref<10000x136xf32, #tpu.memory_space<vmem_shared>> -> memref<25x136xf32, #tpu.memory_space<vmem_shared>>
      %dma_start3A_228 = arith.constant 0 : i32
      %dma_start3A_229 = tpu.memref_slice %arg11[%add3A_168, %dma_start3A_228] : memref<10000x136xf32, #tpu.memory_space<vmem_shared>> -> memref<25x136xf32, #tpu.memory_space<vmem_shared>>
      tpu.enqueue_dma source(%dma_start3A_229 : memref<25x136xf32, #tpu.memory_space<vmem_shared>>) target(%arg10 : memref<25x136xf32, #tpu.memory_space<vmem>>) target_semaphore(%run_scoped3A_225 : memref<!tpu.dma_semaphore, #tpu.memory_space<semaphore_mem>>)
      %dma_wait3A_230 = arith.constant 0 : i32
      %dma_wait3A_231 = tpu.memref_slice %arg11[%add3A_168, %dma_wait3A_230] : memref<10000x136xf32, #tpu.memory_space<vmem_shared>> -> memref<25x136xf32, #tpu.memory_space<vmem_shared>>
      %dma_wait3A_232 = arith.constant 0 : i32
      %dma_wait3A_233 = tpu.memref_slice %arg11[%add3A_168, %dma_wait3A_232] : memref<10000x136xf32, #tpu.memory_space<vmem_shared>> -> memref<25x136xf32, #tpu.memory_space<vmem_shared>>
      tpu.wait_dma2 semaphore(%run_scoped3A_225 : memref<!tpu.dma_semaphore, #tpu.memory_space<semaphore_mem>>) src(%dma_wait3A_233 : memref<25x136xf32, #tpu.memory_space<vmem_shared>>) dst(%arg10 : memref<25x136xf32, #tpu.memory_space<vmem>>)
      tpu.yield
    }) : () -> ()
    "tpu.region"() ({
      %run_scoped3A_225 = tpu.sem_alloc : memref<!tpu.dma_semaphore, #tpu.memory_space<semaphore_mem>>
      %dma_start3A_226 = arith.constant 0 : i32
      %dma_start3A_227 = tpu.memref_slice %arg5[%arg0, %add3A_168, %dma_start3A_226] : memref<2x10000x136xf32, #tpu.memory_space<hbm>> -> memref<1x25x136xf32, #tpu.memory_space<hbm>>
      %dma_start3A_228 = tpu.memref_squeeze %dma_start3A_227 : memref<1x25x136xf32, #tpu.memory_space<hbm>> -> memref<25x136xf32, #tpu.memory_space<hbm>>
      %dma_start3A_229 = arith.constant 0 : i32
      %dma_start3A_230 = tpu.memref_slice %arg5[%arg0, %add3A_168, %dma_start3A_229] : memref<2x10000x136xf32, #tpu.memory_space<hbm>> -> memref<1x25x136xf32, #tpu.memory_space<hbm>>
      %dma_start3A_231 = tpu.memref_squeeze %dma_start3A_230 : memref<1x25x136xf32, #tpu.memory_space<hbm>> -> memref<25x136xf32, #tpu.memory_space<hbm>>
      tpu.enqueue_dma source(%arg10 : memref<25x136xf32, #tpu.memory_space<vmem>>) target(%dma_start3A_231 : memref<25x136xf32, #tpu.memory_space<hbm>>) target_semaphore(%run_scoped3A_225 : memref<!tpu.dma_semaphore, #tpu.memory_space<semaphore_mem>>)
      %dma_wait3A_232 = arith.constant 0 : i32
      %dma_wait3A_233 = tpu.memref_slice %arg5[%arg0, %add3A_168, %dma_wait3A_232] : memref<2x10000x136xf32, #tpu.memory_space<hbm>> -> memref<1x25x136xf32, #tpu.memory_space<hbm>>
      %dma_wait3A_234 = tpu.memref_squeeze %dma_wait3A_233 : memref<1x25x136xf32, #tpu.memory_space<hbm>> -> memref<25x136xf32, #tpu.memory_space<hbm>>
      %dma_wait3A_235 = arith.constant 0 : i32
      %dma_wait3A_236 = tpu.memref_slice %arg5[%arg0, %add3A_168, %dma_wait3A_235] : memref<2x10000x136xf32, #tpu.memory_space<hbm>> -> memref<1x25x136xf32, #tpu.memory_space<hbm>>
      %dma_wait3A_237 = tpu.memref_squeeze %dma_wait3A_236 : memref<1x25x136xf32, #tpu.memory_space<hbm>> -> memref<25x136xf32, #tpu.memory_space<hbm>>
      tpu.wait_dma2 semaphore(%run_scoped3A_225 : memref<!tpu.dma_semaphore, #tpu.memory_space<semaphore_mem>>) src(%arg10 : memref<25x136xf32, #tpu.memory_space<vmem>>) dst(%dma_wait3A_237 : memref<25x136xf32, #tpu.memory_space<hbm>>)
      tpu.yield
    }) : () -> ()
    %mul3A_169 = arith.constant 625 : i32
    %mul3A_170 = arith.muli %arg1, %mul3A_169 : i32
    %add3A_171 = arith.constant 275 : i32
    %add3A_172 = arith.addi %mul3A_170, %add3A_171 : i32
    "tpu.region"() ({
      %run_scoped3A_225 = tpu.sem_alloc : memref<!tpu.dma_semaphore, #tpu.memory_space<semaphore_mem>>
      %dma_start3A_226 = arith.constant 0 : i32
      %dma_start3A_227 = tpu.memref_slice %arg11[%add3A_172, %dma_start3A_226] : memref<10000x136xf32, #tpu.memory_space<vmem_shared>> -> memref<25x136xf32, #tpu.memory_space<vmem_shared>>
      %dma_start3A_228 = arith.constant 0 : i32
      %dma_start3A_229 = tpu.memref_slice %arg11[%add3A_172, %dma_start3A_228] : memref<10000x136xf32, #tpu.memory_space<vmem_shared>> -> memref<25x136xf32, #tpu.memory_space<vmem_shared>>
      tpu.enqueue_dma source(%dma_start3A_229 : memref<25x136xf32, #tpu.memory_space<vmem_shared>>) target(%arg10 : memref<25x136xf32, #tpu.memory_space<vmem>>) target_semaphore(%run_scoped3A_225 : memref<!tpu.dma_semaphore, #tpu.memory_space<semaphore_mem>>)
      %dma_wait3A_230 = arith.constant 0 : i32
      %dma_wait3A_231 = tpu.memref_slice %arg11[%add3A_172, %dma_wait3A_230] : memref<10000x136xf32, #tpu.memory_space<vmem_shared>> -> memref<25x136xf32, #tpu.memory_space<vmem_shared>>
      %dma_wait3A_232 = arith.constant 0 : i32
      %dma_wait3A_233 = tpu.memref_slice %arg11[%add3A_172, %dma_wait3A_232] : memref<10000x136xf32, #tpu.memory_space<vmem_shared>> -> memref<25x136xf32, #tpu.memory_space<vmem_shared>>
      tpu.wait_dma2 semaphore(%run_scoped3A_225 : memref<!tpu.dma_semaphore, #tpu.memory_space<semaphore_mem>>) src(%dma_wait3A_233 : memref<25x136xf32, #tpu.memory_space<vmem_shared>>) dst(%arg10 : memref<25x136xf32, #tpu.memory_space<vmem>>)
      tpu.yield
    }) : () -> ()
    "tpu.region"() ({
      %run_scoped3A_225 = tpu.sem_alloc : memref<!tpu.dma_semaphore, #tpu.memory_space<semaphore_mem>>
      %dma_start3A_226 = arith.constant 0 : i32
      %dma_start3A_227 = tpu.memref_slice %arg5[%arg0, %add3A_172, %dma_start3A_226] : memref<2x10000x136xf32, #tpu.memory_space<hbm>> -> memref<1x25x136xf32, #tpu.memory_space<hbm>>
      %dma_start3A_228 = tpu.memref_squeeze %dma_start3A_227 : memref<1x25x136xf32, #tpu.memory_space<hbm>> -> memref<25x136xf32, #tpu.memory_space<hbm>>
      %dma_start3A_229 = arith.constant 0 : i32
      %dma_start3A_230 = tpu.memref_slice %arg5[%arg0, %add3A_172, %dma_start3A_229] : memref<2x10000x136xf32, #tpu.memory_space<hbm>> -> memref<1x25x136xf32, #tpu.memory_space<hbm>>
      %dma_start3A_231 = tpu.memref_squeeze %dma_start3A_230 : memref<1x25x136xf32, #tpu.memory_space<hbm>> -> memref<25x136xf32, #tpu.memory_space<hbm>>
      tpu.enqueue_dma source(%arg10 : memref<25x136xf32, #tpu.memory_space<vmem>>) target(%dma_start3A_231 : memref<25x136xf32, #tpu.memory_space<hbm>>) target_semaphore(%run_scoped3A_225 : memref<!tpu.dma_semaphore, #tpu.memory_space<semaphore_mem>>)
      %dma_wait3A_232 = arith.constant 0 : i32
      %dma_wait3A_233 = tpu.memref_slice %arg5[%arg0, %add3A_172, %dma_wait3A_232] : memref<2x10000x136xf32, #tpu.memory_space<hbm>> -> memref<1x25x136xf32, #tpu.memory_space<hbm>>
      %dma_wait3A_234 = tpu.memref_squeeze %dma_wait3A_233 : memref<1x25x136xf32, #tpu.memory_space<hbm>> -> memref<25x136xf32, #tpu.memory_space<hbm>>
      %dma_wait3A_235 = arith.constant 0 : i32
      %dma_wait3A_236 = tpu.memref_slice %arg5[%arg0, %add3A_172, %dma_wait3A_235] : memref<2x10000x136xf32, #tpu.memory_space<hbm>> -> memref<1x25x136xf32, #tpu.memory_space<hbm>>
      %dma_wait3A_237 = tpu.memref_squeeze %dma_wait3A_236 : memref<1x25x136xf32, #tpu.memory_space<hbm>> -> memref<25x136xf32, #tpu.memory_space<hbm>>
      tpu.wait_dma2 semaphore(%run_scoped3A_225 : memref<!tpu.dma_semaphore, #tpu.memory_space<semaphore_mem>>) src(%arg10 : memref<25x136xf32, #tpu.memory_space<vmem>>) dst(%dma_wait3A_237 : memref<25x136xf32, #tpu.memory_space<hbm>>)
      tpu.yield
    }) : () -> ()
    %mul3A_173 = arith.constant 625 : i32
    %mul3A_174 = arith.muli %arg1, %mul3A_173 : i32
    %add3A_175 = arith.constant 300 : i32
    %add3A_176 = arith.addi %mul3A_174, %add3A_175 : i32
    "tpu.region"() ({
      %run_scoped3A_225 = tpu.sem_alloc : memref<!tpu.dma_semaphore, #tpu.memory_space<semaphore_mem>>
      %dma_start3A_226 = arith.constant 0 : i32
      %dma_start3A_227 = tpu.memref_slice %arg11[%add3A_176, %dma_start3A_226] : memref<10000x136xf32, #tpu.memory_space<vmem_shared>> -> memref<25x136xf32, #tpu.memory_space<vmem_shared>>
      %dma_start3A_228 = arith.constant 0 : i32
      %dma_start3A_229 = tpu.memref_slice %arg11[%add3A_176, %dma_start3A_228] : memref<10000x136xf32, #tpu.memory_space<vmem_shared>> -> memref<25x136xf32, #tpu.memory_space<vmem_shared>>
      tpu.enqueue_dma source(%dma_start3A_229 : memref<25x136xf32, #tpu.memory_space<vmem_shared>>) target(%arg10 : memref<25x136xf32, #tpu.memory_space<vmem>>) target_semaphore(%run_scoped3A_225 : memref<!tpu.dma_semaphore, #tpu.memory_space<semaphore_mem>>)
      %dma_wait3A_230 = arith.constant 0 : i32
      %dma_wait3A_231 = tpu.memref_slice %arg11[%add3A_176, %dma_wait3A_230] : memref<10000x136xf32, #tpu.memory_space<vmem_shared>> -> memref<25x136xf32, #tpu.memory_space<vmem_shared>>
      %dma_wait3A_232 = arith.constant 0 : i32
      %dma_wait3A_233 = tpu.memref_slice %arg11[%add3A_176, %dma_wait3A_232] : memref<10000x136xf32, #tpu.memory_space<vmem_shared>> -> memref<25x136xf32, #tpu.memory_space<vmem_shared>>
      tpu.wait_dma2 semaphore(%run_scoped3A_225 : memref<!tpu.dma_semaphore, #tpu.memory_space<semaphore_mem>>) src(%dma_wait3A_233 : memref<25x136xf32, #tpu.memory_space<vmem_shared>>) dst(%arg10 : memref<25x136xf32, #tpu.memory_space<vmem>>)
      tpu.yield
    }) : () -> ()
    "tpu.region"() ({
      %run_scoped3A_225 = tpu.sem_alloc : memref<!tpu.dma_semaphore, #tpu.memory_space<semaphore_mem>>
      %dma_start3A_226 = arith.constant 0 : i32
      %dma_start3A_227 = tpu.memref_slice %arg5[%arg0, %add3A_176, %dma_start3A_226] : memref<2x10000x136xf32, #tpu.memory_space<hbm>> -> memref<1x25x136xf32, #tpu.memory_space<hbm>>
      %dma_start3A_228 = tpu.memref_squeeze %dma_start3A_227 : memref<1x25x136xf32, #tpu.memory_space<hbm>> -> memref<25x136xf32, #tpu.memory_space<hbm>>
      %dma_start3A_229 = arith.constant 0 : i32
      %dma_start3A_230 = tpu.memref_slice %arg5[%arg0, %add3A_176, %dma_start3A_229] : memref<2x10000x136xf32, #tpu.memory_space<hbm>> -> memref<1x25x136xf32, #tpu.memory_space<hbm>>
      %dma_start3A_231 = tpu.memref_squeeze %dma_start3A_230 : memref<1x25x136xf32, #tpu.memory_space<hbm>> -> memref<25x136xf32, #tpu.memory_space<hbm>>
      tpu.enqueue_dma source(%arg10 : memref<25x136xf32, #tpu.memory_space<vmem>>) target(%dma_start3A_231 : memref<25x136xf32, #tpu.memory_space<hbm>>) target_semaphore(%run_scoped3A_225 : memref<!tpu.dma_semaphore, #tpu.memory_space<semaphore_mem>>)
      %dma_wait3A_232 = arith.constant 0 : i32
      %dma_wait3A_233 = tpu.memref_slice %arg5[%arg0, %add3A_176, %dma_wait3A_232] : memref<2x10000x136xf32, #tpu.memory_space<hbm>> -> memref<1x25x136xf32, #tpu.memory_space<hbm>>
      %dma_wait3A_234 = tpu.memref_squeeze %dma_wait3A_233 : memref<1x25x136xf32, #tpu.memory_space<hbm>> -> memref<25x136xf32, #tpu.memory_space<hbm>>
      %dma_wait3A_235 = arith.constant 0 : i32
      %dma_wait3A_236 = tpu.memref_slice %arg5[%arg0, %add3A_176, %dma_wait3A_235] : memref<2x10000x136xf32, #tpu.memory_space<hbm>> -> memref<1x25x136xf32, #tpu.memory_space<hbm>>
      %dma_wait3A_237 = tpu.memref_squeeze %dma_wait3A_236 : memref<1x25x136xf32, #tpu.memory_space<hbm>> -> memref<25x136xf32, #tpu.memory_space<hbm>>
      tpu.wait_dma2 semaphore(%run_scoped3A_225 : memref<!tpu.dma_semaphore, #tpu.memory_space<semaphore_mem>>) src(%arg10 : memref<25x136xf32, #tpu.memory_space<vmem>>) dst(%dma_wait3A_237 : memref<25x136xf32, #tpu.memory_space<hbm>>)
      tpu.yield
    }) : () -> ()
    %mul3A_177 = arith.constant 625 : i32
    %mul3A_178 = arith.muli %arg1, %mul3A_177 : i32
    %add3A_179 = arith.constant 325 : i32
    %add3A_180 = arith.addi %mul3A_178, %add3A_179 : i32
    "tpu.region"() ({
      %run_scoped3A_225 = tpu.sem_alloc : memref<!tpu.dma_semaphore, #tpu.memory_space<semaphore_mem>>
      %dma_start3A_226 = arith.constant 0 : i32
      %dma_start3A_227 = tpu.memref_slice %arg11[%add3A_180, %dma_start3A_226] : memref<10000x136xf32, #tpu.memory_space<vmem_shared>> -> memref<25x136xf32, #tpu.memory_space<vmem_shared>>
      %dma_start3A_228 = arith.constant 0 : i32
      %dma_start3A_229 = tpu.memref_slice %arg11[%add3A_180, %dma_start3A_228] : memref<10000x136xf32, #tpu.memory_space<vmem_shared>> -> memref<25x136xf32, #tpu.memory_space<vmem_shared>>
      tpu.enqueue_dma source(%dma_start3A_229 : memref<25x136xf32, #tpu.memory_space<vmem_shared>>) target(%arg10 : memref<25x136xf32, #tpu.memory_space<vmem>>) target_semaphore(%run_scoped3A_225 : memref<!tpu.dma_semaphore, #tpu.memory_space<semaphore_mem>>)
      %dma_wait3A_230 = arith.constant 0 : i32
      %dma_wait3A_231 = tpu.memref_slice %arg11[%add3A_180, %dma_wait3A_230] : memref<10000x136xf32, #tpu.memory_space<vmem_shared>> -> memref<25x136xf32, #tpu.memory_space<vmem_shared>>
      %dma_wait3A_232 = arith.constant 0 : i32
      %dma_wait3A_233 = tpu.memref_slice %arg11[%add3A_180, %dma_wait3A_232] : memref<10000x136xf32, #tpu.memory_space<vmem_shared>> -> memref<25x136xf32, #tpu.memory_space<vmem_shared>>
      tpu.wait_dma2 semaphore(%run_scoped3A_225 : memref<!tpu.dma_semaphore, #tpu.memory_space<semaphore_mem>>) src(%dma_wait3A_233 : memref<25x136xf32, #tpu.memory_space<vmem_shared>>) dst(%arg10 : memref<25x136xf32, #tpu.memory_space<vmem>>)
      tpu.yield
    }) : () -> ()
    "tpu.region"() ({
      %run_scoped3A_225 = tpu.sem_alloc : memref<!tpu.dma_semaphore, #tpu.memory_space<semaphore_mem>>
      %dma_start3A_226 = arith.constant 0 : i32
      %dma_start3A_227 = tpu.memref_slice %arg5[%arg0, %add3A_180, %dma_start3A_226] : memref<2x10000x136xf32, #tpu.memory_space<hbm>> -> memref<1x25x136xf32, #tpu.memory_space<hbm>>
      %dma_start3A_228 = tpu.memref_squeeze %dma_start3A_227 : memref<1x25x136xf32, #tpu.memory_space<hbm>> -> memref<25x136xf32, #tpu.memory_space<hbm>>
      %dma_start3A_229 = arith.constant 0 : i32
      %dma_start3A_230 = tpu.memref_slice %arg5[%arg0, %add3A_180, %dma_start3A_229] : memref<2x10000x136xf32, #tpu.memory_space<hbm>> -> memref<1x25x136xf32, #tpu.memory_space<hbm>>
      %dma_start3A_231 = tpu.memref_squeeze %dma_start3A_230 : memref<1x25x136xf32, #tpu.memory_space<hbm>> -> memref<25x136xf32, #tpu.memory_space<hbm>>
      tpu.enqueue_dma source(%arg10 : memref<25x136xf32, #tpu.memory_space<vmem>>) target(%dma_start3A_231 : memref<25x136xf32, #tpu.memory_space<hbm>>) target_semaphore(%run_scoped3A_225 : memref<!tpu.dma_semaphore, #tpu.memory_space<semaphore_mem>>)
      %dma_wait3A_232 = arith.constant 0 : i32
      %dma_wait3A_233 = tpu.memref_slice %arg5[%arg0, %add3A_180, %dma_wait3A_232] : memref<2x10000x136xf32, #tpu.memory_space<hbm>> -> memref<1x25x136xf32, #tpu.memory_space<hbm>>
      %dma_wait3A_234 = tpu.memref_squeeze %dma_wait3A_233 : memref<1x25x136xf32, #tpu.memory_space<hbm>> -> memref<25x136xf32, #tpu.memory_space<hbm>>
      %dma_wait3A_235 = arith.constant 0 : i32
      %dma_wait3A_236 = tpu.memref_slice %arg5[%arg0, %add3A_180, %dma_wait3A_235] : memref<2x10000x136xf32, #tpu.memory_space<hbm>> -> memref<1x25x136xf32, #tpu.memory_space<hbm>>
      %dma_wait3A_237 = tpu.memref_squeeze %dma_wait3A_236 : memref<1x25x136xf32, #tpu.memory_space<hbm>> -> memref<25x136xf32, #tpu.memory_space<hbm>>
      tpu.wait_dma2 semaphore(%run_scoped3A_225 : memref<!tpu.dma_semaphore, #tpu.memory_space<semaphore_mem>>) src(%arg10 : memref<25x136xf32, #tpu.memory_space<vmem>>) dst(%dma_wait3A_237 : memref<25x136xf32, #tpu.memory_space<hbm>>)
      tpu.yield
    }) : () -> ()
    %mul3A_181 = arith.constant 625 : i32
    %mul3A_182 = arith.muli %arg1, %mul3A_181 : i32
    %add3A_183 = arith.constant 350 : i32
    %add3A_184 = arith.addi %mul3A_182, %add3A_183 : i32
    "tpu.region"() ({
      %run_scoped3A_225 = tpu.sem_alloc : memref<!tpu.dma_semaphore, #tpu.memory_space<semaphore_mem>>
      %dma_start3A_226 = arith.constant 0 : i32
      %dma_start3A_227 = tpu.memref_slice %arg11[%add3A_184, %dma_start3A_226] : memref<10000x136xf32, #tpu.memory_space<vmem_shared>> -> memref<25x136xf32, #tpu.memory_space<vmem_shared>>
      %dma_start3A_228 = arith.constant 0 : i32
      %dma_start3A_229 = tpu.memref_slice %arg11[%add3A_184, %dma_start3A_228] : memref<10000x136xf32, #tpu.memory_space<vmem_shared>> -> memref<25x136xf32, #tpu.memory_space<vmem_shared>>
      tpu.enqueue_dma source(%dma_start3A_229 : memref<25x136xf32, #tpu.memory_space<vmem_shared>>) target(%arg10 : memref<25x136xf32, #tpu.memory_space<vmem>>) target_semaphore(%run_scoped3A_225 : memref<!tpu.dma_semaphore, #tpu.memory_space<semaphore_mem>>)
      %dma_wait3A_230 = arith.constant 0 : i32
      %dma_wait3A_231 = tpu.memref_slice %arg11[%add3A_184, %dma_wait3A_230] : memref<10000x136xf32, #tpu.memory_space<vmem_shared>> -> memref<25x136xf32, #tpu.memory_space<vmem_shared>>
      %dma_wait3A_232 = arith.constant 0 : i32
      %dma_wait3A_233 = tpu.memref_slice %arg11[%add3A_184, %dma_wait3A_232] : memref<10000x136xf32, #tpu.memory_space<vmem_shared>> -> memref<25x136xf32, #tpu.memory_space<vmem_shared>>
      tpu.wait_dma2 semaphore(%run_scoped3A_225 : memref<!tpu.dma_semaphore, #tpu.memory_space<semaphore_mem>>) src(%dma_wait3A_233 : memref<25x136xf32, #tpu.memory_space<vmem_shared>>) dst(%arg10 : memref<25x136xf32, #tpu.memory_space<vmem>>)
      tpu.yield
    }) : () -> ()
    "tpu.region"() ({
      %run_scoped3A_225 = tpu.sem_alloc : memref<!tpu.dma_semaphore, #tpu.memory_space<semaphore_mem>>
      %dma_start3A_226 = arith.constant 0 : i32
      %dma_start3A_227 = tpu.memref_slice %arg5[%arg0, %add3A_184, %dma_start3A_226] : memref<2x10000x136xf32, #tpu.memory_space<hbm>> -> memref<1x25x136xf32, #tpu.memory_space<hbm>>
      %dma_start3A_228 = tpu.memref_squeeze %dma_start3A_227 : memref<1x25x136xf32, #tpu.memory_space<hbm>> -> memref<25x136xf32, #tpu.memory_space<hbm>>
      %dma_start3A_229 = arith.constant 0 : i32
      %dma_start3A_230 = tpu.memref_slice %arg5[%arg0, %add3A_184, %dma_start3A_229] : memref<2x10000x136xf32, #tpu.memory_space<hbm>> -> memref<1x25x136xf32, #tpu.memory_space<hbm>>
      %dma_start3A_231 = tpu.memref_squeeze %dma_start3A_230 : memref<1x25x136xf32, #tpu.memory_space<hbm>> -> memref<25x136xf32, #tpu.memory_space<hbm>>
      tpu.enqueue_dma source(%arg10 : memref<25x136xf32, #tpu.memory_space<vmem>>) target(%dma_start3A_231 : memref<25x136xf32, #tpu.memory_space<hbm>>) target_semaphore(%run_scoped3A_225 : memref<!tpu.dma_semaphore, #tpu.memory_space<semaphore_mem>>)
      %dma_wait3A_232 = arith.constant 0 : i32
      %dma_wait3A_233 = tpu.memref_slice %arg5[%arg0, %add3A_184, %dma_wait3A_232] : memref<2x10000x136xf32, #tpu.memory_space<hbm>> -> memref<1x25x136xf32, #tpu.memory_space<hbm>>
      %dma_wait3A_234 = tpu.memref_squeeze %dma_wait3A_233 : memref<1x25x136xf32, #tpu.memory_space<hbm>> -> memref<25x136xf32, #tpu.memory_space<hbm>>
      %dma_wait3A_235 = arith.constant 0 : i32
      %dma_wait3A_236 = tpu.memref_slice %arg5[%arg0, %add3A_184, %dma_wait3A_235] : memref<2x10000x136xf32, #tpu.memory_space<hbm>> -> memref<1x25x136xf32, #tpu.memory_space<hbm>>
      %dma_wait3A_237 = tpu.memref_squeeze %dma_wait3A_236 : memref<1x25x136xf32, #tpu.memory_space<hbm>> -> memref<25x136xf32, #tpu.memory_space<hbm>>
      tpu.wait_dma2 semaphore(%run_scoped3A_225 : memref<!tpu.dma_semaphore, #tpu.memory_space<semaphore_mem>>) src(%arg10 : memref<25x136xf32, #tpu.memory_space<vmem>>) dst(%dma_wait3A_237 : memref<25x136xf32, #tpu.memory_space<hbm>>)
      tpu.yield
    }) : () -> ()
    %mul3A_185 = arith.constant 625 : i32
    %mul3A_186 = arith.muli %arg1, %mul3A_185 : i32
    %add3A_187 = arith.constant 375 : i32
    %add3A_188 = arith.addi %mul3A_186, %add3A_187 : i32
    "tpu.region"() ({
      %run_scoped3A_225 = tpu.sem_alloc : memref<!tpu.dma_semaphore, #tpu.memory_space<semaphore_mem>>
      %dma_start3A_226 = arith.constant 0 : i32
      %dma_start3A_227 = tpu.memref_slice %arg11[%add3A_188, %dma_start3A_226] : memref<10000x136xf32, #tpu.memory_space<vmem_shared>> -> memref<25x136xf32, #tpu.memory_space<vmem_shared>>
      %dma_start3A_228 = arith.constant 0 : i32
      %dma_start3A_229 = tpu.memref_slice %arg11[%add3A_188, %dma_start3A_228] : memref<10000x136xf32, #tpu.memory_space<vmem_shared>> -> memref<25x136xf32, #tpu.memory_space<vmem_shared>>
      tpu.enqueue_dma source(%dma_start3A_229 : memref<25x136xf32, #tpu.memory_space<vmem_shared>>) target(%arg10 : memref<25x136xf32, #tpu.memory_space<vmem>>) target_semaphore(%run_scoped3A_225 : memref<!tpu.dma_semaphore, #tpu.memory_space<semaphore_mem>>)
      %dma_wait3A_230 = arith.constant 0 : i32
      %dma_wait3A_231 = tpu.memref_slice %arg11[%add3A_188, %dma_wait3A_230] : memref<10000x136xf32, #tpu.memory_space<vmem_shared>> -> memref<25x136xf32, #tpu.memory_space<vmem_shared>>
      %dma_wait3A_232 = arith.constant 0 : i32
      %dma_wait3A_233 = tpu.memref_slice %arg11[%add3A_188, %dma_wait3A_232] : memref<10000x136xf32, #tpu.memory_space<vmem_shared>> -> memref<25x136xf32, #tpu.memory_space<vmem_shared>>
      tpu.wait_dma2 semaphore(%run_scoped3A_225 : memref<!tpu.dma_semaphore, #tpu.memory_space<semaphore_mem>>) src(%dma_wait3A_233 : memref<25x136xf32, #tpu.memory_space<vmem_shared>>) dst(%arg10 : memref<25x136xf32, #tpu.memory_space<vmem>>)
      tpu.yield
    }) : () -> ()
    "tpu.region"() ({
      %run_scoped3A_225 = tpu.sem_alloc : memref<!tpu.dma_semaphore, #tpu.memory_space<semaphore_mem>>
      %dma_start3A_226 = arith.constant 0 : i32
      %dma_start3A_227 = tpu.memref_slice %arg5[%arg0, %add3A_188, %dma_start3A_226] : memref<2x10000x136xf32, #tpu.memory_space<hbm>> -> memref<1x25x136xf32, #tpu.memory_space<hbm>>
      %dma_start3A_228 = tpu.memref_squeeze %dma_start3A_227 : memref<1x25x136xf32, #tpu.memory_space<hbm>> -> memref<25x136xf32, #tpu.memory_space<hbm>>
      %dma_start3A_229 = arith.constant 0 : i32
      %dma_start3A_230 = tpu.memref_slice %arg5[%arg0, %add3A_188, %dma_start3A_229] : memref<2x10000x136xf32, #tpu.memory_space<hbm>> -> memref<1x25x136xf32, #tpu.memory_space<hbm>>
      %dma_start3A_231 = tpu.memref_squeeze %dma_start3A_230 : memref<1x25x136xf32, #tpu.memory_space<hbm>> -> memref<25x136xf32, #tpu.memory_space<hbm>>
      tpu.enqueue_dma source(%arg10 : memref<25x136xf32, #tpu.memory_space<vmem>>) target(%dma_start3A_231 : memref<25x136xf32, #tpu.memory_space<hbm>>) target_semaphore(%run_scoped3A_225 : memref<!tpu.dma_semaphore, #tpu.memory_space<semaphore_mem>>)
      %dma_wait3A_232 = arith.constant 0 : i32
      %dma_wait3A_233 = tpu.memref_slice %arg5[%arg0, %add3A_188, %dma_wait3A_232] : memref<2x10000x136xf32, #tpu.memory_space<hbm>> -> memref<1x25x136xf32, #tpu.memory_space<hbm>>
      %dma_wait3A_234 = tpu.memref_squeeze %dma_wait3A_233 : memref<1x25x136xf32, #tpu.memory_space<hbm>> -> memref<25x136xf32, #tpu.memory_space<hbm>>
      %dma_wait3A_235 = arith.constant 0 : i32
      %dma_wait3A_236 = tpu.memref_slice %arg5[%arg0, %add3A_188, %dma_wait3A_235] : memref<2x10000x136xf32, #tpu.memory_space<hbm>> -> memref<1x25x136xf32, #tpu.memory_space<hbm>>
      %dma_wait3A_237 = tpu.memref_squeeze %dma_wait3A_236 : memref<1x25x136xf32, #tpu.memory_space<hbm>> -> memref<25x136xf32, #tpu.memory_space<hbm>>
      tpu.wait_dma2 semaphore(%run_scoped3A_225 : memref<!tpu.dma_semaphore, #tpu.memory_space<semaphore_mem>>) src(%arg10 : memref<25x136xf32, #tpu.memory_space<vmem>>) dst(%dma_wait3A_237 : memref<25x136xf32, #tpu.memory_space<hbm>>)
      tpu.yield
    }) : () -> ()
    %mul3A_189 = arith.constant 625 : i32
    %mul3A_190 = arith.muli %arg1, %mul3A_189 : i32
    %add3A_191 = arith.constant 400 : i32
    %add3A_192 = arith.addi %mul3A_190, %add3A_191 : i32
    "tpu.region"() ({
      %run_scoped3A_225 = tpu.sem_alloc : memref<!tpu.dma_semaphore, #tpu.memory_space<semaphore_mem>>
      %dma_start3A_226 = arith.constant 0 : i32
      %dma_start3A_227 = tpu.memref_slice %arg11[%add3A_192, %dma_start3A_226] : memref<10000x136xf32, #tpu.memory_space<vmem_shared>> -> memref<25x136xf32, #tpu.memory_space<vmem_shared>>
      %dma_start3A_228 = arith.constant 0 : i32
      %dma_start3A_229 = tpu.memref_slice %arg11[%add3A_192, %dma_start3A_228] : memref<10000x136xf32, #tpu.memory_space<vmem_shared>> -> memref<25x136xf32, #tpu.memory_space<vmem_shared>>
      tpu.enqueue_dma source(%dma_start3A_229 : memref<25x136xf32, #tpu.memory_space<vmem_shared>>) target(%arg10 : memref<25x136xf32, #tpu.memory_space<vmem>>) target_semaphore(%run_scoped3A_225 : memref<!tpu.dma_semaphore, #tpu.memory_space<semaphore_mem>>)
      %dma_wait3A_230 = arith.constant 0 : i32
      %dma_wait3A_231 = tpu.memref_slice %arg11[%add3A_192, %dma_wait3A_230] : memref<10000x136xf32, #tpu.memory_space<vmem_shared>> -> memref<25x136xf32, #tpu.memory_space<vmem_shared>>
      %dma_wait3A_232 = arith.constant 0 : i32
      %dma_wait3A_233 = tpu.memref_slice %arg11[%add3A_192, %dma_wait3A_232] : memref<10000x136xf32, #tpu.memory_space<vmem_shared>> -> memref<25x136xf32, #tpu.memory_space<vmem_shared>>
      tpu.wait_dma2 semaphore(%run_scoped3A_225 : memref<!tpu.dma_semaphore, #tpu.memory_space<semaphore_mem>>) src(%dma_wait3A_233 : memref<25x136xf32, #tpu.memory_space<vmem_shared>>) dst(%arg10 : memref<25x136xf32, #tpu.memory_space<vmem>>)
      tpu.yield
    }) : () -> ()
    "tpu.region"() ({
      %run_scoped3A_225 = tpu.sem_alloc : memref<!tpu.dma_semaphore, #tpu.memory_space<semaphore_mem>>
      %dma_start3A_226 = arith.constant 0 : i32
      %dma_start3A_227 = tpu.memref_slice %arg5[%arg0, %add3A_192, %dma_start3A_226] : memref<2x10000x136xf32, #tpu.memory_space<hbm>> -> memref<1x25x136xf32, #tpu.memory_space<hbm>>
      %dma_start3A_228 = tpu.memref_squeeze %dma_start3A_227 : memref<1x25x136xf32, #tpu.memory_space<hbm>> -> memref<25x136xf32, #tpu.memory_space<hbm>>
      %dma_start3A_229 = arith.constant 0 : i32
      %dma_start3A_230 = tpu.memref_slice %arg5[%arg0, %add3A_192, %dma_start3A_229] : memref<2x10000x136xf32, #tpu.memory_space<hbm>> -> memref<1x25x136xf32, #tpu.memory_space<hbm>>
      %dma_start3A_231 = tpu.memref_squeeze %dma_start3A_230 : memref<1x25x136xf32, #tpu.memory_space<hbm>> -> memref<25x136xf32, #tpu.memory_space<hbm>>
      tpu.enqueue_dma source(%arg10 : memref<25x136xf32, #tpu.memory_space<vmem>>) target(%dma_start3A_231 : memref<25x136xf32, #tpu.memory_space<hbm>>) target_semaphore(%run_scoped3A_225 : memref<!tpu.dma_semaphore, #tpu.memory_space<semaphore_mem>>)
      %dma_wait3A_232 = arith.constant 0 : i32
      %dma_wait3A_233 = tpu.memref_slice %arg5[%arg0, %add3A_192, %dma_wait3A_232] : memref<2x10000x136xf32, #tpu.memory_space<hbm>> -> memref<1x25x136xf32, #tpu.memory_space<hbm>>
      %dma_wait3A_234 = tpu.memref_squeeze %dma_wait3A_233 : memref<1x25x136xf32, #tpu.memory_space<hbm>> -> memref<25x136xf32, #tpu.memory_space<hbm>>
      %dma_wait3A_235 = arith.constant 0 : i32
      %dma_wait3A_236 = tpu.memref_slice %arg5[%arg0, %add3A_192, %dma_wait3A_235] : memref<2x10000x136xf32, #tpu.memory_space<hbm>> -> memref<1x25x136xf32, #tpu.memory_space<hbm>>
      %dma_wait3A_237 = tpu.memref_squeeze %dma_wait3A_236 : memref<1x25x136xf32, #tpu.memory_space<hbm>> -> memref<25x136xf32, #tpu.memory_space<hbm>>
      tpu.wait_dma2 semaphore(%run_scoped3A_225 : memref<!tpu.dma_semaphore, #tpu.memory_space<semaphore_mem>>) src(%arg10 : memref<25x136xf32, #tpu.memory_space<vmem>>) dst(%dma_wait3A_237 : memref<25x136xf32, #tpu.memory_space<hbm>>)
      tpu.yield
    }) : () -> ()
    %mul3A_193 = arith.constant 625 : i32
    %mul3A_194 = arith.muli %arg1, %mul3A_193 : i32
    %add3A_195 = arith.constant 425 : i32
    %add3A_196 = arith.addi %mul3A_194, %add3A_195 : i32
    "tpu.region"() ({
      %run_scoped3A_225 = tpu.sem_alloc : memref<!tpu.dma_semaphore, #tpu.memory_space<semaphore_mem>>
      %dma_start3A_226 = arith.constant 0 : i32
      %dma_start3A_227 = tpu.memref_slice %arg11[%add3A_196, %dma_start3A_226] : memref<10000x136xf32, #tpu.memory_space<vmem_shared>> -> memref<25x136xf32, #tpu.memory_space<vmem_shared>>
      %dma_start3A_228 = arith.constant 0 : i32
      %dma_start3A_229 = tpu.memref_slice %arg11[%add3A_196, %dma_start3A_228] : memref<10000x136xf32, #tpu.memory_space<vmem_shared>> -> memref<25x136xf32, #tpu.memory_space<vmem_shared>>
      tpu.enqueue_dma source(%dma_start3A_229 : memref<25x136xf32, #tpu.memory_space<vmem_shared>>) target(%arg10 : memref<25x136xf32, #tpu.memory_space<vmem>>) target_semaphore(%run_scoped3A_225 : memref<!tpu.dma_semaphore, #tpu.memory_space<semaphore_mem>>)
      %dma_wait3A_230 = arith.constant 0 : i32
      %dma_wait3A_231 = tpu.memref_slice %arg11[%add3A_196, %dma_wait3A_230] : memref<10000x136xf32, #tpu.memory_space<vmem_shared>> -> memref<25x136xf32, #tpu.memory_space<vmem_shared>>
      %dma_wait3A_232 = arith.constant 0 : i32
      %dma_wait3A_233 = tpu.memref_slice %arg11[%add3A_196, %dma_wait3A_232] : memref<10000x136xf32, #tpu.memory_space<vmem_shared>> -> memref<25x136xf32, #tpu.memory_space<vmem_shared>>
      tpu.wait_dma2 semaphore(%run_scoped3A_225 : memref<!tpu.dma_semaphore, #tpu.memory_space<semaphore_mem>>) src(%dma_wait3A_233 : memref<25x136xf32, #tpu.memory_space<vmem_shared>>) dst(%arg10 : memref<25x136xf32, #tpu.memory_space<vmem>>)
      tpu.yield
    }) : () -> ()
    "tpu.region"() ({
      %run_scoped3A_225 = tpu.sem_alloc : memref<!tpu.dma_semaphore, #tpu.memory_space<semaphore_mem>>
      %dma_start3A_226 = arith.constant 0 : i32
      %dma_start3A_227 = tpu.memref_slice %arg5[%arg0, %add3A_196, %dma_start3A_226] : memref<2x10000x136xf32, #tpu.memory_space<hbm>> -> memref<1x25x136xf32, #tpu.memory_space<hbm>>
      %dma_start3A_228 = tpu.memref_squeeze %dma_start3A_227 : memref<1x25x136xf32, #tpu.memory_space<hbm>> -> memref<25x136xf32, #tpu.memory_space<hbm>>
      %dma_start3A_229 = arith.constant 0 : i32
      %dma_start3A_230 = tpu.memref_slice %arg5[%arg0, %add3A_196, %dma_start3A_229] : memref<2x10000x136xf32, #tpu.memory_space<hbm>> -> memref<1x25x136xf32, #tpu.memory_space<hbm>>
      %dma_start3A_231 = tpu.memref_squeeze %dma_start3A_230 : memref<1x25x136xf32, #tpu.memory_space<hbm>> -> memref<25x136xf32, #tpu.memory_space<hbm>>
      tpu.enqueue_dma source(%arg10 : memref<25x136xf32, #tpu.memory_space<vmem>>) target(%dma_start3A_231 : memref<25x136xf32, #tpu.memory_space<hbm>>) target_semaphore(%run_scoped3A_225 : memref<!tpu.dma_semaphore, #tpu.memory_space<semaphore_mem>>)
      %dma_wait3A_232 = arith.constant 0 : i32
      %dma_wait3A_233 = tpu.memref_slice %arg5[%arg0, %add3A_196, %dma_wait3A_232] : memref<2x10000x136xf32, #tpu.memory_space<hbm>> -> memref<1x25x136xf32, #tpu.memory_space<hbm>>
      %dma_wait3A_234 = tpu.memref_squeeze %dma_wait3A_233 : memref<1x25x136xf32, #tpu.memory_space<hbm>> -> memref<25x136xf32, #tpu.memory_space<hbm>>
      %dma_wait3A_235 = arith.constant 0 : i32
      %dma_wait3A_236 = tpu.memref_slice %arg5[%arg0, %add3A_196, %dma_wait3A_235] : memref<2x10000x136xf32, #tpu.memory_space<hbm>> -> memref<1x25x136xf32, #tpu.memory_space<hbm>>
      %dma_wait3A_237 = tpu.memref_squeeze %dma_wait3A_236 : memref<1x25x136xf32, #tpu.memory_space<hbm>> -> memref<25x136xf32, #tpu.memory_space<hbm>>
      tpu.wait_dma2 semaphore(%run_scoped3A_225 : memref<!tpu.dma_semaphore, #tpu.memory_space<semaphore_mem>>) src(%arg10 : memref<25x136xf32, #tpu.memory_space<vmem>>) dst(%dma_wait3A_237 : memref<25x136xf32, #tpu.memory_space<hbm>>)
      tpu.yield
    }) : () -> ()
    %mul3A_197 = arith.constant 625 : i32
    %mul3A_198 = arith.muli %arg1, %mul3A_197 : i32
    %add3A_199 = arith.constant 450 : i32
    %add3A_200 = arith.addi %mul3A_198, %add3A_199 : i32
    "tpu.region"() ({
      %run_scoped3A_225 = tpu.sem_alloc : memref<!tpu.dma_semaphore, #tpu.memory_space<semaphore_mem>>
      %dma_start3A_226 = arith.constant 0 : i32
      %dma_start3A_227 = tpu.memref_slice %arg11[%add3A_200, %dma_start3A_226] : memref<10000x136xf32, #tpu.memory_space<vmem_shared>> -> memref<25x136xf32, #tpu.memory_space<vmem_shared>>
      %dma_start3A_228 = arith.constant 0 : i32
      %dma_start3A_229 = tpu.memref_slice %arg11[%add3A_200, %dma_start3A_228] : memref<10000x136xf32, #tpu.memory_space<vmem_shared>> -> memref<25x136xf32, #tpu.memory_space<vmem_shared>>
      tpu.enqueue_dma source(%dma_start3A_229 : memref<25x136xf32, #tpu.memory_space<vmem_shared>>) target(%arg10 : memref<25x136xf32, #tpu.memory_space<vmem>>) target_semaphore(%run_scoped3A_225 : memref<!tpu.dma_semaphore, #tpu.memory_space<semaphore_mem>>)
      %dma_wait3A_230 = arith.constant 0 : i32
      %dma_wait3A_231 = tpu.memref_slice %arg11[%add3A_200, %dma_wait3A_230] : memref<10000x136xf32, #tpu.memory_space<vmem_shared>> -> memref<25x136xf32, #tpu.memory_space<vmem_shared>>
      %dma_wait3A_232 = arith.constant 0 : i32
      %dma_wait3A_233 = tpu.memref_slice %arg11[%add3A_200, %dma_wait3A_232] : memref<10000x136xf32, #tpu.memory_space<vmem_shared>> -> memref<25x136xf32, #tpu.memory_space<vmem_shared>>
      tpu.wait_dma2 semaphore(%run_scoped3A_225 : memref<!tpu.dma_semaphore, #tpu.memory_space<semaphore_mem>>) src(%dma_wait3A_233 : memref<25x136xf32, #tpu.memory_space<vmem_shared>>) dst(%arg10 : memref<25x136xf32, #tpu.memory_space<vmem>>)
      tpu.yield
    }) : () -> ()
    "tpu.region"() ({
      %run_scoped3A_225 = tpu.sem_alloc : memref<!tpu.dma_semaphore, #tpu.memory_space<semaphore_mem>>
      %dma_start3A_226 = arith.constant 0 : i32
      %dma_start3A_227 = tpu.memref_slice %arg5[%arg0, %add3A_200, %dma_start3A_226] : memref<2x10000x136xf32, #tpu.memory_space<hbm>> -> memref<1x25x136xf32, #tpu.memory_space<hbm>>
      %dma_start3A_228 = tpu.memref_squeeze %dma_start3A_227 : memref<1x25x136xf32, #tpu.memory_space<hbm>> -> memref<25x136xf32, #tpu.memory_space<hbm>>
      %dma_start3A_229 = arith.constant 0 : i32
      %dma_start3A_230 = tpu.memref_slice %arg5[%arg0, %add3A_200, %dma_start3A_229] : memref<2x10000x136xf32, #tpu.memory_space<hbm>> -> memref<1x25x136xf32, #tpu.memory_space<hbm>>
      %dma_start3A_231 = tpu.memref_squeeze %dma_start3A_230 : memref<1x25x136xf32, #tpu.memory_space<hbm>> -> memref<25x136xf32, #tpu.memory_space<hbm>>
      tpu.enqueue_dma source(%arg10 : memref<25x136xf32, #tpu.memory_space<vmem>>) target(%dma_start3A_231 : memref<25x136xf32, #tpu.memory_space<hbm>>) target_semaphore(%run_scoped3A_225 : memref<!tpu.dma_semaphore, #tpu.memory_space<semaphore_mem>>)
      %dma_wait3A_232 = arith.constant 0 : i32
      %dma_wait3A_233 = tpu.memref_slice %arg5[%arg0, %add3A_200, %dma_wait3A_232] : memref<2x10000x136xf32, #tpu.memory_space<hbm>> -> memref<1x25x136xf32, #tpu.memory_space<hbm>>
      %dma_wait3A_234 = tpu.memref_squeeze %dma_wait3A_233 : memref<1x25x136xf32, #tpu.memory_space<hbm>> -> memref<25x136xf32, #tpu.memory_space<hbm>>
      %dma_wait3A_235 = arith.constant 0 : i32
      %dma_wait3A_236 = tpu.memref_slice %arg5[%arg0, %add3A_200, %dma_wait3A_235] : memref<2x10000x136xf32, #tpu.memory_space<hbm>> -> memref<1x25x136xf32, #tpu.memory_space<hbm>>
      %dma_wait3A_237 = tpu.memref_squeeze %dma_wait3A_236 : memref<1x25x136xf32, #tpu.memory_space<hbm>> -> memref<25x136xf32, #tpu.memory_space<hbm>>
      tpu.wait_dma2 semaphore(%run_scoped3A_225 : memref<!tpu.dma_semaphore, #tpu.memory_space<semaphore_mem>>) src(%arg10 : memref<25x136xf32, #tpu.memory_space<vmem>>) dst(%dma_wait3A_237 : memref<25x136xf32, #tpu.memory_space<hbm>>)
      tpu.yield
    }) : () -> ()
    %mul3A_201 = arith.constant 625 : i32
    %mul3A_202 = arith.muli %arg1, %mul3A_201 : i32
    %add3A_203 = arith.constant 475 : i32
    %add3A_204 = arith.addi %mul3A_202, %add3A_203 : i32
    "tpu.region"() ({
      %run_scoped3A_225 = tpu.sem_alloc : memref<!tpu.dma_semaphore, #tpu.memory_space<semaphore_mem>>
      %dma_start3A_226 = arith.constant 0 : i32
      %dma_start3A_227 = tpu.memref_slice %arg11[%add3A_204, %dma_start3A_226] : memref<10000x136xf32, #tpu.memory_space<vmem_shared>> -> memref<25x136xf32, #tpu.memory_space<vmem_shared>>
      %dma_start3A_228 = arith.constant 0 : i32
      %dma_start3A_229 = tpu.memref_slice %arg11[%add3A_204, %dma_start3A_228] : memref<10000x136xf32, #tpu.memory_space<vmem_shared>> -> memref<25x136xf32, #tpu.memory_space<vmem_shared>>
      tpu.enqueue_dma source(%dma_start3A_229 : memref<25x136xf32, #tpu.memory_space<vmem_shared>>) target(%arg10 : memref<25x136xf32, #tpu.memory_space<vmem>>) target_semaphore(%run_scoped3A_225 : memref<!tpu.dma_semaphore, #tpu.memory_space<semaphore_mem>>)
      %dma_wait3A_230 = arith.constant 0 : i32
      %dma_wait3A_231 = tpu.memref_slice %arg11[%add3A_204, %dma_wait3A_230] : memref<10000x136xf32, #tpu.memory_space<vmem_shared>> -> memref<25x136xf32, #tpu.memory_space<vmem_shared>>
      %dma_wait3A_232 = arith.constant 0 : i32
      %dma_wait3A_233 = tpu.memref_slice %arg11[%add3A_204, %dma_wait3A_232] : memref<10000x136xf32, #tpu.memory_space<vmem_shared>> -> memref<25x136xf32, #tpu.memory_space<vmem_shared>>
      tpu.wait_dma2 semaphore(%run_scoped3A_225 : memref<!tpu.dma_semaphore, #tpu.memory_space<semaphore_mem>>) src(%dma_wait3A_233 : memref<25x136xf32, #tpu.memory_space<vmem_shared>>) dst(%arg10 : memref<25x136xf32, #tpu.memory_space<vmem>>)
      tpu.yield
    }) : () -> ()
    "tpu.region"() ({
      %run_scoped3A_225 = tpu.sem_alloc : memref<!tpu.dma_semaphore, #tpu.memory_space<semaphore_mem>>
      %dma_start3A_226 = arith.constant 0 : i32
      %dma_start3A_227 = tpu.memref_slice %arg5[%arg0, %add3A_204, %dma_start3A_226] : memref<2x10000x136xf32, #tpu.memory_space<hbm>> -> memref<1x25x136xf32, #tpu.memory_space<hbm>>
      %dma_start3A_228 = tpu.memref_squeeze %dma_start3A_227 : memref<1x25x136xf32, #tpu.memory_space<hbm>> -> memref<25x136xf32, #tpu.memory_space<hbm>>
      %dma_start3A_229 = arith.constant 0 : i32
      %dma_start3A_230 = tpu.memref_slice %arg5[%arg0, %add3A_204, %dma_start3A_229] : memref<2x10000x136xf32, #tpu.memory_space<hbm>> -> memref<1x25x136xf32, #tpu.memory_space<hbm>>
      %dma_start3A_231 = tpu.memref_squeeze %dma_start3A_230 : memref<1x25x136xf32, #tpu.memory_space<hbm>> -> memref<25x136xf32, #tpu.memory_space<hbm>>
      tpu.enqueue_dma source(%arg10 : memref<25x136xf32, #tpu.memory_space<vmem>>) target(%dma_start3A_231 : memref<25x136xf32, #tpu.memory_space<hbm>>) target_semaphore(%run_scoped3A_225 : memref<!tpu.dma_semaphore, #tpu.memory_space<semaphore_mem>>)
      %dma_wait3A_232 = arith.constant 0 : i32
      %dma_wait3A_233 = tpu.memref_slice %arg5[%arg0, %add3A_204, %dma_wait3A_232] : memref<2x10000x136xf32, #tpu.memory_space<hbm>> -> memref<1x25x136xf32, #tpu.memory_space<hbm>>
      %dma_wait3A_234 = tpu.memref_squeeze %dma_wait3A_233 : memref<1x25x136xf32, #tpu.memory_space<hbm>> -> memref<25x136xf32, #tpu.memory_space<hbm>>
      %dma_wait3A_235 = arith.constant 0 : i32
      %dma_wait3A_236 = tpu.memref_slice %arg5[%arg0, %add3A_204, %dma_wait3A_235] : memref<2x10000x136xf32, #tpu.memory_space<hbm>> -> memref<1x25x136xf32, #tpu.memory_space<hbm>>
      %dma_wait3A_237 = tpu.memref_squeeze %dma_wait3A_236 : memref<1x25x136xf32, #tpu.memory_space<hbm>> -> memref<25x136xf32, #tpu.memory_space<hbm>>
      tpu.wait_dma2 semaphore(%run_scoped3A_225 : memref<!tpu.dma_semaphore, #tpu.memory_space<semaphore_mem>>) src(%arg10 : memref<25x136xf32, #tpu.memory_space<vmem>>) dst(%dma_wait3A_237 : memref<25x136xf32, #tpu.memory_space<hbm>>)
      tpu.yield
    }) : () -> ()
    %mul3A_205 = arith.constant 625 : i32
    %mul3A_206 = arith.muli %arg1, %mul3A_205 : i32
    %add3A_207 = arith.constant 500 : i32
    %add3A_208 = arith.addi %mul3A_206, %add3A_207 : i32
    "tpu.region"() ({
      %run_scoped3A_225 = tpu.sem_alloc : memref<!tpu.dma_semaphore, #tpu.memory_space<semaphore_mem>>
      %dma_start3A_226 = arith.constant 0 : i32
      %dma_start3A_227 = tpu.memref_slice %arg11[%add3A_208, %dma_start3A_226] : memref<10000x136xf32, #tpu.memory_space<vmem_shared>> -> memref<25x136xf32, #tpu.memory_space<vmem_shared>>
      %dma_start3A_228 = arith.constant 0 : i32
      %dma_start3A_229 = tpu.memref_slice %arg11[%add3A_208, %dma_start3A_228] : memref<10000x136xf32, #tpu.memory_space<vmem_shared>> -> memref<25x136xf32, #tpu.memory_space<vmem_shared>>
      tpu.enqueue_dma source(%dma_start3A_229 : memref<25x136xf32, #tpu.memory_space<vmem_shared>>) target(%arg10 : memref<25x136xf32, #tpu.memory_space<vmem>>) target_semaphore(%run_scoped3A_225 : memref<!tpu.dma_semaphore, #tpu.memory_space<semaphore_mem>>)
      %dma_wait3A_230 = arith.constant 0 : i32
      %dma_wait3A_231 = tpu.memref_slice %arg11[%add3A_208, %dma_wait3A_230] : memref<10000x136xf32, #tpu.memory_space<vmem_shared>> -> memref<25x136xf32, #tpu.memory_space<vmem_shared>>
      %dma_wait3A_232 = arith.constant 0 : i32
      %dma_wait3A_233 = tpu.memref_slice %arg11[%add3A_208, %dma_wait3A_232] : memref<10000x136xf32, #tpu.memory_space<vmem_shared>> -> memref<25x136xf32, #tpu.memory_space<vmem_shared>>
      tpu.wait_dma2 semaphore(%run_scoped3A_225 : memref<!tpu.dma_semaphore, #tpu.memory_space<semaphore_mem>>) src(%dma_wait3A_233 : memref<25x136xf32, #tpu.memory_space<vmem_shared>>) dst(%arg10 : memref<25x136xf32, #tpu.memory_space<vmem>>)
      tpu.yield
    }) : () -> ()
    "tpu.region"() ({
      %run_scoped3A_225 = tpu.sem_alloc : memref<!tpu.dma_semaphore, #tpu.memory_space<semaphore_mem>>
      %dma_start3A_226 = arith.constant 0 : i32
      %dma_start3A_227 = tpu.memref_slice %arg5[%arg0, %add3A_208, %dma_start3A_226] : memref<2x10000x136xf32, #tpu.memory_space<hbm>> -> memref<1x25x136xf32, #tpu.memory_space<hbm>>
      %dma_start3A_228 = tpu.memref_squeeze %dma_start3A_227 : memref<1x25x136xf32, #tpu.memory_space<hbm>> -> memref<25x136xf32, #tpu.memory_space<hbm>>
      %dma_start3A_229 = arith.constant 0 : i32
      %dma_start3A_230 = tpu.memref_slice %arg5[%arg0, %add3A_208, %dma_start3A_229] : memref<2x10000x136xf32, #tpu.memory_space<hbm>> -> memref<1x25x136xf32, #tpu.memory_space<hbm>>
      %dma_start3A_231 = tpu.memref_squeeze %dma_start3A_230 : memref<1x25x136xf32, #tpu.memory_space<hbm>> -> memref<25x136xf32, #tpu.memory_space<hbm>>
      tpu.enqueue_dma source(%arg10 : memref<25x136xf32, #tpu.memory_space<vmem>>) target(%dma_start3A_231 : memref<25x136xf32, #tpu.memory_space<hbm>>) target_semaphore(%run_scoped3A_225 : memref<!tpu.dma_semaphore, #tpu.memory_space<semaphore_mem>>)
      %dma_wait3A_232 = arith.constant 0 : i32
      %dma_wait3A_233 = tpu.memref_slice %arg5[%arg0, %add3A_208, %dma_wait3A_232] : memref<2x10000x136xf32, #tpu.memory_space<hbm>> -> memref<1x25x136xf32, #tpu.memory_space<hbm>>
      %dma_wait3A_234 = tpu.memref_squeeze %dma_wait3A_233 : memref<1x25x136xf32, #tpu.memory_space<hbm>> -> memref<25x136xf32, #tpu.memory_space<hbm>>
      %dma_wait3A_235 = arith.constant 0 : i32
      %dma_wait3A_236 = tpu.memref_slice %arg5[%arg0, %add3A_208, %dma_wait3A_235] : memref<2x10000x136xf32, #tpu.memory_space<hbm>> -> memref<1x25x136xf32, #tpu.memory_space<hbm>>
      %dma_wait3A_237 = tpu.memref_squeeze %dma_wait3A_236 : memref<1x25x136xf32, #tpu.memory_space<hbm>> -> memref<25x136xf32, #tpu.memory_space<hbm>>
      tpu.wait_dma2 semaphore(%run_scoped3A_225 : memref<!tpu.dma_semaphore, #tpu.memory_space<semaphore_mem>>) src(%arg10 : memref<25x136xf32, #tpu.memory_space<vmem>>) dst(%dma_wait3A_237 : memref<25x136xf32, #tpu.memory_space<hbm>>)
      tpu.yield
    }) : () -> ()
    %mul3A_209 = arith.constant 625 : i32
    %mul3A_210 = arith.muli %arg1, %mul3A_209 : i32
    %add3A_211 = arith.constant 525 : i32
    %add3A_212 = arith.addi %mul3A_210, %add3A_211 : i32
    "tpu.region"() ({
      %run_scoped3A_225 = tpu.sem_alloc : memref<!tpu.dma_semaphore, #tpu.memory_space<semaphore_mem>>
      %dma_start3A_226 = arith.constant 0 : i32
      %dma_start3A_227 = tpu.memref_slice %arg11[%add3A_212, %dma_start3A_226] : memref<10000x136xf32, #tpu.memory_space<vmem_shared>> -> memref<25x136xf32, #tpu.memory_space<vmem_shared>>
      %dma_start3A_228 = arith.constant 0 : i32
      %dma_start3A_229 = tpu.memref_slice %arg11[%add3A_212, %dma_start3A_228] : memref<10000x136xf32, #tpu.memory_space<vmem_shared>> -> memref<25x136xf32, #tpu.memory_space<vmem_shared>>
      tpu.enqueue_dma source(%dma_start3A_229 : memref<25x136xf32, #tpu.memory_space<vmem_shared>>) target(%arg10 : memref<25x136xf32, #tpu.memory_space<vmem>>) target_semaphore(%run_scoped3A_225 : memref<!tpu.dma_semaphore, #tpu.memory_space<semaphore_mem>>)
      %dma_wait3A_230 = arith.constant 0 : i32
      %dma_wait3A_231 = tpu.memref_slice %arg11[%add3A_212, %dma_wait3A_230] : memref<10000x136xf32, #tpu.memory_space<vmem_shared>> -> memref<25x136xf32, #tpu.memory_space<vmem_shared>>
      %dma_wait3A_232 = arith.constant 0 : i32
      %dma_wait3A_233 = tpu.memref_slice %arg11[%add3A_212, %dma_wait3A_232] : memref<10000x136xf32, #tpu.memory_space<vmem_shared>> -> memref<25x136xf32, #tpu.memory_space<vmem_shared>>
      tpu.wait_dma2 semaphore(%run_scoped3A_225 : memref<!tpu.dma_semaphore, #tpu.memory_space<semaphore_mem>>) src(%dma_wait3A_233 : memref<25x136xf32, #tpu.memory_space<vmem_shared>>) dst(%arg10 : memref<25x136xf32, #tpu.memory_space<vmem>>)
      tpu.yield
    }) : () -> ()
    "tpu.region"() ({
      %run_scoped3A_225 = tpu.sem_alloc : memref<!tpu.dma_semaphore, #tpu.memory_space<semaphore_mem>>
      %dma_start3A_226 = arith.constant 0 : i32
      %dma_start3A_227 = tpu.memref_slice %arg5[%arg0, %add3A_212, %dma_start3A_226] : memref<2x10000x136xf32, #tpu.memory_space<hbm>> -> memref<1x25x136xf32, #tpu.memory_space<hbm>>
      %dma_start3A_228 = tpu.memref_squeeze %dma_start3A_227 : memref<1x25x136xf32, #tpu.memory_space<hbm>> -> memref<25x136xf32, #tpu.memory_space<hbm>>
      %dma_start3A_229 = arith.constant 0 : i32
      %dma_start3A_230 = tpu.memref_slice %arg5[%arg0, %add3A_212, %dma_start3A_229] : memref<2x10000x136xf32, #tpu.memory_space<hbm>> -> memref<1x25x136xf32, #tpu.memory_space<hbm>>
      %dma_start3A_231 = tpu.memref_squeeze %dma_start3A_230 : memref<1x25x136xf32, #tpu.memory_space<hbm>> -> memref<25x136xf32, #tpu.memory_space<hbm>>
      tpu.enqueue_dma source(%arg10 : memref<25x136xf32, #tpu.memory_space<vmem>>) target(%dma_start3A_231 : memref<25x136xf32, #tpu.memory_space<hbm>>) target_semaphore(%run_scoped3A_225 : memref<!tpu.dma_semaphore, #tpu.memory_space<semaphore_mem>>)
      %dma_wait3A_232 = arith.constant 0 : i32
      %dma_wait3A_233 = tpu.memref_slice %arg5[%arg0, %add3A_212, %dma_wait3A_232] : memref<2x10000x136xf32, #tpu.memory_space<hbm>> -> memref<1x25x136xf32, #tpu.memory_space<hbm>>
      %dma_wait3A_234 = tpu.memref_squeeze %dma_wait3A_233 : memref<1x25x136xf32, #tpu.memory_space<hbm>> -> memref<25x136xf32, #tpu.memory_space<hbm>>
      %dma_wait3A_235 = arith.constant 0 : i32
      %dma_wait3A_236 = tpu.memref_slice %arg5[%arg0, %add3A_212, %dma_wait3A_235] : memref<2x10000x136xf32, #tpu.memory_space<hbm>> -> memref<1x25x136xf32, #tpu.memory_space<hbm>>
      %dma_wait3A_237 = tpu.memref_squeeze %dma_wait3A_236 : memref<1x25x136xf32, #tpu.memory_space<hbm>> -> memref<25x136xf32, #tpu.memory_space<hbm>>
      tpu.wait_dma2 semaphore(%run_scoped3A_225 : memref<!tpu.dma_semaphore, #tpu.memory_space<semaphore_mem>>) src(%arg10 : memref<25x136xf32, #tpu.memory_space<vmem>>) dst(%dma_wait3A_237 : memref<25x136xf32, #tpu.memory_space<hbm>>)
      tpu.yield
    }) : () -> ()
    %mul3A_213 = arith.constant 625 : i32
    %mul3A_214 = arith.muli %arg1, %mul3A_213 : i32
    %add3A_215 = arith.constant 550 : i32
    %add3A_216 = arith.addi %mul3A_214, %add3A_215 : i32
    "tpu.region"() ({
      %run_scoped3A_225 = tpu.sem_alloc : memref<!tpu.dma_semaphore, #tpu.memory_space<semaphore_mem>>
      %dma_start3A_226 = arith.constant 0 : i32
      %dma_start3A_227 = tpu.memref_slice %arg11[%add3A_216, %dma_start3A_226] : memref<10000x136xf32, #tpu.memory_space<vmem_shared>> -> memref<25x136xf32, #tpu.memory_space<vmem_shared>>
      %dma_start3A_228 = arith.constant 0 : i32
      %dma_start3A_229 = tpu.memref_slice %arg11[%add3A_216, %dma_start3A_228] : memref<10000x136xf32, #tpu.memory_space<vmem_shared>> -> memref<25x136xf32, #tpu.memory_space<vmem_shared>>
      tpu.enqueue_dma source(%dma_start3A_229 : memref<25x136xf32, #tpu.memory_space<vmem_shared>>) target(%arg10 : memref<25x136xf32, #tpu.memory_space<vmem>>) target_semaphore(%run_scoped3A_225 : memref<!tpu.dma_semaphore, #tpu.memory_space<semaphore_mem>>)
      %dma_wait3A_230 = arith.constant 0 : i32
      %dma_wait3A_231 = tpu.memref_slice %arg11[%add3A_216, %dma_wait3A_230] : memref<10000x136xf32, #tpu.memory_space<vmem_shared>> -> memref<25x136xf32, #tpu.memory_space<vmem_shared>>
      %dma_wait3A_232 = arith.constant 0 : i32
      %dma_wait3A_233 = tpu.memref_slice %arg11[%add3A_216, %dma_wait3A_232] : memref<10000x136xf32, #tpu.memory_space<vmem_shared>> -> memref<25x136xf32, #tpu.memory_space<vmem_shared>>
      tpu.wait_dma2 semaphore(%run_scoped3A_225 : memref<!tpu.dma_semaphore, #tpu.memory_space<semaphore_mem>>) src(%dma_wait3A_233 : memref<25x136xf32, #tpu.memory_space<vmem_shared>>) dst(%arg10 : memref<25x136xf32, #tpu.memory_space<vmem>>)
      tpu.yield
    }) : () -> ()
    "tpu.region"() ({
      %run_scoped3A_225 = tpu.sem_alloc : memref<!tpu.dma_semaphore, #tpu.memory_space<semaphore_mem>>
      %dma_start3A_226 = arith.constant 0 : i32
      %dma_start3A_227 = tpu.memref_slice %arg5[%arg0, %add3A_216, %dma_start3A_226] : memref<2x10000x136xf32, #tpu.memory_space<hbm>> -> memref<1x25x136xf32, #tpu.memory_space<hbm>>
      %dma_start3A_228 = tpu.memref_squeeze %dma_start3A_227 : memref<1x25x136xf32, #tpu.memory_space<hbm>> -> memref<25x136xf32, #tpu.memory_space<hbm>>
      %dma_start3A_229 = arith.constant 0 : i32
      %dma_start3A_230 = tpu.memref_slice %arg5[%arg0, %add3A_216, %dma_start3A_229] : memref<2x10000x136xf32, #tpu.memory_space<hbm>> -> memref<1x25x136xf32, #tpu.memory_space<hbm>>
      %dma_start3A_231 = tpu.memref_squeeze %dma_start3A_230 : memref<1x25x136xf32, #tpu.memory_space<hbm>> -> memref<25x136xf32, #tpu.memory_space<hbm>>
      tpu.enqueue_dma source(%arg10 : memref<25x136xf32, #tpu.memory_space<vmem>>) target(%dma_start3A_231 : memref<25x136xf32, #tpu.memory_space<hbm>>) target_semaphore(%run_scoped3A_225 : memref<!tpu.dma_semaphore, #tpu.memory_space<semaphore_mem>>)
      %dma_wait3A_232 = arith.constant 0 : i32
      %dma_wait3A_233 = tpu.memref_slice %arg5[%arg0, %add3A_216, %dma_wait3A_232] : memref<2x10000x136xf32, #tpu.memory_space<hbm>> -> memref<1x25x136xf32, #tpu.memory_space<hbm>>
      %dma_wait3A_234 = tpu.memref_squeeze %dma_wait3A_233 : memref<1x25x136xf32, #tpu.memory_space<hbm>> -> memref<25x136xf32, #tpu.memory_space<hbm>>
      %dma_wait3A_235 = arith.constant 0 : i32
      %dma_wait3A_236 = tpu.memref_slice %arg5[%arg0, %add3A_216, %dma_wait3A_235] : memref<2x10000x136xf32, #tpu.memory_space<hbm>> -> memref<1x25x136xf32, #tpu.memory_space<hbm>>
      %dma_wait3A_237 = tpu.memref_squeeze %dma_wait3A_236 : memref<1x25x136xf32, #tpu.memory_space<hbm>> -> memref<25x136xf32, #tpu.memory_space<hbm>>
      tpu.wait_dma2 semaphore(%run_scoped3A_225 : memref<!tpu.dma_semaphore, #tpu.memory_space<semaphore_mem>>) src(%arg10 : memref<25x136xf32, #tpu.memory_space<vmem>>) dst(%dma_wait3A_237 : memref<25x136xf32, #tpu.memory_space<hbm>>)
      tpu.yield
    }) : () -> ()
    %mul3A_217 = arith.constant 625 : i32
    %mul3A_218 = arith.muli %arg1, %mul3A_217 : i32
    %add3A_219 = arith.constant 575 : i32
    %add3A_220 = arith.addi %mul3A_218, %add3A_219 : i32
    "tpu.region"() ({
      %run_scoped3A_225 = tpu.sem_alloc : memref<!tpu.dma_semaphore, #tpu.memory_space<semaphore_mem>>
      %dma_start3A_226 = arith.constant 0 : i32
      %dma_start3A_227 = tpu.memref_slice %arg11[%add3A_220, %dma_start3A_226] : memref<10000x136xf32, #tpu.memory_space<vmem_shared>> -> memref<25x136xf32, #tpu.memory_space<vmem_shared>>
      %dma_start3A_228 = arith.constant 0 : i32
      %dma_start3A_229 = tpu.memref_slice %arg11[%add3A_220, %dma_start3A_228] : memref<10000x136xf32, #tpu.memory_space<vmem_shared>> -> memref<25x136xf32, #tpu.memory_space<vmem_shared>>
      tpu.enqueue_dma source(%dma_start3A_229 : memref<25x136xf32, #tpu.memory_space<vmem_shared>>) target(%arg10 : memref<25x136xf32, #tpu.memory_space<vmem>>) target_semaphore(%run_scoped3A_225 : memref<!tpu.dma_semaphore, #tpu.memory_space<semaphore_mem>>)
      %dma_wait3A_230 = arith.constant 0 : i32
      %dma_wait3A_231 = tpu.memref_slice %arg11[%add3A_220, %dma_wait3A_230] : memref<10000x136xf32, #tpu.memory_space<vmem_shared>> -> memref<25x136xf32, #tpu.memory_space<vmem_shared>>
      %dma_wait3A_232 = arith.constant 0 : i32
      %dma_wait3A_233 = tpu.memref_slice %arg11[%add3A_220, %dma_wait3A_232] : memref<10000x136xf32, #tpu.memory_space<vmem_shared>> -> memref<25x136xf32, #tpu.memory_space<vmem_shared>>
      tpu.wait_dma2 semaphore(%run_scoped3A_225 : memref<!tpu.dma_semaphore, #tpu.memory_space<semaphore_mem>>) src(%dma_wait3A_233 : memref<25x136xf32, #tpu.memory_space<vmem_shared>>) dst(%arg10 : memref<25x136xf32, #tpu.memory_space<vmem>>)
      tpu.yield
    }) : () -> ()
    "tpu.region"() ({
      %run_scoped3A_225 = tpu.sem_alloc : memref<!tpu.dma_semaphore, #tpu.memory_space<semaphore_mem>>
      %dma_start3A_226 = arith.constant 0 : i32
      %dma_start3A_227 = tpu.memref_slice %arg5[%arg0, %add3A_220, %dma_start3A_226] : memref<2x10000x136xf32, #tpu.memory_space<hbm>> -> memref<1x25x136xf32, #tpu.memory_space<hbm>>
      %dma_start3A_228 = tpu.memref_squeeze %dma_start3A_227 : memref<1x25x136xf32, #tpu.memory_space<hbm>> -> memref<25x136xf32, #tpu.memory_space<hbm>>
      %dma_start3A_229 = arith.constant 0 : i32
      %dma_start3A_230 = tpu.memref_slice %arg5[%arg0, %add3A_220, %dma_start3A_229] : memref<2x10000x136xf32, #tpu.memory_space<hbm>> -> memref<1x25x136xf32, #tpu.memory_space<hbm>>
      %dma_start3A_231 = tpu.memref_squeeze %dma_start3A_230 : memref<1x25x136xf32, #tpu.memory_space<hbm>> -> memref<25x136xf32, #tpu.memory_space<hbm>>
      tpu.enqueue_dma source(%arg10 : memref<25x136xf32, #tpu.memory_space<vmem>>) target(%dma_start3A_231 : memref<25x136xf32, #tpu.memory_space<hbm>>) target_semaphore(%run_scoped3A_225 : memref<!tpu.dma_semaphore, #tpu.memory_space<semaphore_mem>>)
      %dma_wait3A_232 = arith.constant 0 : i32
      %dma_wait3A_233 = tpu.memref_slice %arg5[%arg0, %add3A_220, %dma_wait3A_232] : memref<2x10000x136xf32, #tpu.memory_space<hbm>> -> memref<1x25x136xf32, #tpu.memory_space<hbm>>
      %dma_wait3A_234 = tpu.memref_squeeze %dma_wait3A_233 : memref<1x25x136xf32, #tpu.memory_space<hbm>> -> memref<25x136xf32, #tpu.memory_space<hbm>>
      %dma_wait3A_235 = arith.constant 0 : i32
      %dma_wait3A_236 = tpu.memref_slice %arg5[%arg0, %add3A_220, %dma_wait3A_235] : memref<2x10000x136xf32, #tpu.memory_space<hbm>> -> memref<1x25x136xf32, #tpu.memory_space<hbm>>
      %dma_wait3A_237 = tpu.memref_squeeze %dma_wait3A_236 : memref<1x25x136xf32, #tpu.memory_space<hbm>> -> memref<25x136xf32, #tpu.memory_space<hbm>>
      tpu.wait_dma2 semaphore(%run_scoped3A_225 : memref<!tpu.dma_semaphore, #tpu.memory_space<semaphore_mem>>) src(%arg10 : memref<25x136xf32, #tpu.memory_space<vmem>>) dst(%dma_wait3A_237 : memref<25x136xf32, #tpu.memory_space<hbm>>)
      tpu.yield
    }) : () -> ()
    %mul3A_221 = arith.constant 625 : i32
    %mul3A_222 = arith.muli %arg1, %mul3A_221 : i32
    %add3A_223 = arith.constant 600 : i32
    %add3A_224 = arith.addi %mul3A_222, %add3A_223 : i32
    "tpu.region"() ({
      %run_scoped3A_225 = tpu.sem_alloc : memref<!tpu.dma_semaphore, #tpu.memory_space<semaphore_mem>>
      %dma_start3A_226 = arith.constant 0 : i32
      %dma_start3A_227 = tpu.memref_slice %arg11[%add3A_224, %dma_start3A_226] : memref<10000x136xf32, #tpu.memory_space<vmem_shared>> -> memref<25x136xf32, #tpu.memory_space<vmem_shared>>
      %dma_start3A_228 = arith.constant 0 : i32
      %dma_start3A_229 = tpu.memref_slice %arg11[%add3A_224, %dma_start3A_228] : memref<10000x136xf32, #tpu.memory_space<vmem_shared>> -> memref<25x136xf32, #tpu.memory_space<vmem_shared>>
      tpu.enqueue_dma source(%dma_start3A_229 : memref<25x136xf32, #tpu.memory_space<vmem_shared>>) target(%arg10 : memref<25x136xf32, #tpu.memory_space<vmem>>) target_semaphore(%run_scoped3A_225 : memref<!tpu.dma_semaphore, #tpu.memory_space<semaphore_mem>>)
      %dma_wait3A_230 = arith.constant 0 : i32
      %dma_wait3A_231 = tpu.memref_slice %arg11[%add3A_224, %dma_wait3A_230] : memref<10000x136xf32, #tpu.memory_space<vmem_shared>> -> memref<25x136xf32, #tpu.memory_space<vmem_shared>>
      %dma_wait3A_232 = arith.constant 0 : i32
      %dma_wait3A_233 = tpu.memref_slice %arg11[%add3A_224, %dma_wait3A_232] : memref<10000x136xf32, #tpu.memory_space<vmem_shared>> -> memref<25x136xf32, #tpu.memory_space<vmem_shared>>
      tpu.wait_dma2 semaphore(%run_scoped3A_225 : memref<!tpu.dma_semaphore, #tpu.memory_space<semaphore_mem>>) src(%dma_wait3A_233 : memref<25x136xf32, #tpu.memory_space<vmem_shared>>) dst(%arg10 : memref<25x136xf32, #tpu.memory_space<vmem>>)
      tpu.yield
    }) : () -> ()
    "tpu.region"() ({
      %run_scoped3A_225 = tpu.sem_alloc : memref<!tpu.dma_semaphore, #tpu.memory_space<semaphore_mem>>
      %dma_start3A_226 = arith.constant 0 : i32
      %dma_start3A_227 = tpu.memref_slice %arg5[%arg0, %add3A_224, %dma_start3A_226] : memref<2x10000x136xf32, #tpu.memory_space<hbm>> -> memref<1x25x136xf32, #tpu.memory_space<hbm>>
      %dma_start3A_228 = tpu.memref_squeeze %dma_start3A_227 : memref<1x25x136xf32, #tpu.memory_space<hbm>> -> memref<25x136xf32, #tpu.memory_space<hbm>>
      %dma_start3A_229 = arith.constant 0 : i32
      %dma_start3A_230 = tpu.memref_slice %arg5[%arg0, %add3A_224, %dma_start3A_229] : memref<2x10000x136xf32, #tpu.memory_space<hbm>> -> memref<1x25x136xf32, #tpu.memory_space<hbm>>
      %dma_start3A_231 = tpu.memref_squeeze %dma_start3A_230 : memref<1x25x136xf32, #tpu.memory_space<hbm>> -> memref<25x136xf32, #tpu.memory_space<hbm>>
      tpu.enqueue_dma source(%arg10 : memref<25x136xf32, #tpu.memory_space<vmem>>) target(%dma_start3A_231 : memref<25x136xf32, #tpu.memory_space<hbm>>) target_semaphore(%run_scoped3A_225 : memref<!tpu.dma_semaphore, #tpu.memory_space<semaphore_mem>>)
      %dma_wait3A_232 = arith.constant 0 : i32
      %dma_wait3A_233 = tpu.memref_slice %arg5[%arg0, %add3A_224, %dma_wait3A_232] : memref<2x10000x136xf32, #tpu.memory_space<hbm>> -> memref<1x25x136xf32, #tpu.memory_space<hbm>>
      %dma_wait3A_234 = tpu.memref_squeeze %dma_wait3A_233 : memref<1x25x136xf32, #tpu.memory_space<hbm>> -> memref<25x136xf32, #tpu.memory_space<hbm>>
      %dma_wait3A_235 = arith.constant 0 : i32
      %dma_wait3A_236 = tpu.memref_slice %arg5[%arg0, %add3A_224, %dma_wait3A_235] : memref<2x10000x136xf32, #tpu.memory_space<hbm>> -> memref<1x25x136xf32, #tpu.memory_space<hbm>>
      %dma_wait3A_237 = tpu.memref_squeeze %dma_wait3A_236 : memref<1x25x136xf32, #tpu.memory_space<hbm>> -> memref<25x136xf32, #tpu.memory_space<hbm>>
      tpu.wait_dma2 semaphore(%run_scoped3A_225 : memref<!tpu.dma_semaphore, #tpu.memory_space<semaphore_mem>>) src(%arg10 : memref<25x136xf32, #tpu.memory_space<vmem>>) dst(%dma_wait3A_237 : memref<25x136xf32, #tpu.memory_space<hbm>>)
      tpu.yield
    }) : () -> ()
    return
  }
}

module attributes {stable_mosaic.version = 14 : i64} {
  func.func @_tc1_body(%arg0: i32, %arg1: memref<1000x128xf32, #tpu.memory_space<vmem>>, %arg2: memref<128x128xf32, #tpu.memory_space<vmem>>, %arg3: memref<128xf32, #tpu.memory_space<vmem>>, %arg4: memref<1000x136xf32, #tpu.memory_space<vmem>>) attributes {dimension_semantics = [#tpu.dimension_semantics<arbitrary>], iteration_bounds = array<i64: 10>, scalar_prefetch = 0 : i64, scratch_operands = 0 : i64, tpu.core_type = #tpu.core_type<tc>, window_params = [{transform_indices = @transform_0, window_bounds = array<i64: 1000, 128>}, {pipeline_mode = #tpu.pipeline_mode<synchronous>, transform_indices = @transform_1, window_bounds = array<i64: 128, 128>}, {pipeline_mode = #tpu.pipeline_mode<synchronous>, transform_indices = @transform_2, window_bounds = array<i64: 128>}, {transform_indices = @transform_3, window_bounds = array<i64: 1000, 136>}]} {
    %get3A = arith.constant 0 : index
    %get3A_0 = arith.constant 0 : index
    %get3A_1 = vector.load %arg1[%get3A, %get3A_0] : memref<1000x128xf32, #tpu.memory_space<vmem>>, vector<1000x128xf32>
    %mul3A = arith.mulf %get3A_1, %get3A_1 : vector<1000x128xf32>
    %reduce_sum3A = arith.constant dense<0.000000e+00> : vector<1000xf32>
    %reduce_sum3A_2 = vector.multi_reduction <add>, %mul3A, %reduce_sum3A [1] : vector<1000x128xf32> to vector<1000xf32>
    %broadcast_in_dim3A = vector.shape_cast %reduce_sum3A_2 : vector<1000xf32> to vector<1000x1xf32>
    %sqrt3A = math.sqrt %broadcast_in_dim3A : vector<1000x1xf32>
    %max3A = arith.constant 1.000000e-07 : f32
    %max3A_3 = vector.broadcast %max3A : f32 to vector<1000x1xf32>
    %max3A_4 = arith.maximumf %sqrt3A, %max3A_3 : vector<1000x1xf32>
    %exp3A = math.exp %max3A_4 : vector<1000x1xf32>
    %div3A = arith.constant 1.000000e+00 : f32
    %div3A_5 = vector.broadcast %div3A : f32 to vector<1000x1xf32>
    %div3A_6 = arith.divf %div3A_5, %exp3A : vector<1000x1xf32>
    %add3A = arith.addf %exp3A, %div3A_6 : vector<1000x1xf32>
    %mul3A_7 = arith.constant 5.000000e-01 : f32
    %mul3A_8 = vector.broadcast %mul3A_7 : f32 to vector<1000x1xf32>
    %mul3A_9 = arith.mulf %mul3A_8, %add3A : vector<1000x1xf32>
    %sub3A = arith.subf %exp3A, %div3A_6 : vector<1000x1xf32>
    %mul3A_10 = arith.constant 5.000000e-01 : f32
    %mul3A_11 = vector.broadcast %mul3A_10 : f32 to vector<1000x1xf32>
    %mul3A_12 = arith.mulf %mul3A_11, %sub3A : vector<1000x1xf32>
    %max3A_13 = arith.constant 1.00000012 : f32
    %max3A_14 = vector.broadcast %max3A_13 : f32 to vector<1000x1xf32>
    %max3A_15 = arith.maximumf %mul3A_9, %max3A_14 : vector<1000x1xf32>
    %mul3A_16 = arith.mulf %max3A_15, %max3A_15 : vector<1000x1xf32>
    %sub3A_17 = arith.constant 1.000000e+00 : f32
    %sub3A_18 = vector.broadcast %sub3A_17 : f32 to vector<1000x1xf32>
    %sub3A_19 = arith.subf %mul3A_16, %sub3A_18 : vector<1000x1xf32>
    %sqrt3A_20 = math.sqrt %sub3A_19 : vector<1000x1xf32>
    %add3A_21 = arith.addf %max3A_15, %sqrt3A_20 : vector<1000x1xf32>
    %log3A = math.log %add3A_21 : vector<1000x1xf32>
    %div3A_22 = arith.divf %sqrt3A, %max3A_4 : vector<1000x1xf32>
    %mul3A_23 = arith.mulf %mul3A_12, %div3A_22 : vector<1000x1xf32>
    %max3A_24 = arith.constant 1.000000e-07 : f32
    %max3A_25 = vector.broadcast %max3A_24 : f32 to vector<1000x1xf32>
    %max3A_26 = arith.maximumf %mul3A_23, %max3A_25 : vector<1000x1xf32>
    %mul3A_27 = arith.mulf %log3A, %mul3A_12 : vector<1000x1xf32>
    %mul3A_28 = arith.mulf %max3A_4, %max3A_26 : vector<1000x1xf32>
    %div3A_29 = arith.divf %mul3A_27, %mul3A_28 : vector<1000x1xf32>
    %mul3A_30 = vector.broadcast %div3A_29 : vector<1000x1xf32> to vector<1000x128xf32>
    %mul3A_31 = arith.mulf %get3A_1, %mul3A_30 : vector<1000x128xf32>
    %get3A_32 = arith.constant 0 : index
    %get3A_33 = arith.constant 0 : index
    %get3A_34 = vector.load %arg2[%get3A_32, %get3A_33] : memref<128x128xf32, #tpu.memory_space<vmem>>, vector<128x128xf32>
    %dot_general3A = arith.constant dense<0.000000e+00> : vector<1000x128xf32>
    %dot_general3A_35 = tpu.matmul %mul3A_31, %get3A_34, %dot_general3A {dimension_numbers = #tpu.dot_dimension_numbers<[1], [0], [0], [1], [0, 0, 1, 1], [], []>, transpose_lhs_hint = false} : vector<1000x128xf32>, vector<128x128xf32>, vector<1000x128xf32> -> vector<1000x128xf32>
    %get3A_36 = arith.constant 0 : index
    %get3A_37 = vector.load %arg3[%get3A_36] : memref<128xf32, #tpu.memory_space<vmem>>, vector<128xf32>
    %broadcast_in_dim3A_38 = vector.shape_cast %get3A_37 : vector<128xf32> to vector<1x128xf32>
    %add3A_39 = vector.broadcast %broadcast_in_dim3A_38 : vector<1x128xf32> to vector<1000x128xf32>
    %add3A_40 = arith.addf %dot_general3A_35, %add3A_39 : vector<1000x128xf32>
    %broadcast_in_dim3A_41 = arith.constant 1.000000e+00 : f32
    %broadcast_in_dim3A_42 = vector.broadcast %broadcast_in_dim3A_41 : f32 to vector<1000x1xf32>
    %broadcast_in_dim3A_43 = arith.constant 0.000000e+00 : f32
    %broadcast_in_dim3A_44 = vector.broadcast %broadcast_in_dim3A_43 : f32 to vector<1000x7xf32>
    %concatenate3A = tpu.concatenate %add3A_40, %broadcast_in_dim3A_42, %broadcast_in_dim3A_44 in 1 : vector<1000x128xf32>, vector<1000x1xf32>, vector<1000x7xf32> -> vector<1000x136xf32>
    %swap3A = arith.constant 0 : index
    %swap3A_45 = arith.constant 0 : index
    %swap3A_46 = vector.load %arg4[%swap3A, %swap3A_45] : memref<1000x136xf32, #tpu.memory_space<vmem>>, vector<1000x136xf32>
    tpu.vector_store %arg4[%swap3A, %swap3A_45], %concatenate3A {strides = array<i32>} : memref<1000x136xf32, #tpu.memory_space<vmem>>, vector<1000x136xf32>,
    return
  }
  func.func @transform_0(%arg0: i32) -> (i32, i32) {
    %c0_i32 = arith.constant 0 : i32
    %c0_i32_0 = arith.constant 0 : i32
    return %arg0, %c0_i32 : i32, i32
  }
  func.func @transform_1(%arg0: i32) -> (i32, i32) {
    %c0_i32 = arith.constant 0 : i32
    %c0_i32_0 = arith.constant 0 : i32
    %c0_i32_1 = arith.constant 0 : i32
    return %c0_i32, %c0_i32_0 : i32, i32
  }
  func.func @transform_2(%arg0: i32) -> i32 {
    %c0_i32 = arith.constant 0 : i32
    %c0_i32_0 = arith.constant 0 : i32
    return %c0_i32 : i32
  }
  func.func @transform_3(%arg0: i32) -> (i32, i32) {
    %c0_i32 = arith.constant 0 : i32
    %c0_i32_0 = arith.constant 0 : i32
    return %arg0, %c0_i32 : i32, i32
  }
}

module attributes {stable_mosaic.version = 14 : i64} {
  func.func @_tc2_body(%arg0: i32, %arg1: memref<1000x136xf32, #tpu.memory_space<vmem>>, %arg2: memref<1000x136xf32, #tpu.memory_space<vmem>>, %arg3: memref<128x128xf32, #tpu.memory_space<vmem>>, %arg4: memref<128xf32, #tpu.memory_space<vmem>>, %arg5: memref<1000x128xf32, #tpu.memory_space<vmem>>, %arg6: memref<1000x1xf32, #tpu.memory_space<vmem>>) attributes {dimension_semantics = [#tpu.dimension_semantics<arbitrary>], iteration_bounds = array<i64: 10>, scalar_prefetch = 0 : i64, scratch_operands = 0 : i64, tpu.core_type = #tpu.core_type<tc>, window_params = [{transform_indices = @transform_0, window_bounds = array<i64: 1000, 136>}, {transform_indices = @transform_1, window_bounds = array<i64: 1000, 136>}, {pipeline_mode = #tpu.pipeline_mode<synchronous>, transform_indices = @transform_2, window_bounds = array<i64: 128, 128>}, {pipeline_mode = #tpu.pipeline_mode<synchronous>, transform_indices = @transform_3, window_bounds = array<i64: 128>}, {transform_indices = @transform_4, window_bounds = array<i64: 1000, 128>}, {transform_indices = @transform_5, window_bounds = array<i64: 1000, 1>}]} {
    %get3A = arith.constant 0 : index
    %get3A_0 = arith.constant 0 : index
    %get3A_1 = vector.load %arg1[%get3A, %get3A_0] : memref<1000x136xf32, #tpu.memory_space<vmem>>, vector<1000x136xf32>
    %get3A_2 = arith.constant 0 : index
    %get3A_3 = arith.constant 0 : index
    %get3A_4 = vector.load %arg2[%get3A_2, %get3A_3] : memref<1000x136xf32, #tpu.memory_space<vmem>>, vector<1000x136xf32>
    %add3A = arith.addf %get3A_1, %get3A_4 : vector<1000x136xf32>
    %slice3A = vector.extract_strided_slice %add3A {offsets = [0, 0], sizes = [1000, 128], strides = [1, 1]} : vector<1000x136xf32> to vector<1000x128xf32>
    %slice3A_5 = vector.extract_strided_slice %add3A {offsets = [0, 128], sizes = [1000, 1], strides = [1, 1]} : vector<1000x136xf32> to vector<1000x1xf32>
    %max3A = arith.constant 1.000000e+00 : f32
    %max3A_6 = vector.broadcast %max3A : f32 to vector<1000x1xf32>
    %max3A_7 = arith.maximumf %slice3A_5, %max3A_6 : vector<1000x1xf32>
    %div3A = vector.broadcast %max3A_7 : vector<1000x1xf32> to vector<1000x128xf32>
    %div3A_8 = arith.divf %slice3A, %div3A : vector<1000x128xf32>
    %max3A_9 = arith.constant 0.000000e+00 : f32
    %max3A_10 = vector.broadcast %max3A_9 : f32 to vector<1000x128xf32>
    %max3A_11 = arith.maximumf %div3A_8, %max3A_10 : vector<1000x128xf32>
    %mul3A = arith.mulf %max3A_11, %max3A_11 : vector<1000x128xf32>
    %reduce_sum3A = arith.constant dense<0.000000e+00> : vector<1000xf32>
    %reduce_sum3A_12 = vector.multi_reduction <add>, %mul3A, %reduce_sum3A [1] : vector<1000x128xf32> to vector<1000xf32>
    %broadcast_in_dim3A = vector.shape_cast %reduce_sum3A_12 : vector<1000xf32> to vector<1000x1xf32>
    %sqrt3A = math.sqrt %broadcast_in_dim3A : vector<1000x1xf32>
    %max3A_13 = arith.constant 1.000000e-07 : f32
    %max3A_14 = vector.broadcast %max3A_13 : f32 to vector<1000x1xf32>
    %max3A_15 = arith.maximumf %sqrt3A, %max3A_14 : vector<1000x1xf32>
    %exp3A = math.exp %max3A_15 : vector<1000x1xf32>
    %div3A_16 = arith.constant 1.000000e+00 : f32
    %div3A_17 = vector.broadcast %div3A_16 : f32 to vector<1000x1xf32>
    %div3A_18 = arith.divf %div3A_17, %exp3A : vector<1000x1xf32>
    %add3A_19 = arith.addf %exp3A, %div3A_18 : vector<1000x1xf32>
    %mul3A_20 = arith.constant 5.000000e-01 : f32
    %mul3A_21 = vector.broadcast %mul3A_20 : f32 to vector<1000x1xf32>
    %mul3A_22 = arith.mulf %mul3A_21, %add3A_19 : vector<1000x1xf32>
    %sub3A = arith.subf %exp3A, %div3A_18 : vector<1000x1xf32>
    %mul3A_23 = arith.constant 5.000000e-01 : f32
    %mul3A_24 = vector.broadcast %mul3A_23 : f32 to vector<1000x1xf32>
    %mul3A_25 = arith.mulf %mul3A_24, %sub3A : vector<1000x1xf32>
    %max3A_26 = arith.constant 1.00000012 : f32
    %max3A_27 = vector.broadcast %max3A_26 : f32 to vector<1000x1xf32>
    %max3A_28 = arith.maximumf %mul3A_22, %max3A_27 : vector<1000x1xf32>
    %mul3A_29 = arith.mulf %max3A_28, %max3A_28 : vector<1000x1xf32>
    %sub3A_30 = arith.constant 1.000000e+00 : f32
    %sub3A_31 = vector.broadcast %sub3A_30 : f32 to vector<1000x1xf32>
    %sub3A_32 = arith.subf %mul3A_29, %sub3A_31 : vector<1000x1xf32>
    %sqrt3A_33 = math.sqrt %sub3A_32 : vector<1000x1xf32>
    %add3A_34 = arith.addf %max3A_28, %sqrt3A_33 : vector<1000x1xf32>
    %log3A = math.log %add3A_34 : vector<1000x1xf32>
    %div3A_35 = arith.divf %sqrt3A, %max3A_15 : vector<1000x1xf32>
    %mul3A_36 = arith.mulf %mul3A_25, %div3A_35 : vector<1000x1xf32>
    %max3A_37 = arith.constant 1.000000e-07 : f32
    %max3A_38 = vector.broadcast %max3A_37 : f32 to vector<1000x1xf32>
    %max3A_39 = arith.maximumf %mul3A_36, %max3A_38 : vector<1000x1xf32>
    %mul3A_40 = arith.mulf %log3A, %mul3A_25 : vector<1000x1xf32>
    %mul3A_41 = arith.mulf %max3A_15, %max3A_39 : vector<1000x1xf32>
    %div3A_42 = arith.divf %mul3A_40, %mul3A_41 : vector<1000x1xf32>
    %mul3A_43 = vector.broadcast %div3A_42 : vector<1000x1xf32> to vector<1000x128xf32>
    %mul3A_44 = arith.mulf %max3A_11, %mul3A_43 : vector<1000x128xf32>
    %get3A_45 = arith.constant 0 : index
    %get3A_46 = arith.constant 0 : index
    %get3A_47 = vector.load %arg3[%get3A_45, %get3A_46] : memref<128x128xf32, #tpu.memory_space<vmem>>, vector<128x128xf32>
    %dot_general3A = arith.constant dense<0.000000e+00> : vector<1000x128xf32>
    %dot_general3A_48 = tpu.matmul %mul3A_44, %get3A_47, %dot_general3A {dimension_numbers = #tpu.dot_dimension_numbers<[1], [0], [0], [1], [0, 0, 1, 1], [], []>, transpose_lhs_hint = false} : vector<1000x128xf32>, vector<128x128xf32>, vector<1000x128xf32> -> vector<1000x128xf32>
    %get3A_49 = arith.constant 0 : index
    %get3A_50 = vector.load %arg4[%get3A_49] : memref<128xf32, #tpu.memory_space<vmem>>, vector<128xf32>
    %broadcast_in_dim3A_51 = vector.shape_cast %get3A_50 : vector<128xf32> to vector<1x128xf32>
    %add3A_52 = vector.broadcast %broadcast_in_dim3A_51 : vector<1x128xf32> to vector<1000x128xf32>
    %add3A_53 = arith.addf %dot_general3A_48, %add3A_52 : vector<1000x128xf32>
    %swap3A = arith.constant 0 : index
    %swap3A_54 = arith.constant 0 : index
    %swap3A_55 = vector.load %arg5[%swap3A, %swap3A_54] : memref<1000x128xf32, #tpu.memory_space<vmem>>, vector<1000x128xf32>
    tpu.vector_store %arg5[%swap3A, %swap3A_54], %add3A_53 {strides = array<i32>} : memref<1000x128xf32, #tpu.memory_space<vmem>>, vector<1000x128xf32>,
    %swap3A_56 = arith.constant 0 : index
    %swap3A_57 = arith.constant 0 : index
    %swap3A_58 = vector.load %arg6[%swap3A_56, %swap3A_57] : memref<1000x1xf32, #tpu.memory_space<vmem>>, vector<1000x1xf32>
    tpu.vector_store %arg6[%swap3A_56, %swap3A_57], %max3A_7 {strides = array<i32>} : memref<1000x1xf32, #tpu.memory_space<vmem>>, vector<1000x1xf32>,
    return
  }
  func.func @transform_0(%arg0: i32) -> (i32, i32) {
    %c0_i32 = arith.constant 0 : i32
    %c0_i32_0 = arith.constant 0 : i32
    return %arg0, %c0_i32 : i32, i32
  }
  func.func @transform_1(%arg0: i32) -> (i32, i32) {
    %c0_i32 = arith.constant 0 : i32
    %c0_i32_0 = arith.constant 0 : i32
    return %arg0, %c0_i32 : i32, i32
  }
  func.func @transform_2(%arg0: i32) -> (i32, i32) {
    %c0_i32 = arith.constant 0 : i32
    %c0_i32_0 = arith.constant 0 : i32
    %c0_i32_1 = arith.constant 0 : i32
    return %c0_i32, %c0_i32_0 : i32, i32
  }
  func.func @transform_3(%arg0: i32) -> i32 {
    %c0_i32 = arith.constant 0 : i32
    %c0_i32_0 = arith.constant 0 : i32
    return %c0_i32 : i32
  }
  func.func @transform_4(%arg0: i32) -> (i32, i32) {
    %c0_i32 = arith.constant 0 : i32
    %c0_i32_0 = arith.constant 0 : i32
    return %arg0, %c0_i32 : i32, i32
  }
  func.func @transform_5(%arg0: i32) -> (i32, i32) {
    %c0_i32 = arith.constant 0 : i32
    %c0_i32_0 = arith.constant 0 : i32
    return %arg0, %c0_i32 : i32, i32
  }
}

module attributes {stable_mosaic.version = 14 : i64} {
  func.func @_tc3_body(%arg0: i32, %arg1: memref<1000x128xf32, #tpu.memory_space<vmem>>, %arg2: memref<1000x128xf32, #tpu.memory_space<vmem>>, %arg3: memref<1000x1xf32, #tpu.memory_space<vmem>>, %arg4: memref<1000x1xf32, #tpu.memory_space<vmem>>, %arg5: memref<1000x128xf32, #tpu.memory_space<vmem>>) attributes {dimension_semantics = [#tpu.dimension_semantics<arbitrary>], iteration_bounds = array<i64: 10>, scalar_prefetch = 0 : i64, scratch_operands = 0 : i64, tpu.core_type = #tpu.core_type<tc>, window_params = [{transform_indices = @transform_0, window_bounds = array<i64: 1000, 128>}, {transform_indices = @transform_1, window_bounds = array<i64: 1000, 128>}, {transform_indices = @transform_2, window_bounds = array<i64: 1000, 1>}, {transform_indices = @transform_3, window_bounds = array<i64: 1000, 1>}, {transform_indices = @transform_4, window_bounds = array<i64: 1000, 128>}]} {
    %get3A = arith.constant 0 : index
    %get3A_0 = arith.constant 0 : index
    %get3A_1 = vector.load %arg1[%get3A, %get3A_0] : memref<1000x128xf32, #tpu.memory_space<vmem>>, vector<1000x128xf32>
    %get3A_2 = arith.constant 0 : index
    %get3A_3 = arith.constant 0 : index
    %get3A_4 = vector.load %arg2[%get3A_2, %get3A_3] : memref<1000x128xf32, #tpu.memory_space<vmem>>, vector<1000x128xf32>
    %add3A = arith.addf %get3A_1, %get3A_4 : vector<1000x128xf32>
    %get3A_5 = arith.constant 0 : index
    %get3A_6 = arith.constant 0 : index
    %get3A_7 = vector.load %arg3[%get3A_5, %get3A_6] : memref<1000x1xf32, #tpu.memory_space<vmem>>, vector<1000x1xf32>
    %div3A = vector.broadcast %get3A_7 : vector<1000x1xf32> to vector<1000x128xf32>
    %div3A_8 = arith.divf %add3A, %div3A : vector<1000x128xf32>
    %max3A = arith.constant 0.000000e+00 : f32
    %max3A_9 = vector.broadcast %max3A : f32 to vector<1000x128xf32>
    %max3A_10 = arith.maximumf %div3A_8, %max3A_9 : vector<1000x128xf32>
    %mul3A = arith.mulf %max3A_10, %max3A_10 : vector<1000x128xf32>
    %reduce_sum3A = arith.constant dense<0.000000e+00> : vector<1000xf32>
    %reduce_sum3A_11 = vector.multi_reduction <add>, %mul3A, %reduce_sum3A [1] : vector<1000x128xf32> to vector<1000xf32>
    %broadcast_in_dim3A = vector.shape_cast %reduce_sum3A_11 : vector<1000xf32> to vector<1000x1xf32>
    %sqrt3A = math.sqrt %broadcast_in_dim3A : vector<1000x1xf32>
    %max3A_12 = arith.constant 1.000000e-07 : f32
    %max3A_13 = vector.broadcast %max3A_12 : f32 to vector<1000x1xf32>
    %max3A_14 = arith.maximumf %sqrt3A, %max3A_13 : vector<1000x1xf32>
    %exp3A = math.exp %max3A_14 : vector<1000x1xf32>
    %div3A_15 = arith.constant 1.000000e+00 : f32
    %div3A_16 = vector.broadcast %div3A_15 : f32 to vector<1000x1xf32>
    %div3A_17 = arith.divf %div3A_16, %exp3A : vector<1000x1xf32>
    %add3A_18 = arith.addf %exp3A, %div3A_17 : vector<1000x1xf32>
    %mul3A_19 = arith.constant 5.000000e-01 : f32
    %mul3A_20 = vector.broadcast %mul3A_19 : f32 to vector<1000x1xf32>
    %mul3A_21 = arith.mulf %mul3A_20, %add3A_18 : vector<1000x1xf32>
    %swap3A = arith.constant 0 : index
    %swap3A_22 = arith.constant 0 : index
    %swap3A_23 = vector.load %arg4[%swap3A, %swap3A_22] : memref<1000x1xf32, #tpu.memory_space<vmem>>, vector<1000x1xf32>
    tpu.vector_store %arg4[%swap3A, %swap3A_22], %mul3A_21 {strides = array<i32>} : memref<1000x1xf32, #tpu.memory_space<vmem>>, vector<1000x1xf32>,
    %sub3A = arith.subf %exp3A, %div3A_17 : vector<1000x1xf32>
    %mul3A_24 = arith.constant 5.000000e-01 : f32
    %mul3A_25 = vector.broadcast %mul3A_24 : f32 to vector<1000x1xf32>
    %mul3A_26 = arith.mulf %mul3A_25, %sub3A : vector<1000x1xf32>
    %mul3A_27 = vector.broadcast %mul3A_26 : vector<1000x1xf32> to vector<1000x128xf32>
    %mul3A_28 = arith.mulf %mul3A_27, %max3A_10 : vector<1000x128xf32>
    %div3A_29 = vector.broadcast %max3A_14 : vector<1000x1xf32> to vector<1000x128xf32>
    %div3A_30 = arith.divf %mul3A_28, %div3A_29 : vector<1000x128xf32>
    %swap3A_31 = arith.constant 0 : index
    %swap3A_32 = arith.constant 0 : index
    %swap3A_33 = vector.load %arg5[%swap3A_31, %swap3A_32] : memref<1000x128xf32, #tpu.memory_space<vmem>>, vector<1000x128xf32>
    tpu.vector_store %arg5[%swap3A_31, %swap3A_32], %div3A_30 {strides = array<i32>} : memref<1000x128xf32, #tpu.memory_space<vmem>>, vector<1000x128xf32>,
    return
  }
  func.func @transform_0(%arg0: i32) -> (i32, i32) {
    %c0_i32 = arith.constant 0 : i32
    %c0_i32_0 = arith.constant 0 : i32
    return %arg0, %c0_i32 : i32, i32
  }
  func.func @transform_1(%arg0: i32) -> (i32, i32) {
    %c0_i32 = arith.constant 0 : i32
    %c0_i32_0 = arith.constant 0 : i32
    return %arg0, %c0_i32 : i32, i32
  }
  func.func @transform_2(%arg0: i32) -> (i32, i32) {
    %c0_i32 = arith.constant 0 : i32
    %c0_i32_0 = arith.constant 0 : i32
    return %arg0, %c0_i32 : i32, i32
  }
  func.func @transform_3(%arg0: i32) -> (i32, i32) {
    %c0_i32 = arith.constant 0 : i32
    %c0_i32_0 = arith.constant 0 : i32
    return %arg0, %c0_i32 : i32, i32
  }
  func.func @transform_4(%arg0: i32) -> (i32, i32) {
    %c0_i32 = arith.constant 0 : i32
    %c0_i32_0 = arith.constant 0 : i32
    return %arg0, %c0_i32 : i32, i32
  }
}

</mosaic_0001>

<sc_bundles>
// kernel: kernel.10.cloned.1.call-start
scs
__scs_entry_jumppad:
0x0: {  	(pc) =	sbr.rel $0x88, $3  }
0x1: {  	(tag) =	ssettag $0x0;
	lr =	simm.s32 $0x1  }
0x2: {  	[smem:$0x3F9B] =	sst lr;
	_ =	strace $0xD0000000  }
0x3: {  	_ = 	snop  }
0x4: {  	_ = 	snop  }
0x5: {  	_ = 	snop  }
0x6: {  	_ = 	snop  }
0x7: {  	_ = 	snop  }
__scs_overlays_trampoline_lowered:
0x8: {  	[smem:$0x3FAA] =	sst s0  }
0x9: {  	[smem:$0x3FAB] =	sst s1  }
0xa: {  	[smem:$0x3FAC] =	sst s2  }
0xb: {  	[smem:$0x3FAD] =	sst s3  }
0xc: {  	[smem:$0x3FAE] =	sst s4  }
0xd: {  	[smem:$0x3FAF] =	sst s5  }
0xe: {  	[smem:$0x3FB0] =	sst s6  }
0xf: {  	[smem:$0x3FB1] =	sst s7  }
0x10: {  	[smem:$0x3FB2] =	sst s8  }
0x11: {  	[smem:$0x3FB3] =	sst s9;
	s0 =	simm.s32 @!p0 $0x0  }
0x12: {  	s1 =	sld [smem:$0x3F99];
	s0 =	simm.s32 @p0 $0x1  }
0x13: {  	[smem:$0x3FB4] =	sst s0;
	s0 =	simm.s32 @!p1 $0x0  }
0x14: {  	s2 =	sld [smem:$0x3F98];
	s0 =	simm.s32 @p1 $0x1  }
0x15: {  	[smem:$0x3FB5] =	sst s0;
	s0 =	simm.s32 @!p2 $0x0  }
0x16: {  	s3 =	sld [smem:$0x3FDB];
	s0 =	simm.s32 @p2 $0x1  }
0x17: {  	s4 =	simm.s32 $0x1BF5;
	[smem:$0x3FB7] =	sst s0  }
0x18: {  	s0 =	sld [smem:$0x3F9A];
	_ =	swait.ge [sflag:s4], $0x0  }
0x19: {  	s7 =	sld [smem:$0x3F9B]  }
0x1a: {  	s8 =	sadd.s32 $0xFFFFE003, lr  }
0x1b: {  	s9 =	sadd.s32 $0xFFFFFEF7, lr;
	s5 =	simm.s32 $0xFFFFFFFF;
	p2 =	slt.u32 s8, $0xFFFFF086  }
0x1c: {  	p1 =	slt.u32 s9, $0xF7A;
	s5 =	simm.s32 @!p2 $0x0  }
0x1d: {  	s5 =	simm.s32 @p1 $0x1;
	p0 =	seq.s32 s7, s2  }
0x1e: {  	s7 =	smul.u32 @!p0 $0xF7A, s2;
	p2 =	seq.s32 @!p0 s5, $0x0  }
0x1f: {  	s9 =	smul.u32 $0xF7A, s1;
	s8 =	simm.s32 @!p0 $0x1BF5;
	p2 =	por !p2, p0  }
0x20: {  	[sflag:s8] =	ssyncset.s32 @!p0 $0xFFFFF086;
	s6 =	sadd.s32 @!p0 s3, s7;
	s7 =	simm.s32 @!p0 $0x108  }
0x21: {  	s3 =	sadd.s32 s3, s9;
	s6 =	sadd.s32 @!p0 $0x88, s6;
	s7 =	simm.s32 @p2 $0x1082  }
0x22: {  	[simem:s7], [sflag:s8] =	dma.local @!p0 [hbm:s6], $0xF7A  }
0x23: {  	s9 =	sor.u32 $0xD0000000, s2;
	s6 =	simm.s32 $0x108;
	_ =	swait.ge @!p0 [sflag:s8], $0x0  }
0x24: {  	s3 =	sadd.s32 $0x88, s3;
	s6 =	simm.s32 @!p1 $0x1082;
	[sflag:s4] =	ssyncset.s32 $0xFFFFF086  }
0x25: {  	[simem:s6], [sflag:s4] =	dma.local [hbm:s3], $0xF7A  }
0x26: {  	[smem:$0x3F9B] =	sst s1;
	(tag) =	ssettag s2;
	_ =	strace s9  }
0x27: {  	s1 =	sld [smem:$0x3FAB]  }
0x28: {  	s2 =	sld [smem:$0x3FAC]  }
0x29: {  	s4 =	sld [smem:$0x3FAE]  }
0x2a: {  	p0 =	seq.s32 s5, $0x0;
	s5 =	sld [smem:$0x3FAF]  }
0x2b: {  	s6 =	sld [smem:$0x3FB0]  }
0x2c: {  	s7 =	sld [smem:$0x3FB1]  }
0x2d: {  	s3 =	simm.s32 $0x108;
	s8 =	sld [smem:$0x3FB2]  }
0x2e: {  	s3 =	simm.s32 @!p0 $0x1082;
	s9 =	sld [smem:$0x3FB3]  }
0x2f: {  	lr =	sadd.s32 s0, s3;
	s0 =	sld [smem:$0x3FAA]  }
0x30: {  	s3 =	sld [smem:$0x3FAD]  }
0x31: {  	[smem:$0x3FB6] =	sst s10  }
0x32: {  	s10 =	sld [smem:$0x3FB4];
	_ =	sdelay $0x3  }
0x33: {  	p0 =	seq.s32 s10, $0x1;
	s10 =	sld [smem:$0x3FB6];
	_ =	sdelay $0x3  }
0x34: {  	[smem:$0x3FB6] =	sst s10  }
0x35: {  	s10 =	sld [smem:$0x3FB5];
	_ =	sdelay $0x3  }
0x36: {  	p1 =	seq.s32 s10, $0x1;
	s10 =	sld [smem:$0x3FB6];
	_ =	sdelay $0x3  }
0x37: {  	[smem:$0x3FB6] =	sst s10  }
0x38: {  	s10 =	sld [smem:$0x3FB7]  }
0x39: {  	_ = 	snop;
	(pc) =	sbr.ind lr, $3  }
0x3a: {  	_ = 	snop  }
0x3b: {  	_ = 	snop  }
0x3c: {  	p2 =	seq.s32 s10, $0x1;
	s10 =	sld [smem:$0x3FB6]  }
0x3d: {  	_ =	shalt  }
0x3e: {  	_ =	shalt  }
0x3f: {  	_ =	shalt  }
0x40: {  	_ =	shalt  }
0x41: {  	_ =	shalt  }
0x42: {  	_ =	shalt  }
0x43: {  	_ =	shalt  }
0x44: {  	_ =	shalt  }
0x45: {  	_ =	shalt  }
0x46: {  	_ =	shalt  }
0x47: {  	_ =	shalt  }
0x48: {  	_ =	shalt  }
0x49: {  	_ =	shalt  }
0x4a: {  	_ =	shalt  }
0x4b: {  	_ =	shalt  }
0x4c: {  	_ =	shalt  }
0x4d: {  	_ =	shalt  }
0x4e: {  	_ =	shalt  }
0x4f: {  	_ =	shalt  }
0x50: {  	_ =	shalt  }
0x51: {  	_ =	shalt  }
0x52: {  	_ =	shalt  }
0x53: {  	_ =	shalt  }
0x54: {  	_ =	shalt  }
0x55: {  	_ =	shalt  }
0x56: {  	_ =	shalt  }
0x57: {  	_ =	shalt  }
0x58: {  	_ =	shalt  }
0x59: {  	_ =	shalt  }
0x5a: {  	_ =	shalt  }
0x5b: {  	_ =	shalt  }
0x5c: {  	_ =	shalt  }
0x5d: {  	_ =	shalt  }
0x5e: {  	_ =	shalt  }
0x5f: {  	_ =	shalt  }
0x60: {  	_ =	shalt  }
0x61: {  	_ =	shalt  }
0x62: {  	_ =	shalt  }
0x63: {  	_ =	shalt  }
0x64: {  	_ =	shalt  }
0x65: {  	_ =	shalt  }
0x66: {  	_ =	shalt  }
0x67: {  	_ =	shalt  }
0x68: {  	_ =	shalt  }
0x69: {  	_ =	shalt  }
0x6a: {  	_ =	shalt  }
0x6b: {  	_ =	shalt  }
0x6c: {  	_ =	shalt  }
0x6d: {  	_ =	shalt  }
0x6e: {  	_ =	shalt  }
0x6f: {  	_ =	shalt  }
0x70: {  	_ =	shalt  }
0x71: {  	_ =	shalt  }
0x72: {  	_ =	shalt  }
0x73: {  	_ =	shalt  }
0x74: {  	_ =	shalt  }
0x75: {  	_ =	shalt  }
0x76: {  	_ =	shalt  }
0x77: {  	_ =	shalt  }
0x78: {  	_ =	shalt  }
0x79: {  	_ =	shalt  }
0x7a: {  	_ =	shalt  }
0x7b: {  	_ =	shalt  }
0x7c: {  	_ =	shalt  }
0x7d: {  	_ =	shalt  }
0x7e: {  	_ =	shalt  }
0x7f: {  	_ =	shalt  }
0x80: {  	_ =	shalt  }
0x81: {  	_ =	shalt  }
0x82: {  	_ =	shalt  }
0x83: {  	_ =	shalt  }
0x84: {  	_ =	shalt  }
0x85: {  	_ =	shalt  }
0x86: {  	_ =	shalt  }
0x87: {  	_ =	shalt  }
.Lfunc_end0:
.L_simem_size_0:
called_computation.1_lowered:
.L_overlay_start_0:
0x88: {  	s2 =	sld [smem:$0x3FD9]  }
0x89: {  	s3 =	sld [smem:$0x3FFE];
	_ =	sdelay $0x1  }
0x8a: {  	s1 =	srdreg.scid  }
0x8b: {  	s0 =	sand.u32 $0x1, s1  }
0x8c: {  	s17 =	sshll.u32 s0, $0xA;
	s2 =	sadd.s32 s3, s2  }
0x8d: {  	s2 =	sadd.s32 s2, s17  }
0x8e: {  	[smem:$0x3FC2] =	sst s2  }
0x8f: {  	_ = 	snop  }
0x90: {  	s2 =	sld [smem:$0x3FD0];
	(tm) =	ssettm $0x1  }
0x91: {  	s18 =	sld [smem:$0x3FFB];
	_ =	sdelay $0x3  }
0x92: {  	_ =	strace s18  }
0x93: {  	s3 =	sld [smem:$0x3FFC];
	_ =	sdelay $0x3  }
0x94: {  	_ =	strace s3  }
0x95: {  	s3 =	sld [smem:$0x3FFD];
	_ =	sdelay $0x3  }
0x96: {  	_ =	strace s3  }
0x97: {  	_ =	strace $0x8FFFFFFF  }
0x98: {  	s19 =	sld [smem:$0x3FDB];
	_ =	sdelay $0x1  }
0x99: {  	s4 =	simm.s32 $_scs_section_size  }
0x9a: {  	s5 =	simm.s32 $_size__tile_overlayer_lowered;
	s6 =	simm.s32 $_tile_overlayer_lowered  }
0x9b: {  	s22 =	simm.s32 $0x1BFF;
	s21 =	sshll.u32 s6, $0x1;
	s3 =	sadd.s32 s4, s19  }
0x9c: {  	s7 =	simm.s32 $0x0;
	s20 =	sshll.u32 s5, $0x1;
	s5 =	sadd.s32 s21, s3  }
0x9d: {  	[timem:s7], [sflag:s22] =	dma.local [hbm:s5], s20  }
0x9e: {  	_ =	swait.ge [sflag:s22], s20  }
0x9f: {  	s4 =	ssub.s32 $0x0, s20;
	[sflag:s22] =	ssyncset.done $0x0  }
0xa0: {  	[sflag:s22] =	ssyncadd.s32 s4;
	_ =	sdelay $0x1  }
0xa1: {  	s23 =	simm.s32 $0x1B8B  }
0xa2: {  	_ =	swait.ge [sflag:s23], $0x1  }
0xa3: {  	[sflag:s23] =	ssyncset.done $0x0  }
0xa4: {  	s25 =	simm.s32 $0x1B8E;
	s24 =	sld [smem:$0x3FFE];
	[sflag:s23] =	ssyncadd.s32 $0xFFFFFFFF  }
0xa5: {  	s26 =	simm.s32 $execute0_lowered;
	[smem:$0x3FD2] =	sst s25  }
0xa6: {  	s5 =	sshll.u32 s26, $0x1;
	_ =	strace $0x80000049;
	[dreg:$0x1] =	wrdreg $0xFFFFFFFF  }
0xa7: {  	s28 =	simm.s32 $_size_execute0_lowered;
	s3 =	sadd.s32 s3, s5;
	[dreg:$0x0] =	wrdreg $0x0  }
0xa8: {  	s5 =	sshll.u32 s28, $0x1;
	[dreg:$0x2] =	wrdreg s3  }
0xa9: {  	[dreg:$0x3] =	wrdreg s5  }
0xaa: {  	[dreg:$0x4] =	wrdreg $0xC0  }
0xab: {  	_ =	task [dreg:s7], $0x5FFFF  }
0xac: {  	[dreg:$0x1] =	wrdreg $0xFFFFFFFF  }
0xad: {  	[dreg:$0x0] =	wrdreg $0x60  }
0xae: {  	[dreg:$0x2] =	wrdreg s2  }
0xaf: {  	[dreg:$0x3] =	wrdreg s24  }
0xb0: {  	[dreg:$0x4] =	wrdreg $0xAAA00  }
0xb1: {  	[dreg:$0x5] =	wrdreg $0x9  }
0xb2: {  	_ =	task.clear_ibuf [dreg:s7], $0x6FFFF;
	_ =	strace $0x90000049  }
0xb3: {  	s29 =	simm.s32 $0x9;
	_ =	strace $0x8000004B  }
0xb4: {  	_ =	swait.ge [sflag:s29], $0x1  }
0xb5: {  	[sflag:s29] =	ssyncadd.s32 $0xFFFFFFFF  }
0xb6: {  	_ =	strace $0x9000004B  }
0xb7: {  	_ =	sfence  }
0xb8: {  	s30 =	sld [smem:$0x0];
	_ =	sdelay $0x2  }
0xb9: {  	s31 =	sshll.u32 s1, $0xD;
	s1 =	sshrl.u32 s1, $0x2  }
0xba: {  	s3 =	sand.u32 $0x4000, s31;
	s1 =	sadd.s32 s1, s30  }
0xbb: {  	s0 =	sor.u32 s3, s0;
	s1 =	sshll.u32 s1, $0x11  }
0xbc: {  	s0 =	sor.u32 s1, s0  }
0xbd: {  	s0 =	sadd.s32 $0x8F2B, s0  }
0xbe: {  	[sflag:s0] =	ssyncadd.remote.s32 $0x1  }
0xbf: {  	_ =	sfence.sel $0xFFFF  }
0xc0: {  	[dreg:$0x0] =	wrdreg $0xFFFFFFFF;
	(pc) =	sbr.abs _section_cstart, $3  }
0xc1: {  	[dreg:$0x1] =	wrdreg $0xFFFFFFFF  }
0xc2: {  	_ =	task.clear_ibuf [dreg:s7], $0x2FFFF;
	_ =	strace $0x9FFFFFFF  }
0xc3: {  	(tm) =	ssettm $0x7FFFFFFF  }
tec
execute0_lowered:
.L_overlay_start_1:
0x0: {  	(tag) =	ssettag $0x1  }
0x1: {  	s0 =	srdreg.scid;
	s3 =	stileid.u32  }
0x2: {  	s2 =	rddreg [dreg:$0x1];
	s1 =	simm.s32 $0x0;
	s7 =	sand.u32 $0x1, s0  }
0x3: {  	s21 =	sshll.u32 s3, $0x1;
	s3 =	smul.u32 $0x13880, s3;
	[smem:$0x7FF] =	sst s1  }
0x4: {  	s0 =	sor.u32 s7, s21;
	s4 =	ssub.s32 $0x2, s7;
	s15 =	smul.u32 $0x138800, s7  }
0x5: {  	s12 =	sadd.s32 $0x3C400, s2;
	s0 =	smul.u32 $0x4E2, s0;
	s5 =	sshrl.u32 s4, $0x1  }
0x6: {  	s6 =	sadd.s32 $0x2580, s3;
	s7 =	sadd.s32 $0x3200, s3;
	s8 =	sadd.s32 $0x3E80, s3  }
0x7: {  	s9 =	sadd.s32 $0x4B00, s3;
	s10 =	sadd.s32 $0x5780, s3;
	s11 =	sadd.s32 $0x6400, s3  }
0x8: {  	s13 =	sadd.s32 $0x7080, s3;
	s22 =	ssub.s32 s4, s5;
	s4 =	sadd.s32 $0xC80, s3  }
0x9: {  	s5 =	sadd.s32 $0x1900, s3;
	s14 =	sadd.s32 s3, s15;
	s18 =	sadd.s32 s15, s7  }
0xa: {  	s19 =	sadd.s32 s15, s8;
	s20 =	sadd.s32 s15, s9;
	s21 =	sadd.s32 s15, s10  }
0xb: {  	s0 =	sadd.s32 s0, s2;
	[smem:$0x7FC] =	sst s22;
	s16 =	sshrl.u32 s14, $0x3  }
0xc: {  	s17 =	sadd.s32 s15, s4;
	s14 =	sadd.s32 $0x7D00, s3;
	s26 =	sadd.s32 s15, s5  }
0xd: {  	[smem:$0x7F9] =	sst s0;
	s23 =	sadd.s32 s12, s16;
	s24 =	sshrl.u32 s17, $0x3  }
0xe: {  	s0 =	sadd.s32 s15, s6;
	s16 =	sshrl.u32 s26, $0x3;
	s26 =	sadd.s32 s15, s11  }
0xf: {  	[dreg:$0x4] =	wrdreg s23;
	s25 =	sadd.s32 s12, s24;
	s17 =	sshrl.u32 s0, $0x3  }
0x10: {  	s2 =	sadd.s32 s12, s16;
	s24 =	sshrl.u32 s21, $0x3;
	[dreg:$0x5] =	wrdreg s25  }
0x11: {  	s0 =	sadd.s32 s15, s13;
	[dreg:$0x6] =	wrdreg s2;
	s16 =	sadd.s32 s12, s17  }
0x12: {  	s17 =	sshrl.u32 s18, $0x3;
	s25 =	sadd.s32 s12, s24;
	s2 =	sadd.s32 s15, s14  }
0x13: {  	[dreg:$0x7] =	wrdreg s16;
	s18 =	sadd.s32 s12, s17;
	s16 =	sshrl.u32 s19, $0x3  }
0x14: {  	s17 =	sshrl.u32 s20, $0x3;
	[dreg:$0xb] =	wrdreg s25;
	s21 =	sshrl.u32 s2, $0x3  }
0x15: {  	[dreg:$0x8] =	wrdreg s18;
	s22 =	sadd.s32 s12, s16;
	s23 =	sadd.s32 s12, s17  }
0x16: {  	s16 =	sshrl.u32 s26, $0x3;
	s17 =	sshrl.u32 s0, $0x3;
	[dreg:$0x9] =	wrdreg s22  }
0x17: {  	s18 =	sadd.s32 $0xA280, s3;
	[dreg:$0xa] =	wrdreg s23;
	s19 =	sadd.s32 s12, s16  }
0x18: {  	s20 =	sadd.s32 s12, s17;
	s22 =	sadd.s32 s12, s21;
	[dreg:$0xc] =	wrdreg s19  }
0x19: {  	s16 =	sadd.s32 $0x8980, s3;
	s17 =	sadd.s32 $0x9600, s3;
	[dreg:$0xd] =	wrdreg s20  }
0x1a: {  	s21 =	sadd.s32 s15, s18;
	[dreg:$0xe] =	wrdreg s22;
	s19 =	sadd.s32 s15, s16  }
0x1b: {  	s20 =	sadd.s32 s15, s17;
	s25 =	sshrl.u32 s21, $0x3;
	s21 =	sadd.s32 $0xC800, s3  }
0x1c: {  	s19 =	sshrl.u32 s19, $0x3;
	s20 =	sshrl.u32 s20, $0x3;
	s26 =	sadd.s32 s12, s25  }
0x1d: {  	s23 =	sadd.s32 s12, s19;
	s24 =	sadd.s32 s12, s20;
	s19 =	sadd.s32 $0xAF00, s3  }
0x1e: {  	[dreg:$0x11] =	wrdreg s26;
	s20 =	sadd.s32 $0xBB80, s3;
	s22 =	sadd.s32 s15, s19  }
0x1f: {  	[dreg:$0xf] =	wrdreg s23;
	s23 =	sadd.s32 s15, s20;
	s22 =	sshrl.u32 s22, $0x3  }
0x20: {  	[dreg:$0x10] =	wrdreg s24;
	s23 =	sshrl.u32 s23, $0x3;
	s2 =	sadd.s32 s12, s22  }
0x21: {  	s24 =	sadd.s32 s15, s21;
	s22 =	sadd.s32 s12, s23;
	[dreg:$0x12] =	wrdreg s2  }
0x22: {  	s29 =	sadd.s32 $0x10680, s3;
	s23 =	sshrl.u32 s24, $0x3;
	[dreg:$0x13] =	wrdreg s22  }
0x23: {  	s24 =	sadd.s32 s12, s23;
	s22 =	sadd.s32 $0xD480, s3;
	s23 =	sadd.s32 $0xE100, s3  }
0x24: {  	[dreg:$0x14] =	wrdreg s24;
	s25 =	sadd.s32 s15, s22;
	s26 =	sadd.s32 s15, s23  }
0x25: {  	s24 =	sadd.s32 $0xED80, s3;
	s25 =	sshrl.u32 s25, $0x3;
	s26 =	sshrl.u32 s26, $0x3  }
0x26: {  	s28 =	sadd.s32 s15, s24;
	s25 =	sadd.s32 s12, s25;
	s26 =	sadd.s32 s12, s26  }
0x27: {  	s2 =	sshrl.u32 s28, $0x3;
	[dreg:$0x15] =	wrdreg s25;
	s25 =	sadd.s32 $0xFA00, s3  }
0x28: {  	[dreg:$0x16] =	wrdreg s26;
	s26 =	sadd.s32 s12, s2;
	s0 =	sadd.s32 s15, s25  }
0x29: {  	s28 =	sadd.s32 s15, s29;
	[dreg:$0x17] =	wrdreg s26;
	s26 =	sshrl.u32 s0, $0x3  }
0x2a: {  	s30 =	sadd.s32 $0x11300, s3;
	s28 =	sshrl.u32 s28, $0x3;
	s2 =	sadd.s32 s12, s26  }
0x2b: {  	s31 =	sadd.s32 s15, s30;
	s26 =	sadd.s32 s12, s28;
	[dreg:$0x18] =	wrdreg s2  }
0x2c: {  	s0 =	sshrl.u32 s31, $0x3;
	s31 =	sadd.s32 $0x11F80, s3;
	[dreg:$0x19] =	wrdreg s26  }
0x2d: {  	s28 =	sadd.s32 s15, s31;
	s2 =	sadd.s32 s12, s0;
	s26 =	rddreg [dreg:$0x0]  }
0x2e: {  	s0 =	sshrl.u32 s28, $0x3;
	[dreg:$0x1a] =	wrdreg s2;
	s2 =	sadd.s32 $0x12C00, s3  }
0x2f: {  	s28 =	rddreg [dreg:$0x2];
	s0 =	sadd.s32 s12, s0;
	s15 =	sadd.s32 s15, s2  }
0x30: {  	s3 =	sadd.s32 s3, s28;
	s4 =	sadd.s32 s4, s28;
	s15 =	sshrl.u32 s15, $0x3  }
0x31: {  	s5 =	sadd.s32 s5, s28;
	[dreg:$0x1b] =	wrdreg s0;
	s15 =	sadd.s32 s12, s15  }
0x32: {  	s6 =	sadd.s32 s6, s28;
	s7 =	sadd.s32 s7, s28;
	[dreg:$0x1c] =	wrdreg s15  }
0x33: {  	s12 =	sadd.s32 s8, s28;
	_ =	strace $0x8000004A;
	[dreg:$0x1d] =	wrdreg s3  }
0x34: {  	s8 =	sadd.s32 s13, s28;
	s13 =	sadd.s32 s19, s28;
	[dreg:$0x1e] =	wrdreg s4  }
0x35: {  	s19 =	sadd.s32 s25, s28;
	s15 =	sadd.s32 s9, s28;
	[dreg:$0x1f] =	wrdreg s5  }
0x36: {  	s9 =	sadd.s32 s14, s28;
	s14 =	sadd.s32 s20, s28;
	[smem:$0x7F4] =	sst s7  }
0x37: {  	s20 =	sadd.s32 s29, s28;
	s29 =	simm.s32 $0x3;
	[smem:$0x7F5] =	sst s12  }
0x38: {  	[smem:$0x7F6] =	sst s15;
	s3 =	sadd.s32 s10, s28;
	s4 =	sadd.s32 s11, s28  }
0x39: {  	s10 =	sadd.s32 s16, s28;
	s11 =	sadd.s32 s17, s28;
	s12 =	sadd.s32 s18, s28  }
0x3a: {  	s15 =	sadd.s32 s21, s28;
	s16 =	sadd.s32 s22, s28;
	s17 =	sadd.s32 s23, s28  }
0x3b: {  	s18 =	sadd.s32 s24, s28;
	s21 =	sadd.s32 s30, s28;
	s5 =	sld [smem:$0x7F9]  }
0x3c: {  	s22 =	sadd.s32 s31, s28;
	s23 =	sadd.s32 s2, s28;
	[smem:$0x7F7] =	sst s3  }
0x3d: {  	s30 =	simm.s32 $0x50;
	s31 =	simm.s32 $0x4E20;
	s25 =	sld [smem:$0x7FC]  }
0x3e: {  	s2 =	simm.s32 $0x2;
	[smem:$0x7F8] =	sst s4;
	s7 =	sadd.s32 $0xB400, s5  }
0x3f: {  	s3 =	simm.s32 $0x0;
	s24 =	sadd.s32 $0x1600, s5;
	[smem:$0x7FA] =	sst s7  }
0x40: {  	s0 =	smax.u32 s25, $0x1;
	s25 =	simm.s32 $0x1;
	[smem:$0x7FB] =	sst s24  }
0x41: {  	v0 =	vimm.f32 $0.0e+00;
	[smem:$0x7FD] =	sst s0;
	s24 =	simm.s32 $0x9E20;
	s0 =	simm.s32 $0x7620  }
.LBB2_1:
0x42: {  	s4 =	simm.s32 $0x0;
	s5 =	simm.s32 $0x200  }
.LBB2_2:
0x43: {  	p0 =	sne.s32 s5, $0x3000;
	[tilespmem:s4+$0x9E90] =	vst v0  }
0x44: {  	[tilespmem:s4+$0x9E20] =	vst v0  }
0x45: {  	[tilespmem:s4+$0x9E30] =	vst v0  }
.Ltmp0:
0x46: {  	[tilespmem:s4+$0x9E40] =	vst v0;
	(pc) =	sbr.rel @p0 .LBB2_2-.Ltmp0, $4  }
0x47: {  	[tilespmem:s4+$0x9E50] =	vst v0  }
0x48: {  	[tilespmem:s4+$0x9E60] =	vst v0  }
0x49: {  	[tilespmem:s4+$0x9E70] =	vst v0  }
0x4a: {  	[tilespmem:s4+$0x9E80] =	vst v0;
	s4 =	sshra.s32 s5, $0x2;
	s5 =	sadd.s32 $0x200, s5  }
0x4b: {  	[tilespmem:s4+$0x9E90] =	vst v0  }
0x4c: {  	[tilespmem:s4+$0x9E20] =	vst v0  }
0x4d: {  	[tilespmem:s4+$0x9E30] =	vst v0  }
0x4e: {  	[tilespmem:s4+$0x9E40] =	vst v0  }
0x4f: {  	[tilespmem:s4+$0x9E50] =	vst v0  }
0x50: {  	[tilespmem:s4+$0x9E60] =	vst v0  }
0x51: {  	[tilespmem:s4+$0x9E70] =	vst v0  }
0x52: {  	[tilespmem:s4+$0x9E80] =	vst v0;
	s5 =	rddreg [dreg:$0x1d]  }
0x53: {  	[spmem:s5] =	stream.linear.scatter [tilespmem:s24], [sflag:$0x3], $0xC80, $0x38;
	[tilespmem:$0x1E320] =	vst v63  }
0x54: {  	_ =	swait.ge [sflag:s29], $0xC80  }
0x55: {  	[sflag:s29] =	ssyncset.done $0x0  }
0x56: {  	s7 =	rddreg [dreg:$0x1e];
	[sflag:s29] =	ssyncadd.s32 $0xFFFFF380  }
0x57: {  	[spmem:s7] =	stream.linear.scatter [tilespmem:s24], [sflag:$0x3], $0xC80, $0x38;
	[tilespmem:$0x1E320] =	vst v63  }
0x58: {  	_ =	swait.ge [sflag:s29], $0xC80  }
0x59: {  	[sflag:s29] =	ssyncset.done $0x0  }
0x5a: {  	s5 =	rddreg [dreg:$0x1f];
	[sflag:s29] =	ssyncadd.s32 $0xFFFFF380  }
0x5b: {  	[spmem:s5] =	stream.linear.scatter [tilespmem:s24], [sflag:$0x3], $0xC80, $0x38;
	[tilespmem:$0x1E320] =	vst v63  }
0x5c: {  	_ =	swait.ge [sflag:s29], $0xC80  }
0x5d: {  	[sflag:s29] =	ssyncset.done $0x0  }
0x5e: {  	[sflag:s29] =	ssyncadd.s32 $0xFFFFF380  }
0x5f: {  	[spmem:s6] =	stream.linear.scatter [tilespmem:s24], [sflag:$0x3], $0xC80, $0x38;
	[tilespmem:$0x1E320] =	vst v63  }
0x60: {  	_ =	swait.ge [sflag:s29], $0xC80  }
0x61: {  	s7 =	smov.u32 s6;
	s6 =	sld [smem:$0x7F4]  }
0x62: {  	[sflag:s29] =	ssyncset.done $0x0  }
0x63: {  	[sflag:s29] =	ssyncadd.s32 $0xFFFFF380  }
0x64: {  	[spmem:s6] =	stream.linear.scatter [tilespmem:s24], [sflag:$0x3], $0xC80, $0x38;
	[tilespmem:$0x1E320] =	vst v63  }
0x65: {  	_ =	swait.ge [sflag:s29], $0xC80  }
0x66: {  	s5 =	sld [smem:$0x7F5]  }
0x67: {  	[sflag:s29] =	ssyncset.done $0x0  }
0x68: {  	[sflag:s29] =	ssyncadd.s32 $0xFFFFF380  }
0x69: {  	[spmem:s5] =	stream.linear.scatter [tilespmem:s24], [sflag:$0x3], $0xC80, $0x38;
	[tilespmem:$0x1E320] =	vst v63  }
0x6a: {  	_ =	swait.ge [sflag:s29], $0xC80  }
0x6b: {  	s6 =	sld [smem:$0x7F6]  }
0x6c: {  	[sflag:s29] =	ssyncset.done $0x0  }
0x6d: {  	[sflag:s29] =	ssyncadd.s32 $0xFFFFF380  }
0x6e: {  	[spmem:s6] =	stream.linear.scatter [tilespmem:s24], [sflag:$0x3], $0xC80, $0x38;
	[tilespmem:$0x1E320] =	vst v63  }
0x6f: {  	_ =	swait.ge [sflag:s29], $0xC80  }
0x70: {  	s5 =	sld [smem:$0x7F7]  }
0x71: {  	[sflag:s29] =	ssyncset.done $0x0  }
0x72: {  	[sflag:s29] =	ssyncadd.s32 $0xFFFFF380  }
0x73: {  	[spmem:s5] =	stream.linear.scatter [tilespmem:s24], [sflag:$0x3], $0xC80, $0x38;
	[tilespmem:$0x1E320] =	vst v63  }
0x74: {  	_ =	swait.ge [sflag:s29], $0xC80  }
0x75: {  	s6 =	sld [smem:$0x7F8]  }
0x76: {  	[sflag:s29] =	ssyncset.done $0x0  }
0x77: {  	[sflag:s29] =	ssyncadd.s32 $0xFFFFF380  }
0x78: {  	[spmem:s6] =	stream.linear.scatter [tilespmem:s24], [sflag:$0x3], $0xC80, $0x38;
	[tilespmem:$0x1E320] =	vst v63  }
0x79: {  	_ =	swait.ge [sflag:s29], $0xC80  }
0x7a: {  	[sflag:s29] =	ssyncset.done $0x0  }
0x7b: {  	[sflag:s29] =	ssyncadd.s32 $0xFFFFF380  }
0x7c: {  	[spmem:s8] =	stream.linear.scatter [tilespmem:s24], [sflag:$0x3], $0xC80, $0x38;
	[tilespmem:$0x1E320] =	vst v63  }
0x7d: {  	_ =	swait.ge [sflag:s29], $0xC80  }
0x7e: {  	[sflag:s29] =	ssyncset.done $0x0  }
0x7f: {  	[sflag:s29] =	ssyncadd.s32 $0xFFFFF380  }
0x80: {  	[spmem:s9] =	stream.linear.scatter [tilespmem:s24], [sflag:$0x3], $0xC80, $0x38;
	[tilespmem:$0x1E320] =	vst v63  }
0x81: {  	_ =	swait.ge [sflag:s29], $0xC80  }
0x82: {  	[sflag:s29] =	ssyncset.done $0x0  }
0x83: {  	[sflag:s29] =	ssyncadd.s32 $0xFFFFF380  }
0x84: {  	[spmem:s10] =	stream.linear.scatter [tilespmem:s24], [sflag:$0x3], $0xC80, $0x38;
	[tilespmem:$0x1E320] =	vst v63  }
0x85: {  	_ =	swait.ge [sflag:s29], $0xC80  }
0x86: {  	[sflag:s29] =	ssyncset.done $0x0  }
0x87: {  	[sflag:s29] =	ssyncadd.s32 $0xFFFFF380  }
0x88: {  	[spmem:s11] =	stream.linear.scatter [tilespmem:s24], [sflag:$0x3], $0xC80, $0x38;
	[tilespmem:$0x1E320] =	vst v63  }
0x89: {  	_ =	swait.ge [sflag:s29], $0xC80  }
0x8a: {  	[sflag:s29] =	ssyncset.done $0x0  }
0x8b: {  	[sflag:s29] =	ssyncadd.s32 $0xFFFFF380  }
0x8c: {  	[spmem:s12] =	stream.linear.scatter [tilespmem:s24], [sflag:$0x3], $0xC80, $0x38;
	[tilespmem:$0x1E320] =	vst v63  }
0x8d: {  	_ =	swait.ge [sflag:s29], $0xC80  }
0x8e: {  	[sflag:s29] =	ssyncset.done $0x0  }
0x8f: {  	[sflag:s29] =	ssyncadd.s32 $0xFFFFF380  }
0x90: {  	[spmem:s13] =	stream.linear.scatter [tilespmem:s24], [sflag:$0x3], $0xC80, $0x38;
	[tilespmem:$0x1E320] =	vst v63  }
0x91: {  	_ =	swait.ge [sflag:s29], $0xC80  }
0x92: {  	[sflag:s29] =	ssyncset.done $0x0  }
0x93: {  	[sflag:s29] =	ssyncadd.s32 $0xFFFFF380  }
0x94: {  	[spmem:s14] =	stream.linear.scatter [tilespmem:s24], [sflag:$0x3], $0xC80, $0x38;
	[tilespmem:$0x1E320] =	vst v63  }
0x95: {  	_ =	swait.ge [sflag:s29], $0xC80  }
0x96: {  	[sflag:s29] =	ssyncset.done $0x0  }
0x97: {  	[sflag:s29] =	ssyncadd.s32 $0xFFFFF380  }
0x98: {  	[spmem:s15] =	stream.linear.scatter [tilespmem:s24], [sflag:$0x3], $0xC80, $0x38;
	[tilespmem:$0x1E320] =	vst v63  }
0x99: {  	_ =	swait.ge [sflag:s29], $0xC80  }
0x9a: {  	[sflag:s29] =	ssyncset.done $0x0  }
0x9b: {  	[sflag:s29] =	ssyncadd.s32 $0xFFFFF380  }
0x9c: {  	[spmem:s16] =	stream.linear.scatter [tilespmem:s24], [sflag:$0x3], $0xC80, $0x38;
	[tilespmem:$0x1E320] =	vst v63  }
0x9d: {  	_ =	swait.ge [sflag:s29], $0xC80  }
0x9e: {  	[sflag:s29] =	ssyncset.done $0x0  }
0x9f: {  	[sflag:s29] =	ssyncadd.s32 $0xFFFFF380  }
0xa0: {  	[spmem:s17] =	stream.linear.scatter [tilespmem:s24], [sflag:$0x3], $0xC80, $0x38;
	[tilespmem:$0x1E320] =	vst v63  }
0xa1: {  	_ =	swait.ge [sflag:s29], $0xC80  }
0xa2: {  	[sflag:s29] =	ssyncset.done $0x0  }
0xa3: {  	[sflag:s29] =	ssyncadd.s32 $0xFFFFF380  }
0xa4: {  	[spmem:s18] =	stream.linear.scatter [tilespmem:s24], [sflag:$0x3], $0xC80, $0x38;
	[tilespmem:$0x1E320] =	vst v63  }
0xa5: {  	_ =	swait.ge [sflag:s29], $0xC80  }
0xa6: {  	[sflag:s29] =	ssyncset.done $0x0  }
0xa7: {  	[sflag:s29] =	ssyncadd.s32 $0xFFFFF380  }
0xa8: {  	[spmem:s19] =	stream.linear.scatter [tilespmem:s24], [sflag:$0x3], $0xC80, $0x38;
	[tilespmem:$0x1E320] =	vst v63  }
0xa9: {  	_ =	swait.ge [sflag:s29], $0xC80  }
0xaa: {  	[sflag:s29] =	ssyncset.done $0x0  }
0xab: {  	[sflag:s29] =	ssyncadd.s32 $0xFFFFF380  }
0xac: {  	[spmem:s20] =	stream.linear.scatter [tilespmem:s24], [sflag:$0x3], $0xC80, $0x38;
	[tilespmem:$0x1E320] =	vst v63  }
0xad: {  	_ =	swait.ge [sflag:s29], $0xC80  }
0xae: {  	[sflag:s29] =	ssyncset.done $0x0  }
0xaf: {  	[sflag:s29] =	ssyncadd.s32 $0xFFFFF380  }
0xb0: {  	[spmem:s21] =	stream.linear.scatter [tilespmem:s24], [sflag:$0x3], $0xC80, $0x38;
	[tilespmem:$0x1E320] =	vst v63  }
0xb1: {  	_ =	swait.ge [sflag:s29], $0xC80  }
0xb2: {  	[sflag:s29] =	ssyncset.done $0x0  }
0xb3: {  	[sflag:s29] =	ssyncadd.s32 $0xFFFFF380  }
0xb4: {  	[spmem:s22] =	stream.linear.scatter [tilespmem:s24], [sflag:$0x3], $0xC80, $0x38;
	[tilespmem:$0x1E320] =	vst v63  }
0xb5: {  	_ =	swait.ge [sflag:s29], $0xC80  }
0xb6: {  	[sflag:s29] =	ssyncset.done $0x0  }
0xb7: {  	[sflag:s29] =	ssyncadd.s32 $0xFFFFF380  }
0xb8: {  	[spmem:s23] =	stream.linear.scatter [tilespmem:s24], [sflag:$0x3], $0xC80, $0x38;
	[tilespmem:$0x1E320] =	vst v63  }
0xb9: {  	_ =	swait.ge [sflag:s29], $0xC80  }
0xba: {  	s5 =	sld [smem:$0x7FA]  }
0xbb: {  	[sflag:s29] =	ssyncset.done $0x0  }
0xbc: {  	s4 =	simm.s32 $0x0;
	[sflag:s29] =	ssyncadd.s32 $0xFFFFF380  }
0xbd: {  	[tilespmem:s4], [sflag:$0x3] =	stream.linear.gather [hbm4b:s5+s4], $0x2710, $0x38;
	[tilespmem:$0x1E320] =	vst v63  }
0xbe: {  	_ =	swait.ge [sflag:s29], $0x2710  }
0xbf: {  	s5 =	sld [smem:$0x7FB]  }
0xc0: {  	[sflag:s29] =	ssyncset.done $0x0  }
0xc1: {  	s6 =	simm.s32 $0x2710;
	[sflag:s29] =	ssyncadd.s32 $0xFFFFD8F0  }
0xc2: {  	[tilespmem:s6], [sflag:$0x3] =	stream.linear.gather [hbm4b:s5+s4], $0x2710, $0x38;
	[tilespmem:$0x1E320] =	vst v63  }
0xc3: {  	_ =	swait.ge [sflag:s29], $0x2710  }
0xc4: {  	[sflag:s29] =	ssyncset.done $0x0  }
0xc5: {  	[sflag:s29] =	ssyncadd.s32 $0xFFFFD8F0  }
0xc6: {  	[bflag:$0x0] =	sbarrier.arrive $0xFFFF  }
0xc7: {  	[tilespmem:s31], [sflag:$0x1] =	stream.indirect.gather [hbm4b:s26+s30], $0x80, s4, s30, $0xb8;
	[tilespmem:$0x1E320] =	vst v63  }
0xc8: {  	_ =	swait.ge [sflag:s25], $0x2800  }
0xc9: {  	[sflag:s25] =	ssyncset.done $0x0  }
0xca: {  	s5 =	simm.s32 $0x50;
	[sflag:s25] =	ssyncadd.s32 $0xFFFFD800  }
0xcb: {  	[tilespmem:s0], [sflag:$0x2] =	stream.indirect.gather [hbm4b:s26+s30], $0x80, s5, s30, $0xb8;
	[tilespmem:$0x1E320] =	vst v63  }
0xcc: {  	s6 =	simm.s32 $0x2710  }
0xcd: {  	[spmem:s28] =	stream.indirect.scatter.add.f32 [tilespmem:s31], [sflag:$0x3], $0x80, s6, s30, $0xb8;
	[tilespmem:$0x1E320] =	vst v63  }
0xce: {  	_ =	swait.ge [sflag:s29], $0x2800  }
0xcf: {  	[sflag:s29] =	ssyncset.done $0x0  }
0xd0: {  	[sflag:s29] =	ssyncadd.s32 $0xFFFFD800  }
0xd1: {  	_ =	swait.ge [sflag:s2], $0x2800  }
0xd2: {  	[sflag:s2] =	ssyncset.done $0x0  }
0xd3: {  	s5 =	simm.s32 $0xA0;
	[sflag:s2] =	ssyncadd.s32 $0xFFFFD800  }
0xd4: {  	[tilespmem:s31], [sflag:$0x1] =	stream.indirect.gather [hbm4b:s26+s30], $0x80, s5, s30, $0xb8;
	[tilespmem:$0x1E320] =	vst v63  }
0xd5: {  	s6 =	simm.s32 $0x2760  }
0xd6: {  	[spmem:s28] =	stream.indirect.scatter.add.f32 [tilespmem:s0], [sflag:$0x3], $0x80, s6, s30, $0xb8;
	[tilespmem:$0x1E320] =	vst v63  }
0xd7: {  	_ =	swait.ge [sflag:s29], $0x2800  }
0xd8: {  	s4 =	simm.s32 $0x280;
	[sflag:s29] =	ssyncset.done $0x0  }
.LBB2_4:
0xd9: {  	p0 =	sne.s32 s4, $0x9880  }
0xda: {  	[sflag:s29] =	ssyncadd.s32 $0xFFFFD800;
	s5 =	smov.u32 s4;
	s4 =	sadd.s32 $0x280, s4  }
0xdb: {  	_ = 	snop  }
0xdc: {  	_ =	swait.ge [sflag:s25], $0x2800  }
0xdd: {  	s5 =	sshra.s32 s5, $0x2;
	[sflag:s25] =	ssyncset.done $0x0  }
0xde: {  	s6 =	sadd.s32 $0x50, s5;
	[sflag:s25] =	ssyncadd.s32 $0xFFFFD800  }
0xdf: {  	[tilespmem:s0], [sflag:$0x2] =	stream.indirect.gather [hbm4b:s26+s30], $0x80, s6, s30, $0xb8;
	[tilespmem:$0x1E320] =	vst v63  }
0xe0: {  	s6 =	sadd.s32 $0x2710, s5  }
0xe1: {  	[spmem:s28] =	stream.indirect.scatter.add.f32 [tilespmem:s31], [sflag:$0x3], $0x80, s6, s30, $0xb8;
	[tilespmem:$0x1E320] =	vst v63  }
0xe2: {  	_ =	swait.ge [sflag:s29], $0x2800  }
0xe3: {  	[sflag:s29] =	ssyncset.done $0x0  }
0xe4: {  	[sflag:s29] =	ssyncadd.s32 $0xFFFFD800  }
0xe5: {  	_ =	swait.ge [sflag:s2], $0x2800  }
0xe6: {  	[sflag:s2] =	ssyncset.done $0x0  }
0xe7: {  	s6 =	sadd.s32 $0xA0, s5;
	[sflag:s2] =	ssyncadd.s32 $0xFFFFD800  }
0xe8: {  	[tilespmem:s31], [sflag:$0x1] =	stream.indirect.gather [hbm4b:s26+s30], $0x80, s6, s30, $0xb8;
	[tilespmem:$0x1E320] =	vst v63  }
.Ltmp1:
0xe9: {  	_ = 	snop;
	(pc) =	sbr.rel @p0 .LBB2_4-.Ltmp1, $4  }
0xea: {  	s5 =	sadd.s32 $0x2760, s5  }
0xeb: {  	[spmem:s28] =	stream.indirect.scatter.add.f32 [tilespmem:s0], [sflag:$0x3], $0x80, s5, s30, $0xb8;
	[tilespmem:$0x1E320] =	vst v63  }
0xec: {  	_ =	swait.ge [sflag:s29], $0x2800  }
0xed: {  	[sflag:s29] =	ssyncset.done $0x0  }
0xee: {  	[sflag:s29] =	ssyncadd.s32 $0xFFFFD800  }
0xef: {  	_ =	swait.ge [sflag:s25], $0x2800  }
0xf0: {  	[sflag:s25] =	ssyncset.done $0x0  }
0xf1: {  	s4 =	simm.s32 $0x4DD0;
	[sflag:s25] =	ssyncadd.s32 $0xFFFFD800  }
0xf2: {  	[spmem:s28] =	stream.indirect.scatter.add.f32 [tilespmem:s31], [sflag:$0x3], $0x80, s4, s30, $0xb8;
	[tilespmem:$0x1E320] =	vst v63  }
0xf3: {  	_ =	swait.ge [sflag:s29], $0x2800  }
0xf4: {  	[sflag:s29] =	ssyncset.done $0x0  }
0xf5: {  	[sflag:s29] =	ssyncadd.s32 $0xFFFFD800  }
0xf6: {  	[bflag:$0x0] =	sbarrier.arrive $0xFFFF  }
0xf7: {  	s5 =	rddreg [dreg:$0x1d]  }
0xf8: {  	[tilespmem:s24], [sflag:$0x3] =	stream.linear.gather [spmem:s5], $0xC80, $0x38;
	[tilespmem:$0x1E320] =	vst v63  }
0xf9: {  	_ =	swait.ge [sflag:s29], $0xC80  }
0xfa: {  	[sflag:s29] =	ssyncset.done $0x0  }
0xfb: {  	s6 =	rddreg [dreg:$0x4];
	[sflag:s29] =	ssyncadd.s32 $0xFFFFF380  }
0xfc: {  	[hbm4b:s6+s1] =	stream.linear.scatter [tilespmem:s24], [sflag:$0x3], $0xC80, $0x38;
	[tilespmem:$0x1E320] =	vst v63  }
0xfd: {  	_ =	swait.ge [sflag:s29], $0xC80  }
0xfe: {  	[sflag:s29] =	ssyncset.done $0x0  }
0xff: {  	s5 =	rddreg [dreg:$0x1e];
	[sflag:s29] =	ssyncadd.s32 $0xFFFFF380  }
0x100: {  	[tilespmem:s24], [sflag:$0x3] =	stream.linear.gather [spmem:s5], $0xC80, $0x38;
	[tilespmem:$0x1E320] =	vst v63  }
0x101: {  	_ =	swait.ge [sflag:s29], $0xC80  }
0x102: {  	[sflag:s29] =	ssyncset.done $0x0  }
0x103: {  	s6 =	rddreg [dreg:$0x5];
	[sflag:s29] =	ssyncadd.s32 $0xFFFFF380  }
0x104: {  	[hbm4b:s6+s1] =	stream.linear.scatter [tilespmem:s24], [sflag:$0x3], $0xC80, $0x38;
	[tilespmem:$0x1E320] =	vst v63  }
0x105: {  	_ =	swait.ge [sflag:s29], $0xC80  }
0x106: {  	[sflag:s29] =	ssyncset.done $0x0  }
0x107: {  	s5 =	rddreg [dreg:$0x1f];
	[sflag:s29] =	ssyncadd.s32 $0xFFFFF380  }
0x108: {  	[tilespmem:s24], [sflag:$0x3] =	stream.linear.gather [spmem:s5], $0xC80, $0x38;
	[tilespmem:$0x1E320] =	vst v63  }
0x109: {  	_ =	swait.ge [sflag:s29], $0xC80  }
0x10a: {  	[sflag:s29] =	ssyncset.done $0x0  }
0x10b: {  	s6 =	rddreg [dreg:$0x6];
	[sflag:s29] =	ssyncadd.s32 $0xFFFFF380  }
0x10c: {  	[hbm4b:s6+s1] =	stream.linear.scatter [tilespmem:s24], [sflag:$0x3], $0xC80, $0x38;
	[tilespmem:$0x1E320] =	vst v63  }
0x10d: {  	_ =	swait.ge [sflag:s29], $0xC80  }
0x10e: {  	[sflag:s29] =	ssyncset.done $0x0  }
0x10f: {  	[sflag:s29] =	ssyncadd.s32 $0xFFFFF380  }
0x110: {  	[tilespmem:s24], [sflag:$0x3] =	stream.linear.gather [spmem:s7], $0xC80, $0x38;
	[tilespmem:$0x1E320] =	vst v63  }
0x111: {  	_ =	swait.ge [sflag:s29], $0xC80  }
0x112: {  	[sflag:s29] =	ssyncset.done $0x0  }
0x113: {  	s5 =	rddreg [dreg:$0x7];
	[sflag:s29] =	ssyncadd.s32 $0xFFFFF380  }
0x114: {  	[hbm4b:s5+s1] =	stream.linear.scatter [tilespmem:s24], [sflag:$0x3], $0xC80, $0x38;
	[tilespmem:$0x1E320] =	vst v63  }
0x115: {  	_ =	swait.ge [sflag:s29], $0xC80  }
0x116: {  	s6 =	smov.u32 s7;
	s7 =	sld [smem:$0x7F4]  }
0x117: {  	[sflag:s29] =	ssyncset.done $0x0  }
0x118: {  	[sflag:s29] =	ssyncadd.s32 $0xFFFFF380  }
0x119: {  	[tilespmem:s24], [sflag:$0x3] =	stream.linear.gather [spmem:s7], $0xC80, $0x38;
	[tilespmem:$0x1E320] =	vst v63  }
0x11a: {  	_ =	swait.ge [sflag:s29], $0xC80  }
0x11b: {  	[sflag:s29] =	ssyncset.done $0x0  }
0x11c: {  	s5 =	rddreg [dreg:$0x8];
	[sflag:s29] =	ssyncadd.s32 $0xFFFFF380  }
0x11d: {  	[hbm4b:s5+s1] =	stream.linear.scatter [tilespmem:s24], [sflag:$0x3], $0xC80, $0x38;
	[tilespmem:$0x1E320] =	vst v63  }
0x11e: {  	_ =	swait.ge [sflag:s29], $0xC80  }
0x11f: {  	s7 =	sld [smem:$0x7F5]  }
0x120: {  	[sflag:s29] =	ssyncset.done $0x0  }
0x121: {  	[sflag:s29] =	ssyncadd.s32 $0xFFFFF380  }
0x122: {  	[tilespmem:s24], [sflag:$0x3] =	stream.linear.gather [spmem:s7], $0xC80, $0x38;
	[tilespmem:$0x1E320] =	vst v63  }
0x123: {  	_ =	swait.ge [sflag:s29], $0xC80  }
0x124: {  	[sflag:s29] =	ssyncset.done $0x0  }
0x125: {  	s5 =	rddreg [dreg:$0x9];
	[sflag:s29] =	ssyncadd.s32 $0xFFFFF380  }
0x126: {  	[hbm4b:s5+s1] =	stream.linear.scatter [tilespmem:s24], [sflag:$0x3], $0xC80, $0x38;
	[tilespmem:$0x1E320] =	vst v63  }
0x127: {  	_ =	swait.ge [sflag:s29], $0xC80  }
0x128: {  	s7 =	sld [smem:$0x7F6]  }
0x129: {  	[sflag:s29] =	ssyncset.done $0x0  }
0x12a: {  	[sflag:s29] =	ssyncadd.s32 $0xFFFFF380  }
0x12b: {  	[tilespmem:s24], [sflag:$0x3] =	stream.linear.gather [spmem:s7], $0xC80, $0x38;
	[tilespmem:$0x1E320] =	vst v63  }
0x12c: {  	_ =	swait.ge [sflag:s29], $0xC80  }
0x12d: {  	[sflag:s29] =	ssyncset.done $0x0  }
0x12e: {  	s5 =	rddreg [dreg:$0xa];
	[sflag:s29] =	ssyncadd.s32 $0xFFFFF380  }
0x12f: {  	[hbm4b:s5+s1] =	stream.linear.scatter [tilespmem:s24], [sflag:$0x3], $0xC80, $0x38;
	[tilespmem:$0x1E320] =	vst v63  }
0x130: {  	_ =	swait.ge [sflag:s29], $0xC80  }
0x131: {  	s7 =	sld [smem:$0x7F7]  }
0x132: {  	[sflag:s29] =	ssyncset.done $0x0  }
0x133: {  	[sflag:s29] =	ssyncadd.s32 $0xFFFFF380  }
0x134: {  	[tilespmem:s24], [sflag:$0x3] =	stream.linear.gather [spmem:s7], $0xC80, $0x38;
	[tilespmem:$0x1E320] =	vst v63  }
0x135: {  	_ =	swait.ge [sflag:s29], $0xC80  }
0x136: {  	[sflag:s29] =	ssyncset.done $0x0  }
0x137: {  	s5 =	rddreg [dreg:$0xb];
	[sflag:s29] =	ssyncadd.s32 $0xFFFFF380  }
0x138: {  	[hbm4b:s5+s1] =	stream.linear.scatter [tilespmem:s24], [sflag:$0x3], $0xC80, $0x38;
	[tilespmem:$0x1E320] =	vst v63  }
0x139: {  	_ =	swait.ge [sflag:s29], $0xC80  }
0x13a: {  	s7 =	sld [smem:$0x7F8]  }
0x13b: {  	[sflag:s29] =	ssyncset.done $0x0  }
0x13c: {  	[sflag:s29] =	ssyncadd.s32 $0xFFFFF380  }
0x13d: {  	[tilespmem:s24], [sflag:$0x3] =	stream.linear.gather [spmem:s7], $0xC80, $0x38;
	[tilespmem:$0x1E320] =	vst v63  }
0x13e: {  	_ =	swait.ge [sflag:s29], $0xC80  }
0x13f: {  	[sflag:s29] =	ssyncset.done $0x0  }
0x140: {  	s5 =	rddreg [dreg:$0xc];
	[sflag:s29] =	ssyncadd.s32 $0xFFFFF380  }
0x141: {  	[hbm4b:s5+s1] =	stream.linear.scatter [tilespmem:s24], [sflag:$0x3], $0xC80, $0x38;
	[tilespmem:$0x1E320] =	vst v63  }
0x142: {  	_ =	swait.ge [sflag:s29], $0xC80  }
0x143: {  	[sflag:s29] =	ssyncset.done $0x0  }
0x144: {  	[sflag:s29] =	ssyncadd.s32 $0xFFFFF380  }
0x145: {  	[tilespmem:s24], [sflag:$0x3] =	stream.linear.gather [spmem:s8], $0xC80, $0x38;
	[tilespmem:$0x1E320] =	vst v63  }
0x146: {  	_ =	swait.ge [sflag:s29], $0xC80  }
0x147: {  	[sflag:s29] =	ssyncset.done $0x0  }
0x148: {  	s7 =	rddreg [dreg:$0xd];
	[sflag:s29] =	ssyncadd.s32 $0xFFFFF380  }
0x149: {  	[hbm4b:s7+s1] =	stream.linear.scatter [tilespmem:s24], [sflag:$0x3], $0xC80, $0x38;
	[tilespmem:$0x1E320] =	vst v63  }
0x14a: {  	_ =	swait.ge [sflag:s29], $0xC80  }
0x14b: {  	[sflag:s29] =	ssyncset.done $0x0  }
0x14c: {  	[sflag:s29] =	ssyncadd.s32 $0xFFFFF380  }
0x14d: {  	[tilespmem:s24], [sflag:$0x3] =	stream.linear.gather [spmem:s9], $0xC80, $0x38;
	[tilespmem:$0x1E320] =	vst v63  }
0x14e: {  	_ =	swait.ge [sflag:s29], $0xC80  }
0x14f: {  	[sflag:s29] =	ssyncset.done $0x0  }
0x150: {  	s5 =	rddreg [dreg:$0xe];
	[sflag:s29] =	ssyncadd.s32 $0xFFFFF380  }
0x151: {  	[hbm4b:s5+s1] =	stream.linear.scatter [tilespmem:s24], [sflag:$0x3], $0xC80, $0x38;
	[tilespmem:$0x1E320] =	vst v63  }
0x152: {  	_ =	swait.ge [sflag:s29], $0xC80  }
0x153: {  	[sflag:s29] =	ssyncset.done $0x0  }
0x154: {  	[sflag:s29] =	ssyncadd.s32 $0xFFFFF380  }
0x155: {  	[tilespmem:s24], [sflag:$0x3] =	stream.linear.gather [spmem:s10], $0xC80, $0x38;
	[tilespmem:$0x1E320] =	vst v63  }
0x156: {  	_ =	swait.ge [sflag:s29], $0xC80  }
0x157: {  	[sflag:s29] =	ssyncset.done $0x0  }
0x158: {  	s7 =	rddreg [dreg:$0xf];
	[sflag:s29] =	ssyncadd.s32 $0xFFFFF380  }
0x159: {  	[hbm4b:s7+s1] =	stream.linear.scatter [tilespmem:s24], [sflag:$0x3], $0xC80, $0x38;
	[tilespmem:$0x1E320] =	vst v63  }
0x15a: {  	_ =	swait.ge [sflag:s29], $0xC80  }
0x15b: {  	[sflag:s29] =	ssyncset.done $0x0  }
0x15c: {  	[sflag:s29] =	ssyncadd.s32 $0xFFFFF380  }
0x15d: {  	[tilespmem:s24], [sflag:$0x3] =	stream.linear.gather [spmem:s11], $0xC80, $0x38;
	[tilespmem:$0x1E320] =	vst v63  }
0x15e: {  	_ =	swait.ge [sflag:s29], $0xC80  }
0x15f: {  	[sflag:s29] =	ssyncset.done $0x0  }
0x160: {  	s5 =	rddreg [dreg:$0x10];
	[sflag:s29] =	ssyncadd.s32 $0xFFFFF380  }
0x161: {  	[hbm4b:s5+s1] =	stream.linear.scatter [tilespmem:s24], [sflag:$0x3], $0xC80, $0x38;
	[tilespmem:$0x1E320] =	vst v63  }
0x162: {  	_ =	swait.ge [sflag:s29], $0xC80  }
0x163: {  	[sflag:s29] =	ssyncset.done $0x0  }
0x164: {  	[sflag:s29] =	ssyncadd.s32 $0xFFFFF380  }
0x165: {  	[tilespmem:s24], [sflag:$0x3] =	stream.linear.gather [spmem:s12], $0xC80, $0x38;
	[tilespmem:$0x1E320] =	vst v63  }
0x166: {  	_ =	swait.ge [sflag:s29], $0xC80  }
0x167: {  	[sflag:s29] =	ssyncset.done $0x0  }
0x168: {  	s7 =	rddreg [dreg:$0x11];
	[sflag:s29] =	ssyncadd.s32 $0xFFFFF380  }
0x169: {  	[hbm4b:s7+s1] =	stream.linear.scatter [tilespmem:s24], [sflag:$0x3], $0xC80, $0x38;
	[tilespmem:$0x1E320] =	vst v63  }
0x16a: {  	_ =	swait.ge [sflag:s29], $0xC80  }
0x16b: {  	[sflag:s29] =	ssyncset.done $0x0  }
0x16c: {  	[sflag:s29] =	ssyncadd.s32 $0xFFFFF380  }
0x16d: {  	[tilespmem:s24], [sflag:$0x3] =	stream.linear.gather [spmem:s13], $0xC80, $0x38;
	[tilespmem:$0x1E320] =	vst v63  }
0x16e: {  	_ =	swait.ge [sflag:s29], $0xC80  }
0x16f: {  	[sflag:s29] =	ssyncset.done $0x0  }
0x170: {  	s5 =	rddreg [dreg:$0x12];
	[sflag:s29] =	ssyncadd.s32 $0xFFFFF380  }
0x171: {  	[hbm4b:s5+s1] =	stream.linear.scatter [tilespmem:s24], [sflag:$0x3], $0xC80, $0x38;
	[tilespmem:$0x1E320] =	vst v63  }
0x172: {  	_ =	swait.ge [sflag:s29], $0xC80  }
0x173: {  	[sflag:s29] =	ssyncset.done $0x0  }
0x174: {  	[sflag:s29] =	ssyncadd.s32 $0xFFFFF380  }
0x175: {  	[tilespmem:s24], [sflag:$0x3] =	stream.linear.gather [spmem:s14], $0xC80, $0x38;
	[tilespmem:$0x1E320] =	vst v63  }
0x176: {  	_ =	swait.ge [sflag:s29], $0xC80  }
0x177: {  	[sflag:s29] =	ssyncset.done $0x0  }
0x178: {  	s7 =	rddreg [dreg:$0x13];
	[sflag:s29] =	ssyncadd.s32 $0xFFFFF380  }
0x179: {  	[hbm4b:s7+s1] =	stream.linear.scatter [tilespmem:s24], [sflag:$0x3], $0xC80, $0x38;
	[tilespmem:$0x1E320] =	vst v63  }
0x17a: {  	_ =	swait.ge [sflag:s29], $0xC80  }
0x17b: {  	[sflag:s29] =	ssyncset.done $0x0  }
0x17c: {  	[sflag:s29] =	ssyncadd.s32 $0xFFFFF380  }
0x17d: {  	[tilespmem:s24], [sflag:$0x3] =	stream.linear.gather [spmem:s15], $0xC80, $0x38;
	[tilespmem:$0x1E320] =	vst v63  }
0x17e: {  	_ =	swait.ge [sflag:s29], $0xC80  }
0x17f: {  	[sflag:s29] =	ssyncset.done $0x0  }
0x180: {  	s5 =	rddreg [dreg:$0x14];
	[sflag:s29] =	ssyncadd.s32 $0xFFFFF380  }
0x181: {  	[hbm4b:s5+s1] =	stream.linear.scatter [tilespmem:s24], [sflag:$0x3], $0xC80, $0x38;
	[tilespmem:$0x1E320] =	vst v63  }
0x182: {  	_ =	swait.ge [sflag:s29], $0xC80  }
0x183: {  	[sflag:s29] =	ssyncset.done $0x0  }
0x184: {  	[sflag:s29] =	ssyncadd.s32 $0xFFFFF380  }
0x185: {  	[tilespmem:s24], [sflag:$0x3] =	stream.linear.gather [spmem:s16], $0xC80, $0x38;
	[tilespmem:$0x1E320] =	vst v63  }
0x186: {  	_ =	swait.ge [sflag:s29], $0xC80  }
0x187: {  	[sflag:s29] =	ssyncset.done $0x0  }
0x188: {  	s7 =	rddreg [dreg:$0x15];
	[sflag:s29] =	ssyncadd.s32 $0xFFFFF380  }
0x189: {  	[hbm4b:s7+s1] =	stream.linear.scatter [tilespmem:s24], [sflag:$0x3], $0xC80, $0x38;
	[tilespmem:$0x1E320] =	vst v63  }
0x18a: {  	_ =	swait.ge [sflag:s29], $0xC80  }
0x18b: {  	[sflag:s29] =	ssyncset.done $0x0  }
0x18c: {  	[sflag:s29] =	ssyncadd.s32 $0xFFFFF380  }
0x18d: {  	[tilespmem:s24], [sflag:$0x3] =	stream.linear.gather [spmem:s17], $0xC80, $0x38;
	[tilespmem:$0x1E320] =	vst v63  }
0x18e: {  	_ =	swait.ge [sflag:s29], $0xC80  }
0x18f: {  	[sflag:s29] =	ssyncset.done $0x0  }
0x190: {  	s5 =	rddreg [dreg:$0x16];
	[sflag:s29] =	ssyncadd.s32 $0xFFFFF380  }
0x191: {  	[hbm4b:s5+s1] =	stream.linear.scatter [tilespmem:s24], [sflag:$0x3], $0xC80, $0x38;
	[tilespmem:$0x1E320] =	vst v63  }
0x192: {  	_ =	swait.ge [sflag:s29], $0xC80  }
0x193: {  	[sflag:s29] =	ssyncset.done $0x0  }
0x194: {  	[sflag:s29] =	ssyncadd.s32 $0xFFFFF380  }
0x195: {  	[tilespmem:s24], [sflag:$0x3] =	stream.linear.gather [spmem:s18], $0xC80, $0x38;
	[tilespmem:$0x1E320] =	vst v63  }
0x196: {  	_ =	swait.ge [sflag:s29], $0xC80  }
0x197: {  	[sflag:s29] =	ssyncset.done $0x0  }
0x198: {  	s7 =	rddreg [dreg:$0x17];
	[sflag:s29] =	ssyncadd.s32 $0xFFFFF380  }
0x199: {  	[hbm4b:s7+s1] =	stream.linear.scatter [tilespmem:s24], [sflag:$0x3], $0xC80, $0x38;
	[tilespmem:$0x1E320] =	vst v63  }
0x19a: {  	_ =	swait.ge [sflag:s29], $0xC80  }
0x19b: {  	[sflag:s29] =	ssyncset.done $0x0  }
0x19c: {  	[sflag:s29] =	ssyncadd.s32 $0xFFFFF380  }
0x19d: {  	[tilespmem:s24], [sflag:$0x3] =	stream.linear.gather [spmem:s19], $0xC80, $0x38;
	[tilespmem:$0x1E320] =	vst v63  }
0x19e: {  	_ =	swait.ge [sflag:s29], $0xC80  }
0x19f: {  	[sflag:s29] =	ssyncset.done $0x0  }
0x1a0: {  	s5 =	rddreg [dreg:$0x18];
	[sflag:s29] =	ssyncadd.s32 $0xFFFFF380  }
0x1a1: {  	[hbm4b:s5+s1] =	stream.linear.scatter [tilespmem:s24], [sflag:$0x3], $0xC80, $0x38;
	[tilespmem:$0x1E320] =	vst v63  }
0x1a2: {  	_ =	swait.ge [sflag:s29], $0xC80  }
0x1a3: {  	[sflag:s29] =	ssyncset.done $0x0  }
0x1a4: {  	[sflag:s29] =	ssyncadd.s32 $0xFFFFF380  }
0x1a5: {  	[tilespmem:s24], [sflag:$0x3] =	stream.linear.gather [spmem:s20], $0xC80, $0x38;
	[tilespmem:$0x1E320] =	vst v63  }
0x1a6: {  	_ =	swait.ge [sflag:s29], $0xC80  }
0x1a7: {  	[sflag:s29] =	ssyncset.done $0x0  }
0x1a8: {  	s7 =	rddreg [dreg:$0x19];
	[sflag:s29] =	ssyncadd.s32 $0xFFFFF380  }
0x1a9: {  	[hbm4b:s7+s1] =	stream.linear.scatter [tilespmem:s24], [sflag:$0x3], $0xC80, $0x38;
	[tilespmem:$0x1E320] =	vst v63  }
0x1aa: {  	_ =	swait.ge [sflag:s29], $0xC80  }
0x1ab: {  	[sflag:s29] =	ssyncset.done $0x0  }
0x1ac: {  	[sflag:s29] =	ssyncadd.s32 $0xFFFFF380  }
0x1ad: {  	[tilespmem:s24], [sflag:$0x3] =	stream.linear.gather [spmem:s21], $0xC80, $0x38;
	[tilespmem:$0x1E320] =	vst v63  }
0x1ae: {  	_ =	swait.ge [sflag:s29], $0xC80  }
0x1af: {  	[sflag:s29] =	ssyncset.done $0x0  }
0x1b0: {  	s5 =	rddreg [dreg:$0x1a];
	[sflag:s29] =	ssyncadd.s32 $0xFFFFF380  }
0x1b1: {  	[hbm4b:s5+s1] =	stream.linear.scatter [tilespmem:s24], [sflag:$0x3], $0xC80, $0x38;
	[tilespmem:$0x1E320] =	vst v63  }
0x1b2: {  	_ =	swait.ge [sflag:s29], $0xC80  }
0x1b3: {  	[sflag:s29] =	ssyncset.done $0x0  }
0x1b4: {  	[sflag:s29] =	ssyncadd.s32 $0xFFFFF380  }
0x1b5: {  	[tilespmem:s24], [sflag:$0x3] =	stream.linear.gather [spmem:s22], $0xC80, $0x38;
	[tilespmem:$0x1E320] =	vst v63  }
0x1b6: {  	_ =	swait.ge [sflag:s29], $0xC80  }
0x1b7: {  	[sflag:s29] =	ssyncset.done $0x0  }
0x1b8: {  	s7 =	rddreg [dreg:$0x1b];
	[sflag:s29] =	ssyncadd.s32 $0xFFFFF380  }
0x1b9: {  	[hbm4b:s7+s1] =	stream.linear.scatter [tilespmem:s24], [sflag:$0x3], $0xC80, $0x38;
	[tilespmem:$0x1E320] =	vst v63  }
0x1ba: {  	_ =	swait.ge [sflag:s29], $0xC80  }
0x1bb: {  	[sflag:s29] =	ssyncset.done $0x0  }
0x1bc: {  	[sflag:s29] =	ssyncadd.s32 $0xFFFFF380  }
0x1bd: {  	[tilespmem:s24], [sflag:$0x3] =	stream.linear.gather [spmem:s23], $0xC80, $0x38;
	[tilespmem:$0x1E320] =	vst v63  }
0x1be: {  	_ =	swait.ge [sflag:s29], $0xC80  }
0x1bf: {  	[sflag:s29] =	ssyncset.done $0x0  }
0x1c0: {  	s5 =	rddreg [dreg:$0x1c];
	[sflag:s29] =	ssyncadd.s32 $0xFFFFF380  }
0x1c1: {  	[hbm4b:s5+s1] =	stream.linear.scatter [tilespmem:s24], [sflag:$0x3], $0xC80, $0x38;
	[tilespmem:$0x1E320] =	vst v63  }
0x1c2: {  	_ =	swait.ge [sflag:s29], $0xC80  }
0x1c3: {  	s7 =	sld [smem:$0x7FD];
	_ =	sdelay $0x1  }
0x1c4: {  	s3 =	sadd.s32 $0x1, s3  }
0x1c5: {  	p0 =	sne.s32 s3, s7  }
.Ltmp2:
0x1c6: {  	_ = 	snop;
	(pc) =	sbr.rel @p0 .LBB2_1-.Ltmp2, $3  }
0x1c7: {  	_ =	sdelay $0x1  }
0x1c8: {  	[sflag:s29] =	ssyncset.done $0x0  }
0x1c9: {  	[sflag:s29] =	ssyncadd.s32 $0xFFFFF380  }
0x1ca: {  	_ =	sfence.sel $0x180000  }
0x1cb: {  	[bflag:$0x0] =	sbarrier.arrive $0xFFFF  }
0x1cc: {  	_ =	strace $0x9000004A  }
0x1cd: {  	s0 =	stileid.u32;
	[bflag:$0x2] =	sbarrier.arrive $0xFFFF  }
0x1ce: {  	p0 =	sne.s32 s0, $0x0;
	s0 =	rddreg [dreg:$0x3]  }
0x1cf: {  	s0 =	sadd.s32 @!p0 $0x100000, s0  }
0x1d0: {  	[sflag:s0] =	ssyncadd.tile.s32 @!p0 $0x1;
	_ =	shalt  }
.Lfunc_end2:
_tile_overlayer_lowered:
.L_overlay_start_2:
0x1d1: {  	(tag) =	ssettag $0x2  }
0x1d2: {  	s0 =	rddreg [dreg:$0x0];
	s2 =	stileid.u32  }
0x1d3: {  	s1 =	rddreg [dreg:$0x1];
	p0 =	sne.s32 s2, $0x0  }
0x1d4: {  	s3 =	rddreg [dreg:$0x2];
	[bflag:$0x3] =	sbarrier.arrive $0xFFFF;
	s2 =	simm.s32 @!p0 $0x1C03  }
0x1d5: {  	[timem:s3], [sflag:s2] =	dma.local @!p0 [hbm:s0], s1  }
0x1d6: {  	s0 =	simm.s32 @!p0 $0x3  }
0x1d7: {  	_ =	swait.ge @!p0 [sflag:s0], s1  }
0x1d8: {  	s1 =	ssub.s32 @!p0 $0x0, s1;
	[sflag:s0] =	ssyncset.done @!p0 $0x0  }
0x1d9: {  	[sflag:s0] =	ssyncadd.s32 @!p0 s1  }
0x1da: {  	[bflag:$0x3] =	sbarrier.arrive $0xFFFF  }
0x1db: {  	_ =	shalt  }

// kernel: kernel.7.cloned.1.call-start
scs
__scs_entry_jumppad:
0x0: {  	(pc) =	sbr.rel $0x88, $3  }
0x1: {  	(tag) =	ssettag $0x0;
	lr =	simm.s32 $0x1  }
0x2: {  	[smem:$0x3F9B] =	sst lr;
	_ =	strace $0xD0000000  }
0x3: {  	_ = 	snop  }
0x4: {  	_ = 	snop  }
0x5: {  	_ = 	snop  }
0x6: {  	_ = 	snop  }
0x7: {  	_ = 	snop  }
__scs_overlays_trampoline_lowered:
0x8: {  	[smem:$0x3FAA] =	sst s0  }
0x9: {  	[smem:$0x3FAB] =	sst s1  }
0xa: {  	[smem:$0x3FAC] =	sst s2  }
0xb: {  	[smem:$0x3FAD] =	sst s3  }
0xc: {  	[smem:$0x3FAE] =	sst s4  }
0xd: {  	[smem:$0x3FAF] =	sst s5  }
0xe: {  	[smem:$0x3FB0] =	sst s6  }
0xf: {  	[smem:$0x3FB1] =	sst s7  }
0x10: {  	[smem:$0x3FB2] =	sst s8  }
0x11: {  	[smem:$0x3FB3] =	sst s9;
	s0 =	simm.s32 @!p0 $0x0  }
0x12: {  	s1 =	sld [smem:$0x3F99];
	s0 =	simm.s32 @p0 $0x1  }
0x13: {  	[smem:$0x3FB4] =	sst s0;
	s0 =	simm.s32 @!p1 $0x0  }
0x14: {  	s2 =	sld [smem:$0x3F98];
	s0 =	simm.s32 @p1 $0x1  }
0x15: {  	[smem:$0x3FB5] =	sst s0;
	s0 =	simm.s32 @!p2 $0x0  }
0x16: {  	s3 =	sld [smem:$0x3FDB];
	s0 =	simm.s32 @p2 $0x1  }
0x17: {  	s4 =	simm.s32 $0x1BF5;
	[smem:$0x3FB7] =	sst s0  }
0x18: {  	s0 =	sld [smem:$0x3F9A];
	_ =	swait.ge [sflag:s4], $0x0  }
0x19: {  	s7 =	sld [smem:$0x3F9B]  }
0x1a: {  	s8 =	sadd.s32 $0xFFFFE003, lr  }
0x1b: {  	s9 =	sadd.s32 $0xFFFFFEF7, lr;
	s5 =	simm.s32 $0xFFFFFFFF;
	p2 =	slt.u32 s8, $0xFFFFF086  }
0x1c: {  	p1 =	slt.u32 s9, $0xF7A;
	s5 =	simm.s32 @!p2 $0x0  }
0x1d: {  	s5 =	simm.s32 @p1 $0x1;
	p0 =	seq.s32 s7, s2  }
0x1e: {  	s7 =	smul.u32 @!p0 $0xF7A, s2;
	p2 =	seq.s32 @!p0 s5, $0x0  }
0x1f: {  	s9 =	smul.u32 $0xF7A, s1;
	s8 =	simm.s32 @!p0 $0x1BF5;
	p2 =	por !p2, p0  }
0x20: {  	[sflag:s8] =	ssyncset.s32 @!p0 $0xFFFFF086;
	s6 =	sadd.s32 @!p0 s3, s7;
	s7 =	simm.s32 @!p0 $0x108  }
0x21: {  	s3 =	sadd.s32 s3, s9;
	s6 =	sadd.s32 @!p0 $0x88, s6;
	s7 =	simm.s32 @p2 $0x1082  }
0x22: {  	[simem:s7], [sflag:s8] =	dma.local @!p0 [hbm:s6], $0xF7A  }
0x23: {  	s9 =	sor.u32 $0xD0000000, s2;
	s6 =	simm.s32 $0x108;
	_ =	swait.ge @!p0 [sflag:s8], $0x0  }
0x24: {  	s3 =	sadd.s32 $0x88, s3;
	s6 =	simm.s32 @!p1 $0x1082;
	[sflag:s4] =	ssyncset.s32 $0xFFFFF086  }
0x25: {  	[simem:s6], [sflag:s4] =	dma.local [hbm:s3], $0xF7A  }
0x26: {  	[smem:$0x3F9B] =	sst s1;
	(tag) =	ssettag s2;
	_ =	strace s9  }
0x27: {  	s1 =	sld [smem:$0x3FAB]  }
0x28: {  	s2 =	sld [smem:$0x3FAC]  }
0x29: {  	s4 =	sld [smem:$0x3FAE]  }
0x2a: {  	p0 =	seq.s32 s5, $0x0;
	s5 =	sld [smem:$0x3FAF]  }
0x2b: {  	s6 =	sld [smem:$0x3FB0]  }
0x2c: {  	s7 =	sld [smem:$0x3FB1]  }
0x2d: {  	s3 =	simm.s32 $0x108;
	s8 =	sld [smem:$0x3FB2]  }
0x2e: {  	s3 =	simm.s32 @!p0 $0x1082;
	s9 =	sld [smem:$0x3FB3]  }
0x2f: {  	lr =	sadd.s32 s0, s3;
	s0 =	sld [smem:$0x3FAA]  }
0x30: {  	s3 =	sld [smem:$0x3FAD]  }
0x31: {  	[smem:$0x3FB6] =	sst s10  }
0x32: {  	s10 =	sld [smem:$0x3FB4];
	_ =	sdelay $0x3  }
0x33: {  	p0 =	seq.s32 s10, $0x1;
	s10 =	sld [smem:$0x3FB6];
	_ =	sdelay $0x3  }
0x34: {  	[smem:$0x3FB6] =	sst s10  }
0x35: {  	s10 =	sld [smem:$0x3FB5];
	_ =	sdelay $0x3  }
0x36: {  	p1 =	seq.s32 s10, $0x1;
	s10 =	sld [smem:$0x3FB6];
	_ =	sdelay $0x3  }
0x37: {  	[smem:$0x3FB6] =	sst s10  }
0x38: {  	s10 =	sld [smem:$0x3FB7]  }
0x39: {  	_ = 	snop;
	(pc) =	sbr.ind lr, $3  }
0x3a: {  	_ = 	snop  }
0x3b: {  	_ = 	snop  }
0x3c: {  	p2 =	seq.s32 s10, $0x1;
	s10 =	sld [smem:$0x3FB6]  }
0x3d: {  	_ =	shalt  }
0x3e: {  	_ =	shalt  }
0x3f: {  	_ =	shalt  }
0x40: {  	_ =	shalt  }
0x41: {  	_ =	shalt  }
0x42: {  	_ =	shalt  }
0x43: {  	_ =	shalt  }
0x44: {  	_ =	shalt  }
0x45: {  	_ =	shalt  }
0x46: {  	_ =	shalt  }
0x47: {  	_ =	shalt  }
0x48: {  	_ =	shalt  }
0x49: {  	_ =	shalt  }
0x4a: {  	_ =	shalt  }
0x4b: {  	_ =	shalt  }
0x4c: {  	_ =	shalt  }
0x4d: {  	_ =	shalt  }
0x4e: {  	_ =	shalt  }
0x4f: {  	_ =	shalt  }
0x50: {  	_ =	shalt  }
0x51: {  	_ =	shalt  }
0x52: {  	_ =	shalt  }
0x53: {  	_ =	shalt  }
0x54: {  	_ =	shalt  }
0x55: {  	_ =	shalt  }
0x56: {  	_ =	shalt  }
0x57: {  	_ =	shalt  }
0x58: {  	_ =	shalt  }
0x59: {  	_ =	shalt  }
0x5a: {  	_ =	shalt  }
0x5b: {  	_ =	shalt  }
0x5c: {  	_ =	shalt  }
0x5d: {  	_ =	shalt  }
0x5e: {  	_ =	shalt  }
0x5f: {  	_ =	shalt  }
0x60: {  	_ =	shalt  }
0x61: {  	_ =	shalt  }
0x62: {  	_ =	shalt  }
0x63: {  	_ =	shalt  }
0x64: {  	_ =	shalt  }
0x65: {  	_ =	shalt  }
0x66: {  	_ =	shalt  }
0x67: {  	_ =	shalt  }
0x68: {  	_ =	shalt  }
0x69: {  	_ =	shalt  }
0x6a: {  	_ =	shalt  }
0x6b: {  	_ =	shalt  }
0x6c: {  	_ =	shalt  }
0x6d: {  	_ =	shalt  }
0x6e: {  	_ =	shalt  }
0x6f: {  	_ =	shalt  }
0x70: {  	_ =	shalt  }
0x71: {  	_ =	shalt  }
0x72: {  	_ =	shalt  }
0x73: {  	_ =	shalt  }
0x74: {  	_ =	shalt  }
0x75: {  	_ =	shalt  }
0x76: {  	_ =	shalt  }
0x77: {  	_ =	shalt  }
0x78: {  	_ =	shalt  }
0x79: {  	_ =	shalt  }
0x7a: {  	_ =	shalt  }
0x7b: {  	_ =	shalt  }
0x7c: {  	_ =	shalt  }
0x7d: {  	_ =	shalt  }
0x7e: {  	_ =	shalt  }
0x7f: {  	_ =	shalt  }
0x80: {  	_ =	shalt  }
0x81: {  	_ =	shalt  }
0x82: {  	_ =	shalt  }
0x83: {  	_ =	shalt  }
0x84: {  	_ =	shalt  }
0x85: {  	_ =	shalt  }
0x86: {  	_ =	shalt  }
0x87: {  	_ =	shalt  }
.Lfunc_end0:
.L_simem_size_0:
called_computation_lowered:
.L_overlay_start_0:
0x88: {  	s2 =	sld [smem:$0x3FD9]  }
0x89: {  	s3 =	sld [smem:$0x3FFE];
	_ =	sdelay $0x1  }
0x8a: {  	s1 =	srdreg.scid  }
0x8b: {  	s0 =	sand.u32 $0x1, s1  }
0x8c: {  	s17 =	sshll.u32 s0, $0xA;
	s2 =	sadd.s32 s3, s2  }
0x8d: {  	s2 =	sadd.s32 s2, s17  }
0x8e: {  	[smem:$0x3FC2] =	sst s2  }
0x8f: {  	_ = 	snop  }
0x90: {  	s2 =	sld [smem:$0x3FD0];
	(tm) =	ssettm $0x1  }
0x91: {  	s18 =	sld [smem:$0x3FFB];
	_ =	sdelay $0x3  }
0x92: {  	_ =	strace s18  }
0x93: {  	s3 =	sld [smem:$0x3FFC];
	_ =	sdelay $0x3  }
0x94: {  	_ =	strace s3  }
0x95: {  	s3 =	sld [smem:$0x3FFD];
	_ =	sdelay $0x3  }
0x96: {  	_ =	strace s3  }
0x97: {  	_ =	strace $0x8FFFFFFF  }
0x98: {  	s19 =	sld [smem:$0x3FDB];
	_ =	sdelay $0x1  }
0x99: {  	s4 =	simm.s32 $_scs_section_size  }
0x9a: {  	s5 =	simm.s32 $_size__tile_overlayer_lowered;
	s6 =	simm.s32 $_tile_overlayer_lowered  }
0x9b: {  	s22 =	simm.s32 $0x1BFF;
	s21 =	sshll.u32 s6, $0x1;
	s3 =	sadd.s32 s4, s19  }
0x9c: {  	s7 =	simm.s32 $0x0;
	s20 =	sshll.u32 s5, $0x1;
	s5 =	sadd.s32 s21, s3  }
0x9d: {  	[timem:s7], [sflag:s22] =	dma.local [hbm:s5], s20  }
0x9e: {  	_ =	swait.ge [sflag:s22], s20  }
0x9f: {  	s4 =	ssub.s32 $0x0, s20;
	[sflag:s22] =	ssyncset.done $0x0  }
0xa0: {  	[sflag:s22] =	ssyncadd.s32 s4;
	_ =	sdelay $0x1  }
0xa1: {  	s23 =	simm.s32 $0x1B8B  }
0xa2: {  	_ =	swait.ge [sflag:s23], $0x1  }
0xa3: {  	[sflag:s23] =	ssyncset.done $0x0  }
0xa4: {  	s25 =	simm.s32 $0x1B8E;
	s24 =	sld [smem:$0x3FFE];
	[sflag:s23] =	ssyncadd.s32 $0xFFFFFFFF  }
0xa5: {  	s26 =	simm.s32 $execute0_lowered;
	[smem:$0x3FD2] =	sst s25  }
0xa6: {  	s5 =	sshll.u32 s26, $0x1;
	_ =	strace $0x80000046;
	[dreg:$0x1] =	wrdreg $0xFFFFFFFF  }
0xa7: {  	s28 =	simm.s32 $_size_execute0_lowered;
	s3 =	sadd.s32 s3, s5;
	[dreg:$0x0] =	wrdreg $0x0  }
0xa8: {  	s5 =	sshll.u32 s28, $0x1;
	[dreg:$0x2] =	wrdreg s3  }
0xa9: {  	[dreg:$0x3] =	wrdreg s5  }
0xaa: {  	[dreg:$0x4] =	wrdreg $0xC0  }
0xab: {  	_ =	task [dreg:s7], $0x5FFFF  }
0xac: {  	[dreg:$0x1] =	wrdreg $0xFFFFFFFF  }
0xad: {  	[dreg:$0x0] =	wrdreg $0x60  }
0xae: {  	[dreg:$0x2] =	wrdreg s2  }
0xaf: {  	[dreg:$0x3] =	wrdreg s24  }
0xb0: {  	[dreg:$0x4] =	wrdreg $0xB0680  }
0xb1: {  	[dreg:$0x5] =	wrdreg $0x9  }
0xb2: {  	_ =	task.clear_ibuf [dreg:s7], $0x6FFFF;
	_ =	strace $0x90000046  }
0xb3: {  	s29 =	simm.s32 $0x9;
	_ =	strace $0x80000048  }
0xb4: {  	_ =	swait.ge [sflag:s29], $0x1  }
0xb5: {  	[sflag:s29] =	ssyncadd.s32 $0xFFFFFFFF  }
0xb6: {  	_ =	strace $0x90000048  }
0xb7: {  	_ =	sfence  }
0xb8: {  	s30 =	sld [smem:$0x0];
	_ =	sdelay $0x2  }
0xb9: {  	s31 =	sshll.u32 s1, $0xD;
	s1 =	sshrl.u32 s1, $0x2  }
0xba: {  	s3 =	sand.u32 $0x4000, s31;
	s1 =	sadd.s32 s1, s30  }
0xbb: {  	s0 =	sor.u32 s3, s0;
	s1 =	sshll.u32 s1, $0x11  }
0xbc: {  	s0 =	sor.u32 s1, s0  }
0xbd: {  	s0 =	sadd.s32 $0x8F2B, s0  }
0xbe: {  	[sflag:s0] =	ssyncadd.remote.s32 $0x1  }
0xbf: {  	_ =	sfence.sel $0xFFFF  }
0xc0: {  	[dreg:$0x0] =	wrdreg $0xFFFFFFFF;
	(pc) =	sbr.abs _section_cstart, $3  }
0xc1: {  	[dreg:$0x1] =	wrdreg $0xFFFFFFFF  }
0xc2: {  	_ =	task.clear_ibuf [dreg:s7], $0x2FFFF;
	_ =	strace $0x9FFFFFFF  }
0xc3: {  	(tm) =	ssettm $0x7FFFFFFF  }
tec
execute0_lowered:
.L_overlay_start_1:
0x0: {  	(tag) =	ssettag $0x1  }
0x1: {  	s0 =	srdreg.scid;
	s3 =	stileid.u32  }
0x2: {  	s2 =	rddreg [dreg:$0x1];
	s1 =	simm.s32 $0x0;
	s7 =	sand.u32 $0x1, s0  }
0x3: {  	s21 =	sshll.u32 s3, $0x1;
	s3 =	smul.u32 $0x14C08, s3;
	[smem:$0x7FF] =	sst s1  }
0x4: {  	s0 =	sor.u32 s7, s21;
	s4 =	ssub.s32 $0x2, s7;
	s15 =	smul.u32 $0x14C080, s7  }
0x5: {  	s12 =	sadd.s32 $0x15200, s2;
	s0 =	smul.u32 $0x4E2, s0;
	s5 =	sshrl.u32 s4, $0x1  }
0x6: {  	s6 =	sadd.s32 $0x27D8, s3;
	s7 =	sadd.s32 $0x3520, s3;
	s8 =	sadd.s32 $0x4268, s3  }
0x7: {  	s9 =	sadd.s32 $0x4FB0, s3;
	s10 =	sadd.s32 $0x5CF8, s3;
	s11 =	sadd.s32 $0x6A40, s3  }
0x8: {  	s13 =	sadd.s32 $0x7788, s3;
	s22 =	ssub.s32 s4, s5;
	s4 =	sadd.s32 $0xD48, s3  }
0x9: {  	s5 =	sadd.s32 $0x1A90, s3;
	s14 =	sadd.s32 s3, s15;
	s18 =	sadd.s32 s15, s7  }
0xa: {  	s19 =	sadd.s32 s15, s8;
	s20 =	sadd.s32 s15, s9;
	s21 =	sadd.s32 s15, s10  }
0xb: {  	s0 =	sadd.s32 s0, s2;
	[smem:$0x7FC] =	sst s22;
	s16 =	sshrl.u32 s14, $0x3  }
0xc: {  	s17 =	sadd.s32 s15, s4;
	s14 =	sadd.s32 $0x84D0, s3;
	s26 =	sadd.s32 s15, s5  }
0xd: {  	[smem:$0x7F9] =	sst s0;
	s23 =	sadd.s32 s12, s16;
	s24 =	sshrl.u32 s17, $0x3  }
0xe: {  	s0 =	sadd.s32 s15, s6;
	s16 =	sshrl.u32 s26, $0x3;
	s26 =	sadd.s32 s15, s11  }
0xf: {  	[dreg:$0x4] =	wrdreg s23;
	s25 =	sadd.s32 s12, s24;
	s17 =	sshrl.u32 s0, $0x3  }
0x10: {  	s2 =	sadd.s32 s12, s16;
	s24 =	sshrl.u32 s21, $0x3;
	[dreg:$0x5] =	wrdreg s25  }
0x11: {  	s0 =	sadd.s32 s15, s13;
	[dreg:$0x6] =	wrdreg s2;
	s16 =	sadd.s32 s12, s17  }
0x12: {  	s17 =	sshrl.u32 s18, $0x3;
	s25 =	sadd.s32 s12, s24;
	s2 =	sadd.s32 s15, s14  }
0x13: {  	[dreg:$0x7] =	wrdreg s16;
	s18 =	sadd.s32 s12, s17;
	s16 =	sshrl.u32 s19, $0x3  }
0x14: {  	s17 =	sshrl.u32 s20, $0x3;
	[dreg:$0xb] =	wrdreg s25;
	s21 =	sshrl.u32 s2, $0x3  }
0x15: {  	[dreg:$0x8] =	wrdreg s18;
	s22 =	sadd.s32 s12, s16;
	s23 =	sadd.s32 s12, s17  }
0x16: {  	s16 =	sshrl.u32 s26, $0x3;
	s17 =	sshrl.u32 s0, $0x3;
	[dreg:$0x9] =	wrdreg s22  }
0x17: {  	s18 =	sadd.s32 $0xACA8, s3;
	[dreg:$0xa] =	wrdreg s23;
	s19 =	sadd.s32 s12, s16  }
0x18: {  	s20 =	sadd.s32 s12, s17;
	s22 =	sadd.s32 s12, s21;
	[dreg:$0xc] =	wrdreg s19  }
0x19: {  	s16 =	sadd.s32 $0x9218, s3;
	s17 =	sadd.s32 $0x9F60, s3;
	[dreg:$0xd] =	wrdreg s20  }
0x1a: {  	s21 =	sadd.s32 s15, s18;
	[dreg:$0xe] =	wrdreg s22;
	s19 =	sadd.s32 s15, s16  }
0x1b: {  	s20 =	sadd.s32 s15, s17;
	s25 =	sshrl.u32 s21, $0x3;
	s21 =	sadd.s32 $0xD480, s3  }
0x1c: {  	s19 =	sshrl.u32 s19, $0x3;
	s20 =	sshrl.u32 s20, $0x3;
	s26 =	sadd.s32 s12, s25  }
0x1d: {  	s23 =	sadd.s32 s12, s19;
	s24 =	sadd.s32 s12, s20;
	s19 =	sadd.s32 $0xB9F0, s3  }
0x1e: {  	[dreg:$0x11] =	wrdreg s26;
	s20 =	sadd.s32 $0xC738, s3;
	s22 =	sadd.s32 s15, s19  }
0x1f: {  	[dreg:$0xf] =	wrdreg s23;
	s23 =	sadd.s32 s15, s20;
	s22 =	sshrl.u32 s22, $0x3  }
0x20: {  	[dreg:$0x10] =	wrdreg s24;
	s23 =	sshrl.u32 s23, $0x3;
	s2 =	sadd.s32 s12, s22  }
0x21: {  	s24 =	sadd.s32 s15, s21;
	s22 =	sadd.s32 s12, s23;
	[dreg:$0x12] =	wrdreg s2  }
0x22: {  	s29 =	sadd.s32 $0x116E8, s3;
	s23 =	sshrl.u32 s24, $0x3;
	[dreg:$0x13] =	wrdreg s22  }
0x23: {  	s24 =	sadd.s32 s12, s23;
	s22 =	sadd.s32 $0xE1C8, s3;
	s23 =	sadd.s32 $0xEF10, s3  }
0x24: {  	[dreg:$0x14] =	wrdreg s24;
	s25 =	sadd.s32 s15, s22;
	s26 =	sadd.s32 s15, s23  }
0x25: {  	s24 =	sadd.s32 $0xFC58, s3;
	s25 =	sshrl.u32 s25, $0x3;
	s26 =	sshrl.u32 s26, $0x3  }
0x26: {  	s28 =	sadd.s32 s15, s24;
	s25 =	sadd.s32 s12, s25;
	s26 =	sadd.s32 s12, s26  }
0x27: {  	s2 =	sshrl.u32 s28, $0x3;
	[dreg:$0x15] =	wrdreg s25;
	s25 =	sadd.s32 $0x109A0, s3  }
0x28: {  	[dreg:$0x16] =	wrdreg s26;
	s26 =	sadd.s32 s12, s2;
	s0 =	sadd.s32 s15, s25  }
0x29: {  	s28 =	sadd.s32 s15, s29;
	[dreg:$0x17] =	wrdreg s26;
	s26 =	sshrl.u32 s0, $0x3  }
0x2a: {  	s30 =	sadd.s32 $0x12430, s3;
	s28 =	sshrl.u32 s28, $0x3;
	s2 =	sadd.s32 s12, s26  }
0x2b: {  	s31 =	sadd.s32 s15, s30;
	s26 =	sadd.s32 s12, s28;
	[dreg:$0x18] =	wrdreg s2  }
0x2c: {  	s0 =	sshrl.u32 s31, $0x3;
	s31 =	sadd.s32 $0x13178, s3;
	[dreg:$0x19] =	wrdreg s26  }
0x2d: {  	s28 =	sadd.s32 s15, s31;
	s2 =	sadd.s32 s12, s0;
	s26 =	rddreg [dreg:$0x0]  }
0x2e: {  	s0 =	sshrl.u32 s28, $0x3;
	[dreg:$0x1a] =	wrdreg s2;
	s2 =	sadd.s32 $0x13EC0, s3  }
0x2f: {  	s28 =	rddreg [dreg:$0x2];
	s0 =	sadd.s32 s12, s0;
	s15 =	sadd.s32 s15, s2  }
0x30: {  	s3 =	sadd.s32 s3, s28;
	s4 =	sadd.s32 s4, s28;
	s15 =	sshrl.u32 s15, $0x3  }
0x31: {  	s5 =	sadd.s32 s5, s28;
	[dreg:$0x1b] =	wrdreg s0;
	s15 =	sadd.s32 s12, s15  }
0x32: {  	s6 =	sadd.s32 s6, s28;
	s7 =	sadd.s32 s7, s28;
	[dreg:$0x1c] =	wrdreg s15  }
0x33: {  	s12 =	sadd.s32 s8, s28;
	_ =	strace $0x80000047;
	[dreg:$0x1d] =	wrdreg s3  }
0x34: {  	s8 =	sadd.s32 s13, s28;
	s13 =	sadd.s32 s19, s28;
	[dreg:$0x1e] =	wrdreg s4  }
0x35: {  	s19 =	sadd.s32 s25, s28;
	s15 =	sadd.s32 s9, s28;
	[dreg:$0x1f] =	wrdreg s5  }
0x36: {  	s9 =	sadd.s32 s14, s28;
	s14 =	sadd.s32 s20, s28;
	[smem:$0x7F4] =	sst s7  }
0x37: {  	s20 =	sadd.s32 s29, s28;
	s29 =	simm.s32 $0x3;
	[smem:$0x7F5] =	sst s12  }
0x38: {  	[smem:$0x7F6] =	sst s15;
	s3 =	sadd.s32 s10, s28;
	s4 =	sadd.s32 s11, s28  }
0x39: {  	s10 =	sadd.s32 s16, s28;
	s11 =	sadd.s32 s17, s28;
	s12 =	sadd.s32 s18, s28  }
0x3a: {  	s15 =	sadd.s32 s21, s28;
	s16 =	sadd.s32 s22, s28;
	s17 =	sadd.s32 s23, s28  }
0x3b: {  	s18 =	sadd.s32 s24, s28;
	s21 =	sadd.s32 s30, s28;
	s5 =	sld [smem:$0x7F9]  }
0x3c: {  	s22 =	sadd.s32 s31, s28;
	s23 =	sadd.s32 s2, s28;
	[smem:$0x7F7] =	sst s3  }
0x3d: {  	s30 =	simm.s32 $0x50;
	s31 =	simm.s32 $0x4E20;
	s25 =	sld [smem:$0x7FC]  }
0x3e: {  	s2 =	simm.s32 $0x2;
	[smem:$0x7F8] =	sst s4;
	s7 =	sadd.s32 $0xB400, s5  }
0x3f: {  	s3 =	simm.s32 $0x0;
	s24 =	sadd.s32 $0x1600, s5;
	[smem:$0x7FA] =	sst s7  }
0x40: {  	s0 =	smax.u32 s25, $0x1;
	s25 =	simm.s32 $0x1;
	[smem:$0x7FB] =	sst s24  }
0x41: {  	v0 =	vimm.f32 $0.0e+00;
	[smem:$0x7FD] =	sst s0;
	s24 =	simm.s32 $0xA320;
	s0 =	simm.s32 $0x78A0  }
.LBB2_1:
0x42: {  	s4 =	simm.s32 $0x0;
	s5 =	simm.s32 $0x220  }
.LBB2_2:
0x43: {  	p0 =	sne.s32 s5, $0x3300;
	[tilespmem:s4+$0xA390] =	vst v0  }
0x44: {  	[tilespmem:s4+$0xA320] =	vst v0  }
0x45: {  	[tilespmem:s4+$0xA330] =	vst v0  }
.Ltmp0:
0x46: {  	[tilespmem:s4+$0xA340] =	vst v0;
	(pc) =	sbr.rel @p0 .LBB2_2-.Ltmp0, $4  }
0x47: {  	[tilespmem:s4+$0xA350] =	vst v0  }
0x48: {  	[tilespmem:s4+$0xA360] =	vst v0  }
0x49: {  	[tilespmem:s4+$0xA370] =	vst v0  }
0x4a: {  	[tilespmem:s4+$0xA380] =	vst v0;
	s4 =	sshra.s32 s5, $0x2;
	s5 =	sadd.s32 $0x220, s5  }
0x4b: {  	[tilespmem:s4+$0xA390] =	vst v0  }
0x4c: {  	[tilespmem:s4+$0xA320] =	vst v0  }
0x4d: {  	[tilespmem:s4+$0xA330] =	vst v0  }
0x4e: {  	[tilespmem:s4+$0xA340] =	vst v0  }
0x4f: {  	[tilespmem:s4+$0xA350] =	vst v0  }
0x50: {  	[tilespmem:s4+$0xA360] =	vst v0  }
0x51: {  	[tilespmem:s4+$0xA370] =	vst v0  }
0x52: {  	[tilespmem:s4+$0xA380] =	vst v0;
	s5 =	rddreg [dreg:$0x1d]  }
0x53: {  	[spmem:s5] =	stream.linear.scatter [tilespmem:s24], [sflag:$0x3], $0xD48, $0x38;
	[tilespmem:$0x1FC70] =	vst v63  }
0x54: {  	_ =	swait.ge [sflag:s29], $0xD48  }
0x55: {  	[sflag:s29] =	ssyncset.done $0x0  }
0x56: {  	s7 =	rddreg [dreg:$0x1e];
	[sflag:s29] =	ssyncadd.s32 $0xFFFFF2B8  }
0x57: {  	[spmem:s7] =	stream.linear.scatter [tilespmem:s24], [sflag:$0x3], $0xD48, $0x38;
	[tilespmem:$0x1FC70] =	vst v63  }
0x58: {  	_ =	swait.ge [sflag:s29], $0xD48  }
0x59: {  	[sflag:s29] =	ssyncset.done $0x0  }
0x5a: {  	s5 =	rddreg [dreg:$0x1f];
	[sflag:s29] =	ssyncadd.s32 $0xFFFFF2B8  }
0x5b: {  	[spmem:s5] =	stream.linear.scatter [tilespmem:s24], [sflag:$0x3], $0xD48, $0x38;
	[tilespmem:$0x1FC70] =	vst v63  }
0x5c: {  	_ =	swait.ge [sflag:s29], $0xD48  }
0x5d: {  	[sflag:s29] =	ssyncset.done $0x0  }
0x5e: {  	[sflag:s29] =	ssyncadd.s32 $0xFFFFF2B8  }
0x5f: {  	[spmem:s6] =	stream.linear.scatter [tilespmem:s24], [sflag:$0x3], $0xD48, $0x38;
	[tilespmem:$0x1FC70] =	vst v63  }
0x60: {  	_ =	swait.ge [sflag:s29], $0xD48  }
0x61: {  	s7 =	smov.u32 s6;
	s6 =	sld [smem:$0x7F4]  }
0x62: {  	[sflag:s29] =	ssyncset.done $0x0  }
0x63: {  	[sflag:s29] =	ssyncadd.s32 $0xFFFFF2B8  }
0x64: {  	[spmem:s6] =	stream.linear.scatter [tilespmem:s24], [sflag:$0x3], $0xD48, $0x38;
	[tilespmem:$0x1FC70] =	vst v63  }
0x65: {  	_ =	swait.ge [sflag:s29], $0xD48  }
0x66: {  	s5 =	sld [smem:$0x7F5]  }
0x67: {  	[sflag:s29] =	ssyncset.done $0x0  }
0x68: {  	[sflag:s29] =	ssyncadd.s32 $0xFFFFF2B8  }
0x69: {  	[spmem:s5] =	stream.linear.scatter [tilespmem:s24], [sflag:$0x3], $0xD48, $0x38;
	[tilespmem:$0x1FC70] =	vst v63  }
0x6a: {  	_ =	swait.ge [sflag:s29], $0xD48  }
0x6b: {  	s6 =	sld [smem:$0x7F6]  }
0x6c: {  	[sflag:s29] =	ssyncset.done $0x0  }
0x6d: {  	[sflag:s29] =	ssyncadd.s32 $0xFFFFF2B8  }
0x6e: {  	[spmem:s6] =	stream.linear.scatter [tilespmem:s24], [sflag:$0x3], $0xD48, $0x38;
	[tilespmem:$0x1FC70] =	vst v63  }
0x6f: {  	_ =	swait.ge [sflag:s29], $0xD48  }
0x70: {  	s5 =	sld [smem:$0x7F7]  }
0x71: {  	[sflag:s29] =	ssyncset.done $0x0  }
0x72: {  	[sflag:s29] =	ssyncadd.s32 $0xFFFFF2B8  }
0x73: {  	[spmem:s5] =	stream.linear.scatter [tilespmem:s24], [sflag:$0x3], $0xD48, $0x38;
	[tilespmem:$0x1FC70] =	vst v63  }
0x74: {  	_ =	swait.ge [sflag:s29], $0xD48  }
0x75: {  	s6 =	sld [smem:$0x7F8]  }
0x76: {  	[sflag:s29] =	ssyncset.done $0x0  }
0x77: {  	[sflag:s29] =	ssyncadd.s32 $0xFFFFF2B8  }
0x78: {  	[spmem:s6] =	stream.linear.scatter [tilespmem:s24], [sflag:$0x3], $0xD48, $0x38;
	[tilespmem:$0x1FC70] =	vst v63  }
0x79: {  	_ =	swait.ge [sflag:s29], $0xD48  }
0x7a: {  	[sflag:s29] =	ssyncset.done $0x0  }
0x7b: {  	[sflag:s29] =	ssyncadd.s32 $0xFFFFF2B8  }
0x7c: {  	[spmem:s8] =	stream.linear.scatter [tilespmem:s24], [sflag:$0x3], $0xD48, $0x38;
	[tilespmem:$0x1FC70] =	vst v63  }
0x7d: {  	_ =	swait.ge [sflag:s29], $0xD48  }
0x7e: {  	[sflag:s29] =	ssyncset.done $0x0  }
0x7f: {  	[sflag:s29] =	ssyncadd.s32 $0xFFFFF2B8  }
0x80: {  	[spmem:s9] =	stream.linear.scatter [tilespmem:s24], [sflag:$0x3], $0xD48, $0x38;
	[tilespmem:$0x1FC70] =	vst v63  }
0x81: {  	_ =	swait.ge [sflag:s29], $0xD48  }
0x82: {  	[sflag:s29] =	ssyncset.done $0x0  }
0x83: {  	[sflag:s29] =	ssyncadd.s32 $0xFFFFF2B8  }
0x84: {  	[spmem:s10] =	stream.linear.scatter [tilespmem:s24], [sflag:$0x3], $0xD48, $0x38;
	[tilespmem:$0x1FC70] =	vst v63  }
0x85: {  	_ =	swait.ge [sflag:s29], $0xD48  }
0x86: {  	[sflag:s29] =	ssyncset.done $0x0  }
0x87: {  	[sflag:s29] =	ssyncadd.s32 $0xFFFFF2B8  }
0x88: {  	[spmem:s11] =	stream.linear.scatter [tilespmem:s24], [sflag:$0x3], $0xD48, $0x38;
	[tilespmem:$0x1FC70] =	vst v63  }
0x89: {  	_ =	swait.ge [sflag:s29], $0xD48  }
0x8a: {  	[sflag:s29] =	ssyncset.done $0x0  }
0x8b: {  	[sflag:s29] =	ssyncadd.s32 $0xFFFFF2B8  }
0x8c: {  	[spmem:s12] =	stream.linear.scatter [tilespmem:s24], [sflag:$0x3], $0xD48, $0x38;
	[tilespmem:$0x1FC70] =	vst v63  }
0x8d: {  	_ =	swait.ge [sflag:s29], $0xD48  }
0x8e: {  	[sflag:s29] =	ssyncset.done $0x0  }
0x8f: {  	[sflag:s29] =	ssyncadd.s32 $0xFFFFF2B8  }
0x90: {  	[spmem:s13] =	stream.linear.scatter [tilespmem:s24], [sflag:$0x3], $0xD48, $0x38;
	[tilespmem:$0x1FC70] =	vst v63  }
0x91: {  	_ =	swait.ge [sflag:s29], $0xD48  }
0x92: {  	[sflag:s29] =	ssyncset.done $0x0  }
0x93: {  	[sflag:s29] =	ssyncadd.s32 $0xFFFFF2B8  }
0x94: {  	[spmem:s14] =	stream.linear.scatter [tilespmem:s24], [sflag:$0x3], $0xD48, $0x38;
	[tilespmem:$0x1FC70] =	vst v63  }
0x95: {  	_ =	swait.ge [sflag:s29], $0xD48  }
0x96: {  	[sflag:s29] =	ssyncset.done $0x0  }
0x97: {  	[sflag:s29] =	ssyncadd.s32 $0xFFFFF2B8  }
0x98: {  	[spmem:s15] =	stream.linear.scatter [tilespmem:s24], [sflag:$0x3], $0xD48, $0x38;
	[tilespmem:$0x1FC70] =	vst v63  }
0x99: {  	_ =	swait.ge [sflag:s29], $0xD48  }
0x9a: {  	[sflag:s29] =	ssyncset.done $0x0  }
0x9b: {  	[sflag:s29] =	ssyncadd.s32 $0xFFFFF2B8  }
0x9c: {  	[spmem:s16] =	stream.linear.scatter [tilespmem:s24], [sflag:$0x3], $0xD48, $0x38;
	[tilespmem:$0x1FC70] =	vst v63  }
0x9d: {  	_ =	swait.ge [sflag:s29], $0xD48  }
0x9e: {  	[sflag:s29] =	ssyncset.done $0x0  }
0x9f: {  	[sflag:s29] =	ssyncadd.s32 $0xFFFFF2B8  }
0xa0: {  	[spmem:s17] =	stream.linear.scatter [tilespmem:s24], [sflag:$0x3], $0xD48, $0x38;
	[tilespmem:$0x1FC70] =	vst v63  }
0xa1: {  	_ =	swait.ge [sflag:s29], $0xD48  }
0xa2: {  	[sflag:s29] =	ssyncset.done $0x0  }
0xa3: {  	[sflag:s29] =	ssyncadd.s32 $0xFFFFF2B8  }
0xa4: {  	[spmem:s18] =	stream.linear.scatter [tilespmem:s24], [sflag:$0x3], $0xD48, $0x38;
	[tilespmem:$0x1FC70] =	vst v63  }
0xa5: {  	_ =	swait.ge [sflag:s29], $0xD48  }
0xa6: {  	[sflag:s29] =	ssyncset.done $0x0  }
0xa7: {  	[sflag:s29] =	ssyncadd.s32 $0xFFFFF2B8  }
0xa8: {  	[spmem:s19] =	stream.linear.scatter [tilespmem:s24], [sflag:$0x3], $0xD48, $0x38;
	[tilespmem:$0x1FC70] =	vst v63  }
0xa9: {  	_ =	swait.ge [sflag:s29], $0xD48  }
0xaa: {  	[sflag:s29] =	ssyncset.done $0x0  }
0xab: {  	[sflag:s29] =	ssyncadd.s32 $0xFFFFF2B8  }
0xac: {  	[spmem:s20] =	stream.linear.scatter [tilespmem:s24], [sflag:$0x3], $0xD48, $0x38;
	[tilespmem:$0x1FC70] =	vst v63  }
0xad: {  	_ =	swait.ge [sflag:s29], $0xD48  }
0xae: {  	[sflag:s29] =	ssyncset.done $0x0  }
0xaf: {  	[sflag:s29] =	ssyncadd.s32 $0xFFFFF2B8  }
0xb0: {  	[spmem:s21] =	stream.linear.scatter [tilespmem:s24], [sflag:$0x3], $0xD48, $0x38;
	[tilespmem:$0x1FC70] =	vst v63  }
0xb1: {  	_ =	swait.ge [sflag:s29], $0xD48  }
0xb2: {  	[sflag:s29] =	ssyncset.done $0x0  }
0xb3: {  	[sflag:s29] =	ssyncadd.s32 $0xFFFFF2B8  }
0xb4: {  	[spmem:s22] =	stream.linear.scatter [tilespmem:s24], [sflag:$0x3], $0xD48, $0x38;
	[tilespmem:$0x1FC70] =	vst v63  }
0xb5: {  	_ =	swait.ge [sflag:s29], $0xD48  }
0xb6: {  	[sflag:s29] =	ssyncset.done $0x0  }
0xb7: {  	[sflag:s29] =	ssyncadd.s32 $0xFFFFF2B8  }
0xb8: {  	[spmem:s23] =	stream.linear.scatter [tilespmem:s24], [sflag:$0x3], $0xD48, $0x38;
	[tilespmem:$0x1FC70] =	vst v63  }
0xb9: {  	_ =	swait.ge [sflag:s29], $0xD48  }
0xba: {  	s5 =	sld [smem:$0x7FA]  }
0xbb: {  	[sflag:s29] =	ssyncset.done $0x0  }
0xbc: {  	s4 =	simm.s32 $0x0;
	[sflag:s29] =	ssyncadd.s32 $0xFFFFF2B8  }
0xbd: {  	[tilespmem:s4], [sflag:$0x3] =	stream.linear.gather [hbm4b:s5+s4], $0x2710, $0x38;
	[tilespmem:$0x1FC70] =	vst v63  }
0xbe: {  	_ =	swait.ge [sflag:s29], $0x2710  }
0xbf: {  	s5 =	sld [smem:$0x7FB]  }
0xc0: {  	[sflag:s29] =	ssyncset.done $0x0  }
0xc1: {  	s6 =	simm.s32 $0x2710;
	[sflag:s29] =	ssyncadd.s32 $0xFFFFD8F0  }
0xc2: {  	[tilespmem:s6], [sflag:$0x3] =	stream.linear.gather [hbm4b:s5+s4], $0x2710, $0x38;
	[tilespmem:$0x1FC70] =	vst v63  }
0xc3: {  	_ =	swait.ge [sflag:s29], $0x2710  }
0xc4: {  	[sflag:s29] =	ssyncset.done $0x0  }
0xc5: {  	[sflag:s29] =	ssyncadd.s32 $0xFFFFD8F0  }
0xc6: {  	[bflag:$0x0] =	sbarrier.arrive $0xFFFF  }
0xc7: {  	[tilespmem:s31], [sflag:$0x1] =	stream.indirect.gather [hbm4b:s26+s30], $0x88, s4, s30, $0xb8;
	[tilespmem:$0x1FC70] =	vst v63  }
0xc8: {  	_ =	swait.ge [sflag:s25], $0x2A80  }
0xc9: {  	[sflag:s25] =	ssyncset.done $0x0  }
0xca: {  	s5 =	simm.s32 $0x50;
	[sflag:s25] =	ssyncadd.s32 $0xFFFFD580  }
0xcb: {  	[tilespmem:s0], [sflag:$0x2] =	stream.indirect.gather [hbm4b:s26+s30], $0x88, s5, s30, $0xb8;
	[tilespmem:$0x1FC70] =	vst v63  }
0xcc: {  	s6 =	simm.s32 $0x2710  }
0xcd: {  	[spmem:s28] =	stream.indirect.scatter.add.f32 [tilespmem:s31], [sflag:$0x3], $0x88, s6, s30, $0xb8;
	[tilespmem:$0x1FC70] =	vst v63  }
0xce: {  	_ =	swait.ge [sflag:s29], $0x2A80  }
0xcf: {  	[sflag:s29] =	ssyncset.done $0x0  }
0xd0: {  	[sflag:s29] =	ssyncadd.s32 $0xFFFFD580  }
0xd1: {  	_ =	swait.ge [sflag:s2], $0x2A80  }
0xd2: {  	[sflag:s2] =	ssyncset.done $0x0  }
0xd3: {  	s5 =	simm.s32 $0xA0;
	[sflag:s2] =	ssyncadd.s32 $0xFFFFD580  }
0xd4: {  	[tilespmem:s31], [sflag:$0x1] =	stream.indirect.gather [hbm4b:s26+s30], $0x88, s5, s30, $0xb8;
	[tilespmem:$0x1FC70] =	vst v63  }
0xd5: {  	s6 =	simm.s32 $0x2760  }
0xd6: {  	[spmem:s28] =	stream.indirect.scatter.add.f32 [tilespmem:s0], [sflag:$0x3], $0x88, s6, s30, $0xb8;
	[tilespmem:$0x1FC70] =	vst v63  }
0xd7: {  	_ =	swait.ge [sflag:s29], $0x2A80  }
0xd8: {  	s4 =	simm.s32 $0x280;
	[sflag:s29] =	ssyncset.done $0x0  }
.LBB2_4:
0xd9: {  	p0 =	sne.s32 s4, $0x9880  }
0xda: {  	[sflag:s29] =	ssyncadd.s32 $0xFFFFD580;
	s5 =	smov.u32 s4;
	s4 =	sadd.s32 $0x280, s4  }
0xdb: {  	_ = 	snop  }
0xdc: {  	_ =	swait.ge [sflag:s25], $0x2A80  }
0xdd: {  	s5 =	sshra.s32 s5, $0x2;
	[sflag:s25] =	ssyncset.done $0x0  }
0xde: {  	s6 =	sadd.s32 $0x50, s5;
	[sflag:s25] =	ssyncadd.s32 $0xFFFFD580  }
0xdf: {  	[tilespmem:s0], [sflag:$0x2] =	stream.indirect.gather [hbm4b:s26+s30], $0x88, s6, s30, $0xb8;
	[tilespmem:$0x1FC70] =	vst v63  }
0xe0: {  	s6 =	sadd.s32 $0x2710, s5  }
0xe1: {  	[spmem:s28] =	stream.indirect.scatter.add.f32 [tilespmem:s31], [sflag:$0x3], $0x88, s6, s30, $0xb8;
	[tilespmem:$0x1FC70] =	vst v63  }
0xe2: {  	_ =	swait.ge [sflag:s29], $0x2A80  }
0xe3: {  	[sflag:s29] =	ssyncset.done $0x0  }
0xe4: {  	[sflag:s29] =	ssyncadd.s32 $0xFFFFD580  }
0xe5: {  	_ =	swait.ge [sflag:s2], $0x2A80  }
0xe6: {  	[sflag:s2] =	ssyncset.done $0x0  }
0xe7: {  	s6 =	sadd.s32 $0xA0, s5;
	[sflag:s2] =	ssyncadd.s32 $0xFFFFD580  }
0xe8: {  	[tilespmem:s31], [sflag:$0x1] =	stream.indirect.gather [hbm4b:s26+s30], $0x88, s6, s30, $0xb8;
	[tilespmem:$0x1FC70] =	vst v63  }
.Ltmp1:
0xe9: {  	_ = 	snop;
	(pc) =	sbr.rel @p0 .LBB2_4-.Ltmp1, $4  }
0xea: {  	s5 =	sadd.s32 $0x2760, s5  }
0xeb: {  	[spmem:s28] =	stream.indirect.scatter.add.f32 [tilespmem:s0], [sflag:$0x3], $0x88, s5, s30, $0xb8;
	[tilespmem:$0x1FC70] =	vst v63  }
0xec: {  	_ =	swait.ge [sflag:s29], $0x2A80  }
0xed: {  	[sflag:s29] =	ssyncset.done $0x0  }
0xee: {  	[sflag:s29] =	ssyncadd.s32 $0xFFFFD580  }
0xef: {  	_ =	swait.ge [sflag:s25], $0x2A80  }
0xf0: {  	[sflag:s25] =	ssyncset.done $0x0  }
0xf1: {  	s4 =	simm.s32 $0x4DD0;
	[sflag:s25] =	ssyncadd.s32 $0xFFFFD580  }
0xf2: {  	[spmem:s28] =	stream.indirect.scatter.add.f32 [tilespmem:s31], [sflag:$0x3], $0x88, s4, s30, $0xb8;
	[tilespmem:$0x1FC70] =	vst v63  }
0xf3: {  	_ =	swait.ge [sflag:s29], $0x2A80  }
0xf4: {  	[sflag:s29] =	ssyncset.done $0x0  }
0xf5: {  	[sflag:s29] =	ssyncadd.s32 $0xFFFFD580  }
0xf6: {  	[bflag:$0x0] =	sbarrier.arrive $0xFFFF  }
0xf7: {  	s5 =	rddreg [dreg:$0x1d]  }
0xf8: {  	[tilespmem:s24], [sflag:$0x3] =	stream.linear.gather [spmem:s5], $0xD48, $0x38;
	[tilespmem:$0x1FC70] =	vst v63  }
0xf9: {  	_ =	swait.ge [sflag:s29], $0xD48  }
0xfa: {  	[sflag:s29] =	ssyncset.done $0x0  }
0xfb: {  	s6 =	rddreg [dreg:$0x4];
	[sflag:s29] =	ssyncadd.s32 $0xFFFFF2B8  }
0xfc: {  	[hbm4b:s6+s1] =	stream.linear.scatter [tilespmem:s24], [sflag:$0x3], $0xD48, $0x38;
	[tilespmem:$0x1FC70] =	vst v63  }
0xfd: {  	_ =	swait.ge [sflag:s29], $0xD48  }
0xfe: {  	[sflag:s29] =	ssyncset.done $0x0  }
0xff: {  	s5 =	rddreg [dreg:$0x1e];
	[sflag:s29] =	ssyncadd.s32 $0xFFFFF2B8  }
0x100: {  	[tilespmem:s24], [sflag:$0x3] =	stream.linear.gather [spmem:s5], $0xD48, $0x38;
	[tilespmem:$0x1FC70] =	vst v63  }
0x101: {  	_ =	swait.ge [sflag:s29], $0xD48  }
0x102: {  	[sflag:s29] =	ssyncset.done $0x0  }
0x103: {  	s6 =	rddreg [dreg:$0x5];
	[sflag:s29] =	ssyncadd.s32 $0xFFFFF2B8  }
0x104: {  	[hbm4b:s6+s1] =	stream.linear.scatter [tilespmem:s24], [sflag:$0x3], $0xD48, $0x38;
	[tilespmem:$0x1FC70] =	vst v63  }
0x105: {  	_ =	swait.ge [sflag:s29], $0xD48  }
0x106: {  	[sflag:s29] =	ssyncset.done $0x0  }
0x107: {  	s5 =	rddreg [dreg:$0x1f];
	[sflag:s29] =	ssyncadd.s32 $0xFFFFF2B8  }
0x108: {  	[tilespmem:s24], [sflag:$0x3] =	stream.linear.gather [spmem:s5], $0xD48, $0x38;
	[tilespmem:$0x1FC70] =	vst v63  }
0x109: {  	_ =	swait.ge [sflag:s29], $0xD48  }
0x10a: {  	[sflag:s29] =	ssyncset.done $0x0  }
0x10b: {  	s6 =	rddreg [dreg:$0x6];
	[sflag:s29] =	ssyncadd.s32 $0xFFFFF2B8  }
0x10c: {  	[hbm4b:s6+s1] =	stream.linear.scatter [tilespmem:s24], [sflag:$0x3], $0xD48, $0x38;
	[tilespmem:$0x1FC70] =	vst v63  }
0x10d: {  	_ =	swait.ge [sflag:s29], $0xD48  }
0x10e: {  	[sflag:s29] =	ssyncset.done $0x0  }
0x10f: {  	[sflag:s29] =	ssyncadd.s32 $0xFFFFF2B8  }
0x110: {  	[tilespmem:s24], [sflag:$0x3] =	stream.linear.gather [spmem:s7], $0xD48, $0x38;
	[tilespmem:$0x1FC70] =	vst v63  }
0x111: {  	_ =	swait.ge [sflag:s29], $0xD48  }
0x112: {  	[sflag:s29] =	ssyncset.done $0x0  }
0x113: {  	s5 =	rddreg [dreg:$0x7];
	[sflag:s29] =	ssyncadd.s32 $0xFFFFF2B8  }
0x114: {  	[hbm4b:s5+s1] =	stream.linear.scatter [tilespmem:s24], [sflag:$0x3], $0xD48, $0x38;
	[tilespmem:$0x1FC70] =	vst v63  }
0x115: {  	_ =	swait.ge [sflag:s29], $0xD48  }
0x116: {  	s6 =	smov.u32 s7;
	s7 =	sld [smem:$0x7F4]  }
0x117: {  	[sflag:s29] =	ssyncset.done $0x0  }
0x118: {  	[sflag:s29] =	ssyncadd.s32 $0xFFFFF2B8  }
0x119: {  	[tilespmem:s24], [sflag:$0x3] =	stream.linear.gather [spmem:s7], $0xD48, $0x38;
	[tilespmem:$0x1FC70] =	vst v63  }
0x11a: {  	_ =	swait.ge [sflag:s29], $0xD48  }
0x11b: {  	[sflag:s29] =	ssyncset.done $0x0  }
0x11c: {  	s5 =	rddreg [dreg:$0x8];
	[sflag:s29] =	ssyncadd.s32 $0xFFFFF2B8  }
0x11d: {  	[hbm4b:s5+s1] =	stream.linear.scatter [tilespmem:s24], [sflag:$0x3], $0xD48, $0x38;
	[tilespmem:$0x1FC70] =	vst v63  }
0x11e: {  	_ =	swait.ge [sflag:s29], $0xD48  }
0x11f: {  	s7 =	sld [smem:$0x7F5]  }
0x120: {  	[sflag:s29] =	ssyncset.done $0x0  }
0x121: {  	[sflag:s29] =	ssyncadd.s32 $0xFFFFF2B8  }
0x122: {  	[tilespmem:s24], [sflag:$0x3] =	stream.linear.gather [spmem:s7], $0xD48, $0x38;
	[tilespmem:$0x1FC70] =	vst v63  }
0x123: {  	_ =	swait.ge [sflag:s29], $0xD48  }
0x124: {  	[sflag:s29] =	ssyncset.done $0x0  }
0x125: {  	s5 =	rddreg [dreg:$0x9];
	[sflag:s29] =	ssyncadd.s32 $0xFFFFF2B8  }
0x126: {  	[hbm4b:s5+s1] =	stream.linear.scatter [tilespmem:s24], [sflag:$0x3], $0xD48, $0x38;
	[tilespmem:$0x1FC70] =	vst v63  }
0x127: {  	_ =	swait.ge [sflag:s29], $0xD48  }
0x128: {  	s7 =	sld [smem:$0x7F6]  }
0x129: {  	[sflag:s29] =	ssyncset.done $0x0  }
0x12a: {  	[sflag:s29] =	ssyncadd.s32 $0xFFFFF2B8  }
0x12b: {  	[tilespmem:s24], [sflag:$0x3] =	stream.linear.gather [spmem:s7], $0xD48, $0x38;
	[tilespmem:$0x1FC70] =	vst v63  }
0x12c: {  	_ =	swait.ge [sflag:s29], $0xD48  }
0x12d: {  	[sflag:s29] =	ssyncset.done $0x0  }
0x12e: {  	s5 =	rddreg [dreg:$0xa];
	[sflag:s29] =	ssyncadd.s32 $0xFFFFF2B8  }
0x12f: {  	[hbm4b:s5+s1] =	stream.linear.scatter [tilespmem:s24], [sflag:$0x3], $0xD48, $0x38;
	[tilespmem:$0x1FC70] =	vst v63  }
0x130: {  	_ =	swait.ge [sflag:s29], $0xD48  }
0x131: {  	s7 =	sld [smem:$0x7F7]  }
0x132: {  	[sflag:s29] =	ssyncset.done $0x0  }
0x133: {  	[sflag:s29] =	ssyncadd.s32 $0xFFFFF2B8  }
0x134: {  	[tilespmem:s24], [sflag:$0x3] =	stream.linear.gather [spmem:s7], $0xD48, $0x38;
	[tilespmem:$0x1FC70] =	vst v63  }
0x135: {  	_ =	swait.ge [sflag:s29], $0xD48  }
0x136: {  	[sflag:s29] =	ssyncset.done $0x0  }
0x137: {  	s5 =	rddreg [dreg:$0xb];
	[sflag:s29] =	ssyncadd.s32 $0xFFFFF2B8  }
0x138: {  	[hbm4b:s5+s1] =	stream.linear.scatter [tilespmem:s24], [sflag:$0x3], $0xD48, $0x38;
	[tilespmem:$0x1FC70] =	vst v63  }
0x139: {  	_ =	swait.ge [sflag:s29], $0xD48  }
0x13a: {  	s7 =	sld [smem:$0x7F8]  }
0x13b: {  	[sflag:s29] =	ssyncset.done $0x0  }
0x13c: {  	[sflag:s29] =	ssyncadd.s32 $0xFFFFF2B8  }
0x13d: {  	[tilespmem:s24], [sflag:$0x3] =	stream.linear.gather [spmem:s7], $0xD48, $0x38;
	[tilespmem:$0x1FC70] =	vst v63  }
0x13e: {  	_ =	swait.ge [sflag:s29], $0xD48  }
0x13f: {  	[sflag:s29] =	ssyncset.done $0x0  }
0x140: {  	s5 =	rddreg [dreg:$0xc];
	[sflag:s29] =	ssyncadd.s32 $0xFFFFF2B8  }
0x141: {  	[hbm4b:s5+s1] =	stream.linear.scatter [tilespmem:s24], [sflag:$0x3], $0xD48, $0x38;
	[tilespmem:$0x1FC70] =	vst v63  }
0x142: {  	_ =	swait.ge [sflag:s29], $0xD48  }
0x143: {  	[sflag:s29] =	ssyncset.done $0x0  }
0x144: {  	[sflag:s29] =	ssyncadd.s32 $0xFFFFF2B8  }
0x145: {  	[tilespmem:s24], [sflag:$0x3] =	stream.linear.gather [spmem:s8], $0xD48, $0x38;
	[tilespmem:$0x1FC70] =	vst v63  }
0x146: {  	_ =	swait.ge [sflag:s29], $0xD48  }
0x147: {  	[sflag:s29] =	ssyncset.done $0x0  }
0x148: {  	s7 =	rddreg [dreg:$0xd];
	[sflag:s29] =	ssyncadd.s32 $0xFFFFF2B8  }
0x149: {  	[hbm4b:s7+s1] =	stream.linear.scatter [tilespmem:s24], [sflag:$0x3], $0xD48, $0x38;
	[tilespmem:$0x1FC70] =	vst v63  }
0x14a: {  	_ =	swait.ge [sflag:s29], $0xD48  }
0x14b: {  	[sflag:s29] =	ssyncset.done $0x0  }
0x14c: {  	[sflag:s29] =	ssyncadd.s32 $0xFFFFF2B8  }
0x14d: {  	[tilespmem:s24], [sflag:$0x3] =	stream.linear.gather [spmem:s9], $0xD48, $0x38;
	[tilespmem:$0x1FC70] =	vst v63  }
0x14e: {  	_ =	swait.ge [sflag:s29], $0xD48  }
0x14f: {  	[sflag:s29] =	ssyncset.done $0x0  }
0x150: {  	s5 =	rddreg [dreg:$0xe];
	[sflag:s29] =	ssyncadd.s32 $0xFFFFF2B8  }
0x151: {  	[hbm4b:s5+s1] =	stream.linear.scatter [tilespmem:s24], [sflag:$0x3], $0xD48, $0x38;
	[tilespmem:$0x1FC70] =	vst v63  }
0x152: {  	_ =	swait.ge [sflag:s29], $0xD48  }
0x153: {  	[sflag:s29] =	ssyncset.done $0x0  }
0x154: {  	[sflag:s29] =	ssyncadd.s32 $0xFFFFF2B8  }
0x155: {  	[tilespmem:s24], [sflag:$0x3] =	stream.linear.gather [spmem:s10], $0xD48, $0x38;
	[tilespmem:$0x1FC70] =	vst v63  }
0x156: {  	_ =	swait.ge [sflag:s29], $0xD48  }
0x157: {  	[sflag:s29] =	ssyncset.done $0x0  }
0x158: {  	s7 =	rddreg [dreg:$0xf];
	[sflag:s29] =	ssyncadd.s32 $0xFFFFF2B8  }
0x159: {  	[hbm4b:s7+s1] =	stream.linear.scatter [tilespmem:s24], [sflag:$0x3], $0xD48, $0x38;
	[tilespmem:$0x1FC70] =	vst v63  }
0x15a: {  	_ =	swait.ge [sflag:s29], $0xD48  }
0x15b: {  	[sflag:s29] =	ssyncset.done $0x0  }
0x15c: {  	[sflag:s29] =	ssyncadd.s32 $0xFFFFF2B8  }
0x15d: {  	[tilespmem:s24], [sflag:$0x3] =	stream.linear.gather [spmem:s11], $0xD48, $0x38;
	[tilespmem:$0x1FC70] =	vst v63  }
0x15e: {  	_ =	swait.ge [sflag:s29], $0xD48  }
0x15f: {  	[sflag:s29] =	ssyncset.done $0x0  }
0x160: {  	s5 =	rddreg [dreg:$0x10];
	[sflag:s29] =	ssyncadd.s32 $0xFFFFF2B8  }
0x161: {  	[hbm4b:s5+s1] =	stream.linear.scatter [tilespmem:s24], [sflag:$0x3], $0xD48, $0x38;
	[tilespmem:$0x1FC70] =	vst v63  }
0x162: {  	_ =	swait.ge [sflag:s29], $0xD48  }
0x163: {  	[sflag:s29] =	ssyncset.done $0x0  }
0x164: {  	[sflag:s29] =	ssyncadd.s32 $0xFFFFF2B8  }
0x165: {  	[tilespmem:s24], [sflag:$0x3] =	stream.linear.gather [spmem:s12], $0xD48, $0x38;
	[tilespmem:$0x1FC70] =	vst v63  }
0x166: {  	_ =	swait.ge [sflag:s29], $0xD48  }
0x167: {  	[sflag:s29] =	ssyncset.done $0x0  }
0x168: {  	s7 =	rddreg [dreg:$0x11];
	[sflag:s29] =	ssyncadd.s32 $0xFFFFF2B8  }
0x169: {  	[hbm4b:s7+s1] =	stream.linear.scatter [tilespmem:s24], [sflag:$0x3], $0xD48, $0x38;
	[tilespmem:$0x1FC70] =	vst v63  }
0x16a: {  	_ =	swait.ge [sflag:s29], $0xD48  }
0x16b: {  	[sflag:s29] =	ssyncset.done $0x0  }
0x16c: {  	[sflag:s29] =	ssyncadd.s32 $0xFFFFF2B8  }
0x16d: {  	[tilespmem:s24], [sflag:$0x3] =	stream.linear.gather [spmem:s13], $0xD48, $0x38;
	[tilespmem:$0x1FC70] =	vst v63  }
0x16e: {  	_ =	swait.ge [sflag:s29], $0xD48  }
0x16f: {  	[sflag:s29] =	ssyncset.done $0x0  }
0x170: {  	s5 =	rddreg [dreg:$0x12];
	[sflag:s29] =	ssyncadd.s32 $0xFFFFF2B8  }
0x171: {  	[hbm4b:s5+s1] =	stream.linear.scatter [tilespmem:s24], [sflag:$0x3], $0xD48, $0x38;
	[tilespmem:$0x1FC70] =	vst v63  }
0x172: {  	_ =	swait.ge [sflag:s29], $0xD48  }
0x173: {  	[sflag:s29] =	ssyncset.done $0x0  }
0x174: {  	[sflag:s29] =	ssyncadd.s32 $0xFFFFF2B8  }
0x175: {  	[tilespmem:s24], [sflag:$0x3] =	stream.linear.gather [spmem:s14], $0xD48, $0x38;
	[tilespmem:$0x1FC70] =	vst v63  }
0x176: {  	_ =	swait.ge [sflag:s29], $0xD48  }
0x177: {  	[sflag:s29] =	ssyncset.done $0x0  }
0x178: {  	s7 =	rddreg [dreg:$0x13];
	[sflag:s29] =	ssyncadd.s32 $0xFFFFF2B8  }
0x179: {  	[hbm4b:s7+s1] =	stream.linear.scatter [tilespmem:s24], [sflag:$0x3], $0xD48, $0x38;
	[tilespmem:$0x1FC70] =	vst v63  }
0x17a: {  	_ =	swait.ge [sflag:s29], $0xD48  }
0x17b: {  	[sflag:s29] =	ssyncset.done $0x0  }
0x17c: {  	[sflag:s29] =	ssyncadd.s32 $0xFFFFF2B8  }
0x17d: {  	[tilespmem:s24], [sflag:$0x3] =	stream.linear.gather [spmem:s15], $0xD48, $0x38;
	[tilespmem:$0x1FC70] =	vst v63  }
0x17e: {  	_ =	swait.ge [sflag:s29], $0xD48  }
0x17f: {  	[sflag:s29] =	ssyncset.done $0x0  }
0x180: {  	s5 =	rddreg [dreg:$0x14];
	[sflag:s29] =	ssyncadd.s32 $0xFFFFF2B8  }
0x181: {  	[hbm4b:s5+s1] =	stream.linear.scatter [tilespmem:s24], [sflag:$0x3], $0xD48, $0x38;
	[tilespmem:$0x1FC70] =	vst v63  }
0x182: {  	_ =	swait.ge [sflag:s29], $0xD48  }
0x183: {  	[sflag:s29] =	ssyncset.done $0x0  }
0x184: {  	[sflag:s29] =	ssyncadd.s32 $0xFFFFF2B8  }
0x185: {  	[tilespmem:s24], [sflag:$0x3] =	stream.linear.gather [spmem:s16], $0xD48, $0x38;
	[tilespmem:$0x1FC70] =	vst v63  }
0x186: {  	_ =	swait.ge [sflag:s29], $0xD48  }
0x187: {  	[sflag:s29] =	ssyncset.done $0x0  }
0x188: {  	s7 =	rddreg [dreg:$0x15];
	[sflag:s29] =	ssyncadd.s32 $0xFFFFF2B8  }
0x189: {  	[hbm4b:s7+s1] =	stream.linear.scatter [tilespmem:s24], [sflag:$0x3], $0xD48, $0x38;
	[tilespmem:$0x1FC70] =	vst v63  }
0x18a: {  	_ =	swait.ge [sflag:s29], $0xD48  }
0x18b: {  	[sflag:s29] =	ssyncset.done $0x0  }
0x18c: {  	[sflag:s29] =	ssyncadd.s32 $0xFFFFF2B8  }
0x18d: {  	[tilespmem:s24], [sflag:$0x3] =	stream.linear.gather [spmem:s17], $0xD48, $0x38;
	[tilespmem:$0x1FC70] =	vst v63  }
0x18e: {  	_ =	swait.ge [sflag:s29], $0xD48  }
0x18f: {  	[sflag:s29] =	ssyncset.done $0x0  }
0x190: {  	s5 =	rddreg [dreg:$0x16];
	[sflag:s29] =	ssyncadd.s32 $0xFFFFF2B8  }
0x191: {  	[hbm4b:s5+s1] =	stream.linear.scatter [tilespmem:s24], [sflag:$0x3], $0xD48, $0x38;
	[tilespmem:$0x1FC70] =	vst v63  }
0x192: {  	_ =	swait.ge [sflag:s29], $0xD48  }
0x193: {  	[sflag:s29] =	ssyncset.done $0x0  }
0x194: {  	[sflag:s29] =	ssyncadd.s32 $0xFFFFF2B8  }
0x195: {  	[tilespmem:s24], [sflag:$0x3] =	stream.linear.gather [spmem:s18], $0xD48, $0x38;
	[tilespmem:$0x1FC70] =	vst v63  }
0x196: {  	_ =	swait.ge [sflag:s29], $0xD48  }
0x197: {  	[sflag:s29] =	ssyncset.done $0x0  }
0x198: {  	s7 =	rddreg [dreg:$0x17];
	[sflag:s29] =	ssyncadd.s32 $0xFFFFF2B8  }
0x199: {  	[hbm4b:s7+s1] =	stream.linear.scatter [tilespmem:s24], [sflag:$0x3], $0xD48, $0x38;
	[tilespmem:$0x1FC70] =	vst v63  }
0x19a: {  	_ =	swait.ge [sflag:s29], $0xD48  }
0x19b: {  	[sflag:s29] =	ssyncset.done $0x0  }
0x19c: {  	[sflag:s29] =	ssyncadd.s32 $0xFFFFF2B8  }
0x19d: {  	[tilespmem:s24], [sflag:$0x3] =	stream.linear.gather [spmem:s19], $0xD48, $0x38;
	[tilespmem:$0x1FC70] =	vst v63  }
0x19e: {  	_ =	swait.ge [sflag:s29], $0xD48  }
0x19f: {  	[sflag:s29] =	ssyncset.done $0x0  }
0x1a0: {  	s5 =	rddreg [dreg:$0x18];
	[sflag:s29] =	ssyncadd.s32 $0xFFFFF2B8  }
0x1a1: {  	[hbm4b:s5+s1] =	stream.linear.scatter [tilespmem:s24], [sflag:$0x3], $0xD48, $0x38;
	[tilespmem:$0x1FC70] =	vst v63  }
0x1a2: {  	_ =	swait.ge [sflag:s29], $0xD48  }
0x1a3: {  	[sflag:s29] =	ssyncset.done $0x0  }
0x1a4: {  	[sflag:s29] =	ssyncadd.s32 $0xFFFFF2B8  }
0x1a5: {  	[tilespmem:s24], [sflag:$0x3] =	stream.linear.gather [spmem:s20], $0xD48, $0x38;
	[tilespmem:$0x1FC70] =	vst v63  }
0x1a6: {  	_ =	swait.ge [sflag:s29], $0xD48  }
0x1a7: {  	[sflag:s29] =	ssyncset.done $0x0  }
0x1a8: {  	s7 =	rddreg [dreg:$0x19];
	[sflag:s29] =	ssyncadd.s32 $0xFFFFF2B8  }
0x1a9: {  	[hbm4b:s7+s1] =	stream.linear.scatter [tilespmem:s24], [sflag:$0x3], $0xD48, $0x38;
	[tilespmem:$0x1FC70] =	vst v63  }
0x1aa: {  	_ =	swait.ge [sflag:s29], $0xD48  }
0x1ab: {  	[sflag:s29] =	ssyncset.done $0x0  }
0x1ac: {  	[sflag:s29] =	ssyncadd.s32 $0xFFFFF2B8  }
0x1ad: {  	[tilespmem:s24], [sflag:$0x3] =	stream.linear.gather [spmem:s21], $0xD48, $0x38;
	[tilespmem:$0x1FC70] =	vst v63  }
0x1ae: {  	_ =	swait.ge [sflag:s29], $0xD48  }
0x1af: {  	[sflag:s29] =	ssyncset.done $0x0  }
0x1b0: {  	s5 =	rddreg [dreg:$0x1a];
	[sflag:s29] =	ssyncadd.s32 $0xFFFFF2B8  }
0x1b1: {  	[hbm4b:s5+s1] =	stream.linear.scatter [tilespmem:s24], [sflag:$0x3], $0xD48, $0x38;
	[tilespmem:$0x1FC70] =	vst v63  }
0x1b2: {  	_ =	swait.ge [sflag:s29], $0xD48  }
0x1b3: {  	[sflag:s29] =	ssyncset.done $0x0  }
0x1b4: {  	[sflag:s29] =	ssyncadd.s32 $0xFFFFF2B8  }
0x1b5: {  	[tilespmem:s24], [sflag:$0x3] =	stream.linear.gather [spmem:s22], $0xD48, $0x38;
	[tilespmem:$0x1FC70] =	vst v63  }
0x1b6: {  	_ =	swait.ge [sflag:s29], $0xD48  }
0x1b7: {  	[sflag:s29] =	ssyncset.done $0x0  }
0x1b8: {  	s7 =	rddreg [dreg:$0x1b];
	[sflag:s29] =	ssyncadd.s32 $0xFFFFF2B8  }
0x1b9: {  	[hbm4b:s7+s1] =	stream.linear.scatter [tilespmem:s24], [sflag:$0x3], $0xD48, $0x38;
	[tilespmem:$0x1FC70] =	vst v63  }
0x1ba: {  	_ =	swait.ge [sflag:s29], $0xD48  }
0x1bb: {  	[sflag:s29] =	ssyncset.done $0x0  }
0x1bc: {  	[sflag:s29] =	ssyncadd.s32 $0xFFFFF2B8  }
0x1bd: {  	[tilespmem:s24], [sflag:$0x3] =	stream.linear.gather [spmem:s23], $0xD48, $0x38;
	[tilespmem:$0x1FC70] =	vst v63  }
0x1be: {  	_ =	swait.ge [sflag:s29], $0xD48  }
0x1bf: {  	[sflag:s29] =	ssyncset.done $0x0  }
0x1c0: {  	s5 =	rddreg [dreg:$0x1c];
	[sflag:s29] =	ssyncadd.s32 $0xFFFFF2B8  }
0x1c1: {  	[hbm4b:s5+s1] =	stream.linear.scatter [tilespmem:s24], [sflag:$0x3], $0xD48, $0x38;
	[tilespmem:$0x1FC70] =	vst v63  }
0x1c2: {  	_ =	swait.ge [sflag:s29], $0xD48  }
0x1c3: {  	s7 =	sld [smem:$0x7FD];
	_ =	sdelay $0x1  }
0x1c4: {  	s3 =	sadd.s32 $0x1, s3  }
0x1c5: {  	p0 =	sne.s32 s3, s7  }
.Ltmp2:
0x1c6: {  	_ = 	snop;
	(pc) =	sbr.rel @p0 .LBB2_1-.Ltmp2, $3  }
0x1c7: {  	_ =	sdelay $0x1  }
0x1c8: {  	[sflag:s29] =	ssyncset.done $0x0  }
0x1c9: {  	[sflag:s29] =	ssyncadd.s32 $0xFFFFF2B8  }
0x1ca: {  	_ =	sfence.sel $0x180000  }
0x1cb: {  	[bflag:$0x0] =	sbarrier.arrive $0xFFFF  }
0x1cc: {  	_ =	strace $0x90000047  }
0x1cd: {  	s0 =	stileid.u32;
	[bflag:$0x2] =	sbarrier.arrive $0xFFFF  }
0x1ce: {  	p0 =	sne.s32 s0, $0x0;
	s0 =	rddreg [dreg:$0x3]  }
0x1cf: {  	s0 =	sadd.s32 @!p0 $0x100000, s0  }
0x1d0: {  	[sflag:s0] =	ssyncadd.tile.s32 @!p0 $0x1;
	_ =	shalt  }
.Lfunc_end2:
_tile_overlayer_lowered:
.L_overlay_start_2:
0x1d1: {  	(tag) =	ssettag $0x2  }
0x1d2: {  	s0 =	rddreg [dreg:$0x0];
	s2 =	stileid.u32  }
0x1d3: {  	s1 =	rddreg [dreg:$0x1];
	p0 =	sne.s32 s2, $0x0  }
0x1d4: {  	s3 =	rddreg [dreg:$0x2];
	[bflag:$0x3] =	sbarrier.arrive $0xFFFF;
	s2 =	simm.s32 @!p0 $0x1C03  }
0x1d5: {  	[timem:s3], [sflag:s2] =	dma.local @!p0 [hbm:s0], s1  }
0x1d6: {  	s0 =	simm.s32 @!p0 $0x3  }
0x1d7: {  	_ =	swait.ge @!p0 [sflag:s0], s1  }
0x1d8: {  	s1 =	ssub.s32 @!p0 $0x0, s1;
	[sflag:s0] =	ssyncset.done @!p0 $0x0  }
0x1d9: {  	[sflag:s0] =	ssyncadd.s32 @!p0 s1  }
0x1da: {  	[bflag:$0x3] =	sbarrier.arrive $0xFFFF  }
0x1db: {  	_ =	shalt  }

</sc_bundles>
